<compile_context>
chip_gen: v7x
topology: tpu7x:2x2x1
jax: 0.10.2.dev20260603
libtpu: 0.0.44.dev20260713+nightly
codegen_flags: <defaults>
</compile_context>

<pallas_src>
import functools

import jax
import jax.numpy as jnp
from jax import lax
from jax.experimental import pallas as pl
from jax.experimental.pallas import tpu as pltpu
from jax.experimental.pallas import tpu_sc as plsc

RING = 64
DRAIN_AT = RING - 16
NBUF = 4


def _make_sc_gather(V, D, B):
    info = plsc.get_sparse_core_info()
    NC, NS = info.num_cores, info.num_subcores
    NW = NC * NS
    assert D == 64 and B % 16 == 0
    n_strips_all = (V + 127) // 128
    last_strip = V // 128
    strips_base = n_strips_all // NW
    strips_rem = n_strips_all % NW
    n_vreg_idx = B // 16
    ns_static = ((strips_base + 1 + NBUF - 1) // NBUF) * NBUF
    smax = strips_base + 1
    mesh = plsc.VectorSubcoreMesh(core_axis_name="c", subcore_axis_name="s")

    @functools.partial(
        pl.kernel,
        mesh=mesh,
        out_type=jax.ShapeDtypeStruct((B, D), jnp.float32),
        scratch_types=[
            pltpu.VMEM((B,), jnp.int32),
            pltpu.VMEM((B + 16,), jnp.int32),
            pltpu.VMEM((B + 16,), jnp.int32),
            pltpu.VMEM((B + 16,), jnp.int32),
            pltpu.VMEM((B + 16,), jnp.int32),
            pltpu.VMEM((NBUF, 64, 128), jnp.float32),
            pltpu.VMEM((RING, 64), jnp.float32),
            pltpu.SMEM((smax + 2,), jnp.int32),
            pltpu.SMEM((smax + 2,), jnp.int32),
            pltpu.SemaphoreType.DMA,
            pltpu.SemaphoreType.DMA,
            pltpu.SemaphoreType.DMA,
            pltpu.SemaphoreType.DMA,
            pltpu.SemaphoreType.DMA,
        ],
        compiler_params=pltpu.CompilerParams(needs_layout_passes=False),
    )
    def k(idx_hbm, tableT_hbm, lastT_hbm, out_hbm, idx_v, pi_v, pj_v, qi_v,
          qj_v, strips, ring2, bins_s, offs_s, sem_a, sem_b, sem_c, sem_d,
          sem_out):
        sems = [sem_a, sem_b, sem_c, sem_d]
        w = lax.axis_index("s") * NC + lax.axis_index("c")
        start = w * strips_base + jnp.minimum(w, strips_rem)
        cnt = strips_base + (w < strips_rem).astype(jnp.int32)
        end = start + cnt
        trash = jnp.int32(smax)

        pltpu.sync_copy(idx_hbm, idx_v)

        lane = lax.iota(jnp.int32, 16)
        neg1 = jnp.full((16,), -1, jnp.int32)

        @plsc.parallel_loop(0, n_vreg_idx, unroll=8, carry=jnp.int32(0))
        def collect(g, ptr):
            v = idx_v[pl.ds(g * 16, 16)]
            tcv = lax.shift_right_logical(v, 7)
            m = jnp.logical_and(tcv >= start, tcv < end)
            cums = plsc.cumsum(m.astype(jnp.int32))
            pos = cums + (ptr - 1)
            plsc.store_scatter(pi_v, [pos], v, mask=m)
            plsc.store_scatter(pj_v, [pos], g * 16 + lane, mask=m)
            return ptr + cums[15]

        n_w = collect
        n_pv = (n_w + 15) // 16
        plsc.store_scatter(pi_v, [n_w + lane], neg1)

        def zero_hist(s, c):
            offs_s[s] = 0
            return c

        lax.fori_loop(0, smax + 2, zero_hist, 0)

        def hist(p, c):
            iv = pi_v[pl.ds(p * 16, 16)]
            sv = lax.shift_right_logical(iv, 7) - start
            sv = jnp.clip(sv, 0, trash)
            for l in range(16):
                s = sv[l]
                offs_s[s] = offs_s[s] + 1
            return c

        lax.fori_loop(0, n_pv, hist, 0)

        def prefix(s, run):
            h = offs_s[s]
            bins_s[s] = run
            offs_s[s] = run
            return run + h

        lax.fori_loop(0, smax + 2, prefix, jnp.int32(0))

        def place(p, c):
            iv = pi_v[pl.ds(p * 16, 16)]
            jv = pj_v[pl.ds(p * 16, 16)]
            sv = lax.shift_right_logical(iv, 7) - start
            sv = jnp.clip(sv, 0, trash)
            for l in range(16):
                s = sv[l]
                pos = offs_s[s]
                offs_s[s] = pos + 1
                posv = jnp.full((16,), pos, jnp.int32)
                onehot = lane == l
                plsc.store_scatter(qi_v, [posv], iv, mask=onehot)
                plsc.store_scatter(qj_v, [posv], jv, mask=onehot)
            return c

        lax.fori_loop(0, n_pv, place, 0)

        def strip_needed(tc):
            s_loc = tc - start
            sc = jnp.clip(s_loc, 0, smax)
            nonempty = bins_s[sc + 1] > bins_s[sc]
            return jnp.logical_and(
                jnp.logical_and(s_loc >= 0, s_loc < cnt), nonempty
            )

        def fire(tc, buf, sem):
            needed = strip_needed(tc)

            @pl.when(jnp.logical_and(needed, tc < last_strip))
            def _():
                off = pl.multiple_of(tc * 128, 128)
                pltpu.async_copy(
                    tableT_hbm.at[:, pl.ds(off, 128)], strips.at[buf], sem
                )

            @pl.when(jnp.logical_and(needed, tc == last_strip))
            def _():
                pltpu.async_copy(lastT_hbm, strips.at[buf], sem)

        def wait(tc, buf, sem):
            @pl.when(strip_needed(tc))
            def _():
                pltpu.make_async_copy(
                    tableT_hbm.at[:, pl.ds(0, 128)], strips.at[buf], sem
                ).wait()

        def drain_all(o):
            def dw(_, c):
                pltpu.make_async_copy(
                    ring2.at[pl.ds(0, 1), :], out_hbm.at[pl.ds(0, 1), :],
                    sem_out,
                ).wait()
                return c

            lax.fori_loop(0, o, dw, 0)
            return jnp.int32(0)

        def scan_strip(tc, buf, qo):
            s_loc = tc - start

            def go(qo):
                b0 = bins_s[s_loc]
                b1 = bins_s[s_loc + 1]
                bufv = jnp.full((16,), buf, jnp.int32)

                def one(t, qo):
                    q, o = qo
                    pv = jnp.full((16,), b0 + t, jnp.int32)
                    i = plsc.load_gather(qi_v, [pv])[0]
                    j = plsc.load_gather(qj_v, [pv])[0]
                    col = jnp.bitwise_and(i, 127)
                    colv = jnp.full((16,), col, jnp.int32)
                    slot = lax.rem(q, jnp.int32(RING))
                    slotv = jnp.full((16,), slot, jnp.int32)
                    for g4 in range(4):
                        vals = plsc.load_gather(
                            strips, [bufv, g4 * 16 + lane, colv]
                        )
                        plsc.store_scatter(
                            ring2, [slotv, g4 * 16 + lane], vals
                        )
                    pltpu.async_copy(
                        ring2.at[pl.ds(slot, 1), :],
                        out_hbm.at[pl.ds(j, 1), :],
                        sem_out,
                    )
                    o = o + 1
                    o = lax.cond(o >= DRAIN_AT, drain_all, lambda o: o, o)
                    return (q + 1, o)

                return lax.fori_loop(0, b1 - b0, one, qo)

            in_range = jnp.logical_and(s_loc >= 0, s_loc < cnt)
            return lax.cond(in_range, go, lambda qo: qo, qo)

        for u in range(NBUF):
            fire(start + u, u, sems[u])
        qo = (jnp.int32(0), jnp.int32(0))

        def nbuf_strips(ss, qo):
            base_t = start + NBUF * ss
            for u in range(NBUF):
                tc = base_t + u
                wait(tc, u, sems[u])
                qo = scan_strip(tc, u, qo)
                fire(tc + NBUF, u, sems[u])
            return qo

        qo = lax.fori_loop(0, ns_static // NBUF, nbuf_strips, qo)
        for u in range(NBUF):
            wait(start + ns_static + u, u, sems[u])
        q, o = qo
        drain_all(o)

    return k


@jax.jit
def kernel(class_labels, embedding_weight):
    (B,) = class_labels.shape
    V, D = embedding_weight.shape
    k = _make_sc_gather(V, D, B)
    n_last = V % 128 if V % 128 else 128
    lastT = jnp.pad(
        embedding_weight[V - n_last :, :].T, ((0, 0), (0, 128 - n_last))
    )
    return k(class_labels.astype(jnp.int32), embedding_weight.T, lastT)

# --- scband reference (transcript-rebuilt; emitter-appended) ---
"""Pipeline reference for scband-class-embedding-13924283973999 (READ-ONLY COPY).

The authoritative reference and input builder live on the scoring server;
editing this copy changes nothing except your own understanding.
"""

import jax, jax.numpy as jnp
import numpy as np

NUM_CLASSES = 1000000
EMBED_DIM = 64
BATCH = 16384

def setup_inputs(seed: int = 0) -> dict:
    key = jax.random.key(seed)
    k_idx, k_w = jax.random.split(key)
    class_labels = jax.random.randint(k_idx, (BATCH,), 0, NUM_CLASSES, dtype=jnp.int64 if jax.config.jax_enable_x64 else jnp.int32)
    # nn.Embedding default init: N(0, 1)
    embedding_weight = jax.random.normal(k_w, (NUM_CLASSES, EMBED_DIM), dtype=jnp.float32)
    return {"class_labels": class_labels, "embedding_weight": embedding_weight}

def reference(class_labels, embedding_weight):
    # Faithful translation of nn.Embedding forward: row gather
    return jnp.take(embedding_weight, class_labels, axis=0)

if __name__ == "__main__":
    import jax
    _d = setup_inputs()
    print(jax.jit(kernel)(*tuple(_d.values())))

</pallas_src>

<mosaic_0001>
#map = affine_map<(d0, d1) -> (0)>
#map1 = affine_map<(d0, d1) -> (0, 0)>
module attributes {stable_mosaic.version = 14 : i64} {
  func.func @k(%arg0: i32, %arg1: i32, %arg2: memref<16384xi32, #tpu.memory_space<hbm>>, %arg3: memref<64x1000000xf32, #tpu.memory_space<hbm>>, %arg4: memref<64x128xf32, #tpu.memory_space<hbm>>, %arg5: memref<16384x64xf32, #tpu.memory_space<hbm>>, %arg6: memref<16384xi32, #tpu.memory_space<vmem>>, %arg7: memref<16400xi32, #tpu.memory_space<vmem>>, %arg8: memref<16400xi32, #tpu.memory_space<vmem>>, %arg9: memref<16400xi32, #tpu.memory_space<vmem>>, %arg10: memref<16400xi32, #tpu.memory_space<vmem>>, %arg11: memref<4x64x128xf32, #tpu.memory_space<vmem>>, %arg12: memref<64x64xf32, #tpu.memory_space<vmem>>, %arg13: memref<247xi32, #tpu.memory_space<smem>>, %arg14: memref<247xi32, #tpu.memory_space<smem>>, %arg15: memref<!tpu.dma_semaphore, #tpu.memory_space<semaphore_mem>>, %arg16: memref<!tpu.dma_semaphore, #tpu.memory_space<semaphore_mem>>, %arg17: memref<!tpu.dma_semaphore, #tpu.memory_space<semaphore_mem>>, %arg18: memref<!tpu.dma_semaphore, #tpu.memory_space<semaphore_mem>>, %arg19: memref<!tpu.dma_semaphore, #tpu.memory_space<semaphore_mem>>) attributes {dimension_semantics = [#tpu.dimension_semantics<core_parallel>, #tpu.dimension_semantics<subcore_parallel>], iteration_bounds = array<i64: 2, 16>, scalar_prefetch = 0 : i64, scratch_operands = 14 : i64, tpu.core_type = #tpu.core_type<sc_vector_subcore>, window_params = [{transform_indices = #map}, {transform_indices = #map1}, {transform_indices = #map1}, {transform_indices = #map1}]} {
    %mul3A = arith.constant 2 : i32
    %mul3A_0 = arith.muli %arg1, %mul3A : i32
    %add3A = arith.addi %mul3A_0, %arg0 : i32
    %mul3A_1 = arith.constant 244 : i32
    %mul3A_2 = arith.muli %add3A, %mul3A_1 : i32
    %min3A = arith.constant 5 : i32
    %min3A_3 = arith.minsi %add3A, %min3A : i32
    %add3A_4 = arith.addi %mul3A_2, %min3A_3 : i32
    %lt3A = arith.constant 5 : i32
    %lt3A_5 = arith.cmpi slt, %add3A, %lt3A : i32
    %convert_element_type3A = arith.extui %lt3A_5 : i1 to i32
    %add3A_6 = arith.constant 244 : i32
    %add3A_7 = arith.addi %add3A_6, %convert_element_type3A : i32
    %add3A_8 = arith.addi %add3A_4, %add3A_7 : i32
    "tpu.region"() ({
      %run_scoped3A = tpu.sem_alloc : memref<!tpu.dma_semaphore, #tpu.memory_space<semaphore_mem>>
      tpu.enqueue_dma source(%arg2 : memref<16384xi32, #tpu.memory_space<hbm>>) target(%arg6 : memref<16384xi32, #tpu.memory_space<vmem>>) target_semaphore(%run_scoped3A : memref<!tpu.dma_semaphore, #tpu.memory_space<semaphore_mem>>)
      tpu.wait_dma2 semaphore(%run_scoped3A : memref<!tpu.dma_semaphore, #tpu.memory_space<semaphore_mem>>) src(%arg2 : memref<16384xi32, #tpu.memory_space<hbm>>) dst(%arg6 : memref<16384xi32, #tpu.memory_space<vmem>>)
      tpu.yield
    }) : () -> ()
    %iota3A = tpu.iota {dimensions = array<i32: 0>} : vector<16xi32>
    %broadcast_in_dim3A = arith.constant -1 : i32
    %broadcast_in_dim3A_9 = vector.broadcast %broadcast_in_dim3A : i32 to vector<16xi32>
    %parallel_loop3A = arith.constant 0 : i32
    %parallel_loop3A_10 = arith.constant 1024 : i32
    %parallel_loop3A_11 = arith.constant 1 : i32
    %parallel_loop3A_12 = arith.constant 0 : i32
    %parallel_loop3A_13 = scf.for %parallel_loop3A_299 = %parallel_loop3A to %parallel_loop3A_10 step %parallel_loop3A_11 iter_args(%parallel_loop3A_300 = %parallel_loop3A_12) -> (i32)  : i32 {
      %parallel_loop3A_301 = arith.constant 16 : i32
      %parallel_loop3A_302 = arith.muli %parallel_loop3A_299, %parallel_loop3A_301 : i32
      %parallel_loop3A_303 = arith.index_cast %parallel_loop3A_302 : i32 to index
      %parallel_loop3A_304 = tpu.vector_load %arg6[%parallel_loop3A_303] {strides = array<i32>} : memref<16384xi32, #tpu.memory_space<vmem>>, vector<16xi32>,
      %parallel_loop3A_305 = arith.constant 7 : i32
      %parallel_loop3A_306 = vector.broadcast %parallel_loop3A_305 : i32 to vector<16xi32>
      %parallel_loop3A_307 = arith.shrui %parallel_loop3A_304, %parallel_loop3A_306 : vector<16xi32>
      %parallel_loop3A_308 = vector.broadcast %add3A_4 : i32 to vector<16xi32>
      %parallel_loop3A_309 = arith.cmpi sge, %parallel_loop3A_307, %parallel_loop3A_308 : vector<16xi32>
      %parallel_loop3A_310 = vector.broadcast %add3A_8 : i32 to vector<16xi32>
      %parallel_loop3A_311 = arith.cmpi slt, %parallel_loop3A_307, %parallel_loop3A_310 : vector<16xi32>
      %parallel_loop3A_312 = arith.andi %parallel_loop3A_309, %parallel_loop3A_311 : vector<16xi1>
      %parallel_loop3A_313 = arith.extui %parallel_loop3A_312 : vector<16xi1> to vector<16xi32>
      %parallel_loop3A_314 = arith.constant true
      %parallel_loop3A_315 = vector.broadcast %parallel_loop3A_314 : i1 to vector<16xi1>
      %parallel_loop3A_316 = tpu.scan <sum>, %parallel_loop3A_313 masked %parallel_loop3A_315 : vector<16xi32>, vector<16xi1> -> vector<16xi32>
      %parallel_loop3A_317 = arith.constant 1 : i32
      %parallel_loop3A_318 = arith.subi %parallel_loop3A_300, %parallel_loop3A_317 : i32
      %parallel_loop3A_319 = vector.broadcast %parallel_loop3A_318 : i32 to vector<16xi32>
      %parallel_loop3A_320 = arith.addi %parallel_loop3A_316, %parallel_loop3A_319 : vector<16xi32>
      tpu.vector_store_idx %arg7[%parallel_loop3A_320], %parallel_loop3A_304 masked %parallel_loop3A_312 : memref<16400xi32, #tpu.memory_space<vmem>>[vector<16xi32>], vector<16xi32>, vector<16xi1>
      %parallel_loop3A_321 = arith.constant 16 : i32
      %parallel_loop3A_322 = arith.muli %parallel_loop3A_299, %parallel_loop3A_321 : i32
      %parallel_loop3A_323 = vector.broadcast %parallel_loop3A_322 : i32 to vector<16xi32>
      %parallel_loop3A_324 = arith.addi %parallel_loop3A_323, %iota3A : vector<16xi32>
      tpu.vector_store_idx %arg8[%parallel_loop3A_320], %parallel_loop3A_324 masked %parallel_loop3A_312 : memref<16400xi32, #tpu.memory_space<vmem>>[vector<16xi32>], vector<16xi32>, vector<16xi1>
      %parallel_loop3A_325 = vector.extract_strided_slice %parallel_loop3A_316 {offsets = [15], sizes = [1], strides = [1]} : vector<16xi32> to vector<1xi32>
      %parallel_loop3A_326 = vector.extract %parallel_loop3A_325[0] : i32 from vector<1xi32>
      %parallel_loop3A_327 = arith.addi %parallel_loop3A_300, %parallel_loop3A_326 : i32
      scf.yield %parallel_loop3A_327 : i32
    } {sc.loop_unroll_factor = 8 : i64, sc.parallel_access}
    %add3A_14 = arith.constant 15 : i32
    %add3A_15 = arith.addi %parallel_loop3A_13, %add3A_14 : i32
    %jit3A = arith.constant 16 : i32
    %div3A = arith.divsi %add3A_15, %jit3A : i32
    %sign3A = arith.constant 0 : i32
    %sign3A_16 = arith.cmpi sgt, %add3A_15, %sign3A : i32
    %sign3A_17 = arith.extui %sign3A_16 : i1 to i32
    %sign3A_18 = arith.constant 0 : i32
    %sign3A_19 = arith.cmpi slt, %add3A_15, %sign3A_18 : i32
    %sign3A_20 = arith.extui %sign3A_19 : i1 to i32
    %sign3A_21 = arith.subi %sign3A_17, %sign3A_20 : i32
    %sign3A_22 = arith.constant 0 : i32
    %sign3A_23 = arith.cmpi sgt, %jit3A, %sign3A_22 : i32
    %sign3A_24 = arith.extui %sign3A_23 : i1 to i32
    %sign3A_25 = arith.constant 0 : i32
    %sign3A_26 = arith.cmpi slt, %jit3A, %sign3A_25 : i32
    %sign3A_27 = arith.extui %sign3A_26 : i1 to i32
    %sign3A_28 = arith.subi %sign3A_24, %sign3A_27 : i32
    %ne3A = arith.cmpi ne, %sign3A_21, %sign3A_28 : i32
    %rem3A = arith.remsi %add3A_15, %jit3A : i32
    %ne3A_29 = arith.constant 0 : i32
    %ne3A_30 = arith.cmpi ne, %rem3A, %ne3A_29 : i32
    %and3A = arith.andi %ne3A, %ne3A_30 : i1
    %sub3A = arith.constant 1 : i32
    %sub3A_31 = arith.subi %div3A, %sub3A : i32
    %select_n3A = arith.select %and3A, %sub3A_31, %div3A : i32
    %add3A_32 = vector.broadcast %parallel_loop3A_13 : i32 to vector<16xi32>
    %add3A_33 = arith.addi %add3A_32, %iota3A : vector<16xi32>
    tpu.vector_store_idx %arg7[%add3A_33], %broadcast_in_dim3A_9 : memref<16400xi32, #tpu.memory_space<vmem>>[vector<16xi32>], vector<16xi32>,
    %scan3A = arith.constant 0 : i32
    %scan3A_34 = arith.constant 0 : i32
    %scan3A_35 = arith.constant 247 : i32
    %scan3A_36 = arith.addi %scan3A_34, %scan3A_35 : i32
    %scan3A_37 = arith.constant 1 : i32
    scf.for %scan3A_299 = %scan3A_34 to %scan3A_36 step %scan3A_37  : i32 {
      %swap3A = arith.constant 0 : i32
      %swap3A_300 = arith.index_cast %scan3A_299 : i32 to index
      %swap3A_301 = memref.load %arg14[%swap3A_300] : memref<247xi32, #tpu.memory_space<smem>>
      memref.store %swap3A, %arg14[%swap3A_300] : memref<247xi32, #tpu.memory_space<smem>>
    }
    %scan3A_38 = arith.constant 247 : i32
    %while3A = arith.constant 0 : i32
    %while3A_39 = arith.constant 245 : i32
    %while3A_40 = arith.constant 0 : i32
    %while3A_41 = arith.subi %select_n3A, %while3A_40 : i32
    %while3A_42 = arith.addi %while3A_40, %while3A_41 : i32
    %while3A_43 = arith.constant 1 : i32
    %while3A_44 = arith.divsi %while3A_41, %while3A_43 : i32
    %while3A_45 = arith.muli %while3A_44, %while3A_43 : i32
    %while3A_46 = arith.addi %while3A_40, %while3A_45 : i32
    %while3A_47 = arith.constant 1 : i32
    scf.for %while3A_299 = %while3A_40 to %while3A_46 step %while3A_47  : i32 {
      %mul3A_300 = arith.constant 16 : i32
      %mul3A_301 = arith.muli %while3A_299, %mul3A_300 : i32
      %get3A_302 = arith.index_cast %mul3A_301 : i32 to index
      %get3A_303 = tpu.vector_load %arg7[%get3A_302] {strides = array<i32>} : memref<16400xi32, #tpu.memory_space<vmem>>, vector<16xi32>,
      %shift_right_logical3A = arith.constant 7 : i32
      %shift_right_logical3A_304 = vector.broadcast %shift_right_logical3A : i32 to vector<16xi32>
      %shift_right_logical3A_305 = arith.shrui %get3A_303, %shift_right_logical3A_304 : vector<16xi32>
      %sub3A_306 = vector.broadcast %add3A_4 : i32 to vector<16xi32>
      %sub3A_307 = arith.subi %shift_right_logical3A_305, %sub3A_306 : vector<16xi32>
      %jit3A_308 = arith.constant 0 : i32
      %max3A_309 = vector.broadcast %jit3A_308 : i32 to vector<16xi32>
      %max3A_310 = arith.maxsi %max3A_309, %sub3A_307 : vector<16xi32>
      %min3A_311 = vector.broadcast %while3A_39 : i32 to vector<16xi32>
      %min3A_312 = arith.minsi %min3A_311, %max3A_310 : vector<16xi32>
      %slice3A = vector.extract_strided_slice %min3A_312 {offsets = [0], sizes = [1], strides = [1]} : vector<16xi32> to vector<1xi32>
      %squeeze3A = vector.extract %slice3A[0] : i32 from vector<1xi32>
      %get3A_313 = arith.index_cast %squeeze3A : i32 to index
      %get3A_314 = memref.load %arg14[%get3A_313] : memref<247xi32, #tpu.memory_space<smem>>
      %add3A_315 = arith.constant 1 : i32
      %add3A_316 = arith.addi %get3A_314, %add3A_315 : i32
      %swap3A = arith.index_cast %squeeze3A : i32 to index
      %swap3A_317 = memref.load %arg14[%swap3A] : memref<247xi32, #tpu.memory_space<smem>>
      memref.store %add3A_316, %arg14[%swap3A] : memref<247xi32, #tpu.memory_space<smem>>
      %slice3A_318 = vector.extract_strided_slice %min3A_312 {offsets = [1], sizes = [1], strides = [1]} : vector<16xi32> to vector<1xi32>
      %squeeze3A_319 = vector.extract %slice3A_318[0] : i32 from vector<1xi32>
      %get3A_320 = arith.index_cast %squeeze3A_319 : i32 to index
      %get3A_321 = memref.load %arg14[%get3A_320] : memref<247xi32, #tpu.memory_space<smem>>
      %add3A_322 = arith.constant 1 : i32
      %add3A_323 = arith.addi %get3A_321, %add3A_322 : i32
      %swap3A_324 = arith.index_cast %squeeze3A_319 : i32 to index
      %swap3A_325 = memref.load %arg14[%swap3A_324] : memref<247xi32, #tpu.memory_space<smem>>
      memref.store %add3A_323, %arg14[%swap3A_324] : memref<247xi32, #tpu.memory_space<smem>>
      %slice3A_326 = vector.extract_strided_slice %min3A_312 {offsets = [2], sizes = [1], strides = [1]} : vector<16xi32> to vector<1xi32>
      %squeeze3A_327 = vector.extract %slice3A_326[0] : i32 from vector<1xi32>
      %get3A_328 = arith.index_cast %squeeze3A_327 : i32 to index
      %get3A_329 = memref.load %arg14[%get3A_328] : memref<247xi32, #tpu.memory_space<smem>>
      %add3A_330 = arith.constant 1 : i32
      %add3A_331 = arith.addi %get3A_329, %add3A_330 : i32
      %swap3A_332 = arith.index_cast %squeeze3A_327 : i32 to index
      %swap3A_333 = memref.load %arg14[%swap3A_332] : memref<247xi32, #tpu.memory_space<smem>>
      memref.store %add3A_331, %arg14[%swap3A_332] : memref<247xi32, #tpu.memory_space<smem>>
      %slice3A_334 = vector.extract_strided_slice %min3A_312 {offsets = [3], sizes = [1], strides = [1]} : vector<16xi32> to vector<1xi32>
      %squeeze3A_335 = vector.extract %slice3A_334[0] : i32 from vector<1xi32>
      %get3A_336 = arith.index_cast %squeeze3A_335 : i32 to index
      %get3A_337 = memref.load %arg14[%get3A_336] : memref<247xi32, #tpu.memory_space<smem>>
      %add3A_338 = arith.constant 1 : i32
      %add3A_339 = arith.addi %get3A_337, %add3A_338 : i32
      %swap3A_340 = arith.index_cast %squeeze3A_335 : i32 to index
      %swap3A_341 = memref.load %arg14[%swap3A_340] : memref<247xi32, #tpu.memory_space<smem>>
      memref.store %add3A_339, %arg14[%swap3A_340] : memref<247xi32, #tpu.memory_space<smem>>
      %slice3A_342 = vector.extract_strided_slice %min3A_312 {offsets = [4], sizes = [1], strides = [1]} : vector<16xi32> to vector<1xi32>
      %squeeze3A_343 = vector.extract %slice3A_342[0] : i32 from vector<1xi32>
      %get3A_344 = arith.index_cast %squeeze3A_343 : i32 to index
      %get3A_345 = memref.load %arg14[%get3A_344] : memref<247xi32, #tpu.memory_space<smem>>
      %add3A_346 = arith.constant 1 : i32
      %add3A_347 = arith.addi %get3A_345, %add3A_346 : i32
      %swap3A_348 = arith.index_cast %squeeze3A_343 : i32 to index
      %swap3A_349 = memref.load %arg14[%swap3A_348] : memref<247xi32, #tpu.memory_space<smem>>
      memref.store %add3A_347, %arg14[%swap3A_348] : memref<247xi32, #tpu.memory_space<smem>>
      %slice3A_350 = vector.extract_strided_slice %min3A_312 {offsets = [5], sizes = [1], strides = [1]} : vector<16xi32> to vector<1xi32>
      %squeeze3A_351 = vector.extract %slice3A_350[0] : i32 from vector<1xi32>
      %get3A_352 = arith.index_cast %squeeze3A_351 : i32 to index
      %get3A_353 = memref.load %arg14[%get3A_352] : memref<247xi32, #tpu.memory_space<smem>>
      %add3A_354 = arith.constant 1 : i32
      %add3A_355 = arith.addi %get3A_353, %add3A_354 : i32
      %swap3A_356 = arith.index_cast %squeeze3A_351 : i32 to index
      %swap3A_357 = memref.load %arg14[%swap3A_356] : memref<247xi32, #tpu.memory_space<smem>>
      memref.store %add3A_355, %arg14[%swap3A_356] : memref<247xi32, #tpu.memory_space<smem>>
      %slice3A_358 = vector.extract_strided_slice %min3A_312 {offsets = [6], sizes = [1], strides = [1]} : vector<16xi32> to vector<1xi32>
      %squeeze3A_359 = vector.extract %slice3A_358[0] : i32 from vector<1xi32>
      %get3A_360 = arith.index_cast %squeeze3A_359 : i32 to index
      %get3A_361 = memref.load %arg14[%get3A_360] : memref<247xi32, #tpu.memory_space<smem>>
      %add3A_362 = arith.constant 1 : i32
      %add3A_363 = arith.addi %get3A_361, %add3A_362 : i32
      %swap3A_364 = arith.index_cast %squeeze3A_359 : i32 to index
      %swap3A_365 = memref.load %arg14[%swap3A_364] : memref<247xi32, #tpu.memory_space<smem>>
      memref.store %add3A_363, %arg14[%swap3A_364] : memref<247xi32, #tpu.memory_space<smem>>
      %slice3A_366 = vector.extract_strided_slice %min3A_312 {offsets = [7], sizes = [1], strides = [1]} : vector<16xi32> to vector<1xi32>
      %squeeze3A_367 = vector.extract %slice3A_366[0] : i32 from vector<1xi32>
      %get3A_368 = arith.index_cast %squeeze3A_367 : i32 to index
      %get3A_369 = memref.load %arg14[%get3A_368] : memref<247xi32, #tpu.memory_space<smem>>
      %add3A_370 = arith.constant 1 : i32
      %add3A_371 = arith.addi %get3A_369, %add3A_370 : i32
      %swap3A_372 = arith.index_cast %squeeze3A_367 : i32 to index
      %swap3A_373 = memref.load %arg14[%swap3A_372] : memref<247xi32, #tpu.memory_space<smem>>
      memref.store %add3A_371, %arg14[%swap3A_372] : memref<247xi32, #tpu.memory_space<smem>>
      %slice3A_374 = vector.extract_strided_slice %min3A_312 {offsets = [8], sizes = [1], strides = [1]} : vector<16xi32> to vector<1xi32>
      %squeeze3A_375 = vector.extract %slice3A_374[0] : i32 from vector<1xi32>
      %get3A_376 = arith.index_cast %squeeze3A_375 : i32 to index
      %get3A_377 = memref.load %arg14[%get3A_376] : memref<247xi32, #tpu.memory_space<smem>>
      %add3A_378 = arith.constant 1 : i32
      %add3A_379 = arith.addi %get3A_377, %add3A_378 : i32
      %swap3A_380 = arith.index_cast %squeeze3A_375 : i32 to index
      %swap3A_381 = memref.load %arg14[%swap3A_380] : memref<247xi32, #tpu.memory_space<smem>>
      memref.store %add3A_379, %arg14[%swap3A_380] : memref<247xi32, #tpu.memory_space<smem>>
      %slice3A_382 = vector.extract_strided_slice %min3A_312 {offsets = [9], sizes = [1], strides = [1]} : vector<16xi32> to vector<1xi32>
      %squeeze3A_383 = vector.extract %slice3A_382[0] : i32 from vector<1xi32>
      %get3A_384 = arith.index_cast %squeeze3A_383 : i32 to index
      %get3A_385 = memref.load %arg14[%get3A_384] : memref<247xi32, #tpu.memory_space<smem>>
      %add3A_386 = arith.constant 1 : i32
      %add3A_387 = arith.addi %get3A_385, %add3A_386 : i32
      %swap3A_388 = arith.index_cast %squeeze3A_383 : i32 to index
      %swap3A_389 = memref.load %arg14[%swap3A_388] : memref<247xi32, #tpu.memory_space<smem>>
      memref.store %add3A_387, %arg14[%swap3A_388] : memref<247xi32, #tpu.memory_space<smem>>
      %slice3A_390 = vector.extract_strided_slice %min3A_312 {offsets = [10], sizes = [1], strides = [1]} : vector<16xi32> to vector<1xi32>
      %squeeze3A_391 = vector.extract %slice3A_390[0] : i32 from vector<1xi32>
      %get3A_392 = arith.index_cast %squeeze3A_391 : i32 to index
      %get3A_393 = memref.load %arg14[%get3A_392] : memref<247xi32, #tpu.memory_space<smem>>
      %add3A_394 = arith.constant 1 : i32
      %add3A_395 = arith.addi %get3A_393, %add3A_394 : i32
      %swap3A_396 = arith.index_cast %squeeze3A_391 : i32 to index
      %swap3A_397 = memref.load %arg14[%swap3A_396] : memref<247xi32, #tpu.memory_space<smem>>
      memref.store %add3A_395, %arg14[%swap3A_396] : memref<247xi32, #tpu.memory_space<smem>>
      %slice3A_398 = vector.extract_strided_slice %min3A_312 {offsets = [11], sizes = [1], strides = [1]} : vector<16xi32> to vector<1xi32>
      %squeeze3A_399 = vector.extract %slice3A_398[0] : i32 from vector<1xi32>
      %get3A_400 = arith.index_cast %squeeze3A_399 : i32 to index
      %get3A_401 = memref.load %arg14[%get3A_400] : memref<247xi32, #tpu.memory_space<smem>>
      %add3A_402 = arith.constant 1 : i32
      %add3A_403 = arith.addi %get3A_401, %add3A_402 : i32
      %swap3A_404 = arith.index_cast %squeeze3A_399 : i32 to index
      %swap3A_405 = memref.load %arg14[%swap3A_404] : memref<247xi32, #tpu.memory_space<smem>>
      memref.store %add3A_403, %arg14[%swap3A_404] : memref<247xi32, #tpu.memory_space<smem>>
      %slice3A_406 = vector.extract_strided_slice %min3A_312 {offsets = [12], sizes = [1], strides = [1]} : vector<16xi32> to vector<1xi32>
      %squeeze3A_407 = vector.extract %slice3A_406[0] : i32 from vector<1xi32>
      %get3A_408 = arith.index_cast %squeeze3A_407 : i32 to index
      %get3A_409 = memref.load %arg14[%get3A_408] : memref<247xi32, #tpu.memory_space<smem>>
      %add3A_410 = arith.constant 1 : i32
      %add3A_411 = arith.addi %get3A_409, %add3A_410 : i32
      %swap3A_412 = arith.index_cast %squeeze3A_407 : i32 to index
      %swap3A_413 = memref.load %arg14[%swap3A_412] : memref<247xi32, #tpu.memory_space<smem>>
      memref.store %add3A_411, %arg14[%swap3A_412] : memref<247xi32, #tpu.memory_space<smem>>
      %slice3A_414 = vector.extract_strided_slice %min3A_312 {offsets = [13], sizes = [1], strides = [1]} : vector<16xi32> to vector<1xi32>
      %squeeze3A_415 = vector.extract %slice3A_414[0] : i32 from vector<1xi32>
      %get3A_416 = arith.index_cast %squeeze3A_415 : i32 to index
      %get3A_417 = memref.load %arg14[%get3A_416] : memref<247xi32, #tpu.memory_space<smem>>
      %add3A_418 = arith.constant 1 : i32
      %add3A_419 = arith.addi %get3A_417, %add3A_418 : i32
      %swap3A_420 = arith.index_cast %squeeze3A_415 : i32 to index
      %swap3A_421 = memref.load %arg14[%swap3A_420] : memref<247xi32, #tpu.memory_space<smem>>
      memref.store %add3A_419, %arg14[%swap3A_420] : memref<247xi32, #tpu.memory_space<smem>>
      %slice3A_422 = vector.extract_strided_slice %min3A_312 {offsets = [14], sizes = [1], strides = [1]} : vector<16xi32> to vector<1xi32>
      %squeeze3A_423 = vector.extract %slice3A_422[0] : i32 from vector<1xi32>
      %get3A_424 = arith.index_cast %squeeze3A_423 : i32 to index
      %get3A_425 = memref.load %arg14[%get3A_424] : memref<247xi32, #tpu.memory_space<smem>>
      %add3A_426 = arith.constant 1 : i32
      %add3A_427 = arith.addi %get3A_425, %add3A_426 : i32
      %swap3A_428 = arith.index_cast %squeeze3A_423 : i32 to index
      %swap3A_429 = memref.load %arg14[%swap3A_428] : memref<247xi32, #tpu.memory_space<smem>>
      memref.store %add3A_427, %arg14[%swap3A_428] : memref<247xi32, #tpu.memory_space<smem>>
      %slice3A_430 = vector.extract_strided_slice %min3A_312 {offsets = [15], sizes = [1], strides = [1]} : vector<16xi32> to vector<1xi32>
      %squeeze3A_431 = vector.extract %slice3A_430[0] : i32 from vector<1xi32>
      %get3A_432 = arith.index_cast %squeeze3A_431 : i32 to index
      %get3A_433 = memref.load %arg14[%get3A_432] : memref<247xi32, #tpu.memory_space<smem>>
      %add3A_434 = arith.constant 1 : i32
      %add3A_435 = arith.addi %get3A_433, %add3A_434 : i32
      %swap3A_436 = arith.index_cast %squeeze3A_431 : i32 to index
      %swap3A_437 = memref.load %arg14[%swap3A_436] : memref<247xi32, #tpu.memory_space<smem>>
      memref.store %add3A_435, %arg14[%swap3A_436] : memref<247xi32, #tpu.memory_space<smem>>
    }
    %while3A_48 = arith.constant 1 : i32
    scf.for %while3A_299 = %while3A_46 to %while3A_42 step %while3A_48  : i32 {
      %mul3A_300 = arith.constant 16 : i32
      %mul3A_301 = arith.muli %while3A_299, %mul3A_300 : i32
      %get3A_302 = arith.index_cast %mul3A_301 : i32 to index
      %get3A_303 = tpu.vector_load %arg7[%get3A_302] {strides = array<i32>} : memref<16400xi32, #tpu.memory_space<vmem>>, vector<16xi32>,
      %shift_right_logical3A = arith.constant 7 : i32
      %shift_right_logical3A_304 = vector.broadcast %shift_right_logical3A : i32 to vector<16xi32>
      %shift_right_logical3A_305 = arith.shrui %get3A_303, %shift_right_logical3A_304 : vector<16xi32>
      %sub3A_306 = vector.broadcast %add3A_4 : i32 to vector<16xi32>
      %sub3A_307 = arith.subi %shift_right_logical3A_305, %sub3A_306 : vector<16xi32>
      %jit3A_308 = arith.constant 0 : i32
      %max3A_309 = vector.broadcast %jit3A_308 : i32 to vector<16xi32>
      %max3A_310 = arith.maxsi %max3A_309, %sub3A_307 : vector<16xi32>
      %min3A_311 = vector.broadcast %while3A_39 : i32 to vector<16xi32>
      %min3A_312 = arith.minsi %min3A_311, %max3A_310 : vector<16xi32>
      %slice3A = vector.extract_strided_slice %min3A_312 {offsets = [0], sizes = [1], strides = [1]} : vector<16xi32> to vector<1xi32>
      %squeeze3A = vector.extract %slice3A[0] : i32 from vector<1xi32>
      %get3A_313 = arith.index_cast %squeeze3A : i32 to index
      %get3A_314 = memref.load %arg14[%get3A_313] : memref<247xi32, #tpu.memory_space<smem>>
      %add3A_315 = arith.constant 1 : i32
      %add3A_316 = arith.addi %get3A_314, %add3A_315 : i32
      %swap3A = arith.index_cast %squeeze3A : i32 to index
      %swap3A_317 = memref.load %arg14[%swap3A] : memref<247xi32, #tpu.memory_space<smem>>
      memref.store %add3A_316, %arg14[%swap3A] : memref<247xi32, #tpu.memory_space<smem>>
      %slice3A_318 = vector.extract_strided_slice %min3A_312 {offsets = [1], sizes = [1], strides = [1]} : vector<16xi32> to vector<1xi32>
      %squeeze3A_319 = vector.extract %slice3A_318[0] : i32 from vector<1xi32>
      %get3A_320 = arith.index_cast %squeeze3A_319 : i32 to index
      %get3A_321 = memref.load %arg14[%get3A_320] : memref<247xi32, #tpu.memory_space<smem>>
      %add3A_322 = arith.constant 1 : i32
      %add3A_323 = arith.addi %get3A_321, %add3A_322 : i32
      %swap3A_324 = arith.index_cast %squeeze3A_319 : i32 to index
      %swap3A_325 = memref.load %arg14[%swap3A_324] : memref<247xi32, #tpu.memory_space<smem>>
      memref.store %add3A_323, %arg14[%swap3A_324] : memref<247xi32, #tpu.memory_space<smem>>
      %slice3A_326 = vector.extract_strided_slice %min3A_312 {offsets = [2], sizes = [1], strides = [1]} : vector<16xi32> to vector<1xi32>
      %squeeze3A_327 = vector.extract %slice3A_326[0] : i32 from vector<1xi32>
      %get3A_328 = arith.index_cast %squeeze3A_327 : i32 to index
      %get3A_329 = memref.load %arg14[%get3A_328] : memref<247xi32, #tpu.memory_space<smem>>
      %add3A_330 = arith.constant 1 : i32
      %add3A_331 = arith.addi %get3A_329, %add3A_330 : i32
      %swap3A_332 = arith.index_cast %squeeze3A_327 : i32 to index
      %swap3A_333 = memref.load %arg14[%swap3A_332] : memref<247xi32, #tpu.memory_space<smem>>
      memref.store %add3A_331, %arg14[%swap3A_332] : memref<247xi32, #tpu.memory_space<smem>>
      %slice3A_334 = vector.extract_strided_slice %min3A_312 {offsets = [3], sizes = [1], strides = [1]} : vector<16xi32> to vector<1xi32>
      %squeeze3A_335 = vector.extract %slice3A_334[0] : i32 from vector<1xi32>
      %get3A_336 = arith.index_cast %squeeze3A_335 : i32 to index
      %get3A_337 = memref.load %arg14[%get3A_336] : memref<247xi32, #tpu.memory_space<smem>>
      %add3A_338 = arith.constant 1 : i32
      %add3A_339 = arith.addi %get3A_337, %add3A_338 : i32
      %swap3A_340 = arith.index_cast %squeeze3A_335 : i32 to index
      %swap3A_341 = memref.load %arg14[%swap3A_340] : memref<247xi32, #tpu.memory_space<smem>>
      memref.store %add3A_339, %arg14[%swap3A_340] : memref<247xi32, #tpu.memory_space<smem>>
      %slice3A_342 = vector.extract_strided_slice %min3A_312 {offsets = [4], sizes = [1], strides = [1]} : vector<16xi32> to vector<1xi32>
      %squeeze3A_343 = vector.extract %slice3A_342[0] : i32 from vector<1xi32>
      %get3A_344 = arith.index_cast %squeeze3A_343 : i32 to index
      %get3A_345 = memref.load %arg14[%get3A_344] : memref<247xi32, #tpu.memory_space<smem>>
      %add3A_346 = arith.constant 1 : i32
      %add3A_347 = arith.addi %get3A_345, %add3A_346 : i32
      %swap3A_348 = arith.index_cast %squeeze3A_343 : i32 to index
      %swap3A_349 = memref.load %arg14[%swap3A_348] : memref<247xi32, #tpu.memory_space<smem>>
      memref.store %add3A_347, %arg14[%swap3A_348] : memref<247xi32, #tpu.memory_space<smem>>
      %slice3A_350 = vector.extract_strided_slice %min3A_312 {offsets = [5], sizes = [1], strides = [1]} : vector<16xi32> to vector<1xi32>
      %squeeze3A_351 = vector.extract %slice3A_350[0] : i32 from vector<1xi32>
      %get3A_352 = arith.index_cast %squeeze3A_351 : i32 to index
      %get3A_353 = memref.load %arg14[%get3A_352] : memref<247xi32, #tpu.memory_space<smem>>
      %add3A_354 = arith.constant 1 : i32
      %add3A_355 = arith.addi %get3A_353, %add3A_354 : i32
      %swap3A_356 = arith.index_cast %squeeze3A_351 : i32 to index
      %swap3A_357 = memref.load %arg14[%swap3A_356] : memref<247xi32, #tpu.memory_space<smem>>
      memref.store %add3A_355, %arg14[%swap3A_356] : memref<247xi32, #tpu.memory_space<smem>>
      %slice3A_358 = vector.extract_strided_slice %min3A_312 {offsets = [6], sizes = [1], strides = [1]} : vector<16xi32> to vector<1xi32>
      %squeeze3A_359 = vector.extract %slice3A_358[0] : i32 from vector<1xi32>
      %get3A_360 = arith.index_cast %squeeze3A_359 : i32 to index
      %get3A_361 = memref.load %arg14[%get3A_360] : memref<247xi32, #tpu.memory_space<smem>>
      %add3A_362 = arith.constant 1 : i32
      %add3A_363 = arith.addi %get3A_361, %add3A_362 : i32
      %swap3A_364 = arith.index_cast %squeeze3A_359 : i32 to index
      %swap3A_365 = memref.load %arg14[%swap3A_364] : memref<247xi32, #tpu.memory_space<smem>>
      memref.store %add3A_363, %arg14[%swap3A_364] : memref<247xi32, #tpu.memory_space<smem>>
      %slice3A_366 = vector.extract_strided_slice %min3A_312 {offsets = [7], sizes = [1], strides = [1]} : vector<16xi32> to vector<1xi32>
      %squeeze3A_367 = vector.extract %slice3A_366[0] : i32 from vector<1xi32>
      %get3A_368 = arith.index_cast %squeeze3A_367 : i32 to index
      %get3A_369 = memref.load %arg14[%get3A_368] : memref<247xi32, #tpu.memory_space<smem>>
      %add3A_370 = arith.constant 1 : i32
      %add3A_371 = arith.addi %get3A_369, %add3A_370 : i32
      %swap3A_372 = arith.index_cast %squeeze3A_367 : i32 to index
      %swap3A_373 = memref.load %arg14[%swap3A_372] : memref<247xi32, #tpu.memory_space<smem>>
      memref.store %add3A_371, %arg14[%swap3A_372] : memref<247xi32, #tpu.memory_space<smem>>
      %slice3A_374 = vector.extract_strided_slice %min3A_312 {offsets = [8], sizes = [1], strides = [1]} : vector<16xi32> to vector<1xi32>
      %squeeze3A_375 = vector.extract %slice3A_374[0] : i32 from vector<1xi32>
      %get3A_376 = arith.index_cast %squeeze3A_375 : i32 to index
      %get3A_377 = memref.load %arg14[%get3A_376] : memref<247xi32, #tpu.memory_space<smem>>
      %add3A_378 = arith.constant 1 : i32
      %add3A_379 = arith.addi %get3A_377, %add3A_378 : i32
      %swap3A_380 = arith.index_cast %squeeze3A_375 : i32 to index
      %swap3A_381 = memref.load %arg14[%swap3A_380] : memref<247xi32, #tpu.memory_space<smem>>
      memref.store %add3A_379, %arg14[%swap3A_380] : memref<247xi32, #tpu.memory_space<smem>>
      %slice3A_382 = vector.extract_strided_slice %min3A_312 {offsets = [9], sizes = [1], strides = [1]} : vector<16xi32> to vector<1xi32>
      %squeeze3A_383 = vector.extract %slice3A_382[0] : i32 from vector<1xi32>
      %get3A_384 = arith.index_cast %squeeze3A_383 : i32 to index
      %get3A_385 = memref.load %arg14[%get3A_384] : memref<247xi32, #tpu.memory_space<smem>>
      %add3A_386 = arith.constant 1 : i32
      %add3A_387 = arith.addi %get3A_385, %add3A_386 : i32
      %swap3A_388 = arith.index_cast %squeeze3A_383 : i32 to index
      %swap3A_389 = memref.load %arg14[%swap3A_388] : memref<247xi32, #tpu.memory_space<smem>>
      memref.store %add3A_387, %arg14[%swap3A_388] : memref<247xi32, #tpu.memory_space<smem>>
      %slice3A_390 = vector.extract_strided_slice %min3A_312 {offsets = [10], sizes = [1], strides = [1]} : vector<16xi32> to vector<1xi32>
      %squeeze3A_391 = vector.extract %slice3A_390[0] : i32 from vector<1xi32>
      %get3A_392 = arith.index_cast %squeeze3A_391 : i32 to index
      %get3A_393 = memref.load %arg14[%get3A_392] : memref<247xi32, #tpu.memory_space<smem>>
      %add3A_394 = arith.constant 1 : i32
      %add3A_395 = arith.addi %get3A_393, %add3A_394 : i32
      %swap3A_396 = arith.index_cast %squeeze3A_391 : i32 to index
      %swap3A_397 = memref.load %arg14[%swap3A_396] : memref<247xi32, #tpu.memory_space<smem>>
      memref.store %add3A_395, %arg14[%swap3A_396] : memref<247xi32, #tpu.memory_space<smem>>
      %slice3A_398 = vector.extract_strided_slice %min3A_312 {offsets = [11], sizes = [1], strides = [1]} : vector<16xi32> to vector<1xi32>
      %squeeze3A_399 = vector.extract %slice3A_398[0] : i32 from vector<1xi32>
      %get3A_400 = arith.index_cast %squeeze3A_399 : i32 to index
      %get3A_401 = memref.load %arg14[%get3A_400] : memref<247xi32, #tpu.memory_space<smem>>
      %add3A_402 = arith.constant 1 : i32
      %add3A_403 = arith.addi %get3A_401, %add3A_402 : i32
      %swap3A_404 = arith.index_cast %squeeze3A_399 : i32 to index
      %swap3A_405 = memref.load %arg14[%swap3A_404] : memref<247xi32, #tpu.memory_space<smem>>
      memref.store %add3A_403, %arg14[%swap3A_404] : memref<247xi32, #tpu.memory_space<smem>>
      %slice3A_406 = vector.extract_strided_slice %min3A_312 {offsets = [12], sizes = [1], strides = [1]} : vector<16xi32> to vector<1xi32>
      %squeeze3A_407 = vector.extract %slice3A_406[0] : i32 from vector<1xi32>
      %get3A_408 = arith.index_cast %squeeze3A_407 : i32 to index
      %get3A_409 = memref.load %arg14[%get3A_408] : memref<247xi32, #tpu.memory_space<smem>>
      %add3A_410 = arith.constant 1 : i32
      %add3A_411 = arith.addi %get3A_409, %add3A_410 : i32
      %swap3A_412 = arith.index_cast %squeeze3A_407 : i32 to index
      %swap3A_413 = memref.load %arg14[%swap3A_412] : memref<247xi32, #tpu.memory_space<smem>>
      memref.store %add3A_411, %arg14[%swap3A_412] : memref<247xi32, #tpu.memory_space<smem>>
      %slice3A_414 = vector.extract_strided_slice %min3A_312 {offsets = [13], sizes = [1], strides = [1]} : vector<16xi32> to vector<1xi32>
      %squeeze3A_415 = vector.extract %slice3A_414[0] : i32 from vector<1xi32>
      %get3A_416 = arith.index_cast %squeeze3A_415 : i32 to index
      %get3A_417 = memref.load %arg14[%get3A_416] : memref<247xi32, #tpu.memory_space<smem>>
      %add3A_418 = arith.constant 1 : i32
      %add3A_419 = arith.addi %get3A_417, %add3A_418 : i32
      %swap3A_420 = arith.index_cast %squeeze3A_415 : i32 to index
      %swap3A_421 = memref.load %arg14[%swap3A_420] : memref<247xi32, #tpu.memory_space<smem>>
      memref.store %add3A_419, %arg14[%swap3A_420] : memref<247xi32, #tpu.memory_space<smem>>
      %slice3A_422 = vector.extract_strided_slice %min3A_312 {offsets = [14], sizes = [1], strides = [1]} : vector<16xi32> to vector<1xi32>
      %squeeze3A_423 = vector.extract %slice3A_422[0] : i32 from vector<1xi32>
      %get3A_424 = arith.index_cast %squeeze3A_423 : i32 to index
      %get3A_425 = memref.load %arg14[%get3A_424] : memref<247xi32, #tpu.memory_space<smem>>
      %add3A_426 = arith.constant 1 : i32
      %add3A_427 = arith.addi %get3A_425, %add3A_426 : i32
      %swap3A_428 = arith.index_cast %squeeze3A_423 : i32 to index
      %swap3A_429 = memref.load %arg14[%swap3A_428] : memref<247xi32, #tpu.memory_space<smem>>
      memref.store %add3A_427, %arg14[%swap3A_428] : memref<247xi32, #tpu.memory_space<smem>>
      %slice3A_430 = vector.extract_strided_slice %min3A_312 {offsets = [15], sizes = [1], strides = [1]} : vector<16xi32> to vector<1xi32>
      %squeeze3A_431 = vector.extract %slice3A_430[0] : i32 from vector<1xi32>
      %get3A_432 = arith.index_cast %squeeze3A_431 : i32 to index
      %get3A_433 = memref.load %arg14[%get3A_432] : memref<247xi32, #tpu.memory_space<smem>>
      %add3A_434 = arith.constant 1 : i32
      %add3A_435 = arith.addi %get3A_433, %add3A_434 : i32
      %swap3A_436 = arith.index_cast %squeeze3A_431 : i32 to index
      %swap3A_437 = memref.load %arg14[%swap3A_436] : memref<247xi32, #tpu.memory_space<smem>>
      memref.store %add3A_435, %arg14[%swap3A_436] : memref<247xi32, #tpu.memory_space<smem>>
    }
    %scan3A_49 = arith.constant 0 : i32
    %scan3A_50 = arith.constant 0 : i32
    %scan3A_51 = arith.constant 247 : i32
    %scan3A_52 = arith.addi %scan3A_50, %scan3A_51 : i32
    %scan3A_53 = arith.constant 1 : i32
    %scan3A_54 = scf.for %scan3A_299 = %scan3A_50 to %scan3A_52 step %scan3A_53 iter_args(%scan3A_300 = %scan3A_49) -> (i32)  : i32 {
      %get3A_301 = arith.index_cast %scan3A_299 : i32 to index
      %get3A_302 = memref.load %arg14[%get3A_301] : memref<247xi32, #tpu.memory_space<smem>>
      %swap3A = arith.index_cast %scan3A_299 : i32 to index
      %swap3A_303 = memref.load %arg13[%swap3A] : memref<247xi32, #tpu.memory_space<smem>>
      memref.store %scan3A_300, %arg13[%swap3A] : memref<247xi32, #tpu.memory_space<smem>>
      %swap3A_304 = arith.index_cast %scan3A_299 : i32 to index
      %swap3A_305 = memref.load %arg14[%swap3A_304] : memref<247xi32, #tpu.memory_space<smem>>
      memref.store %scan3A_300, %arg14[%swap3A_304] : memref<247xi32, #tpu.memory_space<smem>>
      %add3A_306 = arith.addi %scan3A_300, %get3A_302 : i32
      scf.yield %add3A_306 : i32
    }
    %scan3A_55 = arith.constant 247 : i32
    %while3A_56 = arith.constant 0 : i32
    %while3A_57 = arith.constant 245 : i32
    %while3A_58 = arith.constant 0 : i32
    %while3A_59 = arith.subi %select_n3A, %while3A_58 : i32
    %while3A_60 = arith.addi %while3A_58, %while3A_59 : i32
    %while3A_61 = arith.constant 1 : i32
    %while3A_62 = arith.divsi %while3A_59, %while3A_61 : i32
    %while3A_63 = arith.muli %while3A_62, %while3A_61 : i32
    %while3A_64 = arith.addi %while3A_58, %while3A_63 : i32
    %while3A_65 = arith.constant 1 : i32
    scf.for %while3A_299 = %while3A_58 to %while3A_64 step %while3A_65  : i32 {
      %mul3A_300 = arith.constant 16 : i32
      %mul3A_301 = arith.muli %while3A_299, %mul3A_300 : i32
      %get3A_302 = arith.index_cast %mul3A_301 : i32 to index
      %get3A_303 = tpu.vector_load %arg7[%get3A_302] {strides = array<i32>} : memref<16400xi32, #tpu.memory_space<vmem>>, vector<16xi32>,
      %mul3A_304 = arith.constant 16 : i32
      %mul3A_305 = arith.muli %while3A_299, %mul3A_304 : i32
      %get3A_306 = arith.index_cast %mul3A_305 : i32 to index
      %get3A_307 = tpu.vector_load %arg8[%get3A_306] {strides = array<i32>} : memref<16400xi32, #tpu.memory_space<vmem>>, vector<16xi32>,
      %shift_right_logical3A = arith.constant 7 : i32
      %shift_right_logical3A_308 = vector.broadcast %shift_right_logical3A : i32 to vector<16xi32>
      %shift_right_logical3A_309 = arith.shrui %get3A_303, %shift_right_logical3A_308 : vector<16xi32>
      %sub3A_310 = vector.broadcast %add3A_4 : i32 to vector<16xi32>
      %sub3A_311 = arith.subi %shift_right_logical3A_309, %sub3A_310 : vector<16xi32>
      %jit3A_312 = arith.constant 0 : i32
      %max3A_313 = vector.broadcast %jit3A_312 : i32 to vector<16xi32>
      %max3A_314 = arith.maxsi %max3A_313, %sub3A_311 : vector<16xi32>
      %min3A_315 = vector.broadcast %while3A_57 : i32 to vector<16xi32>
      %min3A_316 = arith.minsi %min3A_315, %max3A_314 : vector<16xi32>
      %slice3A = vector.extract_strided_slice %min3A_316 {offsets = [0], sizes = [1], strides = [1]} : vector<16xi32> to vector<1xi32>
      %squeeze3A = vector.extract %slice3A[0] : i32 from vector<1xi32>
      %get3A_317 = arith.index_cast %squeeze3A : i32 to index
      %get3A_318 = memref.load %arg14[%get3A_317] : memref<247xi32, #tpu.memory_space<smem>>
      %add3A_319 = arith.constant 1 : i32
      %add3A_320 = arith.addi %get3A_318, %add3A_319 : i32
      %swap3A = arith.index_cast %squeeze3A : i32 to index
      %swap3A_321 = memref.load %arg14[%swap3A] : memref<247xi32, #tpu.memory_space<smem>>
      memref.store %add3A_320, %arg14[%swap3A] : memref<247xi32, #tpu.memory_space<smem>>
      %broadcast_in_dim3A_322 = vector.broadcast %get3A_318 : i32 to vector<16xi32>
      %eq3A_323 = arith.constant 0 : i32
      %eq3A_324 = vector.broadcast %eq3A_323 : i32 to vector<16xi32>
      %eq3A_325 = arith.cmpi eq, %iota3A, %eq3A_324 : vector<16xi32>
      tpu.vector_store_idx %arg9[%broadcast_in_dim3A_322], %get3A_303 masked %eq3A_325 : memref<16400xi32, #tpu.memory_space<vmem>>[vector<16xi32>], vector<16xi32>, vector<16xi1>
      tpu.vector_store_idx %arg10[%broadcast_in_dim3A_322], %get3A_307 masked %eq3A_325 : memref<16400xi32, #tpu.memory_space<vmem>>[vector<16xi32>], vector<16xi32>, vector<16xi1>
      %slice3A_326 = vector.extract_strided_slice %min3A_316 {offsets = [1], sizes = [1], strides = [1]} : vector<16xi32> to vector<1xi32>
      %squeeze3A_327 = vector.extract %slice3A_326[0] : i32 from vector<1xi32>
      %get3A_328 = arith.index_cast %squeeze3A_327 : i32 to index
      %get3A_329 = memref.load %arg14[%get3A_328] : memref<247xi32, #tpu.memory_space<smem>>
      %add3A_330 = arith.constant 1 : i32
      %add3A_331 = arith.addi %get3A_329, %add3A_330 : i32
      %swap3A_332 = arith.index_cast %squeeze3A_327 : i32 to index
      %swap3A_333 = memref.load %arg14[%swap3A_332] : memref<247xi32, #tpu.memory_space<smem>>
      memref.store %add3A_331, %arg14[%swap3A_332] : memref<247xi32, #tpu.memory_space<smem>>
      %broadcast_in_dim3A_334 = vector.broadcast %get3A_329 : i32 to vector<16xi32>
      %eq3A_335 = arith.constant 1 : i32
      %eq3A_336 = vector.broadcast %eq3A_335 : i32 to vector<16xi32>
      %eq3A_337 = arith.cmpi eq, %iota3A, %eq3A_336 : vector<16xi32>
      tpu.vector_store_idx %arg9[%broadcast_in_dim3A_334], %get3A_303 masked %eq3A_337 : memref<16400xi32, #tpu.memory_space<vmem>>[vector<16xi32>], vector<16xi32>, vector<16xi1>
      tpu.vector_store_idx %arg10[%broadcast_in_dim3A_334], %get3A_307 masked %eq3A_337 : memref<16400xi32, #tpu.memory_space<vmem>>[vector<16xi32>], vector<16xi32>, vector<16xi1>
      %slice3A_338 = vector.extract_strided_slice %min3A_316 {offsets = [2], sizes = [1], strides = [1]} : vector<16xi32> to vector<1xi32>
      %squeeze3A_339 = vector.extract %slice3A_338[0] : i32 from vector<1xi32>
      %get3A_340 = arith.index_cast %squeeze3A_339 : i32 to index
      %get3A_341 = memref.load %arg14[%get3A_340] : memref<247xi32, #tpu.memory_space<smem>>
      %add3A_342 = arith.constant 1 : i32
      %add3A_343 = arith.addi %get3A_341, %add3A_342 : i32
      %swap3A_344 = arith.index_cast %squeeze3A_339 : i32 to index
      %swap3A_345 = memref.load %arg14[%swap3A_344] : memref<247xi32, #tpu.memory_space<smem>>
      memref.store %add3A_343, %arg14[%swap3A_344] : memref<247xi32, #tpu.memory_space<smem>>
      %broadcast_in_dim3A_346 = vector.broadcast %get3A_341 : i32 to vector<16xi32>
      %eq3A_347 = arith.constant 2 : i32
      %eq3A_348 = vector.broadcast %eq3A_347 : i32 to vector<16xi32>
      %eq3A_349 = arith.cmpi eq, %iota3A, %eq3A_348 : vector<16xi32>
      tpu.vector_store_idx %arg9[%broadcast_in_dim3A_346], %get3A_303 masked %eq3A_349 : memref<16400xi32, #tpu.memory_space<vmem>>[vector<16xi32>], vector<16xi32>, vector<16xi1>
      tpu.vector_store_idx %arg10[%broadcast_in_dim3A_346], %get3A_307 masked %eq3A_349 : memref<16400xi32, #tpu.memory_space<vmem>>[vector<16xi32>], vector<16xi32>, vector<16xi1>
      %slice3A_350 = vector.extract_strided_slice %min3A_316 {offsets = [3], sizes = [1], strides = [1]} : vector<16xi32> to vector<1xi32>
      %squeeze3A_351 = vector.extract %slice3A_350[0] : i32 from vector<1xi32>
      %get3A_352 = arith.index_cast %squeeze3A_351 : i32 to index
      %get3A_353 = memref.load %arg14[%get3A_352] : memref<247xi32, #tpu.memory_space<smem>>
      %add3A_354 = arith.constant 1 : i32
      %add3A_355 = arith.addi %get3A_353, %add3A_354 : i32
      %swap3A_356 = arith.index_cast %squeeze3A_351 : i32 to index
      %swap3A_357 = memref.load %arg14[%swap3A_356] : memref<247xi32, #tpu.memory_space<smem>>
      memref.store %add3A_355, %arg14[%swap3A_356] : memref<247xi32, #tpu.memory_space<smem>>
      %broadcast_in_dim3A_358 = vector.broadcast %get3A_353 : i32 to vector<16xi32>
      %eq3A_359 = arith.constant 3 : i32
      %eq3A_360 = vector.broadcast %eq3A_359 : i32 to vector<16xi32>
      %eq3A_361 = arith.cmpi eq, %iota3A, %eq3A_360 : vector<16xi32>
      tpu.vector_store_idx %arg9[%broadcast_in_dim3A_358], %get3A_303 masked %eq3A_361 : memref<16400xi32, #tpu.memory_space<vmem>>[vector<16xi32>], vector<16xi32>, vector<16xi1>
      tpu.vector_store_idx %arg10[%broadcast_in_dim3A_358], %get3A_307 masked %eq3A_361 : memref<16400xi32, #tpu.memory_space<vmem>>[vector<16xi32>], vector<16xi32>, vector<16xi1>
      %slice3A_362 = vector.extract_strided_slice %min3A_316 {offsets = [4], sizes = [1], strides = [1]} : vector<16xi32> to vector<1xi32>
      %squeeze3A_363 = vector.extract %slice3A_362[0] : i32 from vector<1xi32>
      %get3A_364 = arith.index_cast %squeeze3A_363 : i32 to index
      %get3A_365 = memref.load %arg14[%get3A_364] : memref<247xi32, #tpu.memory_space<smem>>
      %add3A_366 = arith.constant 1 : i32
      %add3A_367 = arith.addi %get3A_365, %add3A_366 : i32
      %swap3A_368 = arith.index_cast %squeeze3A_363 : i32 to index
      %swap3A_369 = memref.load %arg14[%swap3A_368] : memref<247xi32, #tpu.memory_space<smem>>
      memref.store %add3A_367, %arg14[%swap3A_368] : memref<247xi32, #tpu.memory_space<smem>>
      %broadcast_in_dim3A_370 = vector.broadcast %get3A_365 : i32 to vector<16xi32>
      %eq3A_371 = arith.constant 4 : i32
      %eq3A_372 = vector.broadcast %eq3A_371 : i32 to vector<16xi32>
      %eq3A_373 = arith.cmpi eq, %iota3A, %eq3A_372 : vector<16xi32>
      tpu.vector_store_idx %arg9[%broadcast_in_dim3A_370], %get3A_303 masked %eq3A_373 : memref<16400xi32, #tpu.memory_space<vmem>>[vector<16xi32>], vector<16xi32>, vector<16xi1>
      tpu.vector_store_idx %arg10[%broadcast_in_dim3A_370], %get3A_307 masked %eq3A_373 : memref<16400xi32, #tpu.memory_space<vmem>>[vector<16xi32>], vector<16xi32>, vector<16xi1>
      %slice3A_374 = vector.extract_strided_slice %min3A_316 {offsets = [5], sizes = [1], strides = [1]} : vector<16xi32> to vector<1xi32>
      %squeeze3A_375 = vector.extract %slice3A_374[0] : i32 from vector<1xi32>
      %get3A_376 = arith.index_cast %squeeze3A_375 : i32 to index
      %get3A_377 = memref.load %arg14[%get3A_376] : memref<247xi32, #tpu.memory_space<smem>>
      %add3A_378 = arith.constant 1 : i32
      %add3A_379 = arith.addi %get3A_377, %add3A_378 : i32
      %swap3A_380 = arith.index_cast %squeeze3A_375 : i32 to index
      %swap3A_381 = memref.load %arg14[%swap3A_380] : memref<247xi32, #tpu.memory_space<smem>>
      memref.store %add3A_379, %arg14[%swap3A_380] : memref<247xi32, #tpu.memory_space<smem>>
      %broadcast_in_dim3A_382 = vector.broadcast %get3A_377 : i32 to vector<16xi32>
      %eq3A_383 = arith.constant 5 : i32
      %eq3A_384 = vector.broadcast %eq3A_383 : i32 to vector<16xi32>
      %eq3A_385 = arith.cmpi eq, %iota3A, %eq3A_384 : vector<16xi32>
      tpu.vector_store_idx %arg9[%broadcast_in_dim3A_382], %get3A_303 masked %eq3A_385 : memref<16400xi32, #tpu.memory_space<vmem>>[vector<16xi32>], vector<16xi32>, vector<16xi1>
      tpu.vector_store_idx %arg10[%broadcast_in_dim3A_382], %get3A_307 masked %eq3A_385 : memref<16400xi32, #tpu.memory_space<vmem>>[vector<16xi32>], vector<16xi32>, vector<16xi1>
      %slice3A_386 = vector.extract_strided_slice %min3A_316 {offsets = [6], sizes = [1], strides = [1]} : vector<16xi32> to vector<1xi32>
      %squeeze3A_387 = vector.extract %slice3A_386[0] : i32 from vector<1xi32>
      %get3A_388 = arith.index_cast %squeeze3A_387 : i32 to index
      %get3A_389 = memref.load %arg14[%get3A_388] : memref<247xi32, #tpu.memory_space<smem>>
      %add3A_390 = arith.constant 1 : i32
      %add3A_391 = arith.addi %get3A_389, %add3A_390 : i32
      %swap3A_392 = arith.index_cast %squeeze3A_387 : i32 to index
      %swap3A_393 = memref.load %arg14[%swap3A_392] : memref<247xi32, #tpu.memory_space<smem>>
      memref.store %add3A_391, %arg14[%swap3A_392] : memref<247xi32, #tpu.memory_space<smem>>
      %broadcast_in_dim3A_394 = vector.broadcast %get3A_389 : i32 to vector<16xi32>
      %eq3A_395 = arith.constant 6 : i32
      %eq3A_396 = vector.broadcast %eq3A_395 : i32 to vector<16xi32>
      %eq3A_397 = arith.cmpi eq, %iota3A, %eq3A_396 : vector<16xi32>
      tpu.vector_store_idx %arg9[%broadcast_in_dim3A_394], %get3A_303 masked %eq3A_397 : memref<16400xi32, #tpu.memory_space<vmem>>[vector<16xi32>], vector<16xi32>, vector<16xi1>
      tpu.vector_store_idx %arg10[%broadcast_in_dim3A_394], %get3A_307 masked %eq3A_397 : memref<16400xi32, #tpu.memory_space<vmem>>[vector<16xi32>], vector<16xi32>, vector<16xi1>
      %slice3A_398 = vector.extract_strided_slice %min3A_316 {offsets = [7], sizes = [1], strides = [1]} : vector<16xi32> to vector<1xi32>
      %squeeze3A_399 = vector.extract %slice3A_398[0] : i32 from vector<1xi32>
      %get3A_400 = arith.index_cast %squeeze3A_399 : i32 to index
      %get3A_401 = memref.load %arg14[%get3A_400] : memref<247xi32, #tpu.memory_space<smem>>
      %add3A_402 = arith.constant 1 : i32
      %add3A_403 = arith.addi %get3A_401, %add3A_402 : i32
      %swap3A_404 = arith.index_cast %squeeze3A_399 : i32 to index
      %swap3A_405 = memref.load %arg14[%swap3A_404] : memref<247xi32, #tpu.memory_space<smem>>
      memref.store %add3A_403, %arg14[%swap3A_404] : memref<247xi32, #tpu.memory_space<smem>>
      %broadcast_in_dim3A_406 = vector.broadcast %get3A_401 : i32 to vector<16xi32>
      %eq3A_407 = arith.constant 7 : i32
      %eq3A_408 = vector.broadcast %eq3A_407 : i32 to vector<16xi32>
      %eq3A_409 = arith.cmpi eq, %iota3A, %eq3A_408 : vector<16xi32>
      tpu.vector_store_idx %arg9[%broadcast_in_dim3A_406], %get3A_303 masked %eq3A_409 : memref<16400xi32, #tpu.memory_space<vmem>>[vector<16xi32>], vector<16xi32>, vector<16xi1>
      tpu.vector_store_idx %arg10[%broadcast_in_dim3A_406], %get3A_307 masked %eq3A_409 : memref<16400xi32, #tpu.memory_space<vmem>>[vector<16xi32>], vector<16xi32>, vector<16xi1>
      %slice3A_410 = vector.extract_strided_slice %min3A_316 {offsets = [8], sizes = [1], strides = [1]} : vector<16xi32> to vector<1xi32>
      %squeeze3A_411 = vector.extract %slice3A_410[0] : i32 from vector<1xi32>
      %get3A_412 = arith.index_cast %squeeze3A_411 : i32 to index
      %get3A_413 = memref.load %arg14[%get3A_412] : memref<247xi32, #tpu.memory_space<smem>>
      %add3A_414 = arith.constant 1 : i32
      %add3A_415 = arith.addi %get3A_413, %add3A_414 : i32
      %swap3A_416 = arith.index_cast %squeeze3A_411 : i32 to index
      %swap3A_417 = memref.load %arg14[%swap3A_416] : memref<247xi32, #tpu.memory_space<smem>>
      memref.store %add3A_415, %arg14[%swap3A_416] : memref<247xi32, #tpu.memory_space<smem>>
      %broadcast_in_dim3A_418 = vector.broadcast %get3A_413 : i32 to vector<16xi32>
      %eq3A_419 = arith.constant 8 : i32
      %eq3A_420 = vector.broadcast %eq3A_419 : i32 to vector<16xi32>
      %eq3A_421 = arith.cmpi eq, %iota3A, %eq3A_420 : vector<16xi32>
      tpu.vector_store_idx %arg9[%broadcast_in_dim3A_418], %get3A_303 masked %eq3A_421 : memref<16400xi32, #tpu.memory_space<vmem>>[vector<16xi32>], vector<16xi32>, vector<16xi1>
      tpu.vector_store_idx %arg10[%broadcast_in_dim3A_418], %get3A_307 masked %eq3A_421 : memref<16400xi32, #tpu.memory_space<vmem>>[vector<16xi32>], vector<16xi32>, vector<16xi1>
      %slice3A_422 = vector.extract_strided_slice %min3A_316 {offsets = [9], sizes = [1], strides = [1]} : vector<16xi32> to vector<1xi32>
      %squeeze3A_423 = vector.extract %slice3A_422[0] : i32 from vector<1xi32>
      %get3A_424 = arith.index_cast %squeeze3A_423 : i32 to index
      %get3A_425 = memref.load %arg14[%get3A_424] : memref<247xi32, #tpu.memory_space<smem>>
      %add3A_426 = arith.constant 1 : i32
      %add3A_427 = arith.addi %get3A_425, %add3A_426 : i32
      %swap3A_428 = arith.index_cast %squeeze3A_423 : i32 to index
      %swap3A_429 = memref.load %arg14[%swap3A_428] : memref<247xi32, #tpu.memory_space<smem>>
      memref.store %add3A_427, %arg14[%swap3A_428] : memref<247xi32, #tpu.memory_space<smem>>
      %broadcast_in_dim3A_430 = vector.broadcast %get3A_425 : i32 to vector<16xi32>
      %eq3A_431 = arith.constant 9 : i32
      %eq3A_432 = vector.broadcast %eq3A_431 : i32 to vector<16xi32>
      %eq3A_433 = arith.cmpi eq, %iota3A, %eq3A_432 : vector<16xi32>
      tpu.vector_store_idx %arg9[%broadcast_in_dim3A_430], %get3A_303 masked %eq3A_433 : memref<16400xi32, #tpu.memory_space<vmem>>[vector<16xi32>], vector<16xi32>, vector<16xi1>
      tpu.vector_store_idx %arg10[%broadcast_in_dim3A_430], %get3A_307 masked %eq3A_433 : memref<16400xi32, #tpu.memory_space<vmem>>[vector<16xi32>], vector<16xi32>, vector<16xi1>
      %slice3A_434 = vector.extract_strided_slice %min3A_316 {offsets = [10], sizes = [1], strides = [1]} : vector<16xi32> to vector<1xi32>
      %squeeze3A_435 = vector.extract %slice3A_434[0] : i32 from vector<1xi32>
      %get3A_436 = arith.index_cast %squeeze3A_435 : i32 to index
      %get3A_437 = memref.load %arg14[%get3A_436] : memref<247xi32, #tpu.memory_space<smem>>
      %add3A_438 = arith.constant 1 : i32
      %add3A_439 = arith.addi %get3A_437, %add3A_438 : i32
      %swap3A_440 = arith.index_cast %squeeze3A_435 : i32 to index
      %swap3A_441 = memref.load %arg14[%swap3A_440] : memref<247xi32, #tpu.memory_space<smem>>
      memref.store %add3A_439, %arg14[%swap3A_440] : memref<247xi32, #tpu.memory_space<smem>>
      %broadcast_in_dim3A_442 = vector.broadcast %get3A_437 : i32 to vector<16xi32>
      %eq3A_443 = arith.constant 10 : i32
      %eq3A_444 = vector.broadcast %eq3A_443 : i32 to vector<16xi32>
      %eq3A_445 = arith.cmpi eq, %iota3A, %eq3A_444 : vector<16xi32>
      tpu.vector_store_idx %arg9[%broadcast_in_dim3A_442], %get3A_303 masked %eq3A_445 : memref<16400xi32, #tpu.memory_space<vmem>>[vector<16xi32>], vector<16xi32>, vector<16xi1>
      tpu.vector_store_idx %arg10[%broadcast_in_dim3A_442], %get3A_307 masked %eq3A_445 : memref<16400xi32, #tpu.memory_space<vmem>>[vector<16xi32>], vector<16xi32>, vector<16xi1>
      %slice3A_446 = vector.extract_strided_slice %min3A_316 {offsets = [11], sizes = [1], strides = [1]} : vector<16xi32> to vector<1xi32>
      %squeeze3A_447 = vector.extract %slice3A_446[0] : i32 from vector<1xi32>
      %get3A_448 = arith.index_cast %squeeze3A_447 : i32 to index
      %get3A_449 = memref.load %arg14[%get3A_448] : memref<247xi32, #tpu.memory_space<smem>>
      %add3A_450 = arith.constant 1 : i32
      %add3A_451 = arith.addi %get3A_449, %add3A_450 : i32
      %swap3A_452 = arith.index_cast %squeeze3A_447 : i32 to index
      %swap3A_453 = memref.load %arg14[%swap3A_452] : memref<247xi32, #tpu.memory_space<smem>>
      memref.store %add3A_451, %arg14[%swap3A_452] : memref<247xi32, #tpu.memory_space<smem>>
      %broadcast_in_dim3A_454 = vector.broadcast %get3A_449 : i32 to vector<16xi32>
      %eq3A_455 = arith.constant 11 : i32
      %eq3A_456 = vector.broadcast %eq3A_455 : i32 to vector<16xi32>
      %eq3A_457 = arith.cmpi eq, %iota3A, %eq3A_456 : vector<16xi32>
      tpu.vector_store_idx %arg9[%broadcast_in_dim3A_454], %get3A_303 masked %eq3A_457 : memref<16400xi32, #tpu.memory_space<vmem>>[vector<16xi32>], vector<16xi32>, vector<16xi1>
      tpu.vector_store_idx %arg10[%broadcast_in_dim3A_454], %get3A_307 masked %eq3A_457 : memref<16400xi32, #tpu.memory_space<vmem>>[vector<16xi32>], vector<16xi32>, vector<16xi1>
      %slice3A_458 = vector.extract_strided_slice %min3A_316 {offsets = [12], sizes = [1], strides = [1]} : vector<16xi32> to vector<1xi32>
      %squeeze3A_459 = vector.extract %slice3A_458[0] : i32 from vector<1xi32>
      %get3A_460 = arith.index_cast %squeeze3A_459 : i32 to index
      %get3A_461 = memref.load %arg14[%get3A_460] : memref<247xi32, #tpu.memory_space<smem>>
      %add3A_462 = arith.constant 1 : i32
      %add3A_463 = arith.addi %get3A_461, %add3A_462 : i32
      %swap3A_464 = arith.index_cast %squeeze3A_459 : i32 to index
      %swap3A_465 = memref.load %arg14[%swap3A_464] : memref<247xi32, #tpu.memory_space<smem>>
      memref.store %add3A_463, %arg14[%swap3A_464] : memref<247xi32, #tpu.memory_space<smem>>
      %broadcast_in_dim3A_466 = vector.broadcast %get3A_461 : i32 to vector<16xi32>
      %eq3A_467 = arith.constant 12 : i32
      %eq3A_468 = vector.broadcast %eq3A_467 : i32 to vector<16xi32>
      %eq3A_469 = arith.cmpi eq, %iota3A, %eq3A_468 : vector<16xi32>
      tpu.vector_store_idx %arg9[%broadcast_in_dim3A_466], %get3A_303 masked %eq3A_469 : memref<16400xi32, #tpu.memory_space<vmem>>[vector<16xi32>], vector<16xi32>, vector<16xi1>
      tpu.vector_store_idx %arg10[%broadcast_in_dim3A_466], %get3A_307 masked %eq3A_469 : memref<16400xi32, #tpu.memory_space<vmem>>[vector<16xi32>], vector<16xi32>, vector<16xi1>
      %slice3A_470 = vector.extract_strided_slice %min3A_316 {offsets = [13], sizes = [1], strides = [1]} : vector<16xi32> to vector<1xi32>
      %squeeze3A_471 = vector.extract %slice3A_470[0] : i32 from vector<1xi32>
      %get3A_472 = arith.index_cast %squeeze3A_471 : i32 to index
      %get3A_473 = memref.load %arg14[%get3A_472] : memref<247xi32, #tpu.memory_space<smem>>
      %add3A_474 = arith.constant 1 : i32
      %add3A_475 = arith.addi %get3A_473, %add3A_474 : i32
      %swap3A_476 = arith.index_cast %squeeze3A_471 : i32 to index
      %swap3A_477 = memref.load %arg14[%swap3A_476] : memref<247xi32, #tpu.memory_space<smem>>
      memref.store %add3A_475, %arg14[%swap3A_476] : memref<247xi32, #tpu.memory_space<smem>>
      %broadcast_in_dim3A_478 = vector.broadcast %get3A_473 : i32 to vector<16xi32>
      %eq3A_479 = arith.constant 13 : i32
      %eq3A_480 = vector.broadcast %eq3A_479 : i32 to vector<16xi32>
      %eq3A_481 = arith.cmpi eq, %iota3A, %eq3A_480 : vector<16xi32>
      tpu.vector_store_idx %arg9[%broadcast_in_dim3A_478], %get3A_303 masked %eq3A_481 : memref<16400xi32, #tpu.memory_space<vmem>>[vector<16xi32>], vector<16xi32>, vector<16xi1>
      tpu.vector_store_idx %arg10[%broadcast_in_dim3A_478], %get3A_307 masked %eq3A_481 : memref<16400xi32, #tpu.memory_space<vmem>>[vector<16xi32>], vector<16xi32>, vector<16xi1>
      %slice3A_482 = vector.extract_strided_slice %min3A_316 {offsets = [14], sizes = [1], strides = [1]} : vector<16xi32> to vector<1xi32>
      %squeeze3A_483 = vector.extract %slice3A_482[0] : i32 from vector<1xi32>
      %get3A_484 = arith.index_cast %squeeze3A_483 : i32 to index
      %get3A_485 = memref.load %arg14[%get3A_484] : memref<247xi32, #tpu.memory_space<smem>>
      %add3A_486 = arith.constant 1 : i32
      %add3A_487 = arith.addi %get3A_485, %add3A_486 : i32
      %swap3A_488 = arith.index_cast %squeeze3A_483 : i32 to index
      %swap3A_489 = memref.load %arg14[%swap3A_488] : memref<247xi32, #tpu.memory_space<smem>>
      memref.store %add3A_487, %arg14[%swap3A_488] : memref<247xi32, #tpu.memory_space<smem>>
      %broadcast_in_dim3A_490 = vector.broadcast %get3A_485 : i32 to vector<16xi32>
      %eq3A_491 = arith.constant 14 : i32
      %eq3A_492 = vector.broadcast %eq3A_491 : i32 to vector<16xi32>
      %eq3A_493 = arith.cmpi eq, %iota3A, %eq3A_492 : vector<16xi32>
      tpu.vector_store_idx %arg9[%broadcast_in_dim3A_490], %get3A_303 masked %eq3A_493 : memref<16400xi32, #tpu.memory_space<vmem>>[vector<16xi32>], vector<16xi32>, vector<16xi1>
      tpu.vector_store_idx %arg10[%broadcast_in_dim3A_490], %get3A_307 masked %eq3A_493 : memref<16400xi32, #tpu.memory_space<vmem>>[vector<16xi32>], vector<16xi32>, vector<16xi1>
      %slice3A_494 = vector.extract_strided_slice %min3A_316 {offsets = [15], sizes = [1], strides = [1]} : vector<16xi32> to vector<1xi32>
      %squeeze3A_495 = vector.extract %slice3A_494[0] : i32 from vector<1xi32>
      %get3A_496 = arith.index_cast %squeeze3A_495 : i32 to index
      %get3A_497 = memref.load %arg14[%get3A_496] : memref<247xi32, #tpu.memory_space<smem>>
      %add3A_498 = arith.constant 1 : i32
      %add3A_499 = arith.addi %get3A_497, %add3A_498 : i32
      %swap3A_500 = arith.index_cast %squeeze3A_495 : i32 to index
      %swap3A_501 = memref.load %arg14[%swap3A_500] : memref<247xi32, #tpu.memory_space<smem>>
      memref.store %add3A_499, %arg14[%swap3A_500] : memref<247xi32, #tpu.memory_space<smem>>
      %broadcast_in_dim3A_502 = vector.broadcast %get3A_497 : i32 to vector<16xi32>
      %eq3A_503 = arith.constant 15 : i32
      %eq3A_504 = vector.broadcast %eq3A_503 : i32 to vector<16xi32>
      %eq3A_505 = arith.cmpi eq, %iota3A, %eq3A_504 : vector<16xi32>
      tpu.vector_store_idx %arg9[%broadcast_in_dim3A_502], %get3A_303 masked %eq3A_505 : memref<16400xi32, #tpu.memory_space<vmem>>[vector<16xi32>], vector<16xi32>, vector<16xi1>
      tpu.vector_store_idx %arg10[%broadcast_in_dim3A_502], %get3A_307 masked %eq3A_505 : memref<16400xi32, #tpu.memory_space<vmem>>[vector<16xi32>], vector<16xi32>, vector<16xi1>
    }
    %while3A_66 = arith.constant 1 : i32
    scf.for %while3A_299 = %while3A_64 to %while3A_60 step %while3A_66  : i32 {
      %mul3A_300 = arith.constant 16 : i32
      %mul3A_301 = arith.muli %while3A_299, %mul3A_300 : i32
      %get3A_302 = arith.index_cast %mul3A_301 : i32 to index
      %get3A_303 = tpu.vector_load %arg7[%get3A_302] {strides = array<i32>} : memref<16400xi32, #tpu.memory_space<vmem>>, vector<16xi32>,
      %mul3A_304 = arith.constant 16 : i32
      %mul3A_305 = arith.muli %while3A_299, %mul3A_304 : i32
      %get3A_306 = arith.index_cast %mul3A_305 : i32 to index
      %get3A_307 = tpu.vector_load %arg8[%get3A_306] {strides = array<i32>} : memref<16400xi32, #tpu.memory_space<vmem>>, vector<16xi32>,
      %shift_right_logical3A = arith.constant 7 : i32
      %shift_right_logical3A_308 = vector.broadcast %shift_right_logical3A : i32 to vector<16xi32>
      %shift_right_logical3A_309 = arith.shrui %get3A_303, %shift_right_logical3A_308 : vector<16xi32>
      %sub3A_310 = vector.broadcast %add3A_4 : i32 to vector<16xi32>
      %sub3A_311 = arith.subi %shift_right_logical3A_309, %sub3A_310 : vector<16xi32>
      %jit3A_312 = arith.constant 0 : i32
      %max3A_313 = vector.broadcast %jit3A_312 : i32 to vector<16xi32>
      %max3A_314 = arith.maxsi %max3A_313, %sub3A_311 : vector<16xi32>
      %min3A_315 = vector.broadcast %while3A_57 : i32 to vector<16xi32>
      %min3A_316 = arith.minsi %min3A_315, %max3A_314 : vector<16xi32>
      %slice3A = vector.extract_strided_slice %min3A_316 {offsets = [0], sizes = [1], strides = [1]} : vector<16xi32> to vector<1xi32>
      %squeeze3A = vector.extract %slice3A[0] : i32 from vector<1xi32>
      %get3A_317 = arith.index_cast %squeeze3A : i32 to index
      %get3A_318 = memref.load %arg14[%get3A_317] : memref<247xi32, #tpu.memory_space<smem>>
      %add3A_319 = arith.constant 1 : i32
      %add3A_320 = arith.addi %get3A_318, %add3A_319 : i32
      %swap3A = arith.index_cast %squeeze3A : i32 to index
      %swap3A_321 = memref.load %arg14[%swap3A] : memref<247xi32, #tpu.memory_space<smem>>
      memref.store %add3A_320, %arg14[%swap3A] : memref<247xi32, #tpu.memory_space<smem>>
      %broadcast_in_dim3A_322 = vector.broadcast %get3A_318 : i32 to vector<16xi32>
      %eq3A_323 = arith.constant 0 : i32
      %eq3A_324 = vector.broadcast %eq3A_323 : i32 to vector<16xi32>
      %eq3A_325 = arith.cmpi eq, %iota3A, %eq3A_324 : vector<16xi32>
      tpu.vector_store_idx %arg9[%broadcast_in_dim3A_322], %get3A_303 masked %eq3A_325 : memref<16400xi32, #tpu.memory_space<vmem>>[vector<16xi32>], vector<16xi32>, vector<16xi1>
      tpu.vector_store_idx %arg10[%broadcast_in_dim3A_322], %get3A_307 masked %eq3A_325 : memref<16400xi32, #tpu.memory_space<vmem>>[vector<16xi32>], vector<16xi32>, vector<16xi1>
      %slice3A_326 = vector.extract_strided_slice %min3A_316 {offsets = [1], sizes = [1], strides = [1]} : vector<16xi32> to vector<1xi32>
      %squeeze3A_327 = vector.extract %slice3A_326[0] : i32 from vector<1xi32>
      %get3A_328 = arith.index_cast %squeeze3A_327 : i32 to index
      %get3A_329 = memref.load %arg14[%get3A_328] : memref<247xi32, #tpu.memory_space<smem>>
      %add3A_330 = arith.constant 1 : i32
      %add3A_331 = arith.addi %get3A_329, %add3A_330 : i32
      %swap3A_332 = arith.index_cast %squeeze3A_327 : i32 to index
      %swap3A_333 = memref.load %arg14[%swap3A_332] : memref<247xi32, #tpu.memory_space<smem>>
      memref.store %add3A_331, %arg14[%swap3A_332] : memref<247xi32, #tpu.memory_space<smem>>
      %broadcast_in_dim3A_334 = vector.broadcast %get3A_329 : i32 to vector<16xi32>
      %eq3A_335 = arith.constant 1 : i32
      %eq3A_336 = vector.broadcast %eq3A_335 : i32 to vector<16xi32>
      %eq3A_337 = arith.cmpi eq, %iota3A, %eq3A_336 : vector<16xi32>
      tpu.vector_store_idx %arg9[%broadcast_in_dim3A_334], %get3A_303 masked %eq3A_337 : memref<16400xi32, #tpu.memory_space<vmem>>[vector<16xi32>], vector<16xi32>, vector<16xi1>
      tpu.vector_store_idx %arg10[%broadcast_in_dim3A_334], %get3A_307 masked %eq3A_337 : memref<16400xi32, #tpu.memory_space<vmem>>[vector<16xi32>], vector<16xi32>, vector<16xi1>
      %slice3A_338 = vector.extract_strided_slice %min3A_316 {offsets = [2], sizes = [1], strides = [1]} : vector<16xi32> to vector<1xi32>
      %squeeze3A_339 = vector.extract %slice3A_338[0] : i32 from vector<1xi32>
      %get3A_340 = arith.index_cast %squeeze3A_339 : i32 to index
      %get3A_341 = memref.load %arg14[%get3A_340] : memref<247xi32, #tpu.memory_space<smem>>
      %add3A_342 = arith.constant 1 : i32
      %add3A_343 = arith.addi %get3A_341, %add3A_342 : i32
      %swap3A_344 = arith.index_cast %squeeze3A_339 : i32 to index
      %swap3A_345 = memref.load %arg14[%swap3A_344] : memref<247xi32, #tpu.memory_space<smem>>
      memref.store %add3A_343, %arg14[%swap3A_344] : memref<247xi32, #tpu.memory_space<smem>>
      %broadcast_in_dim3A_346 = vector.broadcast %get3A_341 : i32 to vector<16xi32>
      %eq3A_347 = arith.constant 2 : i32
      %eq3A_348 = vector.broadcast %eq3A_347 : i32 to vector<16xi32>
      %eq3A_349 = arith.cmpi eq, %iota3A, %eq3A_348 : vector<16xi32>
      tpu.vector_store_idx %arg9[%broadcast_in_dim3A_346], %get3A_303 masked %eq3A_349 : memref<16400xi32, #tpu.memory_space<vmem>>[vector<16xi32>], vector<16xi32>, vector<16xi1>
      tpu.vector_store_idx %arg10[%broadcast_in_dim3A_346], %get3A_307 masked %eq3A_349 : memref<16400xi32, #tpu.memory_space<vmem>>[vector<16xi32>], vector<16xi32>, vector<16xi1>
      %slice3A_350 = vector.extract_strided_slice %min3A_316 {offsets = [3], sizes = [1], strides = [1]} : vector<16xi32> to vector<1xi32>
      %squeeze3A_351 = vector.extract %slice3A_350[0] : i32 from vector<1xi32>
      %get3A_352 = arith.index_cast %squeeze3A_351 : i32 to index
      %get3A_353 = memref.load %arg14[%get3A_352] : memref<247xi32, #tpu.memory_space<smem>>
      %add3A_354 = arith.constant 1 : i32
      %add3A_355 = arith.addi %get3A_353, %add3A_354 : i32
      %swap3A_356 = arith.index_cast %squeeze3A_351 : i32 to index
      %swap3A_357 = memref.load %arg14[%swap3A_356] : memref<247xi32, #tpu.memory_space<smem>>
      memref.store %add3A_355, %arg14[%swap3A_356] : memref<247xi32, #tpu.memory_space<smem>>
      %broadcast_in_dim3A_358 = vector.broadcast %get3A_353 : i32 to vector<16xi32>
      %eq3A_359 = arith.constant 3 : i32
      %eq3A_360 = vector.broadcast %eq3A_359 : i32 to vector<16xi32>
      %eq3A_361 = arith.cmpi eq, %iota3A, %eq3A_360 : vector<16xi32>
      tpu.vector_store_idx %arg9[%broadcast_in_dim3A_358], %get3A_303 masked %eq3A_361 : memref<16400xi32, #tpu.memory_space<vmem>>[vector<16xi32>], vector<16xi32>, vector<16xi1>
      tpu.vector_store_idx %arg10[%broadcast_in_dim3A_358], %get3A_307 masked %eq3A_361 : memref<16400xi32, #tpu.memory_space<vmem>>[vector<16xi32>], vector<16xi32>, vector<16xi1>
      %slice3A_362 = vector.extract_strided_slice %min3A_316 {offsets = [4], sizes = [1], strides = [1]} : vector<16xi32> to vector<1xi32>
      %squeeze3A_363 = vector.extract %slice3A_362[0] : i32 from vector<1xi32>
      %get3A_364 = arith.index_cast %squeeze3A_363 : i32 to index
      %get3A_365 = memref.load %arg14[%get3A_364] : memref<247xi32, #tpu.memory_space<smem>>
      %add3A_366 = arith.constant 1 : i32
      %add3A_367 = arith.addi %get3A_365, %add3A_366 : i32
      %swap3A_368 = arith.index_cast %squeeze3A_363 : i32 to index
      %swap3A_369 = memref.load %arg14[%swap3A_368] : memref<247xi32, #tpu.memory_space<smem>>
      memref.store %add3A_367, %arg14[%swap3A_368] : memref<247xi32, #tpu.memory_space<smem>>
      %broadcast_in_dim3A_370 = vector.broadcast %get3A_365 : i32 to vector<16xi32>
      %eq3A_371 = arith.constant 4 : i32
      %eq3A_372 = vector.broadcast %eq3A_371 : i32 to vector<16xi32>
      %eq3A_373 = arith.cmpi eq, %iota3A, %eq3A_372 : vector<16xi32>
      tpu.vector_store_idx %arg9[%broadcast_in_dim3A_370], %get3A_303 masked %eq3A_373 : memref<16400xi32, #tpu.memory_space<vmem>>[vector<16xi32>], vector<16xi32>, vector<16xi1>
      tpu.vector_store_idx %arg10[%broadcast_in_dim3A_370], %get3A_307 masked %eq3A_373 : memref<16400xi32, #tpu.memory_space<vmem>>[vector<16xi32>], vector<16xi32>, vector<16xi1>
      %slice3A_374 = vector.extract_strided_slice %min3A_316 {offsets = [5], sizes = [1], strides = [1]} : vector<16xi32> to vector<1xi32>
      %squeeze3A_375 = vector.extract %slice3A_374[0] : i32 from vector<1xi32>
      %get3A_376 = arith.index_cast %squeeze3A_375 : i32 to index
      %get3A_377 = memref.load %arg14[%get3A_376] : memref<247xi32, #tpu.memory_space<smem>>
      %add3A_378 = arith.constant 1 : i32
      %add3A_379 = arith.addi %get3A_377, %add3A_378 : i32
      %swap3A_380 = arith.index_cast %squeeze3A_375 : i32 to index
      %swap3A_381 = memref.load %arg14[%swap3A_380] : memref<247xi32, #tpu.memory_space<smem>>
      memref.store %add3A_379, %arg14[%swap3A_380] : memref<247xi32, #tpu.memory_space<smem>>
      %broadcast_in_dim3A_382 = vector.broadcast %get3A_377 : i32 to vector<16xi32>
      %eq3A_383 = arith.constant 5 : i32
      %eq3A_384 = vector.broadcast %eq3A_383 : i32 to vector<16xi32>
      %eq3A_385 = arith.cmpi eq, %iota3A, %eq3A_384 : vector<16xi32>
      tpu.vector_store_idx %arg9[%broadcast_in_dim3A_382], %get3A_303 masked %eq3A_385 : memref<16400xi32, #tpu.memory_space<vmem>>[vector<16xi32>], vector<16xi32>, vector<16xi1>
      tpu.vector_store_idx %arg10[%broadcast_in_dim3A_382], %get3A_307 masked %eq3A_385 : memref<16400xi32, #tpu.memory_space<vmem>>[vector<16xi32>], vector<16xi32>, vector<16xi1>
      %slice3A_386 = vector.extract_strided_slice %min3A_316 {offsets = [6], sizes = [1], strides = [1]} : vector<16xi32> to vector<1xi32>
      %squeeze3A_387 = vector.extract %slice3A_386[0] : i32 from vector<1xi32>
      %get3A_388 = arith.index_cast %squeeze3A_387 : i32 to index
      %get3A_389 = memref.load %arg14[%get3A_388] : memref<247xi32, #tpu.memory_space<smem>>
      %add3A_390 = arith.constant 1 : i32
      %add3A_391 = arith.addi %get3A_389, %add3A_390 : i32
      %swap3A_392 = arith.index_cast %squeeze3A_387 : i32 to index
      %swap3A_393 = memref.load %arg14[%swap3A_392] : memref<247xi32, #tpu.memory_space<smem>>
      memref.store %add3A_391, %arg14[%swap3A_392] : memref<247xi32, #tpu.memory_space<smem>>
      %broadcast_in_dim3A_394 = vector.broadcast %get3A_389 : i32 to vector<16xi32>
      %eq3A_395 = arith.constant 6 : i32
      %eq3A_396 = vector.broadcast %eq3A_395 : i32 to vector<16xi32>
      %eq3A_397 = arith.cmpi eq, %iota3A, %eq3A_396 : vector<16xi32>
      tpu.vector_store_idx %arg9[%broadcast_in_dim3A_394], %get3A_303 masked %eq3A_397 : memref<16400xi32, #tpu.memory_space<vmem>>[vector<16xi32>], vector<16xi32>, vector<16xi1>
      tpu.vector_store_idx %arg10[%broadcast_in_dim3A_394], %get3A_307 masked %eq3A_397 : memref<16400xi32, #tpu.memory_space<vmem>>[vector<16xi32>], vector<16xi32>, vector<16xi1>
      %slice3A_398 = vector.extract_strided_slice %min3A_316 {offsets = [7], sizes = [1], strides = [1]} : vector<16xi32> to vector<1xi32>
      %squeeze3A_399 = vector.extract %slice3A_398[0] : i32 from vector<1xi32>
      %get3A_400 = arith.index_cast %squeeze3A_399 : i32 to index
      %get3A_401 = memref.load %arg14[%get3A_400] : memref<247xi32, #tpu.memory_space<smem>>
      %add3A_402 = arith.constant 1 : i32
      %add3A_403 = arith.addi %get3A_401, %add3A_402 : i32
      %swap3A_404 = arith.index_cast %squeeze3A_399 : i32 to index
      %swap3A_405 = memref.load %arg14[%swap3A_404] : memref<247xi32, #tpu.memory_space<smem>>
      memref.store %add3A_403, %arg14[%swap3A_404] : memref<247xi32, #tpu.memory_space<smem>>
      %broadcast_in_dim3A_406 = vector.broadcast %get3A_401 : i32 to vector<16xi32>
      %eq3A_407 = arith.constant 7 : i32
      %eq3A_408 = vector.broadcast %eq3A_407 : i32 to vector<16xi32>
      %eq3A_409 = arith.cmpi eq, %iota3A, %eq3A_408 : vector<16xi32>
      tpu.vector_store_idx %arg9[%broadcast_in_dim3A_406], %get3A_303 masked %eq3A_409 : memref<16400xi32, #tpu.memory_space<vmem>>[vector<16xi32>], vector<16xi32>, vector<16xi1>
      tpu.vector_store_idx %arg10[%broadcast_in_dim3A_406], %get3A_307 masked %eq3A_409 : memref<16400xi32, #tpu.memory_space<vmem>>[vector<16xi32>], vector<16xi32>, vector<16xi1>
      %slice3A_410 = vector.extract_strided_slice %min3A_316 {offsets = [8], sizes = [1], strides = [1]} : vector<16xi32> to vector<1xi32>
      %squeeze3A_411 = vector.extract %slice3A_410[0] : i32 from vector<1xi32>
      %get3A_412 = arith.index_cast %squeeze3A_411 : i32 to index
      %get3A_413 = memref.load %arg14[%get3A_412] : memref<247xi32, #tpu.memory_space<smem>>
      %add3A_414 = arith.constant 1 : i32
      %add3A_415 = arith.addi %get3A_413, %add3A_414 : i32
      %swap3A_416 = arith.index_cast %squeeze3A_411 : i32 to index
      %swap3A_417 = memref.load %arg14[%swap3A_416] : memref<247xi32, #tpu.memory_space<smem>>
      memref.store %add3A_415, %arg14[%swap3A_416] : memref<247xi32, #tpu.memory_space<smem>>
      %broadcast_in_dim3A_418 = vector.broadcast %get3A_413 : i32 to vector<16xi32>
      %eq3A_419 = arith.constant 8 : i32
      %eq3A_420 = vector.broadcast %eq3A_419 : i32 to vector<16xi32>
      %eq3A_421 = arith.cmpi eq, %iota3A, %eq3A_420 : vector<16xi32>
      tpu.vector_store_idx %arg9[%broadcast_in_dim3A_418], %get3A_303 masked %eq3A_421 : memref<16400xi32, #tpu.memory_space<vmem>>[vector<16xi32>], vector<16xi32>, vector<16xi1>
      tpu.vector_store_idx %arg10[%broadcast_in_dim3A_418], %get3A_307 masked %eq3A_421 : memref<16400xi32, #tpu.memory_space<vmem>>[vector<16xi32>], vector<16xi32>, vector<16xi1>
      %slice3A_422 = vector.extract_strided_slice %min3A_316 {offsets = [9], sizes = [1], strides = [1]} : vector<16xi32> to vector<1xi32>
      %squeeze3A_423 = vector.extract %slice3A_422[0] : i32 from vector<1xi32>
      %get3A_424 = arith.index_cast %squeeze3A_423 : i32 to index
      %get3A_425 = memref.load %arg14[%get3A_424] : memref<247xi32, #tpu.memory_space<smem>>
      %add3A_426 = arith.constant 1 : i32
      %add3A_427 = arith.addi %get3A_425, %add3A_426 : i32
      %swap3A_428 = arith.index_cast %squeeze3A_423 : i32 to index
      %swap3A_429 = memref.load %arg14[%swap3A_428] : memref<247xi32, #tpu.memory_space<smem>>
      memref.store %add3A_427, %arg14[%swap3A_428] : memref<247xi32, #tpu.memory_space<smem>>
      %broadcast_in_dim3A_430 = vector.broadcast %get3A_425 : i32 to vector<16xi32>
      %eq3A_431 = arith.constant 9 : i32
      %eq3A_432 = vector.broadcast %eq3A_431 : i32 to vector<16xi32>
      %eq3A_433 = arith.cmpi eq, %iota3A, %eq3A_432 : vector<16xi32>
      tpu.vector_store_idx %arg9[%broadcast_in_dim3A_430], %get3A_303 masked %eq3A_433 : memref<16400xi32, #tpu.memory_space<vmem>>[vector<16xi32>], vector<16xi32>, vector<16xi1>
      tpu.vector_store_idx %arg10[%broadcast_in_dim3A_430], %get3A_307 masked %eq3A_433 : memref<16400xi32, #tpu.memory_space<vmem>>[vector<16xi32>], vector<16xi32>, vector<16xi1>
      %slice3A_434 = vector.extract_strided_slice %min3A_316 {offsets = [10], sizes = [1], strides = [1]} : vector<16xi32> to vector<1xi32>
      %squeeze3A_435 = vector.extract %slice3A_434[0] : i32 from vector<1xi32>
      %get3A_436 = arith.index_cast %squeeze3A_435 : i32 to index
      %get3A_437 = memref.load %arg14[%get3A_436] : memref<247xi32, #tpu.memory_space<smem>>
      %add3A_438 = arith.constant 1 : i32
      %add3A_439 = arith.addi %get3A_437, %add3A_438 : i32
      %swap3A_440 = arith.index_cast %squeeze3A_435 : i32 to index
      %swap3A_441 = memref.load %arg14[%swap3A_440] : memref<247xi32, #tpu.memory_space<smem>>
      memref.store %add3A_439, %arg14[%swap3A_440] : memref<247xi32, #tpu.memory_space<smem>>
      %broadcast_in_dim3A_442 = vector.broadcast %get3A_437 : i32 to vector<16xi32>
      %eq3A_443 = arith.constant 10 : i32
      %eq3A_444 = vector.broadcast %eq3A_443 : i32 to vector<16xi32>
      %eq3A_445 = arith.cmpi eq, %iota3A, %eq3A_444 : vector<16xi32>
      tpu.vector_store_idx %arg9[%broadcast_in_dim3A_442], %get3A_303 masked %eq3A_445 : memref<16400xi32, #tpu.memory_space<vmem>>[vector<16xi32>], vector<16xi32>, vector<16xi1>
      tpu.vector_store_idx %arg10[%broadcast_in_dim3A_442], %get3A_307 masked %eq3A_445 : memref<16400xi32, #tpu.memory_space<vmem>>[vector<16xi32>], vector<16xi32>, vector<16xi1>
      %slice3A_446 = vector.extract_strided_slice %min3A_316 {offsets = [11], sizes = [1], strides = [1]} : vector<16xi32> to vector<1xi32>
      %squeeze3A_447 = vector.extract %slice3A_446[0] : i32 from vector<1xi32>
      %get3A_448 = arith.index_cast %squeeze3A_447 : i32 to index
      %get3A_449 = memref.load %arg14[%get3A_448] : memref<247xi32, #tpu.memory_space<smem>>
      %add3A_450 = arith.constant 1 : i32
      %add3A_451 = arith.addi %get3A_449, %add3A_450 : i32
      %swap3A_452 = arith.index_cast %squeeze3A_447 : i32 to index
      %swap3A_453 = memref.load %arg14[%swap3A_452] : memref<247xi32, #tpu.memory_space<smem>>
      memref.store %add3A_451, %arg14[%swap3A_452] : memref<247xi32, #tpu.memory_space<smem>>
      %broadcast_in_dim3A_454 = vector.broadcast %get3A_449 : i32 to vector<16xi32>
      %eq3A_455 = arith.constant 11 : i32
      %eq3A_456 = vector.broadcast %eq3A_455 : i32 to vector<16xi32>
      %eq3A_457 = arith.cmpi eq, %iota3A, %eq3A_456 : vector<16xi32>
      tpu.vector_store_idx %arg9[%broadcast_in_dim3A_454], %get3A_303 masked %eq3A_457 : memref<16400xi32, #tpu.memory_space<vmem>>[vector<16xi32>], vector<16xi32>, vector<16xi1>
      tpu.vector_store_idx %arg10[%broadcast_in_dim3A_454], %get3A_307 masked %eq3A_457 : memref<16400xi32, #tpu.memory_space<vmem>>[vector<16xi32>], vector<16xi32>, vector<16xi1>
      %slice3A_458 = vector.extract_strided_slice %min3A_316 {offsets = [12], sizes = [1], strides = [1]} : vector<16xi32> to vector<1xi32>
      %squeeze3A_459 = vector.extract %slice3A_458[0] : i32 from vector<1xi32>
      %get3A_460 = arith.index_cast %squeeze3A_459 : i32 to index
      %get3A_461 = memref.load %arg14[%get3A_460] : memref<247xi32, #tpu.memory_space<smem>>
      %add3A_462 = arith.constant 1 : i32
      %add3A_463 = arith.addi %get3A_461, %add3A_462 : i32
      %swap3A_464 = arith.index_cast %squeeze3A_459 : i32 to index
      %swap3A_465 = memref.load %arg14[%swap3A_464] : memref<247xi32, #tpu.memory_space<smem>>
      memref.store %add3A_463, %arg14[%swap3A_464] : memref<247xi32, #tpu.memory_space<smem>>
      %broadcast_in_dim3A_466 = vector.broadcast %get3A_461 : i32 to vector<16xi32>
      %eq3A_467 = arith.constant 12 : i32
      %eq3A_468 = vector.broadcast %eq3A_467 : i32 to vector<16xi32>
      %eq3A_469 = arith.cmpi eq, %iota3A, %eq3A_468 : vector<16xi32>
      tpu.vector_store_idx %arg9[%broadcast_in_dim3A_466], %get3A_303 masked %eq3A_469 : memref<16400xi32, #tpu.memory_space<vmem>>[vector<16xi32>], vector<16xi32>, vector<16xi1>
      tpu.vector_store_idx %arg10[%broadcast_in_dim3A_466], %get3A_307 masked %eq3A_469 : memref<16400xi32, #tpu.memory_space<vmem>>[vector<16xi32>], vector<16xi32>, vector<16xi1>
      %slice3A_470 = vector.extract_strided_slice %min3A_316 {offsets = [13], sizes = [1], strides = [1]} : vector<16xi32> to vector<1xi32>
      %squeeze3A_471 = vector.extract %slice3A_470[0] : i32 from vector<1xi32>
      %get3A_472 = arith.index_cast %squeeze3A_471 : i32 to index
      %get3A_473 = memref.load %arg14[%get3A_472] : memref<247xi32, #tpu.memory_space<smem>>
      %add3A_474 = arith.constant 1 : i32
      %add3A_475 = arith.addi %get3A_473, %add3A_474 : i32
      %swap3A_476 = arith.index_cast %squeeze3A_471 : i32 to index
      %swap3A_477 = memref.load %arg14[%swap3A_476] : memref<247xi32, #tpu.memory_space<smem>>
      memref.store %add3A_475, %arg14[%swap3A_476] : memref<247xi32, #tpu.memory_space<smem>>
      %broadcast_in_dim3A_478 = vector.broadcast %get3A_473 : i32 to vector<16xi32>
      %eq3A_479 = arith.constant 13 : i32
      %eq3A_480 = vector.broadcast %eq3A_479 : i32 to vector<16xi32>
      %eq3A_481 = arith.cmpi eq, %iota3A, %eq3A_480 : vector<16xi32>
      tpu.vector_store_idx %arg9[%broadcast_in_dim3A_478], %get3A_303 masked %eq3A_481 : memref<16400xi32, #tpu.memory_space<vmem>>[vector<16xi32>], vector<16xi32>, vector<16xi1>
      tpu.vector_store_idx %arg10[%broadcast_in_dim3A_478], %get3A_307 masked %eq3A_481 : memref<16400xi32, #tpu.memory_space<vmem>>[vector<16xi32>], vector<16xi32>, vector<16xi1>
      %slice3A_482 = vector.extract_strided_slice %min3A_316 {offsets = [14], sizes = [1], strides = [1]} : vector<16xi32> to vector<1xi32>
      %squeeze3A_483 = vector.extract %slice3A_482[0] : i32 from vector<1xi32>
      %get3A_484 = arith.index_cast %squeeze3A_483 : i32 to index
      %get3A_485 = memref.load %arg14[%get3A_484] : memref<247xi32, #tpu.memory_space<smem>>
      %add3A_486 = arith.constant 1 : i32
      %add3A_487 = arith.addi %get3A_485, %add3A_486 : i32
      %swap3A_488 = arith.index_cast %squeeze3A_483 : i32 to index
      %swap3A_489 = memref.load %arg14[%swap3A_488] : memref<247xi32, #tpu.memory_space<smem>>
      memref.store %add3A_487, %arg14[%swap3A_488] : memref<247xi32, #tpu.memory_space<smem>>
      %broadcast_in_dim3A_490 = vector.broadcast %get3A_485 : i32 to vector<16xi32>
      %eq3A_491 = arith.constant 14 : i32
      %eq3A_492 = vector.broadcast %eq3A_491 : i32 to vector<16xi32>
      %eq3A_493 = arith.cmpi eq, %iota3A, %eq3A_492 : vector<16xi32>
      tpu.vector_store_idx %arg9[%broadcast_in_dim3A_490], %get3A_303 masked %eq3A_493 : memref<16400xi32, #tpu.memory_space<vmem>>[vector<16xi32>], vector<16xi32>, vector<16xi1>
      tpu.vector_store_idx %arg10[%broadcast_in_dim3A_490], %get3A_307 masked %eq3A_493 : memref<16400xi32, #tpu.memory_space<vmem>>[vector<16xi32>], vector<16xi32>, vector<16xi1>
      %slice3A_494 = vector.extract_strided_slice %min3A_316 {offsets = [15], sizes = [1], strides = [1]} : vector<16xi32> to vector<1xi32>
      %squeeze3A_495 = vector.extract %slice3A_494[0] : i32 from vector<1xi32>
      %get3A_496 = arith.index_cast %squeeze3A_495 : i32 to index
      %get3A_497 = memref.load %arg14[%get3A_496] : memref<247xi32, #tpu.memory_space<smem>>
      %add3A_498 = arith.constant 1 : i32
      %add3A_499 = arith.addi %get3A_497, %add3A_498 : i32
      %swap3A_500 = arith.index_cast %squeeze3A_495 : i32 to index
      %swap3A_501 = memref.load %arg14[%swap3A_500] : memref<247xi32, #tpu.memory_space<smem>>
      memref.store %add3A_499, %arg14[%swap3A_500] : memref<247xi32, #tpu.memory_space<smem>>
      %broadcast_in_dim3A_502 = vector.broadcast %get3A_497 : i32 to vector<16xi32>
      %eq3A_503 = arith.constant 15 : i32
      %eq3A_504 = vector.broadcast %eq3A_503 : i32 to vector<16xi32>
      %eq3A_505 = arith.cmpi eq, %iota3A, %eq3A_504 : vector<16xi32>
      tpu.vector_store_idx %arg9[%broadcast_in_dim3A_502], %get3A_303 masked %eq3A_505 : memref<16400xi32, #tpu.memory_space<vmem>>[vector<16xi32>], vector<16xi32>, vector<16xi1>
      tpu.vector_store_idx %arg10[%broadcast_in_dim3A_502], %get3A_307 masked %eq3A_505 : memref<16400xi32, #tpu.memory_space<vmem>>[vector<16xi32>], vector<16xi32>, vector<16xi1>
    }
    %add3A_67 = arith.constant 0 : i32
    %add3A_68 = arith.addi %add3A_4, %add3A_67 : i32
    %sub3A_69 = arith.subi %add3A_68, %add3A_4 : i32
    %jit3A_70 = arith.constant 0 : i32
    %jit3A_71 = arith.constant 245 : i32
    %max3A = arith.maxsi %jit3A_70, %sub3A_69 : i32
    %min3A_72 = arith.minsi %jit3A_71, %max3A : i32
    %add3A_73 = arith.constant 1 : i32
    %add3A_74 = arith.addi %min3A_72, %add3A_73 : i32
    %get3A = arith.index_cast %add3A_74 : i32 to index
    %get3A_75 = memref.load %arg13[%get3A] : memref<247xi32, #tpu.memory_space<smem>>
    %get3A_76 = arith.index_cast %min3A_72 : i32 to index
    %get3A_77 = memref.load %arg13[%get3A_76] : memref<247xi32, #tpu.memory_space<smem>>
    %gt3A = arith.cmpi sgt, %get3A_75, %get3A_77 : i32
    %ge3A = arith.constant 0 : i32
    %ge3A_78 = arith.cmpi sge, %sub3A_69, %ge3A : i32
    %lt3A_79 = arith.cmpi slt, %sub3A_69, %add3A_7 : i32
    %and3A_80 = arith.andi %ge3A_78, %lt3A_79 : i1
    %and3A_81 = arith.andi %and3A_80, %gt3A : i1
    %lt3A_82 = arith.constant 7812 : i32
    %lt3A_83 = arith.cmpi slt, %add3A_68, %lt3A_82 : i32
    %and3A_84 = arith.andi %and3A_81, %lt3A_83 : i1
    %convert_element_type3A_85 = arith.extui %and3A_84 : i1 to i32
    %cond3A = arith.constant 0 : i32
    %cond3A_86 = arith.cmpi ne, %convert_element_type3A_85, %cond3A : i32
    scf.if %cond3A_86 {
      %mul3A_299 = arith.constant 128 : i32
      %mul3A_300 = arith.muli %add3A_68, %mul3A_299 : i32
      %multiple_of3A = tpu.assume_multiple %mul3A_300, 128 : i32
      %dma_start3A = arith.constant 0 : i32
      %dma_start3A_301 = arith.constant 0 : i32
      %dma_start3A_302 = arith.constant 0 : i32
      %dma_start3A_303 = tpu.memref_slice %arg11[%dma_start3A, %dma_start3A_301, %dma_start3A_302] : memref<4x64x128xf32, #tpu.memory_space<vmem>> -> memref<1x64x128xf32, #tpu.memory_space<vmem>>
      %dma_start3A_304 = tpu.memref_squeeze %dma_start3A_303 : memref<1x64x128xf32, #tpu.memory_space<vmem>> -> memref<64x128xf32, #tpu.memory_space<vmem>>
      %dma_start3A_305 = arith.constant 0 : i32
      %dma_start3A_306 = tpu.memref_slice %arg3[%dma_start3A_305, %multiple_of3A] : memref<64x1000000xf32, #tpu.memory_space<hbm>> -> memref<64x128xf32, #tpu.memory_space<hbm>>
      %dma_start3A_307 = arith.constant 0 : i32
      %dma_start3A_308 = arith.constant 0 : i32
      %dma_start3A_309 = tpu.memref_slice %arg11[%dma_start3A, %dma_start3A_307, %dma_start3A_308] : memref<4x64x128xf32, #tpu.memory_space<vmem>> -> memref<1x64x128xf32, #tpu.memory_space<vmem>>
      %dma_start3A_310 = tpu.memref_squeeze %dma_start3A_309 : memref<1x64x128xf32, #tpu.memory_space<vmem>> -> memref<64x128xf32, #tpu.memory_space<vmem>>
      %dma_start3A_311 = arith.constant 0 : i32
      %dma_start3A_312 = tpu.memref_slice %arg3[%dma_start3A_311, %multiple_of3A] : memref<64x1000000xf32, #tpu.memory_space<hbm>> -> memref<64x128xf32, #tpu.memory_space<hbm>>
      tpu.enqueue_dma source(%dma_start3A_312 : memref<64x128xf32, #tpu.memory_space<hbm>>) target(%dma_start3A_310 : memref<64x128xf32, #tpu.memory_space<vmem>>) target_semaphore(%arg15 : memref<!tpu.dma_semaphore, #tpu.memory_space<semaphore_mem>>)
    } else {
    }
    %eq3A = arith.constant 7812 : i32
    %eq3A_87 = arith.cmpi eq, %add3A_68, %eq3A : i32
    %and3A_88 = arith.andi %and3A_81, %eq3A_87 : i1
    %convert_element_type3A_89 = arith.extui %and3A_88 : i1 to i32
    %cond3A_90 = arith.constant 0 : i32
    %cond3A_91 = arith.cmpi ne, %convert_element_type3A_89, %cond3A_90 : i32
    scf.if %cond3A_91 {
      %dma_start3A = arith.constant 0 : i32
      %dma_start3A_299 = arith.constant 0 : i32
      %dma_start3A_300 = arith.constant 0 : i32
      %dma_start3A_301 = tpu.memref_slice %arg11[%dma_start3A, %dma_start3A_299, %dma_start3A_300] : memref<4x64x128xf32, #tpu.memory_space<vmem>> -> memref<1x64x128xf32, #tpu.memory_space<vmem>>
      %dma_start3A_302 = tpu.memref_squeeze %dma_start3A_301 : memref<1x64x128xf32, #tpu.memory_space<vmem>> -> memref<64x128xf32, #tpu.memory_space<vmem>>
      %dma_start3A_303 = arith.constant 0 : i32
      %dma_start3A_304 = arith.constant 0 : i32
      %dma_start3A_305 = tpu.memref_slice %arg11[%dma_start3A, %dma_start3A_303, %dma_start3A_304] : memref<4x64x128xf32, #tpu.memory_space<vmem>> -> memref<1x64x128xf32, #tpu.memory_space<vmem>>
      %dma_start3A_306 = tpu.memref_squeeze %dma_start3A_305 : memref<1x64x128xf32, #tpu.memory_space<vmem>> -> memref<64x128xf32, #tpu.memory_space<vmem>>
      tpu.enqueue_dma source(%arg4 : memref<64x128xf32, #tpu.memory_space<hbm>>) target(%dma_start3A_306 : memref<64x128xf32, #tpu.memory_space<vmem>>) target_semaphore(%arg15 : memref<!tpu.dma_semaphore, #tpu.memory_space<semaphore_mem>>)
    } else {
    }
    %add3A_92 = arith.constant 1 : i32
    %add3A_93 = arith.addi %add3A_4, %add3A_92 : i32
    %sub3A_94 = arith.subi %add3A_93, %add3A_4 : i32
    %jit3A_95 = arith.constant 0 : i32
    %jit3A_96 = arith.constant 245 : i32
    %max3A_97 = arith.maxsi %jit3A_95, %sub3A_94 : i32
    %min3A_98 = arith.minsi %jit3A_96, %max3A_97 : i32
    %add3A_99 = arith.constant 1 : i32
    %add3A_100 = arith.addi %min3A_98, %add3A_99 : i32
    %get3A_101 = arith.index_cast %add3A_100 : i32 to index
    %get3A_102 = memref.load %arg13[%get3A_101] : memref<247xi32, #tpu.memory_space<smem>>
    %get3A_103 = arith.index_cast %min3A_98 : i32 to index
    %get3A_104 = memref.load %arg13[%get3A_103] : memref<247xi32, #tpu.memory_space<smem>>
    %gt3A_105 = arith.cmpi sgt, %get3A_102, %get3A_104 : i32
    %ge3A_106 = arith.constant 0 : i32
    %ge3A_107 = arith.cmpi sge, %sub3A_94, %ge3A_106 : i32
    %lt3A_108 = arith.cmpi slt, %sub3A_94, %add3A_7 : i32
    %and3A_109 = arith.andi %ge3A_107, %lt3A_108 : i1
    %and3A_110 = arith.andi %and3A_109, %gt3A_105 : i1
    %lt3A_111 = arith.constant 7812 : i32
    %lt3A_112 = arith.cmpi slt, %add3A_93, %lt3A_111 : i32
    %and3A_113 = arith.andi %and3A_110, %lt3A_112 : i1
    %convert_element_type3A_114 = arith.extui %and3A_113 : i1 to i32
    %cond3A_115 = arith.constant 0 : i32
    %cond3A_116 = arith.cmpi ne, %convert_element_type3A_114, %cond3A_115 : i32
    scf.if %cond3A_116 {
      %mul3A_299 = arith.constant 128 : i32
      %mul3A_300 = arith.muli %add3A_93, %mul3A_299 : i32
      %multiple_of3A = tpu.assume_multiple %mul3A_300, 128 : i32
      %dma_start3A = arith.constant 1 : i32
      %dma_start3A_301 = arith.constant 0 : i32
      %dma_start3A_302 = arith.constant 0 : i32
      %dma_start3A_303 = tpu.memref_slice %arg11[%dma_start3A, %dma_start3A_301, %dma_start3A_302] : memref<4x64x128xf32, #tpu.memory_space<vmem>> -> memref<1x64x128xf32, #tpu.memory_space<vmem>>
      %dma_start3A_304 = tpu.memref_squeeze %dma_start3A_303 : memref<1x64x128xf32, #tpu.memory_space<vmem>> -> memref<64x128xf32, #tpu.memory_space<vmem>>
      %dma_start3A_305 = arith.constant 0 : i32
      %dma_start3A_306 = tpu.memref_slice %arg3[%dma_start3A_305, %multiple_of3A] : memref<64x1000000xf32, #tpu.memory_space<hbm>> -> memref<64x128xf32, #tpu.memory_space<hbm>>
      %dma_start3A_307 = arith.constant 0 : i32
      %dma_start3A_308 = arith.constant 0 : i32
      %dma_start3A_309 = tpu.memref_slice %arg11[%dma_start3A, %dma_start3A_307, %dma_start3A_308] : memref<4x64x128xf32, #tpu.memory_space<vmem>> -> memref<1x64x128xf32, #tpu.memory_space<vmem>>
      %dma_start3A_310 = tpu.memref_squeeze %dma_start3A_309 : memref<1x64x128xf32, #tpu.memory_space<vmem>> -> memref<64x128xf32, #tpu.memory_space<vmem>>
      %dma_start3A_311 = arith.constant 0 : i32
      %dma_start3A_312 = tpu.memref_slice %arg3[%dma_start3A_311, %multiple_of3A] : memref<64x1000000xf32, #tpu.memory_space<hbm>> -> memref<64x128xf32, #tpu.memory_space<hbm>>
      tpu.enqueue_dma source(%dma_start3A_312 : memref<64x128xf32, #tpu.memory_space<hbm>>) target(%dma_start3A_310 : memref<64x128xf32, #tpu.memory_space<vmem>>) target_semaphore(%arg16 : memref<!tpu.dma_semaphore, #tpu.memory_space<semaphore_mem>>)
    } else {
    }
    %eq3A_117 = arith.constant 7812 : i32
    %eq3A_118 = arith.cmpi eq, %add3A_93, %eq3A_117 : i32
    %and3A_119 = arith.andi %and3A_110, %eq3A_118 : i1
    %convert_element_type3A_120 = arith.extui %and3A_119 : i1 to i32
    %cond3A_121 = arith.constant 0 : i32
    %cond3A_122 = arith.cmpi ne, %convert_element_type3A_120, %cond3A_121 : i32
    scf.if %cond3A_122 {
      %dma_start3A = arith.constant 1 : i32
      %dma_start3A_299 = arith.constant 0 : i32
      %dma_start3A_300 = arith.constant 0 : i32
      %dma_start3A_301 = tpu.memref_slice %arg11[%dma_start3A, %dma_start3A_299, %dma_start3A_300] : memref<4x64x128xf32, #tpu.memory_space<vmem>> -> memref<1x64x128xf32, #tpu.memory_space<vmem>>
      %dma_start3A_302 = tpu.memref_squeeze %dma_start3A_301 : memref<1x64x128xf32, #tpu.memory_space<vmem>> -> memref<64x128xf32, #tpu.memory_space<vmem>>
      %dma_start3A_303 = arith.constant 0 : i32
      %dma_start3A_304 = arith.constant 0 : i32
      %dma_start3A_305 = tpu.memref_slice %arg11[%dma_start3A, %dma_start3A_303, %dma_start3A_304] : memref<4x64x128xf32, #tpu.memory_space<vmem>> -> memref<1x64x128xf32, #tpu.memory_space<vmem>>
      %dma_start3A_306 = tpu.memref_squeeze %dma_start3A_305 : memref<1x64x128xf32, #tpu.memory_space<vmem>> -> memref<64x128xf32, #tpu.memory_space<vmem>>
      tpu.enqueue_dma source(%arg4 : memref<64x128xf32, #tpu.memory_space<hbm>>) target(%dma_start3A_306 : memref<64x128xf32, #tpu.memory_space<vmem>>) target_semaphore(%arg16 : memref<!tpu.dma_semaphore, #tpu.memory_space<semaphore_mem>>)
    } else {
    }
    %add3A_123 = arith.constant 2 : i32
    %add3A_124 = arith.addi %add3A_4, %add3A_123 : i32
    %sub3A_125 = arith.subi %add3A_124, %add3A_4 : i32
    %jit3A_126 = arith.constant 0 : i32
    %jit3A_127 = arith.constant 245 : i32
    %max3A_128 = arith.maxsi %jit3A_126, %sub3A_125 : i32
    %min3A_129 = arith.minsi %jit3A_127, %max3A_128 : i32
    %add3A_130 = arith.constant 1 : i32
    %add3A_131 = arith.addi %min3A_129, %add3A_130 : i32
    %get3A_132 = arith.index_cast %add3A_131 : i32 to index
    %get3A_133 = memref.load %arg13[%get3A_132] : memref<247xi32, #tpu.memory_space<smem>>
    %get3A_134 = arith.index_cast %min3A_129 : i32 to index
    %get3A_135 = memref.load %arg13[%get3A_134] : memref<247xi32, #tpu.memory_space<smem>>
    %gt3A_136 = arith.cmpi sgt, %get3A_133, %get3A_135 : i32
    %ge3A_137 = arith.constant 0 : i32
    %ge3A_138 = arith.cmpi sge, %sub3A_125, %ge3A_137 : i32
    %lt3A_139 = arith.cmpi slt, %sub3A_125, %add3A_7 : i32
    %and3A_140 = arith.andi %ge3A_138, %lt3A_139 : i1
    %and3A_141 = arith.andi %and3A_140, %gt3A_136 : i1
    %lt3A_142 = arith.constant 7812 : i32
    %lt3A_143 = arith.cmpi slt, %add3A_124, %lt3A_142 : i32
    %and3A_144 = arith.andi %and3A_141, %lt3A_143 : i1
    %convert_element_type3A_145 = arith.extui %and3A_144 : i1 to i32
    %cond3A_146 = arith.constant 0 : i32
    %cond3A_147 = arith.cmpi ne, %convert_element_type3A_145, %cond3A_146 : i32
    scf.if %cond3A_147 {
      %mul3A_299 = arith.constant 128 : i32
      %mul3A_300 = arith.muli %add3A_124, %mul3A_299 : i32
      %multiple_of3A = tpu.assume_multiple %mul3A_300, 128 : i32
      %dma_start3A = arith.constant 2 : i32
      %dma_start3A_301 = arith.constant 0 : i32
      %dma_start3A_302 = arith.constant 0 : i32
      %dma_start3A_303 = tpu.memref_slice %arg11[%dma_start3A, %dma_start3A_301, %dma_start3A_302] : memref<4x64x128xf32, #tpu.memory_space<vmem>> -> memref<1x64x128xf32, #tpu.memory_space<vmem>>
      %dma_start3A_304 = tpu.memref_squeeze %dma_start3A_303 : memref<1x64x128xf32, #tpu.memory_space<vmem>> -> memref<64x128xf32, #tpu.memory_space<vmem>>
      %dma_start3A_305 = arith.constant 0 : i32
      %dma_start3A_306 = tpu.memref_slice %arg3[%dma_start3A_305, %multiple_of3A] : memref<64x1000000xf32, #tpu.memory_space<hbm>> -> memref<64x128xf32, #tpu.memory_space<hbm>>
      %dma_start3A_307 = arith.constant 0 : i32
      %dma_start3A_308 = arith.constant 0 : i32
      %dma_start3A_309 = tpu.memref_slice %arg11[%dma_start3A, %dma_start3A_307, %dma_start3A_308] : memref<4x64x128xf32, #tpu.memory_space<vmem>> -> memref<1x64x128xf32, #tpu.memory_space<vmem>>
      %dma_start3A_310 = tpu.memref_squeeze %dma_start3A_309 : memref<1x64x128xf32, #tpu.memory_space<vmem>> -> memref<64x128xf32, #tpu.memory_space<vmem>>
      %dma_start3A_311 = arith.constant 0 : i32
      %dma_start3A_312 = tpu.memref_slice %arg3[%dma_start3A_311, %multiple_of3A] : memref<64x1000000xf32, #tpu.memory_space<hbm>> -> memref<64x128xf32, #tpu.memory_space<hbm>>
      tpu.enqueue_dma source(%dma_start3A_312 : memref<64x128xf32, #tpu.memory_space<hbm>>) target(%dma_start3A_310 : memref<64x128xf32, #tpu.memory_space<vmem>>) target_semaphore(%arg17 : memref<!tpu.dma_semaphore, #tpu.memory_space<semaphore_mem>>)
    } else {
    }
    %eq3A_148 = arith.constant 7812 : i32
    %eq3A_149 = arith.cmpi eq, %add3A_124, %eq3A_148 : i32
    %and3A_150 = arith.andi %and3A_141, %eq3A_149 : i1
    %convert_element_type3A_151 = arith.extui %and3A_150 : i1 to i32
    %cond3A_152 = arith.constant 0 : i32
    %cond3A_153 = arith.cmpi ne, %convert_element_type3A_151, %cond3A_152 : i32
    scf.if %cond3A_153 {
      %dma_start3A = arith.constant 2 : i32
      %dma_start3A_299 = arith.constant 0 : i32
      %dma_start3A_300 = arith.constant 0 : i32
      %dma_start3A_301 = tpu.memref_slice %arg11[%dma_start3A, %dma_start3A_299, %dma_start3A_300] : memref<4x64x128xf32, #tpu.memory_space<vmem>> -> memref<1x64x128xf32, #tpu.memory_space<vmem>>
      %dma_start3A_302 = tpu.memref_squeeze %dma_start3A_301 : memref<1x64x128xf32, #tpu.memory_space<vmem>> -> memref<64x128xf32, #tpu.memory_space<vmem>>
      %dma_start3A_303 = arith.constant 0 : i32
      %dma_start3A_304 = arith.constant 0 : i32
      %dma_start3A_305 = tpu.memref_slice %arg11[%dma_start3A, %dma_start3A_303, %dma_start3A_304] : memref<4x64x128xf32, #tpu.memory_space<vmem>> -> memref<1x64x128xf32, #tpu.memory_space<vmem>>
      %dma_start3A_306 = tpu.memref_squeeze %dma_start3A_305 : memref<1x64x128xf32, #tpu.memory_space<vmem>> -> memref<64x128xf32, #tpu.memory_space<vmem>>
      tpu.enqueue_dma source(%arg4 : memref<64x128xf32, #tpu.memory_space<hbm>>) target(%dma_start3A_306 : memref<64x128xf32, #tpu.memory_space<vmem>>) target_semaphore(%arg17 : memref<!tpu.dma_semaphore, #tpu.memory_space<semaphore_mem>>)
    } else {
    }
    %add3A_154 = arith.constant 3 : i32
    %add3A_155 = arith.addi %add3A_4, %add3A_154 : i32
    %sub3A_156 = arith.subi %add3A_155, %add3A_4 : i32
    %jit3A_157 = arith.constant 0 : i32
    %jit3A_158 = arith.constant 245 : i32
    %max3A_159 = arith.maxsi %jit3A_157, %sub3A_156 : i32
    %min3A_160 = arith.minsi %jit3A_158, %max3A_159 : i32
    %add3A_161 = arith.constant 1 : i32
    %add3A_162 = arith.addi %min3A_160, %add3A_161 : i32
    %get3A_163 = arith.index_cast %add3A_162 : i32 to index
    %get3A_164 = memref.load %arg13[%get3A_163] : memref<247xi32, #tpu.memory_space<smem>>
    %get3A_165 = arith.index_cast %min3A_160 : i32 to index
    %get3A_166 = memref.load %arg13[%get3A_165] : memref<247xi32, #tpu.memory_space<smem>>
    %gt3A_167 = arith.cmpi sgt, %get3A_164, %get3A_166 : i32
    %ge3A_168 = arith.constant 0 : i32
    %ge3A_169 = arith.cmpi sge, %sub3A_156, %ge3A_168 : i32
    %lt3A_170 = arith.cmpi slt, %sub3A_156, %add3A_7 : i32
    %and3A_171 = arith.andi %ge3A_169, %lt3A_170 : i1
    %and3A_172 = arith.andi %and3A_171, %gt3A_167 : i1
    %lt3A_173 = arith.constant 7812 : i32
    %lt3A_174 = arith.cmpi slt, %add3A_155, %lt3A_173 : i32
    %and3A_175 = arith.andi %and3A_172, %lt3A_174 : i1
    %convert_element_type3A_176 = arith.extui %and3A_175 : i1 to i32
    %cond3A_177 = arith.constant 0 : i32
    %cond3A_178 = arith.cmpi ne, %convert_element_type3A_176, %cond3A_177 : i32
    scf.if %cond3A_178 {
      %mul3A_299 = arith.constant 128 : i32
      %mul3A_300 = arith.muli %add3A_155, %mul3A_299 : i32
      %multiple_of3A = tpu.assume_multiple %mul3A_300, 128 : i32
      %dma_start3A = arith.constant 3 : i32
      %dma_start3A_301 = arith.constant 0 : i32
      %dma_start3A_302 = arith.constant 0 : i32
      %dma_start3A_303 = tpu.memref_slice %arg11[%dma_start3A, %dma_start3A_301, %dma_start3A_302] : memref<4x64x128xf32, #tpu.memory_space<vmem>> -> memref<1x64x128xf32, #tpu.memory_space<vmem>>
      %dma_start3A_304 = tpu.memref_squeeze %dma_start3A_303 : memref<1x64x128xf32, #tpu.memory_space<vmem>> -> memref<64x128xf32, #tpu.memory_space<vmem>>
      %dma_start3A_305 = arith.constant 0 : i32
      %dma_start3A_306 = tpu.memref_slice %arg3[%dma_start3A_305, %multiple_of3A] : memref<64x1000000xf32, #tpu.memory_space<hbm>> -> memref<64x128xf32, #tpu.memory_space<hbm>>
      %dma_start3A_307 = arith.constant 0 : i32
      %dma_start3A_308 = arith.constant 0 : i32
      %dma_start3A_309 = tpu.memref_slice %arg11[%dma_start3A, %dma_start3A_307, %dma_start3A_308] : memref<4x64x128xf32, #tpu.memory_space<vmem>> -> memref<1x64x128xf32, #tpu.memory_space<vmem>>
      %dma_start3A_310 = tpu.memref_squeeze %dma_start3A_309 : memref<1x64x128xf32, #tpu.memory_space<vmem>> -> memref<64x128xf32, #tpu.memory_space<vmem>>
      %dma_start3A_311 = arith.constant 0 : i32
      %dma_start3A_312 = tpu.memref_slice %arg3[%dma_start3A_311, %multiple_of3A] : memref<64x1000000xf32, #tpu.memory_space<hbm>> -> memref<64x128xf32, #tpu.memory_space<hbm>>
      tpu.enqueue_dma source(%dma_start3A_312 : memref<64x128xf32, #tpu.memory_space<hbm>>) target(%dma_start3A_310 : memref<64x128xf32, #tpu.memory_space<vmem>>) target_semaphore(%arg18 : memref<!tpu.dma_semaphore, #tpu.memory_space<semaphore_mem>>)
    } else {
    }
    %eq3A_179 = arith.constant 7812 : i32
    %eq3A_180 = arith.cmpi eq, %add3A_155, %eq3A_179 : i32
    %and3A_181 = arith.andi %and3A_172, %eq3A_180 : i1
    %convert_element_type3A_182 = arith.extui %and3A_181 : i1 to i32
    %cond3A_183 = arith.constant 0 : i32
    %cond3A_184 = arith.cmpi ne, %convert_element_type3A_182, %cond3A_183 : i32
    scf.if %cond3A_184 {
      %dma_start3A = arith.constant 3 : i32
      %dma_start3A_299 = arith.constant 0 : i32
      %dma_start3A_300 = arith.constant 0 : i32
      %dma_start3A_301 = tpu.memref_slice %arg11[%dma_start3A, %dma_start3A_299, %dma_start3A_300] : memref<4x64x128xf32, #tpu.memory_space<vmem>> -> memref<1x64x128xf32, #tpu.memory_space<vmem>>
      %dma_start3A_302 = tpu.memref_squeeze %dma_start3A_301 : memref<1x64x128xf32, #tpu.memory_space<vmem>> -> memref<64x128xf32, #tpu.memory_space<vmem>>
      %dma_start3A_303 = arith.constant 0 : i32
      %dma_start3A_304 = arith.constant 0 : i32
      %dma_start3A_305 = tpu.memref_slice %arg11[%dma_start3A, %dma_start3A_303, %dma_start3A_304] : memref<4x64x128xf32, #tpu.memory_space<vmem>> -> memref<1x64x128xf32, #tpu.memory_space<vmem>>
      %dma_start3A_306 = tpu.memref_squeeze %dma_start3A_305 : memref<1x64x128xf32, #tpu.memory_space<vmem>> -> memref<64x128xf32, #tpu.memory_space<vmem>>
      tpu.enqueue_dma source(%arg4 : memref<64x128xf32, #tpu.memory_space<hbm>>) target(%dma_start3A_306 : memref<64x128xf32, #tpu.memory_space<vmem>>) target_semaphore(%arg18 : memref<!tpu.dma_semaphore, #tpu.memory_space<semaphore_mem>>)
    } else {
    }
    %scan3A_185 = arith.constant 0 : i32
    %scan3A_186 = arith.constant 0 : i32
    %scan3A_187 = arith.constant 0 : i32
    %scan3A_188 = arith.constant 62 : i32
    %scan3A_189 = arith.addi %scan3A_187, %scan3A_188 : i32
    %scan3A_190 = arith.constant 1 : i32
    %scan3A_191:2 = scf.for %scan3A_299 = %scan3A_187 to %scan3A_189 step %scan3A_190 iter_args(%scan3A_300 = %scan3A_185, %scan3A_301 = %scan3A_186) -> (i32, i32)  : i32 {
      %mul3A_302 = arith.constant 4 : i32
      %mul3A_303 = arith.muli %mul3A_302, %scan3A_299 : i32
      %add3A_304 = arith.addi %add3A_4, %mul3A_303 : i32
      %add3A_305 = arith.constant 0 : i32
      %add3A_306 = arith.addi %add3A_304, %add3A_305 : i32
      %sub3A_307 = arith.subi %add3A_306, %add3A_4 : i32
      %jit3A_308 = arith.constant 0 : i32
      %jit3A_309 = arith.constant 245 : i32
      %max3A_310 = arith.maxsi %jit3A_308, %sub3A_307 : i32
      %min3A_311 = arith.minsi %jit3A_309, %max3A_310 : i32
      %add3A_312 = arith.constant 1 : i32
      %add3A_313 = arith.addi %min3A_311, %add3A_312 : i32
      %get3A_314 = arith.index_cast %add3A_313 : i32 to index
      %get3A_315 = memref.load %arg13[%get3A_314] : memref<247xi32, #tpu.memory_space<smem>>
      %get3A_316 = arith.index_cast %min3A_311 : i32 to index
      %get3A_317 = memref.load %arg13[%get3A_316] : memref<247xi32, #tpu.memory_space<smem>>
      %gt3A_318 = arith.cmpi sgt, %get3A_315, %get3A_317 : i32
      %ge3A_319 = arith.constant 0 : i32
      %ge3A_320 = arith.cmpi sge, %sub3A_307, %ge3A_319 : i32
      %lt3A_321 = arith.cmpi slt, %sub3A_307, %add3A_7 : i32
      %and3A_322 = arith.andi %ge3A_320, %lt3A_321 : i1
      %and3A_323 = arith.andi %and3A_322, %gt3A_318 : i1
      %convert_element_type3A_324 = arith.extui %and3A_323 : i1 to i32
      %cond3A_325 = arith.constant 0 : i32
      %cond3A_326 = arith.cmpi ne, %convert_element_type3A_324, %cond3A_325 : i32
      scf.if %cond3A_326 {
        %dma_wait3A = arith.constant 0 : i32
        %dma_wait3A_553 = arith.constant 0 : i32
        %dma_wait3A_554 = arith.constant 0 : i32
        %dma_wait3A_555 = tpu.memref_slice %arg11[%dma_wait3A, %dma_wait3A_553, %dma_wait3A_554] : memref<4x64x128xf32, #tpu.memory_space<vmem>> -> memref<1x64x128xf32, #tpu.memory_space<vmem>>
        %dma_wait3A_556 = tpu.memref_squeeze %dma_wait3A_555 : memref<1x64x128xf32, #tpu.memory_space<vmem>> -> memref<64x128xf32, #tpu.memory_space<vmem>>
        %dma_wait3A_557 = arith.constant 0 : i32
        %dma_wait3A_558 = arith.constant 0 : i32
        %dma_wait3A_559 = tpu.memref_slice %arg3[%dma_wait3A_557, %dma_wait3A_558] : memref<64x1000000xf32, #tpu.memory_space<hbm>> -> memref<64x128xf32, #tpu.memory_space<hbm>>
        %dma_wait3A_560 = arith.constant 0 : i32
        %dma_wait3A_561 = arith.constant 0 : i32
        %dma_wait3A_562 = tpu.memref_slice %arg11[%dma_wait3A, %dma_wait3A_560, %dma_wait3A_561] : memref<4x64x128xf32, #tpu.memory_space<vmem>> -> memref<1x64x128xf32, #tpu.memory_space<vmem>>
        %dma_wait3A_563 = tpu.memref_squeeze %dma_wait3A_562 : memref<1x64x128xf32, #tpu.memory_space<vmem>> -> memref<64x128xf32, #tpu.memory_space<vmem>>
        %dma_wait3A_564 = arith.constant 0 : i32
        %dma_wait3A_565 = arith.constant 0 : i32
        %dma_wait3A_566 = tpu.memref_slice %arg3[%dma_wait3A_564, %dma_wait3A_565] : memref<64x1000000xf32, #tpu.memory_space<hbm>> -> memref<64x128xf32, #tpu.memory_space<hbm>>
        tpu.wait_dma2 semaphore(%arg15 : memref<!tpu.dma_semaphore, #tpu.memory_space<semaphore_mem>>) src(%dma_wait3A_566 : memref<64x128xf32, #tpu.memory_space<hbm>>) dst(%dma_wait3A_563 : memref<64x128xf32, #tpu.memory_space<vmem>>)
      } else {
      }
      %sub3A_327 = arith.subi %add3A_306, %add3A_4 : i32
      %ge3A_328 = arith.constant 0 : i32
      %ge3A_329 = arith.cmpi sge, %sub3A_327, %ge3A_328 : i32
      %lt3A_330 = arith.cmpi slt, %sub3A_327, %add3A_7 : i32
      %and3A_331 = arith.andi %ge3A_329, %lt3A_330 : i1
      %convert_element_type3A_332 = arith.extui %and3A_331 : i1 to i32
      %cond3A_333 = arith.constant 0 : i32
      %cond3A_334 = arith.cmpi ne, %convert_element_type3A_332, %cond3A_333 : i32
      %cond3A_335:2 = scf.if %cond3A_334 -> (i32, i32) {
        %get3A_553 = arith.index_cast %sub3A_327 : i32 to index
        %get3A_554 = memref.load %arg13[%get3A_553] : memref<247xi32, #tpu.memory_space<smem>>
        %add3A_555 = arith.constant 1 : i32
        %add3A_556 = arith.addi %sub3A_327, %add3A_555 : i32
        %get3A_557 = arith.index_cast %add3A_556 : i32 to index
        %get3A_558 = memref.load %arg13[%get3A_557] : memref<247xi32, #tpu.memory_space<smem>>
        %broadcast_in_dim3A_559 = arith.constant 0 : i32
        %broadcast_in_dim3A_560 = vector.broadcast %broadcast_in_dim3A_559 : i32 to vector<16xi32>
        %sub3A_561 = arith.subi %get3A_558, %get3A_554 : i32
        %while3A_562 = arith.constant 0 : i32
        %while3A_563 = arith.subi %sub3A_561, %while3A_562 : i32
        %while3A_564 = arith.addi %while3A_562, %while3A_563 : i32
        %while3A_565 = arith.constant 1 : i32
        %while3A_566 = arith.divsi %while3A_563, %while3A_565 : i32
        %while3A_567 = arith.muli %while3A_566, %while3A_565 : i32
        %while3A_568 = arith.addi %while3A_562, %while3A_567 : i32
        %while3A_569 = arith.constant 1 : i32
        %while3A_570:2 = scf.for %while3A_573 = %while3A_562 to %while3A_568 step %while3A_569 iter_args(%while3A_574 = %scan3A_300, %while3A_575 = %scan3A_301) -> (i32, i32)  : i32 {
          %add3A_576 = arith.addi %get3A_554, %while3A_573 : i32
          %broadcast_in_dim3A_577 = vector.broadcast %add3A_576 : i32 to vector<16xi32>
          %gather3A = tpu.vector_load_idx %arg9[%broadcast_in_dim3A_577] : memref<16400xi32, #tpu.memory_space<vmem>>[vector<16xi32>], vector<16xi32>,
          %slice3A = vector.extract_strided_slice %gather3A {offsets = [0], sizes = [1], strides = [1]} : vector<16xi32> to vector<1xi32>
          %squeeze3A = vector.extract %slice3A[0] : i32 from vector<1xi32>
          %gather3A_578 = tpu.vector_load_idx %arg10[%broadcast_in_dim3A_577] : memref<16400xi32, #tpu.memory_space<vmem>>[vector<16xi32>], vector<16xi32>,
          %slice3A_579 = vector.extract_strided_slice %gather3A_578 {offsets = [0], sizes = [1], strides = [1]} : vector<16xi32> to vector<1xi32>
          %squeeze3A_580 = vector.extract %slice3A_579[0] : i32 from vector<1xi32>
          %and3A_581 = arith.constant 127 : i32
          %and3A_582 = arith.andi %squeeze3A, %and3A_581 : i32
          %broadcast_in_dim3A_583 = vector.broadcast %and3A_582 : i32 to vector<16xi32>
          %rem3A_584 = arith.constant 64 : i32
          %rem3A_585 = arith.remsi %while3A_574, %rem3A_584 : i32
          %broadcast_in_dim3A_586 = vector.broadcast %rem3A_585 : i32 to vector<16xi32>
          %add3A_587 = arith.constant 0 : i32
          %add3A_588 = vector.broadcast %add3A_587 : i32 to vector<16xi32>
          %add3A_589 = arith.addi %add3A_588, %iota3A : vector<16xi32>
          %gather3A_590 = tpu.vector_load_idx %arg11[%broadcast_in_dim3A_560, %add3A_589, %broadcast_in_dim3A_583] : memref<4x64x128xf32, #tpu.memory_space<vmem>>[vector<16xi32>, vector<16xi32>, vector<16xi32>], vector<16xf32>,
          %add3A_591 = arith.constant 0 : i32
          %add3A_592 = vector.broadcast %add3A_591 : i32 to vector<16xi32>
          %add3A_593 = arith.addi %add3A_592, %iota3A : vector<16xi32>
          tpu.vector_store_idx %arg12[%broadcast_in_dim3A_586, %add3A_593], %gather3A_590 : memref<64x64xf32, #tpu.memory_space<vmem>>[vector<16xi32>, vector<16xi32>], vector<16xf32>,
          %add3A_594 = arith.constant 16 : i32
          %add3A_595 = vector.broadcast %add3A_594 : i32 to vector<16xi32>
          %add3A_596 = arith.addi %add3A_595, %iota3A : vector<16xi32>
          %gather3A_597 = tpu.vector_load_idx %arg11[%broadcast_in_dim3A_560, %add3A_596, %broadcast_in_dim3A_583] : memref<4x64x128xf32, #tpu.memory_space<vmem>>[vector<16xi32>, vector<16xi32>, vector<16xi32>], vector<16xf32>,
          %add3A_598 = arith.constant 16 : i32
          %add3A_599 = vector.broadcast %add3A_598 : i32 to vector<16xi32>
          %add3A_600 = arith.addi %add3A_599, %iota3A : vector<16xi32>
          tpu.vector_store_idx %arg12[%broadcast_in_dim3A_586, %add3A_600], %gather3A_597 : memref<64x64xf32, #tpu.memory_space<vmem>>[vector<16xi32>, vector<16xi32>], vector<16xf32>,
          %add3A_601 = arith.constant 32 : i32
          %add3A_602 = vector.broadcast %add3A_601 : i32 to vector<16xi32>
          %add3A_603 = arith.addi %add3A_602, %iota3A : vector<16xi32>
          %gather3A_604 = tpu.vector_load_idx %arg11[%broadcast_in_dim3A_560, %add3A_603, %broadcast_in_dim3A_583] : memref<4x64x128xf32, #tpu.memory_space<vmem>>[vector<16xi32>, vector<16xi32>, vector<16xi32>], vector<16xf32>,
          %add3A_605 = arith.constant 32 : i32
          %add3A_606 = vector.broadcast %add3A_605 : i32 to vector<16xi32>
          %add3A_607 = arith.addi %add3A_606, %iota3A : vector<16xi32>
          tpu.vector_store_idx %arg12[%broadcast_in_dim3A_586, %add3A_607], %gather3A_604 : memref<64x64xf32, #tpu.memory_space<vmem>>[vector<16xi32>, vector<16xi32>], vector<16xf32>,
          %add3A_608 = arith.constant 48 : i32
          %add3A_609 = vector.broadcast %add3A_608 : i32 to vector<16xi32>
          %add3A_610 = arith.addi %add3A_609, %iota3A : vector<16xi32>
          %gather3A_611 = tpu.vector_load_idx %arg11[%broadcast_in_dim3A_560, %add3A_610, %broadcast_in_dim3A_583] : memref<4x64x128xf32, #tpu.memory_space<vmem>>[vector<16xi32>, vector<16xi32>, vector<16xi32>], vector<16xf32>,
          %add3A_612 = arith.constant 48 : i32
          %add3A_613 = vector.broadcast %add3A_612 : i32 to vector<16xi32>
          %add3A_614 = arith.addi %add3A_613, %iota3A : vector<16xi32>
          tpu.vector_store_idx %arg12[%broadcast_in_dim3A_586, %add3A_614], %gather3A_611 : memref<64x64xf32, #tpu.memory_space<vmem>>[vector<16xi32>, vector<16xi32>], vector<16xf32>,
          %dma_start3A = arith.constant 0 : i32
          %dma_start3A_615 = tpu.memref_slice %arg12[%rem3A_585, %dma_start3A] : memref<64x64xf32, #tpu.memory_space<vmem>> -> memref<1x64xf32, #tpu.memory_space<vmem>>
          %dma_start3A_616 = arith.constant 0 : i32
          %dma_start3A_617 = tpu.memref_slice %arg5[%squeeze3A_580, %dma_start3A_616] : memref<16384x64xf32, #tpu.memory_space<hbm>> -> memref<1x64xf32, #tpu.memory_space<hbm>>
          %dma_start3A_618 = arith.constant 0 : i32
          %dma_start3A_619 = tpu.memref_slice %arg5[%squeeze3A_580, %dma_start3A_618] : memref<16384x64xf32, #tpu.memory_space<hbm>> -> memref<1x64xf32, #tpu.memory_space<hbm>>
          %dma_start3A_620 = arith.constant 0 : i32
          %dma_start3A_621 = tpu.memref_slice %arg12[%rem3A_585, %dma_start3A_620] : memref<64x64xf32, #tpu.memory_space<vmem>> -> memref<1x64xf32, #tpu.memory_space<vmem>>
          tpu.enqueue_dma source(%dma_start3A_621 : memref<1x64xf32, #tpu.memory_space<vmem>>) target(%dma_start3A_619 : memref<1x64xf32, #tpu.memory_space<hbm>>) target_semaphore(%arg19 : memref<!tpu.dma_semaphore, #tpu.memory_space<semaphore_mem>>)
          %add3A_622 = arith.constant 1 : i32
          %add3A_623 = arith.addi %while3A_575, %add3A_622 : i32
          %ge3A_624 = arith.constant 48 : i32
          %ge3A_625 = arith.cmpi sge, %add3A_623, %ge3A_624 : i32
          %convert_element_type3A_626 = arith.extui %ge3A_625 : i1 to i32
          %cond3A_627 = arith.constant 0 : i32
          %cond3A_628 = arith.cmpi ne, %convert_element_type3A_626, %cond3A_627 : i32
          %cond3A_629 = scf.if %cond3A_628 -> (i32) {
            %while3A_632 = arith.constant 0 : i32
            %while3A_633 = arith.constant 0 : i32
            %while3A_634 = arith.subi %add3A_623, %while3A_633 : i32
            %while3A_635 = arith.addi %while3A_633, %while3A_634 : i32
            %while3A_636 = arith.constant 1 : i32
            %while3A_637 = arith.divsi %while3A_634, %while3A_636 : i32
            %while3A_638 = arith.muli %while3A_637, %while3A_636 : i32
            %while3A_639 = arith.addi %while3A_633, %while3A_638 : i32
            %while3A_640 = arith.constant 1 : i32
            scf.for %while3A_643 = %while3A_633 to %while3A_639 step %while3A_640  : i32 {
              %dma_wait3A = arith.constant 0 : i32
              %dma_wait3A_644 = arith.constant 0 : i32
              %dma_wait3A_645 = tpu.memref_slice %arg12[%dma_wait3A, %dma_wait3A_644] : memref<64x64xf32, #tpu.memory_space<vmem>> -> memref<1x64xf32, #tpu.memory_space<vmem>>
              %dma_wait3A_646 = arith.constant 0 : i32
              %dma_wait3A_647 = arith.constant 0 : i32
              %dma_wait3A_648 = tpu.memref_slice %arg5[%dma_wait3A_646, %dma_wait3A_647] : memref<16384x64xf32, #tpu.memory_space<hbm>> -> memref<1x64xf32, #tpu.memory_space<hbm>>
              %dma_wait3A_649 = arith.constant 0 : i32
              %dma_wait3A_650 = arith.constant 0 : i32
              %dma_wait3A_651 = tpu.memref_slice %arg5[%dma_wait3A_649, %dma_wait3A_650] : memref<16384x64xf32, #tpu.memory_space<hbm>> -> memref<1x64xf32, #tpu.memory_space<hbm>>
              %dma_wait3A_652 = arith.constant 0 : i32
              %dma_wait3A_653 = arith.constant 0 : i32
              %dma_wait3A_654 = tpu.memref_slice %arg12[%dma_wait3A_652, %dma_wait3A_653] : memref<64x64xf32, #tpu.memory_space<vmem>> -> memref<1x64xf32, #tpu.memory_space<vmem>>
              tpu.wait_dma2 semaphore(%arg19 : memref<!tpu.dma_semaphore, #tpu.memory_space<semaphore_mem>>) src(%dma_wait3A_654 : memref<1x64xf32, #tpu.memory_space<vmem>>) dst(%dma_wait3A_651 : memref<1x64xf32, #tpu.memory_space<hbm>>)
            }
            %while3A_641 = arith.constant 1 : i32
            scf.for %while3A_643 = %while3A_639 to %while3A_635 step %while3A_641  : i32 {
              %dma_wait3A = arith.constant 0 : i32
              %dma_wait3A_644 = arith.constant 0 : i32
              %dma_wait3A_645 = tpu.memref_slice %arg12[%dma_wait3A, %dma_wait3A_644] : memref<64x64xf32, #tpu.memory_space<vmem>> -> memref<1x64xf32, #tpu.memory_space<vmem>>
              %dma_wait3A_646 = arith.constant 0 : i32
              %dma_wait3A_647 = arith.constant 0 : i32
              %dma_wait3A_648 = tpu.memref_slice %arg5[%dma_wait3A_646, %dma_wait3A_647] : memref<16384x64xf32, #tpu.memory_space<hbm>> -> memref<1x64xf32, #tpu.memory_space<hbm>>
              %dma_wait3A_649 = arith.constant 0 : i32
              %dma_wait3A_650 = arith.constant 0 : i32
              %dma_wait3A_651 = tpu.memref_slice %arg5[%dma_wait3A_649, %dma_wait3A_650] : memref<16384x64xf32, #tpu.memory_space<hbm>> -> memref<1x64xf32, #tpu.memory_space<hbm>>
              %dma_wait3A_652 = arith.constant 0 : i32
              %dma_wait3A_653 = arith.constant 0 : i32
              %dma_wait3A_654 = tpu.memref_slice %arg12[%dma_wait3A_652, %dma_wait3A_653] : memref<64x64xf32, #tpu.memory_space<vmem>> -> memref<1x64xf32, #tpu.memory_space<vmem>>
              tpu.wait_dma2 semaphore(%arg19 : memref<!tpu.dma_semaphore, #tpu.memory_space<semaphore_mem>>) src(%dma_wait3A_654 : memref<1x64xf32, #tpu.memory_space<vmem>>) dst(%dma_wait3A_651 : memref<1x64xf32, #tpu.memory_space<hbm>>)
            }
            %cond3A_642 = arith.constant 0 : i32
            scf.yield %cond3A_642 : i32
          } else {
            scf.yield %add3A_623 : i32
          }
          %add3A_630 = arith.constant 1 : i32
          %add3A_631 = arith.addi %while3A_574, %add3A_630 : i32
          scf.yield %add3A_631, %cond3A_629 : i32, i32
        }
        %while3A_571 = arith.constant 1 : i32
        %while3A_572:2 = scf.for %while3A_573 = %while3A_568 to %while3A_564 step %while3A_571 iter_args(%while3A_574 = %while3A_570#0, %while3A_575 = %while3A_570#1) -> (i32, i32)  : i32 {
          %add3A_576 = arith.addi %get3A_554, %while3A_573 : i32
          %broadcast_in_dim3A_577 = vector.broadcast %add3A_576 : i32 to vector<16xi32>
          %gather3A = tpu.vector_load_idx %arg9[%broadcast_in_dim3A_577] : memref<16400xi32, #tpu.memory_space<vmem>>[vector<16xi32>], vector<16xi32>,
          %slice3A = vector.extract_strided_slice %gather3A {offsets = [0], sizes = [1], strides = [1]} : vector<16xi32> to vector<1xi32>
          %squeeze3A = vector.extract %slice3A[0] : i32 from vector<1xi32>
          %gather3A_578 = tpu.vector_load_idx %arg10[%broadcast_in_dim3A_577] : memref<16400xi32, #tpu.memory_space<vmem>>[vector<16xi32>], vector<16xi32>,
          %slice3A_579 = vector.extract_strided_slice %gather3A_578 {offsets = [0], sizes = [1], strides = [1]} : vector<16xi32> to vector<1xi32>
          %squeeze3A_580 = vector.extract %slice3A_579[0] : i32 from vector<1xi32>
          %and3A_581 = arith.constant 127 : i32
          %and3A_582 = arith.andi %squeeze3A, %and3A_581 : i32
          %broadcast_in_dim3A_583 = vector.broadcast %and3A_582 : i32 to vector<16xi32>
          %rem3A_584 = arith.constant 64 : i32
          %rem3A_585 = arith.remsi %while3A_574, %rem3A_584 : i32
          %broadcast_in_dim3A_586 = vector.broadcast %rem3A_585 : i32 to vector<16xi32>
          %add3A_587 = arith.constant 0 : i32
          %add3A_588 = vector.broadcast %add3A_587 : i32 to vector<16xi32>
          %add3A_589 = arith.addi %add3A_588, %iota3A : vector<16xi32>
          %gather3A_590 = tpu.vector_load_idx %arg11[%broadcast_in_dim3A_560, %add3A_589, %broadcast_in_dim3A_583] : memref<4x64x128xf32, #tpu.memory_space<vmem>>[vector<16xi32>, vector<16xi32>, vector<16xi32>], vector<16xf32>,
          %add3A_591 = arith.constant 0 : i32
          %add3A_592 = vector.broadcast %add3A_591 : i32 to vector<16xi32>
          %add3A_593 = arith.addi %add3A_592, %iota3A : vector<16xi32>
          tpu.vector_store_idx %arg12[%broadcast_in_dim3A_586, %add3A_593], %gather3A_590 : memref<64x64xf32, #tpu.memory_space<vmem>>[vector<16xi32>, vector<16xi32>], vector<16xf32>,
          %add3A_594 = arith.constant 16 : i32
          %add3A_595 = vector.broadcast %add3A_594 : i32 to vector<16xi32>
          %add3A_596 = arith.addi %add3A_595, %iota3A : vector<16xi32>
          %gather3A_597 = tpu.vector_load_idx %arg11[%broadcast_in_dim3A_560, %add3A_596, %broadcast_in_dim3A_583] : memref<4x64x128xf32, #tpu.memory_space<vmem>>[vector<16xi32>, vector<16xi32>, vector<16xi32>], vector<16xf32>,
          %add3A_598 = arith.constant 16 : i32
          %add3A_599 = vector.broadcast %add3A_598 : i32 to vector<16xi32>
          %add3A_600 = arith.addi %add3A_599, %iota3A : vector<16xi32>
          tpu.vector_store_idx %arg12[%broadcast_in_dim3A_586, %add3A_600], %gather3A_597 : memref<64x64xf32, #tpu.memory_space<vmem>>[vector<16xi32>, vector<16xi32>], vector<16xf32>,
          %add3A_601 = arith.constant 32 : i32
          %add3A_602 = vector.broadcast %add3A_601 : i32 to vector<16xi32>
          %add3A_603 = arith.addi %add3A_602, %iota3A : vector<16xi32>
          %gather3A_604 = tpu.vector_load_idx %arg11[%broadcast_in_dim3A_560, %add3A_603, %broadcast_in_dim3A_583] : memref<4x64x128xf32, #tpu.memory_space<vmem>>[vector<16xi32>, vector<16xi32>, vector<16xi32>], vector<16xf32>,
          %add3A_605 = arith.constant 32 : i32
          %add3A_606 = vector.broadcast %add3A_605 : i32 to vector<16xi32>
          %add3A_607 = arith.addi %add3A_606, %iota3A : vector<16xi32>
          tpu.vector_store_idx %arg12[%broadcast_in_dim3A_586, %add3A_607], %gather3A_604 : memref<64x64xf32, #tpu.memory_space<vmem>>[vector<16xi32>, vector<16xi32>], vector<16xf32>,
          %add3A_608 = arith.constant 48 : i32
          %add3A_609 = vector.broadcast %add3A_608 : i32 to vector<16xi32>
          %add3A_610 = arith.addi %add3A_609, %iota3A : vector<16xi32>
          %gather3A_611 = tpu.vector_load_idx %arg11[%broadcast_in_dim3A_560, %add3A_610, %broadcast_in_dim3A_583] : memref<4x64x128xf32, #tpu.memory_space<vmem>>[vector<16xi32>, vector<16xi32>, vector<16xi32>], vector<16xf32>,
          %add3A_612 = arith.constant 48 : i32
          %add3A_613 = vector.broadcast %add3A_612 : i32 to vector<16xi32>
          %add3A_614 = arith.addi %add3A_613, %iota3A : vector<16xi32>
          tpu.vector_store_idx %arg12[%broadcast_in_dim3A_586, %add3A_614], %gather3A_611 : memref<64x64xf32, #tpu.memory_space<vmem>>[vector<16xi32>, vector<16xi32>], vector<16xf32>,
          %dma_start3A = arith.constant 0 : i32
          %dma_start3A_615 = tpu.memref_slice %arg12[%rem3A_585, %dma_start3A] : memref<64x64xf32, #tpu.memory_space<vmem>> -> memref<1x64xf32, #tpu.memory_space<vmem>>
          %dma_start3A_616 = arith.constant 0 : i32
          %dma_start3A_617 = tpu.memref_slice %arg5[%squeeze3A_580, %dma_start3A_616] : memref<16384x64xf32, #tpu.memory_space<hbm>> -> memref<1x64xf32, #tpu.memory_space<hbm>>
          %dma_start3A_618 = arith.constant 0 : i32
          %dma_start3A_619 = tpu.memref_slice %arg5[%squeeze3A_580, %dma_start3A_618] : memref<16384x64xf32, #tpu.memory_space<hbm>> -> memref<1x64xf32, #tpu.memory_space<hbm>>
          %dma_start3A_620 = arith.constant 0 : i32
          %dma_start3A_621 = tpu.memref_slice %arg12[%rem3A_585, %dma_start3A_620] : memref<64x64xf32, #tpu.memory_space<vmem>> -> memref<1x64xf32, #tpu.memory_space<vmem>>
          tpu.enqueue_dma source(%dma_start3A_621 : memref<1x64xf32, #tpu.memory_space<vmem>>) target(%dma_start3A_619 : memref<1x64xf32, #tpu.memory_space<hbm>>) target_semaphore(%arg19 : memref<!tpu.dma_semaphore, #tpu.memory_space<semaphore_mem>>)
          %add3A_622 = arith.constant 1 : i32
          %add3A_623 = arith.addi %while3A_575, %add3A_622 : i32
          %ge3A_624 = arith.constant 48 : i32
          %ge3A_625 = arith.cmpi sge, %add3A_623, %ge3A_624 : i32
          %convert_element_type3A_626 = arith.extui %ge3A_625 : i1 to i32
          %cond3A_627 = arith.constant 0 : i32
          %cond3A_628 = arith.cmpi ne, %convert_element_type3A_626, %cond3A_627 : i32
          %cond3A_629 = scf.if %cond3A_628 -> (i32) {
            %while3A_632 = arith.constant 0 : i32
            %while3A_633 = arith.constant 0 : i32
            %while3A_634 = arith.subi %add3A_623, %while3A_633 : i32
            %while3A_635 = arith.addi %while3A_633, %while3A_634 : i32
            %while3A_636 = arith.constant 1 : i32
            %while3A_637 = arith.divsi %while3A_634, %while3A_636 : i32
            %while3A_638 = arith.muli %while3A_637, %while3A_636 : i32
            %while3A_639 = arith.addi %while3A_633, %while3A_638 : i32
            %while3A_640 = arith.constant 1 : i32
            scf.for %while3A_643 = %while3A_633 to %while3A_639 step %while3A_640  : i32 {
              %dma_wait3A = arith.constant 0 : i32
              %dma_wait3A_644 = arith.constant 0 : i32
              %dma_wait3A_645 = tpu.memref_slice %arg12[%dma_wait3A, %dma_wait3A_644] : memref<64x64xf32, #tpu.memory_space<vmem>> -> memref<1x64xf32, #tpu.memory_space<vmem>>
              %dma_wait3A_646 = arith.constant 0 : i32
              %dma_wait3A_647 = arith.constant 0 : i32
              %dma_wait3A_648 = tpu.memref_slice %arg5[%dma_wait3A_646, %dma_wait3A_647] : memref<16384x64xf32, #tpu.memory_space<hbm>> -> memref<1x64xf32, #tpu.memory_space<hbm>>
              %dma_wait3A_649 = arith.constant 0 : i32
              %dma_wait3A_650 = arith.constant 0 : i32
              %dma_wait3A_651 = tpu.memref_slice %arg5[%dma_wait3A_649, %dma_wait3A_650] : memref<16384x64xf32, #tpu.memory_space<hbm>> -> memref<1x64xf32, #tpu.memory_space<hbm>>
              %dma_wait3A_652 = arith.constant 0 : i32
              %dma_wait3A_653 = arith.constant 0 : i32
              %dma_wait3A_654 = tpu.memref_slice %arg12[%dma_wait3A_652, %dma_wait3A_653] : memref<64x64xf32, #tpu.memory_space<vmem>> -> memref<1x64xf32, #tpu.memory_space<vmem>>
              tpu.wait_dma2 semaphore(%arg19 : memref<!tpu.dma_semaphore, #tpu.memory_space<semaphore_mem>>) src(%dma_wait3A_654 : memref<1x64xf32, #tpu.memory_space<vmem>>) dst(%dma_wait3A_651 : memref<1x64xf32, #tpu.memory_space<hbm>>)
            }
            %while3A_641 = arith.constant 1 : i32
            scf.for %while3A_643 = %while3A_639 to %while3A_635 step %while3A_641  : i32 {
              %dma_wait3A = arith.constant 0 : i32
              %dma_wait3A_644 = arith.constant 0 : i32
              %dma_wait3A_645 = tpu.memref_slice %arg12[%dma_wait3A, %dma_wait3A_644] : memref<64x64xf32, #tpu.memory_space<vmem>> -> memref<1x64xf32, #tpu.memory_space<vmem>>
              %dma_wait3A_646 = arith.constant 0 : i32
              %dma_wait3A_647 = arith.constant 0 : i32
              %dma_wait3A_648 = tpu.memref_slice %arg5[%dma_wait3A_646, %dma_wait3A_647] : memref<16384x64xf32, #tpu.memory_space<hbm>> -> memref<1x64xf32, #tpu.memory_space<hbm>>
              %dma_wait3A_649 = arith.constant 0 : i32
              %dma_wait3A_650 = arith.constant 0 : i32
              %dma_wait3A_651 = tpu.memref_slice %arg5[%dma_wait3A_649, %dma_wait3A_650] : memref<16384x64xf32, #tpu.memory_space<hbm>> -> memref<1x64xf32, #tpu.memory_space<hbm>>
              %dma_wait3A_652 = arith.constant 0 : i32
              %dma_wait3A_653 = arith.constant 0 : i32
              %dma_wait3A_654 = tpu.memref_slice %arg12[%dma_wait3A_652, %dma_wait3A_653] : memref<64x64xf32, #tpu.memory_space<vmem>> -> memref<1x64xf32, #tpu.memory_space<vmem>>
              tpu.wait_dma2 semaphore(%arg19 : memref<!tpu.dma_semaphore, #tpu.memory_space<semaphore_mem>>) src(%dma_wait3A_654 : memref<1x64xf32, #tpu.memory_space<vmem>>) dst(%dma_wait3A_651 : memref<1x64xf32, #tpu.memory_space<hbm>>)
            }
            %cond3A_642 = arith.constant 0 : i32
            scf.yield %cond3A_642 : i32
          } else {
            scf.yield %add3A_623 : i32
          }
          %add3A_630 = arith.constant 1 : i32
          %add3A_631 = arith.addi %while3A_574, %add3A_630 : i32
          scf.yield %add3A_631, %cond3A_629 : i32, i32
        }
        scf.yield %while3A_572#0, %while3A_572#1 : i32, i32
      } else {
        scf.yield %scan3A_300, %scan3A_301 : i32, i32
      }
      %add3A_336 = arith.constant 4 : i32
      %add3A_337 = arith.addi %add3A_306, %add3A_336 : i32
      %sub3A_338 = arith.subi %add3A_337, %add3A_4 : i32
      %jit3A_339 = arith.constant 0 : i32
      %jit3A_340 = arith.constant 245 : i32
      %max3A_341 = arith.maxsi %jit3A_339, %sub3A_338 : i32
      %min3A_342 = arith.minsi %jit3A_340, %max3A_341 : i32
      %add3A_343 = arith.constant 1 : i32
      %add3A_344 = arith.addi %min3A_342, %add3A_343 : i32
      %get3A_345 = arith.index_cast %add3A_344 : i32 to index
      %get3A_346 = memref.load %arg13[%get3A_345] : memref<247xi32, #tpu.memory_space<smem>>
      %get3A_347 = arith.index_cast %min3A_342 : i32 to index
      %get3A_348 = memref.load %arg13[%get3A_347] : memref<247xi32, #tpu.memory_space<smem>>
      %gt3A_349 = arith.cmpi sgt, %get3A_346, %get3A_348 : i32
      %ge3A_350 = arith.constant 0 : i32
      %ge3A_351 = arith.cmpi sge, %sub3A_338, %ge3A_350 : i32
      %lt3A_352 = arith.cmpi slt, %sub3A_338, %add3A_7 : i32
      %and3A_353 = arith.andi %ge3A_351, %lt3A_352 : i1
      %and3A_354 = arith.andi %and3A_353, %gt3A_349 : i1
      %lt3A_355 = arith.constant 7812 : i32
      %lt3A_356 = arith.cmpi slt, %add3A_337, %lt3A_355 : i32
      %and3A_357 = arith.andi %and3A_354, %lt3A_356 : i1
      %convert_element_type3A_358 = arith.extui %and3A_357 : i1 to i32
      %cond3A_359 = arith.constant 0 : i32
      %cond3A_360 = arith.cmpi ne, %convert_element_type3A_358, %cond3A_359 : i32
      scf.if %cond3A_360 {
        %mul3A_553 = arith.constant 128 : i32
        %mul3A_554 = arith.muli %add3A_337, %mul3A_553 : i32
        %multiple_of3A = tpu.assume_multiple %mul3A_554, 128 : i32
        %dma_start3A = arith.constant 0 : i32
        %dma_start3A_555 = arith.constant 0 : i32
        %dma_start3A_556 = arith.constant 0 : i32
        %dma_start3A_557 = tpu.memref_slice %arg11[%dma_start3A, %dma_start3A_555, %dma_start3A_556] : memref<4x64x128xf32, #tpu.memory_space<vmem>> -> memref<1x64x128xf32, #tpu.memory_space<vmem>>
        %dma_start3A_558 = tpu.memref_squeeze %dma_start3A_557 : memref<1x64x128xf32, #tpu.memory_space<vmem>> -> memref<64x128xf32, #tpu.memory_space<vmem>>
        %dma_start3A_559 = arith.constant 0 : i32
        %dma_start3A_560 = tpu.memref_slice %arg3[%dma_start3A_559, %multiple_of3A] : memref<64x1000000xf32, #tpu.memory_space<hbm>> -> memref<64x128xf32, #tpu.memory_space<hbm>>
        %dma_start3A_561 = arith.constant 0 : i32
        %dma_start3A_562 = arith.constant 0 : i32
        %dma_start3A_563 = tpu.memref_slice %arg11[%dma_start3A, %dma_start3A_561, %dma_start3A_562] : memref<4x64x128xf32, #tpu.memory_space<vmem>> -> memref<1x64x128xf32, #tpu.memory_space<vmem>>
        %dma_start3A_564 = tpu.memref_squeeze %dma_start3A_563 : memref<1x64x128xf32, #tpu.memory_space<vmem>> -> memref<64x128xf32, #tpu.memory_space<vmem>>
        %dma_start3A_565 = arith.constant 0 : i32
        %dma_start3A_566 = tpu.memref_slice %arg3[%dma_start3A_565, %multiple_of3A] : memref<64x1000000xf32, #tpu.memory_space<hbm>> -> memref<64x128xf32, #tpu.memory_space<hbm>>
        tpu.enqueue_dma source(%dma_start3A_566 : memref<64x128xf32, #tpu.memory_space<hbm>>) target(%dma_start3A_564 : memref<64x128xf32, #tpu.memory_space<vmem>>) target_semaphore(%arg15 : memref<!tpu.dma_semaphore, #tpu.memory_space<semaphore_mem>>)
      } else {
      }
      %eq3A_361 = arith.constant 7812 : i32
      %eq3A_362 = arith.cmpi eq, %add3A_337, %eq3A_361 : i32
      %and3A_363 = arith.andi %and3A_354, %eq3A_362 : i1
      %convert_element_type3A_364 = arith.extui %and3A_363 : i1 to i32
      %cond3A_365 = arith.constant 0 : i32
      %cond3A_366 = arith.cmpi ne, %convert_element_type3A_364, %cond3A_365 : i32
      scf.if %cond3A_366 {
        %dma_start3A = arith.constant 0 : i32
        %dma_start3A_553 = arith.constant 0 : i32
        %dma_start3A_554 = arith.constant 0 : i32
        %dma_start3A_555 = tpu.memref_slice %arg11[%dma_start3A, %dma_start3A_553, %dma_start3A_554] : memref<4x64x128xf32, #tpu.memory_space<vmem>> -> memref<1x64x128xf32, #tpu.memory_space<vmem>>
        %dma_start3A_556 = tpu.memref_squeeze %dma_start3A_555 : memref<1x64x128xf32, #tpu.memory_space<vmem>> -> memref<64x128xf32, #tpu.memory_space<vmem>>
        %dma_start3A_557 = arith.constant 0 : i32
        %dma_start3A_558 = arith.constant 0 : i32
        %dma_start3A_559 = tpu.memref_slice %arg11[%dma_start3A, %dma_start3A_557, %dma_start3A_558] : memref<4x64x128xf32, #tpu.memory_space<vmem>> -> memref<1x64x128xf32, #tpu.memory_space<vmem>>
        %dma_start3A_560 = tpu.memref_squeeze %dma_start3A_559 : memref<1x64x128xf32, #tpu.memory_space<vmem>> -> memref<64x128xf32, #tpu.memory_space<vmem>>
        tpu.enqueue_dma source(%arg4 : memref<64x128xf32, #tpu.memory_space<hbm>>) target(%dma_start3A_560 : memref<64x128xf32, #tpu.memory_space<vmem>>) target_semaphore(%arg15 : memref<!tpu.dma_semaphore, #tpu.memory_space<semaphore_mem>>)
      } else {
      }
      %add3A_367 = arith.constant 1 : i32
      %add3A_368 = arith.addi %add3A_304, %add3A_367 : i32
      %sub3A_369 = arith.subi %add3A_368, %add3A_4 : i32
      %jit3A_370 = arith.constant 0 : i32
      %jit3A_371 = arith.constant 245 : i32
      %max3A_372 = arith.maxsi %jit3A_370, %sub3A_369 : i32
      %min3A_373 = arith.minsi %jit3A_371, %max3A_372 : i32
      %add3A_374 = arith.constant 1 : i32
      %add3A_375 = arith.addi %min3A_373, %add3A_374 : i32
      %get3A_376 = arith.index_cast %add3A_375 : i32 to index
      %get3A_377 = memref.load %arg13[%get3A_376] : memref<247xi32, #tpu.memory_space<smem>>
      %get3A_378 = arith.index_cast %min3A_373 : i32 to index
      %get3A_379 = memref.load %arg13[%get3A_378] : memref<247xi32, #tpu.memory_space<smem>>
      %gt3A_380 = arith.cmpi sgt, %get3A_377, %get3A_379 : i32
      %ge3A_381 = arith.constant 0 : i32
      %ge3A_382 = arith.cmpi sge, %sub3A_369, %ge3A_381 : i32
      %lt3A_383 = arith.cmpi slt, %sub3A_369, %add3A_7 : i32
      %and3A_384 = arith.andi %ge3A_382, %lt3A_383 : i1
      %and3A_385 = arith.andi %and3A_384, %gt3A_380 : i1
      %convert_element_type3A_386 = arith.extui %and3A_385 : i1 to i32
      %cond3A_387 = arith.constant 0 : i32
      %cond3A_388 = arith.cmpi ne, %convert_element_type3A_386, %cond3A_387 : i32
      scf.if %cond3A_388 {
        %dma_wait3A = arith.constant 1 : i32
        %dma_wait3A_553 = arith.constant 0 : i32
        %dma_wait3A_554 = arith.constant 0 : i32
        %dma_wait3A_555 = tpu.memref_slice %arg11[%dma_wait3A, %dma_wait3A_553, %dma_wait3A_554] : memref<4x64x128xf32, #tpu.memory_space<vmem>> -> memref<1x64x128xf32, #tpu.memory_space<vmem>>
        %dma_wait3A_556 = tpu.memref_squeeze %dma_wait3A_555 : memref<1x64x128xf32, #tpu.memory_space<vmem>> -> memref<64x128xf32, #tpu.memory_space<vmem>>
        %dma_wait3A_557 = arith.constant 0 : i32
        %dma_wait3A_558 = arith.constant 0 : i32
        %dma_wait3A_559 = tpu.memref_slice %arg3[%dma_wait3A_557, %dma_wait3A_558] : memref<64x1000000xf32, #tpu.memory_space<hbm>> -> memref<64x128xf32, #tpu.memory_space<hbm>>
        %dma_wait3A_560 = arith.constant 0 : i32
        %dma_wait3A_561 = arith.constant 0 : i32
        %dma_wait3A_562 = tpu.memref_slice %arg11[%dma_wait3A, %dma_wait3A_560, %dma_wait3A_561] : memref<4x64x128xf32, #tpu.memory_space<vmem>> -> memref<1x64x128xf32, #tpu.memory_space<vmem>>
        %dma_wait3A_563 = tpu.memref_squeeze %dma_wait3A_562 : memref<1x64x128xf32, #tpu.memory_space<vmem>> -> memref<64x128xf32, #tpu.memory_space<vmem>>
        %dma_wait3A_564 = arith.constant 0 : i32
        %dma_wait3A_565 = arith.constant 0 : i32
        %dma_wait3A_566 = tpu.memref_slice %arg3[%dma_wait3A_564, %dma_wait3A_565] : memref<64x1000000xf32, #tpu.memory_space<hbm>> -> memref<64x128xf32, #tpu.memory_space<hbm>>
        tpu.wait_dma2 semaphore(%arg16 : memref<!tpu.dma_semaphore, #tpu.memory_space<semaphore_mem>>) src(%dma_wait3A_566 : memref<64x128xf32, #tpu.memory_space<hbm>>) dst(%dma_wait3A_563 : memref<64x128xf32, #tpu.memory_space<vmem>>)
      } else {
      }
      %sub3A_389 = arith.subi %add3A_368, %add3A_4 : i32
      %ge3A_390 = arith.constant 0 : i32
      %ge3A_391 = arith.cmpi sge, %sub3A_389, %ge3A_390 : i32
      %lt3A_392 = arith.cmpi slt, %sub3A_389, %add3A_7 : i32
      %and3A_393 = arith.andi %ge3A_391, %lt3A_392 : i1
      %convert_element_type3A_394 = arith.extui %and3A_393 : i1 to i32
      %cond3A_395 = arith.constant 0 : i32
      %cond3A_396 = arith.cmpi ne, %convert_element_type3A_394, %cond3A_395 : i32
      %cond3A_397:2 = scf.if %cond3A_396 -> (i32, i32) {
        %get3A_553 = arith.index_cast %sub3A_389 : i32 to index
        %get3A_554 = memref.load %arg13[%get3A_553] : memref<247xi32, #tpu.memory_space<smem>>
        %add3A_555 = arith.constant 1 : i32
        %add3A_556 = arith.addi %sub3A_389, %add3A_555 : i32
        %get3A_557 = arith.index_cast %add3A_556 : i32 to index
        %get3A_558 = memref.load %arg13[%get3A_557] : memref<247xi32, #tpu.memory_space<smem>>
        %broadcast_in_dim3A_559 = arith.constant 1 : i32
        %broadcast_in_dim3A_560 = vector.broadcast %broadcast_in_dim3A_559 : i32 to vector<16xi32>
        %sub3A_561 = arith.subi %get3A_558, %get3A_554 : i32
        %while3A_562 = arith.constant 0 : i32
        %while3A_563 = arith.subi %sub3A_561, %while3A_562 : i32
        %while3A_564 = arith.addi %while3A_562, %while3A_563 : i32
        %while3A_565 = arith.constant 1 : i32
        %while3A_566 = arith.divsi %while3A_563, %while3A_565 : i32
        %while3A_567 = arith.muli %while3A_566, %while3A_565 : i32
        %while3A_568 = arith.addi %while3A_562, %while3A_567 : i32
        %while3A_569 = arith.constant 1 : i32
        %while3A_570:2 = scf.for %while3A_573 = %while3A_562 to %while3A_568 step %while3A_569 iter_args(%while3A_574 = %cond3A_335#0, %while3A_575 = %cond3A_335#1) -> (i32, i32)  : i32 {
          %add3A_576 = arith.addi %get3A_554, %while3A_573 : i32
          %broadcast_in_dim3A_577 = vector.broadcast %add3A_576 : i32 to vector<16xi32>
          %gather3A = tpu.vector_load_idx %arg9[%broadcast_in_dim3A_577] : memref<16400xi32, #tpu.memory_space<vmem>>[vector<16xi32>], vector<16xi32>,
          %slice3A = vector.extract_strided_slice %gather3A {offsets = [0], sizes = [1], strides = [1]} : vector<16xi32> to vector<1xi32>
          %squeeze3A = vector.extract %slice3A[0] : i32 from vector<1xi32>
          %gather3A_578 = tpu.vector_load_idx %arg10[%broadcast_in_dim3A_577] : memref<16400xi32, #tpu.memory_space<vmem>>[vector<16xi32>], vector<16xi32>,
          %slice3A_579 = vector.extract_strided_slice %gather3A_578 {offsets = [0], sizes = [1], strides = [1]} : vector<16xi32> to vector<1xi32>
          %squeeze3A_580 = vector.extract %slice3A_579[0] : i32 from vector<1xi32>
          %and3A_581 = arith.constant 127 : i32
          %and3A_582 = arith.andi %squeeze3A, %and3A_581 : i32
          %broadcast_in_dim3A_583 = vector.broadcast %and3A_582 : i32 to vector<16xi32>
          %rem3A_584 = arith.constant 64 : i32
          %rem3A_585 = arith.remsi %while3A_574, %rem3A_584 : i32
          %broadcast_in_dim3A_586 = vector.broadcast %rem3A_585 : i32 to vector<16xi32>
          %add3A_587 = arith.constant 0 : i32
          %add3A_588 = vector.broadcast %add3A_587 : i32 to vector<16xi32>
          %add3A_589 = arith.addi %add3A_588, %iota3A : vector<16xi32>
          %gather3A_590 = tpu.vector_load_idx %arg11[%broadcast_in_dim3A_560, %add3A_589, %broadcast_in_dim3A_583] : memref<4x64x128xf32, #tpu.memory_space<vmem>>[vector<16xi32>, vector<16xi32>, vector<16xi32>], vector<16xf32>,
          %add3A_591 = arith.constant 0 : i32
          %add3A_592 = vector.broadcast %add3A_591 : i32 to vector<16xi32>
          %add3A_593 = arith.addi %add3A_592, %iota3A : vector<16xi32>
          tpu.vector_store_idx %arg12[%broadcast_in_dim3A_586, %add3A_593], %gather3A_590 : memref<64x64xf32, #tpu.memory_space<vmem>>[vector<16xi32>, vector<16xi32>], vector<16xf32>,
          %add3A_594 = arith.constant 16 : i32
          %add3A_595 = vector.broadcast %add3A_594 : i32 to vector<16xi32>
          %add3A_596 = arith.addi %add3A_595, %iota3A : vector<16xi32>
          %gather3A_597 = tpu.vector_load_idx %arg11[%broadcast_in_dim3A_560, %add3A_596, %broadcast_in_dim3A_583] : memref<4x64x128xf32, #tpu.memory_space<vmem>>[vector<16xi32>, vector<16xi32>, vector<16xi32>], vector<16xf32>,
          %add3A_598 = arith.constant 16 : i32
          %add3A_599 = vector.broadcast %add3A_598 : i32 to vector<16xi32>
          %add3A_600 = arith.addi %add3A_599, %iota3A : vector<16xi32>
          tpu.vector_store_idx %arg12[%broadcast_in_dim3A_586, %add3A_600], %gather3A_597 : memref<64x64xf32, #tpu.memory_space<vmem>>[vector<16xi32>, vector<16xi32>], vector<16xf32>,
          %add3A_601 = arith.constant 32 : i32
          %add3A_602 = vector.broadcast %add3A_601 : i32 to vector<16xi32>
          %add3A_603 = arith.addi %add3A_602, %iota3A : vector<16xi32>
          %gather3A_604 = tpu.vector_load_idx %arg11[%broadcast_in_dim3A_560, %add3A_603, %broadcast_in_dim3A_583] : memref<4x64x128xf32, #tpu.memory_space<vmem>>[vector<16xi32>, vector<16xi32>, vector<16xi32>], vector<16xf32>,
          %add3A_605 = arith.constant 32 : i32
          %add3A_606 = vector.broadcast %add3A_605 : i32 to vector<16xi32>
          %add3A_607 = arith.addi %add3A_606, %iota3A : vector<16xi32>
          tpu.vector_store_idx %arg12[%broadcast_in_dim3A_586, %add3A_607], %gather3A_604 : memref<64x64xf32, #tpu.memory_space<vmem>>[vector<16xi32>, vector<16xi32>], vector<16xf32>,
          %add3A_608 = arith.constant 48 : i32
          %add3A_609 = vector.broadcast %add3A_608 : i32 to vector<16xi32>
          %add3A_610 = arith.addi %add3A_609, %iota3A : vector<16xi32>
          %gather3A_611 = tpu.vector_load_idx %arg11[%broadcast_in_dim3A_560, %add3A_610, %broadcast_in_dim3A_583] : memref<4x64x128xf32, #tpu.memory_space<vmem>>[vector<16xi32>, vector<16xi32>, vector<16xi32>], vector<16xf32>,
          %add3A_612 = arith.constant 48 : i32
          %add3A_613 = vector.broadcast %add3A_612 : i32 to vector<16xi32>
          %add3A_614 = arith.addi %add3A_613, %iota3A : vector<16xi32>
          tpu.vector_store_idx %arg12[%broadcast_in_dim3A_586, %add3A_614], %gather3A_611 : memref<64x64xf32, #tpu.memory_space<vmem>>[vector<16xi32>, vector<16xi32>], vector<16xf32>,
          %dma_start3A = arith.constant 0 : i32
          %dma_start3A_615 = tpu.memref_slice %arg12[%rem3A_585, %dma_start3A] : memref<64x64xf32, #tpu.memory_space<vmem>> -> memref<1x64xf32, #tpu.memory_space<vmem>>
          %dma_start3A_616 = arith.constant 0 : i32
          %dma_start3A_617 = tpu.memref_slice %arg5[%squeeze3A_580, %dma_start3A_616] : memref<16384x64xf32, #tpu.memory_space<hbm>> -> memref<1x64xf32, #tpu.memory_space<hbm>>
          %dma_start3A_618 = arith.constant 0 : i32
          %dma_start3A_619 = tpu.memref_slice %arg5[%squeeze3A_580, %dma_start3A_618] : memref<16384x64xf32, #tpu.memory_space<hbm>> -> memref<1x64xf32, #tpu.memory_space<hbm>>
          %dma_start3A_620 = arith.constant 0 : i32
          %dma_start3A_621 = tpu.memref_slice %arg12[%rem3A_585, %dma_start3A_620] : memref<64x64xf32, #tpu.memory_space<vmem>> -> memref<1x64xf32, #tpu.memory_space<vmem>>
          tpu.enqueue_dma source(%dma_start3A_621 : memref<1x64xf32, #tpu.memory_space<vmem>>) target(%dma_start3A_619 : memref<1x64xf32, #tpu.memory_space<hbm>>) target_semaphore(%arg19 : memref<!tpu.dma_semaphore, #tpu.memory_space<semaphore_mem>>)
          %add3A_622 = arith.constant 1 : i32
          %add3A_623 = arith.addi %while3A_575, %add3A_622 : i32
          %ge3A_624 = arith.constant 48 : i32
          %ge3A_625 = arith.cmpi sge, %add3A_623, %ge3A_624 : i32
          %convert_element_type3A_626 = arith.extui %ge3A_625 : i1 to i32
          %cond3A_627 = arith.constant 0 : i32
          %cond3A_628 = arith.cmpi ne, %convert_element_type3A_626, %cond3A_627 : i32
          %cond3A_629 = scf.if %cond3A_628 -> (i32) {
            %while3A_632 = arith.constant 0 : i32
            %while3A_633 = arith.constant 0 : i32
            %while3A_634 = arith.subi %add3A_623, %while3A_633 : i32
            %while3A_635 = arith.addi %while3A_633, %while3A_634 : i32
            %while3A_636 = arith.constant 1 : i32
            %while3A_637 = arith.divsi %while3A_634, %while3A_636 : i32
            %while3A_638 = arith.muli %while3A_637, %while3A_636 : i32
            %while3A_639 = arith.addi %while3A_633, %while3A_638 : i32
            %while3A_640 = arith.constant 1 : i32
            scf.for %while3A_643 = %while3A_633 to %while3A_639 step %while3A_640  : i32 {
              %dma_wait3A = arith.constant 0 : i32
              %dma_wait3A_644 = arith.constant 0 : i32
              %dma_wait3A_645 = tpu.memref_slice %arg12[%dma_wait3A, %dma_wait3A_644] : memref<64x64xf32, #tpu.memory_space<vmem>> -> memref<1x64xf32, #tpu.memory_space<vmem>>
              %dma_wait3A_646 = arith.constant 0 : i32
              %dma_wait3A_647 = arith.constant 0 : i32
              %dma_wait3A_648 = tpu.memref_slice %arg5[%dma_wait3A_646, %dma_wait3A_647] : memref<16384x64xf32, #tpu.memory_space<hbm>> -> memref<1x64xf32, #tpu.memory_space<hbm>>
              %dma_wait3A_649 = arith.constant 0 : i32
              %dma_wait3A_650 = arith.constant 0 : i32
              %dma_wait3A_651 = tpu.memref_slice %arg5[%dma_wait3A_649, %dma_wait3A_650] : memref<16384x64xf32, #tpu.memory_space<hbm>> -> memref<1x64xf32, #tpu.memory_space<hbm>>
              %dma_wait3A_652 = arith.constant 0 : i32
              %dma_wait3A_653 = arith.constant 0 : i32
              %dma_wait3A_654 = tpu.memref_slice %arg12[%dma_wait3A_652, %dma_wait3A_653] : memref<64x64xf32, #tpu.memory_space<vmem>> -> memref<1x64xf32, #tpu.memory_space<vmem>>
              tpu.wait_dma2 semaphore(%arg19 : memref<!tpu.dma_semaphore, #tpu.memory_space<semaphore_mem>>) src(%dma_wait3A_654 : memref<1x64xf32, #tpu.memory_space<vmem>>) dst(%dma_wait3A_651 : memref<1x64xf32, #tpu.memory_space<hbm>>)
            }
            %while3A_641 = arith.constant 1 : i32
            scf.for %while3A_643 = %while3A_639 to %while3A_635 step %while3A_641  : i32 {
              %dma_wait3A = arith.constant 0 : i32
              %dma_wait3A_644 = arith.constant 0 : i32
              %dma_wait3A_645 = tpu.memref_slice %arg12[%dma_wait3A, %dma_wait3A_644] : memref<64x64xf32, #tpu.memory_space<vmem>> -> memref<1x64xf32, #tpu.memory_space<vmem>>
              %dma_wait3A_646 = arith.constant 0 : i32
              %dma_wait3A_647 = arith.constant 0 : i32
              %dma_wait3A_648 = tpu.memref_slice %arg5[%dma_wait3A_646, %dma_wait3A_647] : memref<16384x64xf32, #tpu.memory_space<hbm>> -> memref<1x64xf32, #tpu.memory_space<hbm>>
              %dma_wait3A_649 = arith.constant 0 : i32
              %dma_wait3A_650 = arith.constant 0 : i32
              %dma_wait3A_651 = tpu.memref_slice %arg5[%dma_wait3A_649, %dma_wait3A_650] : memref<16384x64xf32, #tpu.memory_space<hbm>> -> memref<1x64xf32, #tpu.memory_space<hbm>>
              %dma_wait3A_652 = arith.constant 0 : i32
              %dma_wait3A_653 = arith.constant 0 : i32
              %dma_wait3A_654 = tpu.memref_slice %arg12[%dma_wait3A_652, %dma_wait3A_653] : memref<64x64xf32, #tpu.memory_space<vmem>> -> memref<1x64xf32, #tpu.memory_space<vmem>>
              tpu.wait_dma2 semaphore(%arg19 : memref<!tpu.dma_semaphore, #tpu.memory_space<semaphore_mem>>) src(%dma_wait3A_654 : memref<1x64xf32, #tpu.memory_space<vmem>>) dst(%dma_wait3A_651 : memref<1x64xf32, #tpu.memory_space<hbm>>)
            }
            %cond3A_642 = arith.constant 0 : i32
            scf.yield %cond3A_642 : i32
          } else {
            scf.yield %add3A_623 : i32
          }
          %add3A_630 = arith.constant 1 : i32
          %add3A_631 = arith.addi %while3A_574, %add3A_630 : i32
          scf.yield %add3A_631, %cond3A_629 : i32, i32
        }
        %while3A_571 = arith.constant 1 : i32
        %while3A_572:2 = scf.for %while3A_573 = %while3A_568 to %while3A_564 step %while3A_571 iter_args(%while3A_574 = %while3A_570#0, %while3A_575 = %while3A_570#1) -> (i32, i32)  : i32 {
          %add3A_576 = arith.addi %get3A_554, %while3A_573 : i32
          %broadcast_in_dim3A_577 = vector.broadcast %add3A_576 : i32 to vector<16xi32>
          %gather3A = tpu.vector_load_idx %arg9[%broadcast_in_dim3A_577] : memref<16400xi32, #tpu.memory_space<vmem>>[vector<16xi32>], vector<16xi32>,
          %slice3A = vector.extract_strided_slice %gather3A {offsets = [0], sizes = [1], strides = [1]} : vector<16xi32> to vector<1xi32>
          %squeeze3A = vector.extract %slice3A[0] : i32 from vector<1xi32>
          %gather3A_578 = tpu.vector_load_idx %arg10[%broadcast_in_dim3A_577] : memref<16400xi32, #tpu.memory_space<vmem>>[vector<16xi32>], vector<16xi32>,
          %slice3A_579 = vector.extract_strided_slice %gather3A_578 {offsets = [0], sizes = [1], strides = [1]} : vector<16xi32> to vector<1xi32>
          %squeeze3A_580 = vector.extract %slice3A_579[0] : i32 from vector<1xi32>
          %and3A_581 = arith.constant 127 : i32
          %and3A_582 = arith.andi %squeeze3A, %and3A_581 : i32
          %broadcast_in_dim3A_583 = vector.broadcast %and3A_582 : i32 to vector<16xi32>
          %rem3A_584 = arith.constant 64 : i32
          %rem3A_585 = arith.remsi %while3A_574, %rem3A_584 : i32
          %broadcast_in_dim3A_586 = vector.broadcast %rem3A_585 : i32 to vector<16xi32>
          %add3A_587 = arith.constant 0 : i32
          %add3A_588 = vector.broadcast %add3A_587 : i32 to vector<16xi32>
          %add3A_589 = arith.addi %add3A_588, %iota3A : vector<16xi32>
          %gather3A_590 = tpu.vector_load_idx %arg11[%broadcast_in_dim3A_560, %add3A_589, %broadcast_in_dim3A_583] : memref<4x64x128xf32, #tpu.memory_space<vmem>>[vector<16xi32>, vector<16xi32>, vector<16xi32>], vector<16xf32>,
          %add3A_591 = arith.constant 0 : i32
          %add3A_592 = vector.broadcast %add3A_591 : i32 to vector<16xi32>
          %add3A_593 = arith.addi %add3A_592, %iota3A : vector<16xi32>
          tpu.vector_store_idx %arg12[%broadcast_in_dim3A_586, %add3A_593], %gather3A_590 : memref<64x64xf32, #tpu.memory_space<vmem>>[vector<16xi32>, vector<16xi32>], vector<16xf32>,
          %add3A_594 = arith.constant 16 : i32
          %add3A_595 = vector.broadcast %add3A_594 : i32 to vector<16xi32>
          %add3A_596 = arith.addi %add3A_595, %iota3A : vector<16xi32>
          %gather3A_597 = tpu.vector_load_idx %arg11[%broadcast_in_dim3A_560, %add3A_596, %broadcast_in_dim3A_583] : memref<4x64x128xf32, #tpu.memory_space<vmem>>[vector<16xi32>, vector<16xi32>, vector<16xi32>], vector<16xf32>,
          %add3A_598 = arith.constant 16 : i32
          %add3A_599 = vector.broadcast %add3A_598 : i32 to vector<16xi32>
          %add3A_600 = arith.addi %add3A_599, %iota3A : vector<16xi32>
          tpu.vector_store_idx %arg12[%broadcast_in_dim3A_586, %add3A_600], %gather3A_597 : memref<64x64xf32, #tpu.memory_space<vmem>>[vector<16xi32>, vector<16xi32>], vector<16xf32>,
          %add3A_601 = arith.constant 32 : i32
          %add3A_602 = vector.broadcast %add3A_601 : i32 to vector<16xi32>
          %add3A_603 = arith.addi %add3A_602, %iota3A : vector<16xi32>
          %gather3A_604 = tpu.vector_load_idx %arg11[%broadcast_in_dim3A_560, %add3A_603, %broadcast_in_dim3A_583] : memref<4x64x128xf32, #tpu.memory_space<vmem>>[vector<16xi32>, vector<16xi32>, vector<16xi32>], vector<16xf32>,
          %add3A_605 = arith.constant 32 : i32
          %add3A_606 = vector.broadcast %add3A_605 : i32 to vector<16xi32>
          %add3A_607 = arith.addi %add3A_606, %iota3A : vector<16xi32>
          tpu.vector_store_idx %arg12[%broadcast_in_dim3A_586, %add3A_607], %gather3A_604 : memref<64x64xf32, #tpu.memory_space<vmem>>[vector<16xi32>, vector<16xi32>], vector<16xf32>,
          %add3A_608 = arith.constant 48 : i32
          %add3A_609 = vector.broadcast %add3A_608 : i32 to vector<16xi32>
          %add3A_610 = arith.addi %add3A_609, %iota3A : vector<16xi32>
          %gather3A_611 = tpu.vector_load_idx %arg11[%broadcast_in_dim3A_560, %add3A_610, %broadcast_in_dim3A_583] : memref<4x64x128xf32, #tpu.memory_space<vmem>>[vector<16xi32>, vector<16xi32>, vector<16xi32>], vector<16xf32>,
          %add3A_612 = arith.constant 48 : i32
          %add3A_613 = vector.broadcast %add3A_612 : i32 to vector<16xi32>
          %add3A_614 = arith.addi %add3A_613, %iota3A : vector<16xi32>
          tpu.vector_store_idx %arg12[%broadcast_in_dim3A_586, %add3A_614], %gather3A_611 : memref<64x64xf32, #tpu.memory_space<vmem>>[vector<16xi32>, vector<16xi32>], vector<16xf32>,
          %dma_start3A = arith.constant 0 : i32
          %dma_start3A_615 = tpu.memref_slice %arg12[%rem3A_585, %dma_start3A] : memref<64x64xf32, #tpu.memory_space<vmem>> -> memref<1x64xf32, #tpu.memory_space<vmem>>
          %dma_start3A_616 = arith.constant 0 : i32
          %dma_start3A_617 = tpu.memref_slice %arg5[%squeeze3A_580, %dma_start3A_616] : memref<16384x64xf32, #tpu.memory_space<hbm>> -> memref<1x64xf32, #tpu.memory_space<hbm>>
          %dma_start3A_618 = arith.constant 0 : i32
          %dma_start3A_619 = tpu.memref_slice %arg5[%squeeze3A_580, %dma_start3A_618] : memref<16384x64xf32, #tpu.memory_space<hbm>> -> memref<1x64xf32, #tpu.memory_space<hbm>>
          %dma_start3A_620 = arith.constant 0 : i32
          %dma_start3A_621 = tpu.memref_slice %arg12[%rem3A_585, %dma_start3A_620] : memref<64x64xf32, #tpu.memory_space<vmem>> -> memref<1x64xf32, #tpu.memory_space<vmem>>
          tpu.enqueue_dma source(%dma_start3A_621 : memref<1x64xf32, #tpu.memory_space<vmem>>) target(%dma_start3A_619 : memref<1x64xf32, #tpu.memory_space<hbm>>) target_semaphore(%arg19 : memref<!tpu.dma_semaphore, #tpu.memory_space<semaphore_mem>>)
          %add3A_622 = arith.constant 1 : i32
          %add3A_623 = arith.addi %while3A_575, %add3A_622 : i32
          %ge3A_624 = arith.constant 48 : i32
          %ge3A_625 = arith.cmpi sge, %add3A_623, %ge3A_624 : i32
          %convert_element_type3A_626 = arith.extui %ge3A_625 : i1 to i32
          %cond3A_627 = arith.constant 0 : i32
          %cond3A_628 = arith.cmpi ne, %convert_element_type3A_626, %cond3A_627 : i32
          %cond3A_629 = scf.if %cond3A_628 -> (i32) {
            %while3A_632 = arith.constant 0 : i32
            %while3A_633 = arith.constant 0 : i32
            %while3A_634 = arith.subi %add3A_623, %while3A_633 : i32
            %while3A_635 = arith.addi %while3A_633, %while3A_634 : i32
            %while3A_636 = arith.constant 1 : i32
            %while3A_637 = arith.divsi %while3A_634, %while3A_636 : i32
            %while3A_638 = arith.muli %while3A_637, %while3A_636 : i32
            %while3A_639 = arith.addi %while3A_633, %while3A_638 : i32
            %while3A_640 = arith.constant 1 : i32
            scf.for %while3A_643 = %while3A_633 to %while3A_639 step %while3A_640  : i32 {
              %dma_wait3A = arith.constant 0 : i32
              %dma_wait3A_644 = arith.constant 0 : i32
              %dma_wait3A_645 = tpu.memref_slice %arg12[%dma_wait3A, %dma_wait3A_644] : memref<64x64xf32, #tpu.memory_space<vmem>> -> memref<1x64xf32, #tpu.memory_space<vmem>>
              %dma_wait3A_646 = arith.constant 0 : i32
              %dma_wait3A_647 = arith.constant 0 : i32
              %dma_wait3A_648 = tpu.memref_slice %arg5[%dma_wait3A_646, %dma_wait3A_647] : memref<16384x64xf32, #tpu.memory_space<hbm>> -> memref<1x64xf32, #tpu.memory_space<hbm>>
              %dma_wait3A_649 = arith.constant 0 : i32
              %dma_wait3A_650 = arith.constant 0 : i32
              %dma_wait3A_651 = tpu.memref_slice %arg5[%dma_wait3A_649, %dma_wait3A_650] : memref<16384x64xf32, #tpu.memory_space<hbm>> -> memref<1x64xf32, #tpu.memory_space<hbm>>
              %dma_wait3A_652 = arith.constant 0 : i32
              %dma_wait3A_653 = arith.constant 0 : i32
              %dma_wait3A_654 = tpu.memref_slice %arg12[%dma_wait3A_652, %dma_wait3A_653] : memref<64x64xf32, #tpu.memory_space<vmem>> -> memref<1x64xf32, #tpu.memory_space<vmem>>
              tpu.wait_dma2 semaphore(%arg19 : memref<!tpu.dma_semaphore, #tpu.memory_space<semaphore_mem>>) src(%dma_wait3A_654 : memref<1x64xf32, #tpu.memory_space<vmem>>) dst(%dma_wait3A_651 : memref<1x64xf32, #tpu.memory_space<hbm>>)
            }
            %while3A_641 = arith.constant 1 : i32
            scf.for %while3A_643 = %while3A_639 to %while3A_635 step %while3A_641  : i32 {
              %dma_wait3A = arith.constant 0 : i32
              %dma_wait3A_644 = arith.constant 0 : i32
              %dma_wait3A_645 = tpu.memref_slice %arg12[%dma_wait3A, %dma_wait3A_644] : memref<64x64xf32, #tpu.memory_space<vmem>> -> memref<1x64xf32, #tpu.memory_space<vmem>>
              %dma_wait3A_646 = arith.constant 0 : i32
              %dma_wait3A_647 = arith.constant 0 : i32
              %dma_wait3A_648 = tpu.memref_slice %arg5[%dma_wait3A_646, %dma_wait3A_647] : memref<16384x64xf32, #tpu.memory_space<hbm>> -> memref<1x64xf32, #tpu.memory_space<hbm>>
              %dma_wait3A_649 = arith.constant 0 : i32
              %dma_wait3A_650 = arith.constant 0 : i32
              %dma_wait3A_651 = tpu.memref_slice %arg5[%dma_wait3A_649, %dma_wait3A_650] : memref<16384x64xf32, #tpu.memory_space<hbm>> -> memref<1x64xf32, #tpu.memory_space<hbm>>
              %dma_wait3A_652 = arith.constant 0 : i32
              %dma_wait3A_653 = arith.constant 0 : i32
              %dma_wait3A_654 = tpu.memref_slice %arg12[%dma_wait3A_652, %dma_wait3A_653] : memref<64x64xf32, #tpu.memory_space<vmem>> -> memref<1x64xf32, #tpu.memory_space<vmem>>
              tpu.wait_dma2 semaphore(%arg19 : memref<!tpu.dma_semaphore, #tpu.memory_space<semaphore_mem>>) src(%dma_wait3A_654 : memref<1x64xf32, #tpu.memory_space<vmem>>) dst(%dma_wait3A_651 : memref<1x64xf32, #tpu.memory_space<hbm>>)
            }
            %cond3A_642 = arith.constant 0 : i32
            scf.yield %cond3A_642 : i32
          } else {
            scf.yield %add3A_623 : i32
          }
          %add3A_630 = arith.constant 1 : i32
          %add3A_631 = arith.addi %while3A_574, %add3A_630 : i32
          scf.yield %add3A_631, %cond3A_629 : i32, i32
        }
        scf.yield %while3A_572#0, %while3A_572#1 : i32, i32
      } else {
        scf.yield %cond3A_335#0, %cond3A_335#1 : i32, i32
      }
      %add3A_398 = arith.constant 4 : i32
      %add3A_399 = arith.addi %add3A_368, %add3A_398 : i32
      %sub3A_400 = arith.subi %add3A_399, %add3A_4 : i32
      %jit3A_401 = arith.constant 0 : i32
      %jit3A_402 = arith.constant 245 : i32
      %max3A_403 = arith.maxsi %jit3A_401, %sub3A_400 : i32
      %min3A_404 = arith.minsi %jit3A_402, %max3A_403 : i32
      %add3A_405 = arith.constant 1 : i32
      %add3A_406 = arith.addi %min3A_404, %add3A_405 : i32
      %get3A_407 = arith.index_cast %add3A_406 : i32 to index
      %get3A_408 = memref.load %arg13[%get3A_407] : memref<247xi32, #tpu.memory_space<smem>>
      %get3A_409 = arith.index_cast %min3A_404 : i32 to index
      %get3A_410 = memref.load %arg13[%get3A_409] : memref<247xi32, #tpu.memory_space<smem>>
      %gt3A_411 = arith.cmpi sgt, %get3A_408, %get3A_410 : i32
      %ge3A_412 = arith.constant 0 : i32
      %ge3A_413 = arith.cmpi sge, %sub3A_400, %ge3A_412 : i32
      %lt3A_414 = arith.cmpi slt, %sub3A_400, %add3A_7 : i32
      %and3A_415 = arith.andi %ge3A_413, %lt3A_414 : i1
      %and3A_416 = arith.andi %and3A_415, %gt3A_411 : i1
      %lt3A_417 = arith.constant 7812 : i32
      %lt3A_418 = arith.cmpi slt, %add3A_399, %lt3A_417 : i32
      %and3A_419 = arith.andi %and3A_416, %lt3A_418 : i1
      %convert_element_type3A_420 = arith.extui %and3A_419 : i1 to i32
      %cond3A_421 = arith.constant 0 : i32
      %cond3A_422 = arith.cmpi ne, %convert_element_type3A_420, %cond3A_421 : i32
      scf.if %cond3A_422 {
        %mul3A_553 = arith.constant 128 : i32
        %mul3A_554 = arith.muli %add3A_399, %mul3A_553 : i32
        %multiple_of3A = tpu.assume_multiple %mul3A_554, 128 : i32
        %dma_start3A = arith.constant 1 : i32
        %dma_start3A_555 = arith.constant 0 : i32
        %dma_start3A_556 = arith.constant 0 : i32
        %dma_start3A_557 = tpu.memref_slice %arg11[%dma_start3A, %dma_start3A_555, %dma_start3A_556] : memref<4x64x128xf32, #tpu.memory_space<vmem>> -> memref<1x64x128xf32, #tpu.memory_space<vmem>>
        %dma_start3A_558 = tpu.memref_squeeze %dma_start3A_557 : memref<1x64x128xf32, #tpu.memory_space<vmem>> -> memref<64x128xf32, #tpu.memory_space<vmem>>
        %dma_start3A_559 = arith.constant 0 : i32
        %dma_start3A_560 = tpu.memref_slice %arg3[%dma_start3A_559, %multiple_of3A] : memref<64x1000000xf32, #tpu.memory_space<hbm>> -> memref<64x128xf32, #tpu.memory_space<hbm>>
        %dma_start3A_561 = arith.constant 0 : i32
        %dma_start3A_562 = arith.constant 0 : i32
        %dma_start3A_563 = tpu.memref_slice %arg11[%dma_start3A, %dma_start3A_561, %dma_start3A_562] : memref<4x64x128xf32, #tpu.memory_space<vmem>> -> memref<1x64x128xf32, #tpu.memory_space<vmem>>
        %dma_start3A_564 = tpu.memref_squeeze %dma_start3A_563 : memref<1x64x128xf32, #tpu.memory_space<vmem>> -> memref<64x128xf32, #tpu.memory_space<vmem>>
        %dma_start3A_565 = arith.constant 0 : i32
        %dma_start3A_566 = tpu.memref_slice %arg3[%dma_start3A_565, %multiple_of3A] : memref<64x1000000xf32, #tpu.memory_space<hbm>> -> memref<64x128xf32, #tpu.memory_space<hbm>>
        tpu.enqueue_dma source(%dma_start3A_566 : memref<64x128xf32, #tpu.memory_space<hbm>>) target(%dma_start3A_564 : memref<64x128xf32, #tpu.memory_space<vmem>>) target_semaphore(%arg16 : memref<!tpu.dma_semaphore, #tpu.memory_space<semaphore_mem>>)
      } else {
      }
      %eq3A_423 = arith.constant 7812 : i32
      %eq3A_424 = arith.cmpi eq, %add3A_399, %eq3A_423 : i32
      %and3A_425 = arith.andi %and3A_416, %eq3A_424 : i1
      %convert_element_type3A_426 = arith.extui %and3A_425 : i1 to i32
      %cond3A_427 = arith.constant 0 : i32
      %cond3A_428 = arith.cmpi ne, %convert_element_type3A_426, %cond3A_427 : i32
      scf.if %cond3A_428 {
        %dma_start3A = arith.constant 1 : i32
        %dma_start3A_553 = arith.constant 0 : i32
        %dma_start3A_554 = arith.constant 0 : i32
        %dma_start3A_555 = tpu.memref_slice %arg11[%dma_start3A, %dma_start3A_553, %dma_start3A_554] : memref<4x64x128xf32, #tpu.memory_space<vmem>> -> memref<1x64x128xf32, #tpu.memory_space<vmem>>
        %dma_start3A_556 = tpu.memref_squeeze %dma_start3A_555 : memref<1x64x128xf32, #tpu.memory_space<vmem>> -> memref<64x128xf32, #tpu.memory_space<vmem>>
        %dma_start3A_557 = arith.constant 0 : i32
        %dma_start3A_558 = arith.constant 0 : i32
        %dma_start3A_559 = tpu.memref_slice %arg11[%dma_start3A, %dma_start3A_557, %dma_start3A_558] : memref<4x64x128xf32, #tpu.memory_space<vmem>> -> memref<1x64x128xf32, #tpu.memory_space<vmem>>
        %dma_start3A_560 = tpu.memref_squeeze %dma_start3A_559 : memref<1x64x128xf32, #tpu.memory_space<vmem>> -> memref<64x128xf32, #tpu.memory_space<vmem>>
        tpu.enqueue_dma source(%arg4 : memref<64x128xf32, #tpu.memory_space<hbm>>) target(%dma_start3A_560 : memref<64x128xf32, #tpu.memory_space<vmem>>) target_semaphore(%arg16 : memref<!tpu.dma_semaphore, #tpu.memory_space<semaphore_mem>>)
      } else {
      }
      %add3A_429 = arith.constant 2 : i32
      %add3A_430 = arith.addi %add3A_304, %add3A_429 : i32
      %sub3A_431 = arith.subi %add3A_430, %add3A_4 : i32
      %jit3A_432 = arith.constant 0 : i32
      %jit3A_433 = arith.constant 245 : i32
      %max3A_434 = arith.maxsi %jit3A_432, %sub3A_431 : i32
      %min3A_435 = arith.minsi %jit3A_433, %max3A_434 : i32
      %add3A_436 = arith.constant 1 : i32
      %add3A_437 = arith.addi %min3A_435, %add3A_436 : i32
      %get3A_438 = arith.index_cast %add3A_437 : i32 to index
      %get3A_439 = memref.load %arg13[%get3A_438] : memref<247xi32, #tpu.memory_space<smem>>
      %get3A_440 = arith.index_cast %min3A_435 : i32 to index
      %get3A_441 = memref.load %arg13[%get3A_440] : memref<247xi32, #tpu.memory_space<smem>>
      %gt3A_442 = arith.cmpi sgt, %get3A_439, %get3A_441 : i32
      %ge3A_443 = arith.constant 0 : i32
      %ge3A_444 = arith.cmpi sge, %sub3A_431, %ge3A_443 : i32
      %lt3A_445 = arith.cmpi slt, %sub3A_431, %add3A_7 : i32
      %and3A_446 = arith.andi %ge3A_444, %lt3A_445 : i1
      %and3A_447 = arith.andi %and3A_446, %gt3A_442 : i1
      %convert_element_type3A_448 = arith.extui %and3A_447 : i1 to i32
      %cond3A_449 = arith.constant 0 : i32
      %cond3A_450 = arith.cmpi ne, %convert_element_type3A_448, %cond3A_449 : i32
      scf.if %cond3A_450 {
        %dma_wait3A = arith.constant 2 : i32
        %dma_wait3A_553 = arith.constant 0 : i32
        %dma_wait3A_554 = arith.constant 0 : i32
        %dma_wait3A_555 = tpu.memref_slice %arg11[%dma_wait3A, %dma_wait3A_553, %dma_wait3A_554] : memref<4x64x128xf32, #tpu.memory_space<vmem>> -> memref<1x64x128xf32, #tpu.memory_space<vmem>>
        %dma_wait3A_556 = tpu.memref_squeeze %dma_wait3A_555 : memref<1x64x128xf32, #tpu.memory_space<vmem>> -> memref<64x128xf32, #tpu.memory_space<vmem>>
        %dma_wait3A_557 = arith.constant 0 : i32
        %dma_wait3A_558 = arith.constant 0 : i32
        %dma_wait3A_559 = tpu.memref_slice %arg3[%dma_wait3A_557, %dma_wait3A_558] : memref<64x1000000xf32, #tpu.memory_space<hbm>> -> memref<64x128xf32, #tpu.memory_space<hbm>>
        %dma_wait3A_560 = arith.constant 0 : i32
        %dma_wait3A_561 = arith.constant 0 : i32
        %dma_wait3A_562 = tpu.memref_slice %arg11[%dma_wait3A, %dma_wait3A_560, %dma_wait3A_561] : memref<4x64x128xf32, #tpu.memory_space<vmem>> -> memref<1x64x128xf32, #tpu.memory_space<vmem>>
        %dma_wait3A_563 = tpu.memref_squeeze %dma_wait3A_562 : memref<1x64x128xf32, #tpu.memory_space<vmem>> -> memref<64x128xf32, #tpu.memory_space<vmem>>
        %dma_wait3A_564 = arith.constant 0 : i32
        %dma_wait3A_565 = arith.constant 0 : i32
        %dma_wait3A_566 = tpu.memref_slice %arg3[%dma_wait3A_564, %dma_wait3A_565] : memref<64x1000000xf32, #tpu.memory_space<hbm>> -> memref<64x128xf32, #tpu.memory_space<hbm>>
        tpu.wait_dma2 semaphore(%arg17 : memref<!tpu.dma_semaphore, #tpu.memory_space<semaphore_mem>>) src(%dma_wait3A_566 : memref<64x128xf32, #tpu.memory_space<hbm>>) dst(%dma_wait3A_563 : memref<64x128xf32, #tpu.memory_space<vmem>>)
      } else {
      }
      %sub3A_451 = arith.subi %add3A_430, %add3A_4 : i32
      %ge3A_452 = arith.constant 0 : i32
      %ge3A_453 = arith.cmpi sge, %sub3A_451, %ge3A_452 : i32
      %lt3A_454 = arith.cmpi slt, %sub3A_451, %add3A_7 : i32
      %and3A_455 = arith.andi %ge3A_453, %lt3A_454 : i1
      %convert_element_type3A_456 = arith.extui %and3A_455 : i1 to i32
      %cond3A_457 = arith.constant 0 : i32
      %cond3A_458 = arith.cmpi ne, %convert_element_type3A_456, %cond3A_457 : i32
      %cond3A_459:2 = scf.if %cond3A_458 -> (i32, i32) {
        %get3A_553 = arith.index_cast %sub3A_451 : i32 to index
        %get3A_554 = memref.load %arg13[%get3A_553] : memref<247xi32, #tpu.memory_space<smem>>
        %add3A_555 = arith.constant 1 : i32
        %add3A_556 = arith.addi %sub3A_451, %add3A_555 : i32
        %get3A_557 = arith.index_cast %add3A_556 : i32 to index
        %get3A_558 = memref.load %arg13[%get3A_557] : memref<247xi32, #tpu.memory_space<smem>>
        %broadcast_in_dim3A_559 = arith.constant 2 : i32
        %broadcast_in_dim3A_560 = vector.broadcast %broadcast_in_dim3A_559 : i32 to vector<16xi32>
        %sub3A_561 = arith.subi %get3A_558, %get3A_554 : i32
        %while3A_562 = arith.constant 0 : i32
        %while3A_563 = arith.subi %sub3A_561, %while3A_562 : i32
        %while3A_564 = arith.addi %while3A_562, %while3A_563 : i32
        %while3A_565 = arith.constant 1 : i32
        %while3A_566 = arith.divsi %while3A_563, %while3A_565 : i32
        %while3A_567 = arith.muli %while3A_566, %while3A_565 : i32
        %while3A_568 = arith.addi %while3A_562, %while3A_567 : i32
        %while3A_569 = arith.constant 1 : i32
        %while3A_570:2 = scf.for %while3A_573 = %while3A_562 to %while3A_568 step %while3A_569 iter_args(%while3A_574 = %cond3A_397#0, %while3A_575 = %cond3A_397#1) -> (i32, i32)  : i32 {
          %add3A_576 = arith.addi %get3A_554, %while3A_573 : i32
          %broadcast_in_dim3A_577 = vector.broadcast %add3A_576 : i32 to vector<16xi32>
          %gather3A = tpu.vector_load_idx %arg9[%broadcast_in_dim3A_577] : memref<16400xi32, #tpu.memory_space<vmem>>[vector<16xi32>], vector<16xi32>,
          %slice3A = vector.extract_strided_slice %gather3A {offsets = [0], sizes = [1], strides = [1]} : vector<16xi32> to vector<1xi32>
          %squeeze3A = vector.extract %slice3A[0] : i32 from vector<1xi32>
          %gather3A_578 = tpu.vector_load_idx %arg10[%broadcast_in_dim3A_577] : memref<16400xi32, #tpu.memory_space<vmem>>[vector<16xi32>], vector<16xi32>,
          %slice3A_579 = vector.extract_strided_slice %gather3A_578 {offsets = [0], sizes = [1], strides = [1]} : vector<16xi32> to vector<1xi32>
          %squeeze3A_580 = vector.extract %slice3A_579[0] : i32 from vector<1xi32>
          %and3A_581 = arith.constant 127 : i32
          %and3A_582 = arith.andi %squeeze3A, %and3A_581 : i32
          %broadcast_in_dim3A_583 = vector.broadcast %and3A_582 : i32 to vector<16xi32>
          %rem3A_584 = arith.constant 64 : i32
          %rem3A_585 = arith.remsi %while3A_574, %rem3A_584 : i32
          %broadcast_in_dim3A_586 = vector.broadcast %rem3A_585 : i32 to vector<16xi32>
          %add3A_587 = arith.constant 0 : i32
          %add3A_588 = vector.broadcast %add3A_587 : i32 to vector<16xi32>
          %add3A_589 = arith.addi %add3A_588, %iota3A : vector<16xi32>
          %gather3A_590 = tpu.vector_load_idx %arg11[%broadcast_in_dim3A_560, %add3A_589, %broadcast_in_dim3A_583] : memref<4x64x128xf32, #tpu.memory_space<vmem>>[vector<16xi32>, vector<16xi32>, vector<16xi32>], vector<16xf32>,
          %add3A_591 = arith.constant 0 : i32
          %add3A_592 = vector.broadcast %add3A_591 : i32 to vector<16xi32>
          %add3A_593 = arith.addi %add3A_592, %iota3A : vector<16xi32>
          tpu.vector_store_idx %arg12[%broadcast_in_dim3A_586, %add3A_593], %gather3A_590 : memref<64x64xf32, #tpu.memory_space<vmem>>[vector<16xi32>, vector<16xi32>], vector<16xf32>,
          %add3A_594 = arith.constant 16 : i32
          %add3A_595 = vector.broadcast %add3A_594 : i32 to vector<16xi32>
          %add3A_596 = arith.addi %add3A_595, %iota3A : vector<16xi32>
          %gather3A_597 = tpu.vector_load_idx %arg11[%broadcast_in_dim3A_560, %add3A_596, %broadcast_in_dim3A_583] : memref<4x64x128xf32, #tpu.memory_space<vmem>>[vector<16xi32>, vector<16xi32>, vector<16xi32>], vector<16xf32>,
          %add3A_598 = arith.constant 16 : i32
          %add3A_599 = vector.broadcast %add3A_598 : i32 to vector<16xi32>
          %add3A_600 = arith.addi %add3A_599, %iota3A : vector<16xi32>
          tpu.vector_store_idx %arg12[%broadcast_in_dim3A_586, %add3A_600], %gather3A_597 : memref<64x64xf32, #tpu.memory_space<vmem>>[vector<16xi32>, vector<16xi32>], vector<16xf32>,
          %add3A_601 = arith.constant 32 : i32
          %add3A_602 = vector.broadcast %add3A_601 : i32 to vector<16xi32>
          %add3A_603 = arith.addi %add3A_602, %iota3A : vector<16xi32>
          %gather3A_604 = tpu.vector_load_idx %arg11[%broadcast_in_dim3A_560, %add3A_603, %broadcast_in_dim3A_583] : memref<4x64x128xf32, #tpu.memory_space<vmem>>[vector<16xi32>, vector<16xi32>, vector<16xi32>], vector<16xf32>,
          %add3A_605 = arith.constant 32 : i32
          %add3A_606 = vector.broadcast %add3A_605 : i32 to vector<16xi32>
          %add3A_607 = arith.addi %add3A_606, %iota3A : vector<16xi32>
          tpu.vector_store_idx %arg12[%broadcast_in_dim3A_586, %add3A_607], %gather3A_604 : memref<64x64xf32, #tpu.memory_space<vmem>>[vector<16xi32>, vector<16xi32>], vector<16xf32>,
          %add3A_608 = arith.constant 48 : i32
          %add3A_609 = vector.broadcast %add3A_608 : i32 to vector<16xi32>
          %add3A_610 = arith.addi %add3A_609, %iota3A : vector<16xi32>
          %gather3A_611 = tpu.vector_load_idx %arg11[%broadcast_in_dim3A_560, %add3A_610, %broadcast_in_dim3A_583] : memref<4x64x128xf32, #tpu.memory_space<vmem>>[vector<16xi32>, vector<16xi32>, vector<16xi32>], vector<16xf32>,
          %add3A_612 = arith.constant 48 : i32
          %add3A_613 = vector.broadcast %add3A_612 : i32 to vector<16xi32>
          %add3A_614 = arith.addi %add3A_613, %iota3A : vector<16xi32>
          tpu.vector_store_idx %arg12[%broadcast_in_dim3A_586, %add3A_614], %gather3A_611 : memref<64x64xf32, #tpu.memory_space<vmem>>[vector<16xi32>, vector<16xi32>], vector<16xf32>,
          %dma_start3A = arith.constant 0 : i32
          %dma_start3A_615 = tpu.memref_slice %arg12[%rem3A_585, %dma_start3A] : memref<64x64xf32, #tpu.memory_space<vmem>> -> memref<1x64xf32, #tpu.memory_space<vmem>>
          %dma_start3A_616 = arith.constant 0 : i32
          %dma_start3A_617 = tpu.memref_slice %arg5[%squeeze3A_580, %dma_start3A_616] : memref<16384x64xf32, #tpu.memory_space<hbm>> -> memref<1x64xf32, #tpu.memory_space<hbm>>
          %dma_start3A_618 = arith.constant 0 : i32
          %dma_start3A_619 = tpu.memref_slice %arg5[%squeeze3A_580, %dma_start3A_618] : memref<16384x64xf32, #tpu.memory_space<hbm>> -> memref<1x64xf32, #tpu.memory_space<hbm>>
          %dma_start3A_620 = arith.constant 0 : i32
          %dma_start3A_621 = tpu.memref_slice %arg12[%rem3A_585, %dma_start3A_620] : memref<64x64xf32, #tpu.memory_space<vmem>> -> memref<1x64xf32, #tpu.memory_space<vmem>>
          tpu.enqueue_dma source(%dma_start3A_621 : memref<1x64xf32, #tpu.memory_space<vmem>>) target(%dma_start3A_619 : memref<1x64xf32, #tpu.memory_space<hbm>>) target_semaphore(%arg19 : memref<!tpu.dma_semaphore, #tpu.memory_space<semaphore_mem>>)
          %add3A_622 = arith.constant 1 : i32
          %add3A_623 = arith.addi %while3A_575, %add3A_622 : i32
          %ge3A_624 = arith.constant 48 : i32
          %ge3A_625 = arith.cmpi sge, %add3A_623, %ge3A_624 : i32
          %convert_element_type3A_626 = arith.extui %ge3A_625 : i1 to i32
          %cond3A_627 = arith.constant 0 : i32
          %cond3A_628 = arith.cmpi ne, %convert_element_type3A_626, %cond3A_627 : i32
          %cond3A_629 = scf.if %cond3A_628 -> (i32) {
            %while3A_632 = arith.constant 0 : i32
            %while3A_633 = arith.constant 0 : i32
            %while3A_634 = arith.subi %add3A_623, %while3A_633 : i32
            %while3A_635 = arith.addi %while3A_633, %while3A_634 : i32
            %while3A_636 = arith.constant 1 : i32
            %while3A_637 = arith.divsi %while3A_634, %while3A_636 : i32
            %while3A_638 = arith.muli %while3A_637, %while3A_636 : i32
            %while3A_639 = arith.addi %while3A_633, %while3A_638 : i32
            %while3A_640 = arith.constant 1 : i32
            scf.for %while3A_643 = %while3A_633 to %while3A_639 step %while3A_640  : i32 {
              %dma_wait3A = arith.constant 0 : i32
              %dma_wait3A_644 = arith.constant 0 : i32
              %dma_wait3A_645 = tpu.memref_slice %arg12[%dma_wait3A, %dma_wait3A_644] : memref<64x64xf32, #tpu.memory_space<vmem>> -> memref<1x64xf32, #tpu.memory_space<vmem>>
              %dma_wait3A_646 = arith.constant 0 : i32
              %dma_wait3A_647 = arith.constant 0 : i32
              %dma_wait3A_648 = tpu.memref_slice %arg5[%dma_wait3A_646, %dma_wait3A_647] : memref<16384x64xf32, #tpu.memory_space<hbm>> -> memref<1x64xf32, #tpu.memory_space<hbm>>
              %dma_wait3A_649 = arith.constant 0 : i32
              %dma_wait3A_650 = arith.constant 0 : i32
              %dma_wait3A_651 = tpu.memref_slice %arg5[%dma_wait3A_649, %dma_wait3A_650] : memref<16384x64xf32, #tpu.memory_space<hbm>> -> memref<1x64xf32, #tpu.memory_space<hbm>>
              %dma_wait3A_652 = arith.constant 0 : i32
              %dma_wait3A_653 = arith.constant 0 : i32
              %dma_wait3A_654 = tpu.memref_slice %arg12[%dma_wait3A_652, %dma_wait3A_653] : memref<64x64xf32, #tpu.memory_space<vmem>> -> memref<1x64xf32, #tpu.memory_space<vmem>>
              tpu.wait_dma2 semaphore(%arg19 : memref<!tpu.dma_semaphore, #tpu.memory_space<semaphore_mem>>) src(%dma_wait3A_654 : memref<1x64xf32, #tpu.memory_space<vmem>>) dst(%dma_wait3A_651 : memref<1x64xf32, #tpu.memory_space<hbm>>)
            }
            %while3A_641 = arith.constant 1 : i32
            scf.for %while3A_643 = %while3A_639 to %while3A_635 step %while3A_641  : i32 {
              %dma_wait3A = arith.constant 0 : i32
              %dma_wait3A_644 = arith.constant 0 : i32
              %dma_wait3A_645 = tpu.memref_slice %arg12[%dma_wait3A, %dma_wait3A_644] : memref<64x64xf32, #tpu.memory_space<vmem>> -> memref<1x64xf32, #tpu.memory_space<vmem>>
              %dma_wait3A_646 = arith.constant 0 : i32
              %dma_wait3A_647 = arith.constant 0 : i32
              %dma_wait3A_648 = tpu.memref_slice %arg5[%dma_wait3A_646, %dma_wait3A_647] : memref<16384x64xf32, #tpu.memory_space<hbm>> -> memref<1x64xf32, #tpu.memory_space<hbm>>
              %dma_wait3A_649 = arith.constant 0 : i32
              %dma_wait3A_650 = arith.constant 0 : i32
              %dma_wait3A_651 = tpu.memref_slice %arg5[%dma_wait3A_649, %dma_wait3A_650] : memref<16384x64xf32, #tpu.memory_space<hbm>> -> memref<1x64xf32, #tpu.memory_space<hbm>>
              %dma_wait3A_652 = arith.constant 0 : i32
              %dma_wait3A_653 = arith.constant 0 : i32
              %dma_wait3A_654 = tpu.memref_slice %arg12[%dma_wait3A_652, %dma_wait3A_653] : memref<64x64xf32, #tpu.memory_space<vmem>> -> memref<1x64xf32, #tpu.memory_space<vmem>>
              tpu.wait_dma2 semaphore(%arg19 : memref<!tpu.dma_semaphore, #tpu.memory_space<semaphore_mem>>) src(%dma_wait3A_654 : memref<1x64xf32, #tpu.memory_space<vmem>>) dst(%dma_wait3A_651 : memref<1x64xf32, #tpu.memory_space<hbm>>)
            }
            %cond3A_642 = arith.constant 0 : i32
            scf.yield %cond3A_642 : i32
          } else {
            scf.yield %add3A_623 : i32
          }
          %add3A_630 = arith.constant 1 : i32
          %add3A_631 = arith.addi %while3A_574, %add3A_630 : i32
          scf.yield %add3A_631, %cond3A_629 : i32, i32
        }
        %while3A_571 = arith.constant 1 : i32
        %while3A_572:2 = scf.for %while3A_573 = %while3A_568 to %while3A_564 step %while3A_571 iter_args(%while3A_574 = %while3A_570#0, %while3A_575 = %while3A_570#1) -> (i32, i32)  : i32 {
          %add3A_576 = arith.addi %get3A_554, %while3A_573 : i32
          %broadcast_in_dim3A_577 = vector.broadcast %add3A_576 : i32 to vector<16xi32>
          %gather3A = tpu.vector_load_idx %arg9[%broadcast_in_dim3A_577] : memref<16400xi32, #tpu.memory_space<vmem>>[vector<16xi32>], vector<16xi32>,
          %slice3A = vector.extract_strided_slice %gather3A {offsets = [0], sizes = [1], strides = [1]} : vector<16xi32> to vector<1xi32>
          %squeeze3A = vector.extract %slice3A[0] : i32 from vector<1xi32>
          %gather3A_578 = tpu.vector_load_idx %arg10[%broadcast_in_dim3A_577] : memref<16400xi32, #tpu.memory_space<vmem>>[vector<16xi32>], vector<16xi32>,
          %slice3A_579 = vector.extract_strided_slice %gather3A_578 {offsets = [0], sizes = [1], strides = [1]} : vector<16xi32> to vector<1xi32>
          %squeeze3A_580 = vector.extract %slice3A_579[0] : i32 from vector<1xi32>
          %and3A_581 = arith.constant 127 : i32
          %and3A_582 = arith.andi %squeeze3A, %and3A_581 : i32
          %broadcast_in_dim3A_583 = vector.broadcast %and3A_582 : i32 to vector<16xi32>
          %rem3A_584 = arith.constant 64 : i32
          %rem3A_585 = arith.remsi %while3A_574, %rem3A_584 : i32
          %broadcast_in_dim3A_586 = vector.broadcast %rem3A_585 : i32 to vector<16xi32>
          %add3A_587 = arith.constant 0 : i32
          %add3A_588 = vector.broadcast %add3A_587 : i32 to vector<16xi32>
          %add3A_589 = arith.addi %add3A_588, %iota3A : vector<16xi32>
          %gather3A_590 = tpu.vector_load_idx %arg11[%broadcast_in_dim3A_560, %add3A_589, %broadcast_in_dim3A_583] : memref<4x64x128xf32, #tpu.memory_space<vmem>>[vector<16xi32>, vector<16xi32>, vector<16xi32>], vector<16xf32>,
          %add3A_591 = arith.constant 0 : i32
          %add3A_592 = vector.broadcast %add3A_591 : i32 to vector<16xi32>
          %add3A_593 = arith.addi %add3A_592, %iota3A : vector<16xi32>
          tpu.vector_store_idx %arg12[%broadcast_in_dim3A_586, %add3A_593], %gather3A_590 : memref<64x64xf32, #tpu.memory_space<vmem>>[vector<16xi32>, vector<16xi32>], vector<16xf32>,
          %add3A_594 = arith.constant 16 : i32
          %add3A_595 = vector.broadcast %add3A_594 : i32 to vector<16xi32>
          %add3A_596 = arith.addi %add3A_595, %iota3A : vector<16xi32>
          %gather3A_597 = tpu.vector_load_idx %arg11[%broadcast_in_dim3A_560, %add3A_596, %broadcast_in_dim3A_583] : memref<4x64x128xf32, #tpu.memory_space<vmem>>[vector<16xi32>, vector<16xi32>, vector<16xi32>], vector<16xf32>,
          %add3A_598 = arith.constant 16 : i32
          %add3A_599 = vector.broadcast %add3A_598 : i32 to vector<16xi32>
          %add3A_600 = arith.addi %add3A_599, %iota3A : vector<16xi32>
          tpu.vector_store_idx %arg12[%broadcast_in_dim3A_586, %add3A_600], %gather3A_597 : memref<64x64xf32, #tpu.memory_space<vmem>>[vector<16xi32>, vector<16xi32>], vector<16xf32>,
          %add3A_601 = arith.constant 32 : i32
          %add3A_602 = vector.broadcast %add3A_601 : i32 to vector<16xi32>
          %add3A_603 = arith.addi %add3A_602, %iota3A : vector<16xi32>
          %gather3A_604 = tpu.vector_load_idx %arg11[%broadcast_in_dim3A_560, %add3A_603, %broadcast_in_dim3A_583] : memref<4x64x128xf32, #tpu.memory_space<vmem>>[vector<16xi32>, vector<16xi32>, vector<16xi32>], vector<16xf32>,
          %add3A_605 = arith.constant 32 : i32
          %add3A_606 = vector.broadcast %add3A_605 : i32 to vector<16xi32>
          %add3A_607 = arith.addi %add3A_606, %iota3A : vector<16xi32>
          tpu.vector_store_idx %arg12[%broadcast_in_dim3A_586, %add3A_607], %gather3A_604 : memref<64x64xf32, #tpu.memory_space<vmem>>[vector<16xi32>, vector<16xi32>], vector<16xf32>,
          %add3A_608 = arith.constant 48 : i32
          %add3A_609 = vector.broadcast %add3A_608 : i32 to vector<16xi32>
          %add3A_610 = arith.addi %add3A_609, %iota3A : vector<16xi32>
          %gather3A_611 = tpu.vector_load_idx %arg11[%broadcast_in_dim3A_560, %add3A_610, %broadcast_in_dim3A_583] : memref<4x64x128xf32, #tpu.memory_space<vmem>>[vector<16xi32>, vector<16xi32>, vector<16xi32>], vector<16xf32>,
          %add3A_612 = arith.constant 48 : i32
          %add3A_613 = vector.broadcast %add3A_612 : i32 to vector<16xi32>
          %add3A_614 = arith.addi %add3A_613, %iota3A : vector<16xi32>
          tpu.vector_store_idx %arg12[%broadcast_in_dim3A_586, %add3A_614], %gather3A_611 : memref<64x64xf32, #tpu.memory_space<vmem>>[vector<16xi32>, vector<16xi32>], vector<16xf32>,
          %dma_start3A = arith.constant 0 : i32
          %dma_start3A_615 = tpu.memref_slice %arg12[%rem3A_585, %dma_start3A] : memref<64x64xf32, #tpu.memory_space<vmem>> -> memref<1x64xf32, #tpu.memory_space<vmem>>
          %dma_start3A_616 = arith.constant 0 : i32
          %dma_start3A_617 = tpu.memref_slice %arg5[%squeeze3A_580, %dma_start3A_616] : memref<16384x64xf32, #tpu.memory_space<hbm>> -> memref<1x64xf32, #tpu.memory_space<hbm>>
          %dma_start3A_618 = arith.constant 0 : i32
          %dma_start3A_619 = tpu.memref_slice %arg5[%squeeze3A_580, %dma_start3A_618] : memref<16384x64xf32, #tpu.memory_space<hbm>> -> memref<1x64xf32, #tpu.memory_space<hbm>>
          %dma_start3A_620 = arith.constant 0 : i32
          %dma_start3A_621 = tpu.memref_slice %arg12[%rem3A_585, %dma_start3A_620] : memref<64x64xf32, #tpu.memory_space<vmem>> -> memref<1x64xf32, #tpu.memory_space<vmem>>
          tpu.enqueue_dma source(%dma_start3A_621 : memref<1x64xf32, #tpu.memory_space<vmem>>) target(%dma_start3A_619 : memref<1x64xf32, #tpu.memory_space<hbm>>) target_semaphore(%arg19 : memref<!tpu.dma_semaphore, #tpu.memory_space<semaphore_mem>>)
          %add3A_622 = arith.constant 1 : i32
          %add3A_623 = arith.addi %while3A_575, %add3A_622 : i32
          %ge3A_624 = arith.constant 48 : i32
          %ge3A_625 = arith.cmpi sge, %add3A_623, %ge3A_624 : i32
          %convert_element_type3A_626 = arith.extui %ge3A_625 : i1 to i32
          %cond3A_627 = arith.constant 0 : i32
          %cond3A_628 = arith.cmpi ne, %convert_element_type3A_626, %cond3A_627 : i32
          %cond3A_629 = scf.if %cond3A_628 -> (i32) {
            %while3A_632 = arith.constant 0 : i32
            %while3A_633 = arith.constant 0 : i32
            %while3A_634 = arith.subi %add3A_623, %while3A_633 : i32
            %while3A_635 = arith.addi %while3A_633, %while3A_634 : i32
            %while3A_636 = arith.constant 1 : i32
            %while3A_637 = arith.divsi %while3A_634, %while3A_636 : i32
            %while3A_638 = arith.muli %while3A_637, %while3A_636 : i32
            %while3A_639 = arith.addi %while3A_633, %while3A_638 : i32
            %while3A_640 = arith.constant 1 : i32
            scf.for %while3A_643 = %while3A_633 to %while3A_639 step %while3A_640  : i32 {
              %dma_wait3A = arith.constant 0 : i32
              %dma_wait3A_644 = arith.constant 0 : i32
              %dma_wait3A_645 = tpu.memref_slice %arg12[%dma_wait3A, %dma_wait3A_644] : memref<64x64xf32, #tpu.memory_space<vmem>> -> memref<1x64xf32, #tpu.memory_space<vmem>>
              %dma_wait3A_646 = arith.constant 0 : i32
              %dma_wait3A_647 = arith.constant 0 : i32
              %dma_wait3A_648 = tpu.memref_slice %arg5[%dma_wait3A_646, %dma_wait3A_647] : memref<16384x64xf32, #tpu.memory_space<hbm>> -> memref<1x64xf32, #tpu.memory_space<hbm>>
              %dma_wait3A_649 = arith.constant 0 : i32
              %dma_wait3A_650 = arith.constant 0 : i32
              %dma_wait3A_651 = tpu.memref_slice %arg5[%dma_wait3A_649, %dma_wait3A_650] : memref<16384x64xf32, #tpu.memory_space<hbm>> -> memref<1x64xf32, #tpu.memory_space<hbm>>
              %dma_wait3A_652 = arith.constant 0 : i32
              %dma_wait3A_653 = arith.constant 0 : i32
              %dma_wait3A_654 = tpu.memref_slice %arg12[%dma_wait3A_652, %dma_wait3A_653] : memref<64x64xf32, #tpu.memory_space<vmem>> -> memref<1x64xf32, #tpu.memory_space<vmem>>
              tpu.wait_dma2 semaphore(%arg19 : memref<!tpu.dma_semaphore, #tpu.memory_space<semaphore_mem>>) src(%dma_wait3A_654 : memref<1x64xf32, #tpu.memory_space<vmem>>) dst(%dma_wait3A_651 : memref<1x64xf32, #tpu.memory_space<hbm>>)
            }
            %while3A_641 = arith.constant 1 : i32
            scf.for %while3A_643 = %while3A_639 to %while3A_635 step %while3A_641  : i32 {
              %dma_wait3A = arith.constant 0 : i32
              %dma_wait3A_644 = arith.constant 0 : i32
              %dma_wait3A_645 = tpu.memref_slice %arg12[%dma_wait3A, %dma_wait3A_644] : memref<64x64xf32, #tpu.memory_space<vmem>> -> memref<1x64xf32, #tpu.memory_space<vmem>>
              %dma_wait3A_646 = arith.constant 0 : i32
              %dma_wait3A_647 = arith.constant 0 : i32
              %dma_wait3A_648 = tpu.memref_slice %arg5[%dma_wait3A_646, %dma_wait3A_647] : memref<16384x64xf32, #tpu.memory_space<hbm>> -> memref<1x64xf32, #tpu.memory_space<hbm>>
              %dma_wait3A_649 = arith.constant 0 : i32
              %dma_wait3A_650 = arith.constant 0 : i32
              %dma_wait3A_651 = tpu.memref_slice %arg5[%dma_wait3A_649, %dma_wait3A_650] : memref<16384x64xf32, #tpu.memory_space<hbm>> -> memref<1x64xf32, #tpu.memory_space<hbm>>
              %dma_wait3A_652 = arith.constant 0 : i32
              %dma_wait3A_653 = arith.constant 0 : i32
              %dma_wait3A_654 = tpu.memref_slice %arg12[%dma_wait3A_652, %dma_wait3A_653] : memref<64x64xf32, #tpu.memory_space<vmem>> -> memref<1x64xf32, #tpu.memory_space<vmem>>
              tpu.wait_dma2 semaphore(%arg19 : memref<!tpu.dma_semaphore, #tpu.memory_space<semaphore_mem>>) src(%dma_wait3A_654 : memref<1x64xf32, #tpu.memory_space<vmem>>) dst(%dma_wait3A_651 : memref<1x64xf32, #tpu.memory_space<hbm>>)
            }
            %cond3A_642 = arith.constant 0 : i32
            scf.yield %cond3A_642 : i32
          } else {
            scf.yield %add3A_623 : i32
          }
          %add3A_630 = arith.constant 1 : i32
          %add3A_631 = arith.addi %while3A_574, %add3A_630 : i32
          scf.yield %add3A_631, %cond3A_629 : i32, i32
        }
        scf.yield %while3A_572#0, %while3A_572#1 : i32, i32
      } else {
        scf.yield %cond3A_397#0, %cond3A_397#1 : i32, i32
      }
      %add3A_460 = arith.constant 4 : i32
      %add3A_461 = arith.addi %add3A_430, %add3A_460 : i32
      %sub3A_462 = arith.subi %add3A_461, %add3A_4 : i32
      %jit3A_463 = arith.constant 0 : i32
      %jit3A_464 = arith.constant 245 : i32
      %max3A_465 = arith.maxsi %jit3A_463, %sub3A_462 : i32
      %min3A_466 = arith.minsi %jit3A_464, %max3A_465 : i32
      %add3A_467 = arith.constant 1 : i32
      %add3A_468 = arith.addi %min3A_466, %add3A_467 : i32
      %get3A_469 = arith.index_cast %add3A_468 : i32 to index
      %get3A_470 = memref.load %arg13[%get3A_469] : memref<247xi32, #tpu.memory_space<smem>>
      %get3A_471 = arith.index_cast %min3A_466 : i32 to index
      %get3A_472 = memref.load %arg13[%get3A_471] : memref<247xi32, #tpu.memory_space<smem>>
      %gt3A_473 = arith.cmpi sgt, %get3A_470, %get3A_472 : i32
      %ge3A_474 = arith.constant 0 : i32
      %ge3A_475 = arith.cmpi sge, %sub3A_462, %ge3A_474 : i32
      %lt3A_476 = arith.cmpi slt, %sub3A_462, %add3A_7 : i32
      %and3A_477 = arith.andi %ge3A_475, %lt3A_476 : i1
      %and3A_478 = arith.andi %and3A_477, %gt3A_473 : i1
      %lt3A_479 = arith.constant 7812 : i32
      %lt3A_480 = arith.cmpi slt, %add3A_461, %lt3A_479 : i32
      %and3A_481 = arith.andi %and3A_478, %lt3A_480 : i1
      %convert_element_type3A_482 = arith.extui %and3A_481 : i1 to i32
      %cond3A_483 = arith.constant 0 : i32
      %cond3A_484 = arith.cmpi ne, %convert_element_type3A_482, %cond3A_483 : i32
      scf.if %cond3A_484 {
        %mul3A_553 = arith.constant 128 : i32
        %mul3A_554 = arith.muli %add3A_461, %mul3A_553 : i32
        %multiple_of3A = tpu.assume_multiple %mul3A_554, 128 : i32
        %dma_start3A = arith.constant 2 : i32
        %dma_start3A_555 = arith.constant 0 : i32
        %dma_start3A_556 = arith.constant 0 : i32
        %dma_start3A_557 = tpu.memref_slice %arg11[%dma_start3A, %dma_start3A_555, %dma_start3A_556] : memref<4x64x128xf32, #tpu.memory_space<vmem>> -> memref<1x64x128xf32, #tpu.memory_space<vmem>>
        %dma_start3A_558 = tpu.memref_squeeze %dma_start3A_557 : memref<1x64x128xf32, #tpu.memory_space<vmem>> -> memref<64x128xf32, #tpu.memory_space<vmem>>
        %dma_start3A_559 = arith.constant 0 : i32
        %dma_start3A_560 = tpu.memref_slice %arg3[%dma_start3A_559, %multiple_of3A] : memref<64x1000000xf32, #tpu.memory_space<hbm>> -> memref<64x128xf32, #tpu.memory_space<hbm>>
        %dma_start3A_561 = arith.constant 0 : i32
        %dma_start3A_562 = arith.constant 0 : i32
        %dma_start3A_563 = tpu.memref_slice %arg11[%dma_start3A, %dma_start3A_561, %dma_start3A_562] : memref<4x64x128xf32, #tpu.memory_space<vmem>> -> memref<1x64x128xf32, #tpu.memory_space<vmem>>
        %dma_start3A_564 = tpu.memref_squeeze %dma_start3A_563 : memref<1x64x128xf32, #tpu.memory_space<vmem>> -> memref<64x128xf32, #tpu.memory_space<vmem>>
        %dma_start3A_565 = arith.constant 0 : i32
        %dma_start3A_566 = tpu.memref_slice %arg3[%dma_start3A_565, %multiple_of3A] : memref<64x1000000xf32, #tpu.memory_space<hbm>> -> memref<64x128xf32, #tpu.memory_space<hbm>>
        tpu.enqueue_dma source(%dma_start3A_566 : memref<64x128xf32, #tpu.memory_space<hbm>>) target(%dma_start3A_564 : memref<64x128xf32, #tpu.memory_space<vmem>>) target_semaphore(%arg17 : memref<!tpu.dma_semaphore, #tpu.memory_space<semaphore_mem>>)
      } else {
      }
      %eq3A_485 = arith.constant 7812 : i32
      %eq3A_486 = arith.cmpi eq, %add3A_461, %eq3A_485 : i32
      %and3A_487 = arith.andi %and3A_478, %eq3A_486 : i1
      %convert_element_type3A_488 = arith.extui %and3A_487 : i1 to i32
      %cond3A_489 = arith.constant 0 : i32
      %cond3A_490 = arith.cmpi ne, %convert_element_type3A_488, %cond3A_489 : i32
      scf.if %cond3A_490 {
        %dma_start3A = arith.constant 2 : i32
        %dma_start3A_553 = arith.constant 0 : i32
        %dma_start3A_554 = arith.constant 0 : i32
        %dma_start3A_555 = tpu.memref_slice %arg11[%dma_start3A, %dma_start3A_553, %dma_start3A_554] : memref<4x64x128xf32, #tpu.memory_space<vmem>> -> memref<1x64x128xf32, #tpu.memory_space<vmem>>
        %dma_start3A_556 = tpu.memref_squeeze %dma_start3A_555 : memref<1x64x128xf32, #tpu.memory_space<vmem>> -> memref<64x128xf32, #tpu.memory_space<vmem>>
        %dma_start3A_557 = arith.constant 0 : i32
        %dma_start3A_558 = arith.constant 0 : i32
        %dma_start3A_559 = tpu.memref_slice %arg11[%dma_start3A, %dma_start3A_557, %dma_start3A_558] : memref<4x64x128xf32, #tpu.memory_space<vmem>> -> memref<1x64x128xf32, #tpu.memory_space<vmem>>
        %dma_start3A_560 = tpu.memref_squeeze %dma_start3A_559 : memref<1x64x128xf32, #tpu.memory_space<vmem>> -> memref<64x128xf32, #tpu.memory_space<vmem>>
        tpu.enqueue_dma source(%arg4 : memref<64x128xf32, #tpu.memory_space<hbm>>) target(%dma_start3A_560 : memref<64x128xf32, #tpu.memory_space<vmem>>) target_semaphore(%arg17 : memref<!tpu.dma_semaphore, #tpu.memory_space<semaphore_mem>>)
      } else {
      }
      %add3A_491 = arith.constant 3 : i32
      %add3A_492 = arith.addi %add3A_304, %add3A_491 : i32
      %sub3A_493 = arith.subi %add3A_492, %add3A_4 : i32
      %jit3A_494 = arith.constant 0 : i32
      %jit3A_495 = arith.constant 245 : i32
      %max3A_496 = arith.maxsi %jit3A_494, %sub3A_493 : i32
      %min3A_497 = arith.minsi %jit3A_495, %max3A_496 : i32
      %add3A_498 = arith.constant 1 : i32
      %add3A_499 = arith.addi %min3A_497, %add3A_498 : i32
      %get3A_500 = arith.index_cast %add3A_499 : i32 to index
      %get3A_501 = memref.load %arg13[%get3A_500] : memref<247xi32, #tpu.memory_space<smem>>
      %get3A_502 = arith.index_cast %min3A_497 : i32 to index
      %get3A_503 = memref.load %arg13[%get3A_502] : memref<247xi32, #tpu.memory_space<smem>>
      %gt3A_504 = arith.cmpi sgt, %get3A_501, %get3A_503 : i32
      %ge3A_505 = arith.constant 0 : i32
      %ge3A_506 = arith.cmpi sge, %sub3A_493, %ge3A_505 : i32
      %lt3A_507 = arith.cmpi slt, %sub3A_493, %add3A_7 : i32
      %and3A_508 = arith.andi %ge3A_506, %lt3A_507 : i1
      %and3A_509 = arith.andi %and3A_508, %gt3A_504 : i1
      %convert_element_type3A_510 = arith.extui %and3A_509 : i1 to i32
      %cond3A_511 = arith.constant 0 : i32
      %cond3A_512 = arith.cmpi ne, %convert_element_type3A_510, %cond3A_511 : i32
      scf.if %cond3A_512 {
        %dma_wait3A = arith.constant 3 : i32
        %dma_wait3A_553 = arith.constant 0 : i32
        %dma_wait3A_554 = arith.constant 0 : i32
        %dma_wait3A_555 = tpu.memref_slice %arg11[%dma_wait3A, %dma_wait3A_553, %dma_wait3A_554] : memref<4x64x128xf32, #tpu.memory_space<vmem>> -> memref<1x64x128xf32, #tpu.memory_space<vmem>>
        %dma_wait3A_556 = tpu.memref_squeeze %dma_wait3A_555 : memref<1x64x128xf32, #tpu.memory_space<vmem>> -> memref<64x128xf32, #tpu.memory_space<vmem>>
        %dma_wait3A_557 = arith.constant 0 : i32
        %dma_wait3A_558 = arith.constant 0 : i32
        %dma_wait3A_559 = tpu.memref_slice %arg3[%dma_wait3A_557, %dma_wait3A_558] : memref<64x1000000xf32, #tpu.memory_space<hbm>> -> memref<64x128xf32, #tpu.memory_space<hbm>>
        %dma_wait3A_560 = arith.constant 0 : i32
        %dma_wait3A_561 = arith.constant 0 : i32
        %dma_wait3A_562 = tpu.memref_slice %arg11[%dma_wait3A, %dma_wait3A_560, %dma_wait3A_561] : memref<4x64x128xf32, #tpu.memory_space<vmem>> -> memref<1x64x128xf32, #tpu.memory_space<vmem>>
        %dma_wait3A_563 = tpu.memref_squeeze %dma_wait3A_562 : memref<1x64x128xf32, #tpu.memory_space<vmem>> -> memref<64x128xf32, #tpu.memory_space<vmem>>
        %dma_wait3A_564 = arith.constant 0 : i32
        %dma_wait3A_565 = arith.constant 0 : i32
        %dma_wait3A_566 = tpu.memref_slice %arg3[%dma_wait3A_564, %dma_wait3A_565] : memref<64x1000000xf32, #tpu.memory_space<hbm>> -> memref<64x128xf32, #tpu.memory_space<hbm>>
        tpu.wait_dma2 semaphore(%arg18 : memref<!tpu.dma_semaphore, #tpu.memory_space<semaphore_mem>>) src(%dma_wait3A_566 : memref<64x128xf32, #tpu.memory_space<hbm>>) dst(%dma_wait3A_563 : memref<64x128xf32, #tpu.memory_space<vmem>>)
      } else {
      }
      %sub3A_513 = arith.subi %add3A_492, %add3A_4 : i32
      %ge3A_514 = arith.constant 0 : i32
      %ge3A_515 = arith.cmpi sge, %sub3A_513, %ge3A_514 : i32
      %lt3A_516 = arith.cmpi slt, %sub3A_513, %add3A_7 : i32
      %and3A_517 = arith.andi %ge3A_515, %lt3A_516 : i1
      %convert_element_type3A_518 = arith.extui %and3A_517 : i1 to i32
      %cond3A_519 = arith.constant 0 : i32
      %cond3A_520 = arith.cmpi ne, %convert_element_type3A_518, %cond3A_519 : i32
      %cond3A_521:2 = scf.if %cond3A_520 -> (i32, i32) {
        %get3A_553 = arith.index_cast %sub3A_513 : i32 to index
        %get3A_554 = memref.load %arg13[%get3A_553] : memref<247xi32, #tpu.memory_space<smem>>
        %add3A_555 = arith.constant 1 : i32
        %add3A_556 = arith.addi %sub3A_513, %add3A_555 : i32
        %get3A_557 = arith.index_cast %add3A_556 : i32 to index
        %get3A_558 = memref.load %arg13[%get3A_557] : memref<247xi32, #tpu.memory_space<smem>>
        %broadcast_in_dim3A_559 = arith.constant 3 : i32
        %broadcast_in_dim3A_560 = vector.broadcast %broadcast_in_dim3A_559 : i32 to vector<16xi32>
        %sub3A_561 = arith.subi %get3A_558, %get3A_554 : i32
        %while3A_562 = arith.constant 0 : i32
        %while3A_563 = arith.subi %sub3A_561, %while3A_562 : i32
        %while3A_564 = arith.addi %while3A_562, %while3A_563 : i32
        %while3A_565 = arith.constant 1 : i32
        %while3A_566 = arith.divsi %while3A_563, %while3A_565 : i32
        %while3A_567 = arith.muli %while3A_566, %while3A_565 : i32
        %while3A_568 = arith.addi %while3A_562, %while3A_567 : i32
        %while3A_569 = arith.constant 1 : i32
        %while3A_570:2 = scf.for %while3A_573 = %while3A_562 to %while3A_568 step %while3A_569 iter_args(%while3A_574 = %cond3A_459#0, %while3A_575 = %cond3A_459#1) -> (i32, i32)  : i32 {
          %add3A_576 = arith.addi %get3A_554, %while3A_573 : i32
          %broadcast_in_dim3A_577 = vector.broadcast %add3A_576 : i32 to vector<16xi32>
          %gather3A = tpu.vector_load_idx %arg9[%broadcast_in_dim3A_577] : memref<16400xi32, #tpu.memory_space<vmem>>[vector<16xi32>], vector<16xi32>,
          %slice3A = vector.extract_strided_slice %gather3A {offsets = [0], sizes = [1], strides = [1]} : vector<16xi32> to vector<1xi32>
          %squeeze3A = vector.extract %slice3A[0] : i32 from vector<1xi32>
          %gather3A_578 = tpu.vector_load_idx %arg10[%broadcast_in_dim3A_577] : memref<16400xi32, #tpu.memory_space<vmem>>[vector<16xi32>], vector<16xi32>,
          %slice3A_579 = vector.extract_strided_slice %gather3A_578 {offsets = [0], sizes = [1], strides = [1]} : vector<16xi32> to vector<1xi32>
          %squeeze3A_580 = vector.extract %slice3A_579[0] : i32 from vector<1xi32>
          %and3A_581 = arith.constant 127 : i32
          %and3A_582 = arith.andi %squeeze3A, %and3A_581 : i32
          %broadcast_in_dim3A_583 = vector.broadcast %and3A_582 : i32 to vector<16xi32>
          %rem3A_584 = arith.constant 64 : i32
          %rem3A_585 = arith.remsi %while3A_574, %rem3A_584 : i32
          %broadcast_in_dim3A_586 = vector.broadcast %rem3A_585 : i32 to vector<16xi32>
          %add3A_587 = arith.constant 0 : i32
          %add3A_588 = vector.broadcast %add3A_587 : i32 to vector<16xi32>
          %add3A_589 = arith.addi %add3A_588, %iota3A : vector<16xi32>
          %gather3A_590 = tpu.vector_load_idx %arg11[%broadcast_in_dim3A_560, %add3A_589, %broadcast_in_dim3A_583] : memref<4x64x128xf32, #tpu.memory_space<vmem>>[vector<16xi32>, vector<16xi32>, vector<16xi32>], vector<16xf32>,
          %add3A_591 = arith.constant 0 : i32
          %add3A_592 = vector.broadcast %add3A_591 : i32 to vector<16xi32>
          %add3A_593 = arith.addi %add3A_592, %iota3A : vector<16xi32>
          tpu.vector_store_idx %arg12[%broadcast_in_dim3A_586, %add3A_593], %gather3A_590 : memref<64x64xf32, #tpu.memory_space<vmem>>[vector<16xi32>, vector<16xi32>], vector<16xf32>,
          %add3A_594 = arith.constant 16 : i32
          %add3A_595 = vector.broadcast %add3A_594 : i32 to vector<16xi32>
          %add3A_596 = arith.addi %add3A_595, %iota3A : vector<16xi32>
          %gather3A_597 = tpu.vector_load_idx %arg11[%broadcast_in_dim3A_560, %add3A_596, %broadcast_in_dim3A_583] : memref<4x64x128xf32, #tpu.memory_space<vmem>>[vector<16xi32>, vector<16xi32>, vector<16xi32>], vector<16xf32>,
          %add3A_598 = arith.constant 16 : i32
          %add3A_599 = vector.broadcast %add3A_598 : i32 to vector<16xi32>
          %add3A_600 = arith.addi %add3A_599, %iota3A : vector<16xi32>
          tpu.vector_store_idx %arg12[%broadcast_in_dim3A_586, %add3A_600], %gather3A_597 : memref<64x64xf32, #tpu.memory_space<vmem>>[vector<16xi32>, vector<16xi32>], vector<16xf32>,
          %add3A_601 = arith.constant 32 : i32
          %add3A_602 = vector.broadcast %add3A_601 : i32 to vector<16xi32>
          %add3A_603 = arith.addi %add3A_602, %iota3A : vector<16xi32>
          %gather3A_604 = tpu.vector_load_idx %arg11[%broadcast_in_dim3A_560, %add3A_603, %broadcast_in_dim3A_583] : memref<4x64x128xf32, #tpu.memory_space<vmem>>[vector<16xi32>, vector<16xi32>, vector<16xi32>], vector<16xf32>,
          %add3A_605 = arith.constant 32 : i32
          %add3A_606 = vector.broadcast %add3A_605 : i32 to vector<16xi32>
          %add3A_607 = arith.addi %add3A_606, %iota3A : vector<16xi32>
          tpu.vector_store_idx %arg12[%broadcast_in_dim3A_586, %add3A_607], %gather3A_604 : memref<64x64xf32, #tpu.memory_space<vmem>>[vector<16xi32>, vector<16xi32>], vector<16xf32>,
          %add3A_608 = arith.constant 48 : i32
          %add3A_609 = vector.broadcast %add3A_608 : i32 to vector<16xi32>
          %add3A_610 = arith.addi %add3A_609, %iota3A : vector<16xi32>
          %gather3A_611 = tpu.vector_load_idx %arg11[%broadcast_in_dim3A_560, %add3A_610, %broadcast_in_dim3A_583] : memref<4x64x128xf32, #tpu.memory_space<vmem>>[vector<16xi32>, vector<16xi32>, vector<16xi32>], vector<16xf32>,
          %add3A_612 = arith.constant 48 : i32
          %add3A_613 = vector.broadcast %add3A_612 : i32 to vector<16xi32>
          %add3A_614 = arith.addi %add3A_613, %iota3A : vector<16xi32>
          tpu.vector_store_idx %arg12[%broadcast_in_dim3A_586, %add3A_614], %gather3A_611 : memref<64x64xf32, #tpu.memory_space<vmem>>[vector<16xi32>, vector<16xi32>], vector<16xf32>,
          %dma_start3A = arith.constant 0 : i32
          %dma_start3A_615 = tpu.memref_slice %arg12[%rem3A_585, %dma_start3A] : memref<64x64xf32, #tpu.memory_space<vmem>> -> memref<1x64xf32, #tpu.memory_space<vmem>>
          %dma_start3A_616 = arith.constant 0 : i32
          %dma_start3A_617 = tpu.memref_slice %arg5[%squeeze3A_580, %dma_start3A_616] : memref<16384x64xf32, #tpu.memory_space<hbm>> -> memref<1x64xf32, #tpu.memory_space<hbm>>
          %dma_start3A_618 = arith.constant 0 : i32
          %dma_start3A_619 = tpu.memref_slice %arg5[%squeeze3A_580, %dma_start3A_618] : memref<16384x64xf32, #tpu.memory_space<hbm>> -> memref<1x64xf32, #tpu.memory_space<hbm>>
          %dma_start3A_620 = arith.constant 0 : i32
          %dma_start3A_621 = tpu.memref_slice %arg12[%rem3A_585, %dma_start3A_620] : memref<64x64xf32, #tpu.memory_space<vmem>> -> memref<1x64xf32, #tpu.memory_space<vmem>>
          tpu.enqueue_dma source(%dma_start3A_621 : memref<1x64xf32, #tpu.memory_space<vmem>>) target(%dma_start3A_619 : memref<1x64xf32, #tpu.memory_space<hbm>>) target_semaphore(%arg19 : memref<!tpu.dma_semaphore, #tpu.memory_space<semaphore_mem>>)
          %add3A_622 = arith.constant 1 : i32
          %add3A_623 = arith.addi %while3A_575, %add3A_622 : i32
          %ge3A_624 = arith.constant 48 : i32
          %ge3A_625 = arith.cmpi sge, %add3A_623, %ge3A_624 : i32
          %convert_element_type3A_626 = arith.extui %ge3A_625 : i1 to i32
          %cond3A_627 = arith.constant 0 : i32
          %cond3A_628 = arith.cmpi ne, %convert_element_type3A_626, %cond3A_627 : i32
          %cond3A_629 = scf.if %cond3A_628 -> (i32) {
            %while3A_632 = arith.constant 0 : i32
            %while3A_633 = arith.constant 0 : i32
            %while3A_634 = arith.subi %add3A_623, %while3A_633 : i32
            %while3A_635 = arith.addi %while3A_633, %while3A_634 : i32
            %while3A_636 = arith.constant 1 : i32
            %while3A_637 = arith.divsi %while3A_634, %while3A_636 : i32
            %while3A_638 = arith.muli %while3A_637, %while3A_636 : i32
            %while3A_639 = arith.addi %while3A_633, %while3A_638 : i32
            %while3A_640 = arith.constant 1 : i32
            scf.for %while3A_643 = %while3A_633 to %while3A_639 step %while3A_640  : i32 {
              %dma_wait3A = arith.constant 0 : i32
              %dma_wait3A_644 = arith.constant 0 : i32
              %dma_wait3A_645 = tpu.memref_slice %arg12[%dma_wait3A, %dma_wait3A_644] : memref<64x64xf32, #tpu.memory_space<vmem>> -> memref<1x64xf32, #tpu.memory_space<vmem>>
              %dma_wait3A_646 = arith.constant 0 : i32
              %dma_wait3A_647 = arith.constant 0 : i32
              %dma_wait3A_648 = tpu.memref_slice %arg5[%dma_wait3A_646, %dma_wait3A_647] : memref<16384x64xf32, #tpu.memory_space<hbm>> -> memref<1x64xf32, #tpu.memory_space<hbm>>
              %dma_wait3A_649 = arith.constant 0 : i32
              %dma_wait3A_650 = arith.constant 0 : i32
              %dma_wait3A_651 = tpu.memref_slice %arg5[%dma_wait3A_649, %dma_wait3A_650] : memref<16384x64xf32, #tpu.memory_space<hbm>> -> memref<1x64xf32, #tpu.memory_space<hbm>>
              %dma_wait3A_652 = arith.constant 0 : i32
              %dma_wait3A_653 = arith.constant 0 : i32
              %dma_wait3A_654 = tpu.memref_slice %arg12[%dma_wait3A_652, %dma_wait3A_653] : memref<64x64xf32, #tpu.memory_space<vmem>> -> memref<1x64xf32, #tpu.memory_space<vmem>>
              tpu.wait_dma2 semaphore(%arg19 : memref<!tpu.dma_semaphore, #tpu.memory_space<semaphore_mem>>) src(%dma_wait3A_654 : memref<1x64xf32, #tpu.memory_space<vmem>>) dst(%dma_wait3A_651 : memref<1x64xf32, #tpu.memory_space<hbm>>)
            }
            %while3A_641 = arith.constant 1 : i32
            scf.for %while3A_643 = %while3A_639 to %while3A_635 step %while3A_641  : i32 {
              %dma_wait3A = arith.constant 0 : i32
              %dma_wait3A_644 = arith.constant 0 : i32
              %dma_wait3A_645 = tpu.memref_slice %arg12[%dma_wait3A, %dma_wait3A_644] : memref<64x64xf32, #tpu.memory_space<vmem>> -> memref<1x64xf32, #tpu.memory_space<vmem>>
              %dma_wait3A_646 = arith.constant 0 : i32
              %dma_wait3A_647 = arith.constant 0 : i32
              %dma_wait3A_648 = tpu.memref_slice %arg5[%dma_wait3A_646, %dma_wait3A_647] : memref<16384x64xf32, #tpu.memory_space<hbm>> -> memref<1x64xf32, #tpu.memory_space<hbm>>
              %dma_wait3A_649 = arith.constant 0 : i32
              %dma_wait3A_650 = arith.constant 0 : i32
              %dma_wait3A_651 = tpu.memref_slice %arg5[%dma_wait3A_649, %dma_wait3A_650] : memref<16384x64xf32, #tpu.memory_space<hbm>> -> memref<1x64xf32, #tpu.memory_space<hbm>>
              %dma_wait3A_652 = arith.constant 0 : i32
              %dma_wait3A_653 = arith.constant 0 : i32
              %dma_wait3A_654 = tpu.memref_slice %arg12[%dma_wait3A_652, %dma_wait3A_653] : memref<64x64xf32, #tpu.memory_space<vmem>> -> memref<1x64xf32, #tpu.memory_space<vmem>>
              tpu.wait_dma2 semaphore(%arg19 : memref<!tpu.dma_semaphore, #tpu.memory_space<semaphore_mem>>) src(%dma_wait3A_654 : memref<1x64xf32, #tpu.memory_space<vmem>>) dst(%dma_wait3A_651 : memref<1x64xf32, #tpu.memory_space<hbm>>)
            }
            %cond3A_642 = arith.constant 0 : i32
            scf.yield %cond3A_642 : i32
          } else {
            scf.yield %add3A_623 : i32
          }
          %add3A_630 = arith.constant 1 : i32
          %add3A_631 = arith.addi %while3A_574, %add3A_630 : i32
          scf.yield %add3A_631, %cond3A_629 : i32, i32
        }
        %while3A_571 = arith.constant 1 : i32
        %while3A_572:2 = scf.for %while3A_573 = %while3A_568 to %while3A_564 step %while3A_571 iter_args(%while3A_574 = %while3A_570#0, %while3A_575 = %while3A_570#1) -> (i32, i32)  : i32 {
          %add3A_576 = arith.addi %get3A_554, %while3A_573 : i32
          %broadcast_in_dim3A_577 = vector.broadcast %add3A_576 : i32 to vector<16xi32>
          %gather3A = tpu.vector_load_idx %arg9[%broadcast_in_dim3A_577] : memref<16400xi32, #tpu.memory_space<vmem>>[vector<16xi32>], vector<16xi32>,
          %slice3A = vector.extract_strided_slice %gather3A {offsets = [0], sizes = [1], strides = [1]} : vector<16xi32> to vector<1xi32>
          %squeeze3A = vector.extract %slice3A[0] : i32 from vector<1xi32>
          %gather3A_578 = tpu.vector_load_idx %arg10[%broadcast_in_dim3A_577] : memref<16400xi32, #tpu.memory_space<vmem>>[vector<16xi32>], vector<16xi32>,
          %slice3A_579 = vector.extract_strided_slice %gather3A_578 {offsets = [0], sizes = [1], strides = [1]} : vector<16xi32> to vector<1xi32>
          %squeeze3A_580 = vector.extract %slice3A_579[0] : i32 from vector<1xi32>
          %and3A_581 = arith.constant 127 : i32
          %and3A_582 = arith.andi %squeeze3A, %and3A_581 : i32
          %broadcast_in_dim3A_583 = vector.broadcast %and3A_582 : i32 to vector<16xi32>
          %rem3A_584 = arith.constant 64 : i32
          %rem3A_585 = arith.remsi %while3A_574, %rem3A_584 : i32
          %broadcast_in_dim3A_586 = vector.broadcast %rem3A_585 : i32 to vector<16xi32>
          %add3A_587 = arith.constant 0 : i32
          %add3A_588 = vector.broadcast %add3A_587 : i32 to vector<16xi32>
          %add3A_589 = arith.addi %add3A_588, %iota3A : vector<16xi32>
          %gather3A_590 = tpu.vector_load_idx %arg11[%broadcast_in_dim3A_560, %add3A_589, %broadcast_in_dim3A_583] : memref<4x64x128xf32, #tpu.memory_space<vmem>>[vector<16xi32>, vector<16xi32>, vector<16xi32>], vector<16xf32>,
          %add3A_591 = arith.constant 0 : i32
          %add3A_592 = vector.broadcast %add3A_591 : i32 to vector<16xi32>
          %add3A_593 = arith.addi %add3A_592, %iota3A : vector<16xi32>
          tpu.vector_store_idx %arg12[%broadcast_in_dim3A_586, %add3A_593], %gather3A_590 : memref<64x64xf32, #tpu.memory_space<vmem>>[vector<16xi32>, vector<16xi32>], vector<16xf32>,
          %add3A_594 = arith.constant 16 : i32
          %add3A_595 = vector.broadcast %add3A_594 : i32 to vector<16xi32>
          %add3A_596 = arith.addi %add3A_595, %iota3A : vector<16xi32>
          %gather3A_597 = tpu.vector_load_idx %arg11[%broadcast_in_dim3A_560, %add3A_596, %broadcast_in_dim3A_583] : memref<4x64x128xf32, #tpu.memory_space<vmem>>[vector<16xi32>, vector<16xi32>, vector<16xi32>], vector<16xf32>,
          %add3A_598 = arith.constant 16 : i32
          %add3A_599 = vector.broadcast %add3A_598 : i32 to vector<16xi32>
          %add3A_600 = arith.addi %add3A_599, %iota3A : vector<16xi32>
          tpu.vector_store_idx %arg12[%broadcast_in_dim3A_586, %add3A_600], %gather3A_597 : memref<64x64xf32, #tpu.memory_space<vmem>>[vector<16xi32>, vector<16xi32>], vector<16xf32>,
          %add3A_601 = arith.constant 32 : i32
          %add3A_602 = vector.broadcast %add3A_601 : i32 to vector<16xi32>
          %add3A_603 = arith.addi %add3A_602, %iota3A : vector<16xi32>
          %gather3A_604 = tpu.vector_load_idx %arg11[%broadcast_in_dim3A_560, %add3A_603, %broadcast_in_dim3A_583] : memref<4x64x128xf32, #tpu.memory_space<vmem>>[vector<16xi32>, vector<16xi32>, vector<16xi32>], vector<16xf32>,
          %add3A_605 = arith.constant 32 : i32
          %add3A_606 = vector.broadcast %add3A_605 : i32 to vector<16xi32>
          %add3A_607 = arith.addi %add3A_606, %iota3A : vector<16xi32>
          tpu.vector_store_idx %arg12[%broadcast_in_dim3A_586, %add3A_607], %gather3A_604 : memref<64x64xf32, #tpu.memory_space<vmem>>[vector<16xi32>, vector<16xi32>], vector<16xf32>,
          %add3A_608 = arith.constant 48 : i32
          %add3A_609 = vector.broadcast %add3A_608 : i32 to vector<16xi32>
          %add3A_610 = arith.addi %add3A_609, %iota3A : vector<16xi32>
          %gather3A_611 = tpu.vector_load_idx %arg11[%broadcast_in_dim3A_560, %add3A_610, %broadcast_in_dim3A_583] : memref<4x64x128xf32, #tpu.memory_space<vmem>>[vector<16xi32>, vector<16xi32>, vector<16xi32>], vector<16xf32>,
          %add3A_612 = arith.constant 48 : i32
          %add3A_613 = vector.broadcast %add3A_612 : i32 to vector<16xi32>
          %add3A_614 = arith.addi %add3A_613, %iota3A : vector<16xi32>
          tpu.vector_store_idx %arg12[%broadcast_in_dim3A_586, %add3A_614], %gather3A_611 : memref<64x64xf32, #tpu.memory_space<vmem>>[vector<16xi32>, vector<16xi32>], vector<16xf32>,
          %dma_start3A = arith.constant 0 : i32
          %dma_start3A_615 = tpu.memref_slice %arg12[%rem3A_585, %dma_start3A] : memref<64x64xf32, #tpu.memory_space<vmem>> -> memref<1x64xf32, #tpu.memory_space<vmem>>
          %dma_start3A_616 = arith.constant 0 : i32
          %dma_start3A_617 = tpu.memref_slice %arg5[%squeeze3A_580, %dma_start3A_616] : memref<16384x64xf32, #tpu.memory_space<hbm>> -> memref<1x64xf32, #tpu.memory_space<hbm>>
          %dma_start3A_618 = arith.constant 0 : i32
          %dma_start3A_619 = tpu.memref_slice %arg5[%squeeze3A_580, %dma_start3A_618] : memref<16384x64xf32, #tpu.memory_space<hbm>> -> memref<1x64xf32, #tpu.memory_space<hbm>>
          %dma_start3A_620 = arith.constant 0 : i32
          %dma_start3A_621 = tpu.memref_slice %arg12[%rem3A_585, %dma_start3A_620] : memref<64x64xf32, #tpu.memory_space<vmem>> -> memref<1x64xf32, #tpu.memory_space<vmem>>
          tpu.enqueue_dma source(%dma_start3A_621 : memref<1x64xf32, #tpu.memory_space<vmem>>) target(%dma_start3A_619 : memref<1x64xf32, #tpu.memory_space<hbm>>) target_semaphore(%arg19 : memref<!tpu.dma_semaphore, #tpu.memory_space<semaphore_mem>>)
          %add3A_622 = arith.constant 1 : i32
          %add3A_623 = arith.addi %while3A_575, %add3A_622 : i32
          %ge3A_624 = arith.constant 48 : i32
          %ge3A_625 = arith.cmpi sge, %add3A_623, %ge3A_624 : i32
          %convert_element_type3A_626 = arith.extui %ge3A_625 : i1 to i32
          %cond3A_627 = arith.constant 0 : i32
          %cond3A_628 = arith.cmpi ne, %convert_element_type3A_626, %cond3A_627 : i32
          %cond3A_629 = scf.if %cond3A_628 -> (i32) {
            %while3A_632 = arith.constant 0 : i32
            %while3A_633 = arith.constant 0 : i32
            %while3A_634 = arith.subi %add3A_623, %while3A_633 : i32
            %while3A_635 = arith.addi %while3A_633, %while3A_634 : i32
            %while3A_636 = arith.constant 1 : i32
            %while3A_637 = arith.divsi %while3A_634, %while3A_636 : i32
            %while3A_638 = arith.muli %while3A_637, %while3A_636 : i32
            %while3A_639 = arith.addi %while3A_633, %while3A_638 : i32
            %while3A_640 = arith.constant 1 : i32
            scf.for %while3A_643 = %while3A_633 to %while3A_639 step %while3A_640  : i32 {
              %dma_wait3A = arith.constant 0 : i32
              %dma_wait3A_644 = arith.constant 0 : i32
              %dma_wait3A_645 = tpu.memref_slice %arg12[%dma_wait3A, %dma_wait3A_644] : memref<64x64xf32, #tpu.memory_space<vmem>> -> memref<1x64xf32, #tpu.memory_space<vmem>>
              %dma_wait3A_646 = arith.constant 0 : i32
              %dma_wait3A_647 = arith.constant 0 : i32
              %dma_wait3A_648 = tpu.memref_slice %arg5[%dma_wait3A_646, %dma_wait3A_647] : memref<16384x64xf32, #tpu.memory_space<hbm>> -> memref<1x64xf32, #tpu.memory_space<hbm>>
              %dma_wait3A_649 = arith.constant 0 : i32
              %dma_wait3A_650 = arith.constant 0 : i32
              %dma_wait3A_651 = tpu.memref_slice %arg5[%dma_wait3A_649, %dma_wait3A_650] : memref<16384x64xf32, #tpu.memory_space<hbm>> -> memref<1x64xf32, #tpu.memory_space<hbm>>
              %dma_wait3A_652 = arith.constant 0 : i32
              %dma_wait3A_653 = arith.constant 0 : i32
              %dma_wait3A_654 = tpu.memref_slice %arg12[%dma_wait3A_652, %dma_wait3A_653] : memref<64x64xf32, #tpu.memory_space<vmem>> -> memref<1x64xf32, #tpu.memory_space<vmem>>
              tpu.wait_dma2 semaphore(%arg19 : memref<!tpu.dma_semaphore, #tpu.memory_space<semaphore_mem>>) src(%dma_wait3A_654 : memref<1x64xf32, #tpu.memory_space<vmem>>) dst(%dma_wait3A_651 : memref<1x64xf32, #tpu.memory_space<hbm>>)
            }
            %while3A_641 = arith.constant 1 : i32
            scf.for %while3A_643 = %while3A_639 to %while3A_635 step %while3A_641  : i32 {
              %dma_wait3A = arith.constant 0 : i32
              %dma_wait3A_644 = arith.constant 0 : i32
              %dma_wait3A_645 = tpu.memref_slice %arg12[%dma_wait3A, %dma_wait3A_644] : memref<64x64xf32, #tpu.memory_space<vmem>> -> memref<1x64xf32, #tpu.memory_space<vmem>>
              %dma_wait3A_646 = arith.constant 0 : i32
              %dma_wait3A_647 = arith.constant 0 : i32
              %dma_wait3A_648 = tpu.memref_slice %arg5[%dma_wait3A_646, %dma_wait3A_647] : memref<16384x64xf32, #tpu.memory_space<hbm>> -> memref<1x64xf32, #tpu.memory_space<hbm>>
              %dma_wait3A_649 = arith.constant 0 : i32
              %dma_wait3A_650 = arith.constant 0 : i32
              %dma_wait3A_651 = tpu.memref_slice %arg5[%dma_wait3A_649, %dma_wait3A_650] : memref<16384x64xf32, #tpu.memory_space<hbm>> -> memref<1x64xf32, #tpu.memory_space<hbm>>
              %dma_wait3A_652 = arith.constant 0 : i32
              %dma_wait3A_653 = arith.constant 0 : i32
              %dma_wait3A_654 = tpu.memref_slice %arg12[%dma_wait3A_652, %dma_wait3A_653] : memref<64x64xf32, #tpu.memory_space<vmem>> -> memref<1x64xf32, #tpu.memory_space<vmem>>
              tpu.wait_dma2 semaphore(%arg19 : memref<!tpu.dma_semaphore, #tpu.memory_space<semaphore_mem>>) src(%dma_wait3A_654 : memref<1x64xf32, #tpu.memory_space<vmem>>) dst(%dma_wait3A_651 : memref<1x64xf32, #tpu.memory_space<hbm>>)
            }
            %cond3A_642 = arith.constant 0 : i32
            scf.yield %cond3A_642 : i32
          } else {
            scf.yield %add3A_623 : i32
          }
          %add3A_630 = arith.constant 1 : i32
          %add3A_631 = arith.addi %while3A_574, %add3A_630 : i32
          scf.yield %add3A_631, %cond3A_629 : i32, i32
        }
        scf.yield %while3A_572#0, %while3A_572#1 : i32, i32
      } else {
        scf.yield %cond3A_459#0, %cond3A_459#1 : i32, i32
      }
      %add3A_522 = arith.constant 4 : i32
      %add3A_523 = arith.addi %add3A_492, %add3A_522 : i32
      %sub3A_524 = arith.subi %add3A_523, %add3A_4 : i32
      %jit3A_525 = arith.constant 0 : i32
      %jit3A_526 = arith.constant 245 : i32
      %max3A_527 = arith.maxsi %jit3A_525, %sub3A_524 : i32
      %min3A_528 = arith.minsi %jit3A_526, %max3A_527 : i32
      %add3A_529 = arith.constant 1 : i32
      %add3A_530 = arith.addi %min3A_528, %add3A_529 : i32
      %get3A_531 = arith.index_cast %add3A_530 : i32 to index
      %get3A_532 = memref.load %arg13[%get3A_531] : memref<247xi32, #tpu.memory_space<smem>>
      %get3A_533 = arith.index_cast %min3A_528 : i32 to index
      %get3A_534 = memref.load %arg13[%get3A_533] : memref<247xi32, #tpu.memory_space<smem>>
      %gt3A_535 = arith.cmpi sgt, %get3A_532, %get3A_534 : i32
      %ge3A_536 = arith.constant 0 : i32
      %ge3A_537 = arith.cmpi sge, %sub3A_524, %ge3A_536 : i32
      %lt3A_538 = arith.cmpi slt, %sub3A_524, %add3A_7 : i32
      %and3A_539 = arith.andi %ge3A_537, %lt3A_538 : i1
      %and3A_540 = arith.andi %and3A_539, %gt3A_535 : i1
      %lt3A_541 = arith.constant 7812 : i32
      %lt3A_542 = arith.cmpi slt, %add3A_523, %lt3A_541 : i32
      %and3A_543 = arith.andi %and3A_540, %lt3A_542 : i1
      %convert_element_type3A_544 = arith.extui %and3A_543 : i1 to i32
      %cond3A_545 = arith.constant 0 : i32
      %cond3A_546 = arith.cmpi ne, %convert_element_type3A_544, %cond3A_545 : i32
      scf.if %cond3A_546 {
        %mul3A_553 = arith.constant 128 : i32
        %mul3A_554 = arith.muli %add3A_523, %mul3A_553 : i32
        %multiple_of3A = tpu.assume_multiple %mul3A_554, 128 : i32
        %dma_start3A = arith.constant 3 : i32
        %dma_start3A_555 = arith.constant 0 : i32
        %dma_start3A_556 = arith.constant 0 : i32
        %dma_start3A_557 = tpu.memref_slice %arg11[%dma_start3A, %dma_start3A_555, %dma_start3A_556] : memref<4x64x128xf32, #tpu.memory_space<vmem>> -> memref<1x64x128xf32, #tpu.memory_space<vmem>>
        %dma_start3A_558 = tpu.memref_squeeze %dma_start3A_557 : memref<1x64x128xf32, #tpu.memory_space<vmem>> -> memref<64x128xf32, #tpu.memory_space<vmem>>
        %dma_start3A_559 = arith.constant 0 : i32
        %dma_start3A_560 = tpu.memref_slice %arg3[%dma_start3A_559, %multiple_of3A] : memref<64x1000000xf32, #tpu.memory_space<hbm>> -> memref<64x128xf32, #tpu.memory_space<hbm>>
        %dma_start3A_561 = arith.constant 0 : i32
        %dma_start3A_562 = arith.constant 0 : i32
        %dma_start3A_563 = tpu.memref_slice %arg11[%dma_start3A, %dma_start3A_561, %dma_start3A_562] : memref<4x64x128xf32, #tpu.memory_space<vmem>> -> memref<1x64x128xf32, #tpu.memory_space<vmem>>
        %dma_start3A_564 = tpu.memref_squeeze %dma_start3A_563 : memref<1x64x128xf32, #tpu.memory_space<vmem>> -> memref<64x128xf32, #tpu.memory_space<vmem>>
        %dma_start3A_565 = arith.constant 0 : i32
        %dma_start3A_566 = tpu.memref_slice %arg3[%dma_start3A_565, %multiple_of3A] : memref<64x1000000xf32, #tpu.memory_space<hbm>> -> memref<64x128xf32, #tpu.memory_space<hbm>>
        tpu.enqueue_dma source(%dma_start3A_566 : memref<64x128xf32, #tpu.memory_space<hbm>>) target(%dma_start3A_564 : memref<64x128xf32, #tpu.memory_space<vmem>>) target_semaphore(%arg18 : memref<!tpu.dma_semaphore, #tpu.memory_space<semaphore_mem>>)
      } else {
      }
      %eq3A_547 = arith.constant 7812 : i32
      %eq3A_548 = arith.cmpi eq, %add3A_523, %eq3A_547 : i32
      %and3A_549 = arith.andi %and3A_540, %eq3A_548 : i1
      %convert_element_type3A_550 = arith.extui %and3A_549 : i1 to i32
      %cond3A_551 = arith.constant 0 : i32
      %cond3A_552 = arith.cmpi ne, %convert_element_type3A_550, %cond3A_551 : i32
      scf.if %cond3A_552 {
        %dma_start3A = arith.constant 3 : i32
        %dma_start3A_553 = arith.constant 0 : i32
        %dma_start3A_554 = arith.constant 0 : i32
        %dma_start3A_555 = tpu.memref_slice %arg11[%dma_start3A, %dma_start3A_553, %dma_start3A_554] : memref<4x64x128xf32, #tpu.memory_space<vmem>> -> memref<1x64x128xf32, #tpu.memory_space<vmem>>
        %dma_start3A_556 = tpu.memref_squeeze %dma_start3A_555 : memref<1x64x128xf32, #tpu.memory_space<vmem>> -> memref<64x128xf32, #tpu.memory_space<vmem>>
        %dma_start3A_557 = arith.constant 0 : i32
        %dma_start3A_558 = arith.constant 0 : i32
        %dma_start3A_559 = tpu.memref_slice %arg11[%dma_start3A, %dma_start3A_557, %dma_start3A_558] : memref<4x64x128xf32, #tpu.memory_space<vmem>> -> memref<1x64x128xf32, #tpu.memory_space<vmem>>
        %dma_start3A_560 = tpu.memref_squeeze %dma_start3A_559 : memref<1x64x128xf32, #tpu.memory_space<vmem>> -> memref<64x128xf32, #tpu.memory_space<vmem>>
        tpu.enqueue_dma source(%arg4 : memref<64x128xf32, #tpu.memory_space<hbm>>) target(%dma_start3A_560 : memref<64x128xf32, #tpu.memory_space<vmem>>) target_semaphore(%arg18 : memref<!tpu.dma_semaphore, #tpu.memory_space<semaphore_mem>>)
      } else {
      }
      scf.yield %cond3A_521#0, %cond3A_521#1 : i32, i32
    }
    %scan3A_192 = arith.constant 62 : i32
    %add3A_193 = arith.constant 248 : i32
    %add3A_194 = arith.addi %add3A_4, %add3A_193 : i32
    %add3A_195 = arith.constant 0 : i32
    %add3A_196 = arith.addi %add3A_194, %add3A_195 : i32
    %sub3A_197 = arith.subi %add3A_196, %add3A_4 : i32
    %jit3A_198 = arith.constant 0 : i32
    %jit3A_199 = arith.constant 245 : i32
    %max3A_200 = arith.maxsi %jit3A_198, %sub3A_197 : i32
    %min3A_201 = arith.minsi %jit3A_199, %max3A_200 : i32
    %add3A_202 = arith.constant 1 : i32
    %add3A_203 = arith.addi %min3A_201, %add3A_202 : i32
    %get3A_204 = arith.index_cast %add3A_203 : i32 to index
    %get3A_205 = memref.load %arg13[%get3A_204] : memref<247xi32, #tpu.memory_space<smem>>
    %get3A_206 = arith.index_cast %min3A_201 : i32 to index
    %get3A_207 = memref.load %arg13[%get3A_206] : memref<247xi32, #tpu.memory_space<smem>>
    %gt3A_208 = arith.cmpi sgt, %get3A_205, %get3A_207 : i32
    %ge3A_209 = arith.constant 0 : i32
    %ge3A_210 = arith.cmpi sge, %sub3A_197, %ge3A_209 : i32
    %lt3A_211 = arith.cmpi slt, %sub3A_197, %add3A_7 : i32
    %and3A_212 = arith.andi %ge3A_210, %lt3A_211 : i1
    %and3A_213 = arith.andi %and3A_212, %gt3A_208 : i1
    %convert_element_type3A_214 = arith.extui %and3A_213 : i1 to i32
    %cond3A_215 = arith.constant 0 : i32
    %cond3A_216 = arith.cmpi ne, %convert_element_type3A_214, %cond3A_215 : i32
    scf.if %cond3A_216 {
      %dma_wait3A = arith.constant 0 : i32
      %dma_wait3A_299 = arith.constant 0 : i32
      %dma_wait3A_300 = arith.constant 0 : i32
      %dma_wait3A_301 = tpu.memref_slice %arg11[%dma_wait3A, %dma_wait3A_299, %dma_wait3A_300] : memref<4x64x128xf32, #tpu.memory_space<vmem>> -> memref<1x64x128xf32, #tpu.memory_space<vmem>>
      %dma_wait3A_302 = tpu.memref_squeeze %dma_wait3A_301 : memref<1x64x128xf32, #tpu.memory_space<vmem>> -> memref<64x128xf32, #tpu.memory_space<vmem>>
      %dma_wait3A_303 = arith.constant 0 : i32
      %dma_wait3A_304 = arith.constant 0 : i32
      %dma_wait3A_305 = tpu.memref_slice %arg3[%dma_wait3A_303, %dma_wait3A_304] : memref<64x1000000xf32, #tpu.memory_space<hbm>> -> memref<64x128xf32, #tpu.memory_space<hbm>>
      %dma_wait3A_306 = arith.constant 0 : i32
      %dma_wait3A_307 = arith.constant 0 : i32
      %dma_wait3A_308 = tpu.memref_slice %arg11[%dma_wait3A, %dma_wait3A_306, %dma_wait3A_307] : memref<4x64x128xf32, #tpu.memory_space<vmem>> -> memref<1x64x128xf32, #tpu.memory_space<vmem>>
      %dma_wait3A_309 = tpu.memref_squeeze %dma_wait3A_308 : memref<1x64x128xf32, #tpu.memory_space<vmem>> -> memref<64x128xf32, #tpu.memory_space<vmem>>
      %dma_wait3A_310 = arith.constant 0 : i32
      %dma_wait3A_311 = arith.constant 0 : i32
      %dma_wait3A_312 = tpu.memref_slice %arg3[%dma_wait3A_310, %dma_wait3A_311] : memref<64x1000000xf32, #tpu.memory_space<hbm>> -> memref<64x128xf32, #tpu.memory_space<hbm>>
      tpu.wait_dma2 semaphore(%arg15 : memref<!tpu.dma_semaphore, #tpu.memory_space<semaphore_mem>>) src(%dma_wait3A_312 : memref<64x128xf32, #tpu.memory_space<hbm>>) dst(%dma_wait3A_309 : memref<64x128xf32, #tpu.memory_space<vmem>>)
    } else {
    }
    %add3A_217 = arith.constant 248 : i32
    %add3A_218 = arith.addi %add3A_4, %add3A_217 : i32
    %add3A_219 = arith.constant 1 : i32
    %add3A_220 = arith.addi %add3A_218, %add3A_219 : i32
    %sub3A_221 = arith.subi %add3A_220, %add3A_4 : i32
    %jit3A_222 = arith.constant 0 : i32
    %jit3A_223 = arith.constant 245 : i32
    %max3A_224 = arith.maxsi %jit3A_222, %sub3A_221 : i32
    %min3A_225 = arith.minsi %jit3A_223, %max3A_224 : i32
    %add3A_226 = arith.constant 1 : i32
    %add3A_227 = arith.addi %min3A_225, %add3A_226 : i32
    %get3A_228 = arith.index_cast %add3A_227 : i32 to index
    %get3A_229 = memref.load %arg13[%get3A_228] : memref<247xi32, #tpu.memory_space<smem>>
    %get3A_230 = arith.index_cast %min3A_225 : i32 to index
    %get3A_231 = memref.load %arg13[%get3A_230] : memref<247xi32, #tpu.memory_space<smem>>
    %gt3A_232 = arith.cmpi sgt, %get3A_229, %get3A_231 : i32
    %ge3A_233 = arith.constant 0 : i32
    %ge3A_234 = arith.cmpi sge, %sub3A_221, %ge3A_233 : i32
    %lt3A_235 = arith.cmpi slt, %sub3A_221, %add3A_7 : i32
    %and3A_236 = arith.andi %ge3A_234, %lt3A_235 : i1
    %and3A_237 = arith.andi %and3A_236, %gt3A_232 : i1
    %convert_element_type3A_238 = arith.extui %and3A_237 : i1 to i32
    %cond3A_239 = arith.constant 0 : i32
    %cond3A_240 = arith.cmpi ne, %convert_element_type3A_238, %cond3A_239 : i32
    scf.if %cond3A_240 {
      %dma_wait3A = arith.constant 1 : i32
      %dma_wait3A_299 = arith.constant 0 : i32
      %dma_wait3A_300 = arith.constant 0 : i32
      %dma_wait3A_301 = tpu.memref_slice %arg11[%dma_wait3A, %dma_wait3A_299, %dma_wait3A_300] : memref<4x64x128xf32, #tpu.memory_space<vmem>> -> memref<1x64x128xf32, #tpu.memory_space<vmem>>
      %dma_wait3A_302 = tpu.memref_squeeze %dma_wait3A_301 : memref<1x64x128xf32, #tpu.memory_space<vmem>> -> memref<64x128xf32, #tpu.memory_space<vmem>>
      %dma_wait3A_303 = arith.constant 0 : i32
      %dma_wait3A_304 = arith.constant 0 : i32
      %dma_wait3A_305 = tpu.memref_slice %arg3[%dma_wait3A_303, %dma_wait3A_304] : memref<64x1000000xf32, #tpu.memory_space<hbm>> -> memref<64x128xf32, #tpu.memory_space<hbm>>
      %dma_wait3A_306 = arith.constant 0 : i32
      %dma_wait3A_307 = arith.constant 0 : i32
      %dma_wait3A_308 = tpu.memref_slice %arg11[%dma_wait3A, %dma_wait3A_306, %dma_wait3A_307] : memref<4x64x128xf32, #tpu.memory_space<vmem>> -> memref<1x64x128xf32, #tpu.memory_space<vmem>>
      %dma_wait3A_309 = tpu.memref_squeeze %dma_wait3A_308 : memref<1x64x128xf32, #tpu.memory_space<vmem>> -> memref<64x128xf32, #tpu.memory_space<vmem>>
      %dma_wait3A_310 = arith.constant 0 : i32
      %dma_wait3A_311 = arith.constant 0 : i32
      %dma_wait3A_312 = tpu.memref_slice %arg3[%dma_wait3A_310, %dma_wait3A_311] : memref<64x1000000xf32, #tpu.memory_space<hbm>> -> memref<64x128xf32, #tpu.memory_space<hbm>>
      tpu.wait_dma2 semaphore(%arg16 : memref<!tpu.dma_semaphore, #tpu.memory_space<semaphore_mem>>) src(%dma_wait3A_312 : memref<64x128xf32, #tpu.memory_space<hbm>>) dst(%dma_wait3A_309 : memref<64x128xf32, #tpu.memory_space<vmem>>)
    } else {
    }
    %add3A_241 = arith.constant 248 : i32
    %add3A_242 = arith.addi %add3A_4, %add3A_241 : i32
    %add3A_243 = arith.constant 2 : i32
    %add3A_244 = arith.addi %add3A_242, %add3A_243 : i32
    %sub3A_245 = arith.subi %add3A_244, %add3A_4 : i32
    %jit3A_246 = arith.constant 0 : i32
    %jit3A_247 = arith.constant 245 : i32
    %max3A_248 = arith.maxsi %jit3A_246, %sub3A_245 : i32
    %min3A_249 = arith.minsi %jit3A_247, %max3A_248 : i32
    %add3A_250 = arith.constant 1 : i32
    %add3A_251 = arith.addi %min3A_249, %add3A_250 : i32
    %get3A_252 = arith.index_cast %add3A_251 : i32 to index
    %get3A_253 = memref.load %arg13[%get3A_252] : memref<247xi32, #tpu.memory_space<smem>>
    %get3A_254 = arith.index_cast %min3A_249 : i32 to index
    %get3A_255 = memref.load %arg13[%get3A_254] : memref<247xi32, #tpu.memory_space<smem>>
    %gt3A_256 = arith.cmpi sgt, %get3A_253, %get3A_255 : i32
    %ge3A_257 = arith.constant 0 : i32
    %ge3A_258 = arith.cmpi sge, %sub3A_245, %ge3A_257 : i32
    %lt3A_259 = arith.cmpi slt, %sub3A_245, %add3A_7 : i32
    %and3A_260 = arith.andi %ge3A_258, %lt3A_259 : i1
    %and3A_261 = arith.andi %and3A_260, %gt3A_256 : i1
    %convert_element_type3A_262 = arith.extui %and3A_261 : i1 to i32
    %cond3A_263 = arith.constant 0 : i32
    %cond3A_264 = arith.cmpi ne, %convert_element_type3A_262, %cond3A_263 : i32
    scf.if %cond3A_264 {
      %dma_wait3A = arith.constant 2 : i32
      %dma_wait3A_299 = arith.constant 0 : i32
      %dma_wait3A_300 = arith.constant 0 : i32
      %dma_wait3A_301 = tpu.memref_slice %arg11[%dma_wait3A, %dma_wait3A_299, %dma_wait3A_300] : memref<4x64x128xf32, #tpu.memory_space<vmem>> -> memref<1x64x128xf32, #tpu.memory_space<vmem>>
      %dma_wait3A_302 = tpu.memref_squeeze %dma_wait3A_301 : memref<1x64x128xf32, #tpu.memory_space<vmem>> -> memref<64x128xf32, #tpu.memory_space<vmem>>
      %dma_wait3A_303 = arith.constant 0 : i32
      %dma_wait3A_304 = arith.constant 0 : i32
      %dma_wait3A_305 = tpu.memref_slice %arg3[%dma_wait3A_303, %dma_wait3A_304] : memref<64x1000000xf32, #tpu.memory_space<hbm>> -> memref<64x128xf32, #tpu.memory_space<hbm>>
      %dma_wait3A_306 = arith.constant 0 : i32
      %dma_wait3A_307 = arith.constant 0 : i32
      %dma_wait3A_308 = tpu.memref_slice %arg11[%dma_wait3A, %dma_wait3A_306, %dma_wait3A_307] : memref<4x64x128xf32, #tpu.memory_space<vmem>> -> memref<1x64x128xf32, #tpu.memory_space<vmem>>
      %dma_wait3A_309 = tpu.memref_squeeze %dma_wait3A_308 : memref<1x64x128xf32, #tpu.memory_space<vmem>> -> memref<64x128xf32, #tpu.memory_space<vmem>>
      %dma_wait3A_310 = arith.constant 0 : i32
      %dma_wait3A_311 = arith.constant 0 : i32
      %dma_wait3A_312 = tpu.memref_slice %arg3[%dma_wait3A_310, %dma_wait3A_311] : memref<64x1000000xf32, #tpu.memory_space<hbm>> -> memref<64x128xf32, #tpu.memory_space<hbm>>
      tpu.wait_dma2 semaphore(%arg17 : memref<!tpu.dma_semaphore, #tpu.memory_space<semaphore_mem>>) src(%dma_wait3A_312 : memref<64x128xf32, #tpu.memory_space<hbm>>) dst(%dma_wait3A_309 : memref<64x128xf32, #tpu.memory_space<vmem>>)
    } else {
    }
    %add3A_265 = arith.constant 248 : i32
    %add3A_266 = arith.addi %add3A_4, %add3A_265 : i32
    %add3A_267 = arith.constant 3 : i32
    %add3A_268 = arith.addi %add3A_266, %add3A_267 : i32
    %sub3A_269 = arith.subi %add3A_268, %add3A_4 : i32
    %jit3A_270 = arith.constant 0 : i32
    %jit3A_271 = arith.constant 245 : i32
    %max3A_272 = arith.maxsi %jit3A_270, %sub3A_269 : i32
    %min3A_273 = arith.minsi %jit3A_271, %max3A_272 : i32
    %add3A_274 = arith.constant 1 : i32
    %add3A_275 = arith.addi %min3A_273, %add3A_274 : i32
    %get3A_276 = arith.index_cast %add3A_275 : i32 to index
    %get3A_277 = memref.load %arg13[%get3A_276] : memref<247xi32, #tpu.memory_space<smem>>
    %get3A_278 = arith.index_cast %min3A_273 : i32 to index
    %get3A_279 = memref.load %arg13[%get3A_278] : memref<247xi32, #tpu.memory_space<smem>>
    %gt3A_280 = arith.cmpi sgt, %get3A_277, %get3A_279 : i32
    %ge3A_281 = arith.constant 0 : i32
    %ge3A_282 = arith.cmpi sge, %sub3A_269, %ge3A_281 : i32
    %lt3A_283 = arith.cmpi slt, %sub3A_269, %add3A_7 : i32
    %and3A_284 = arith.andi %ge3A_282, %lt3A_283 : i1
    %and3A_285 = arith.andi %and3A_284, %gt3A_280 : i1
    %convert_element_type3A_286 = arith.extui %and3A_285 : i1 to i32
    %cond3A_287 = arith.constant 0 : i32
    %cond3A_288 = arith.cmpi ne, %convert_element_type3A_286, %cond3A_287 : i32
    scf.if %cond3A_288 {
      %dma_wait3A = arith.constant 3 : i32
      %dma_wait3A_299 = arith.constant 0 : i32
      %dma_wait3A_300 = arith.constant 0 : i32
      %dma_wait3A_301 = tpu.memref_slice %arg11[%dma_wait3A, %dma_wait3A_299, %dma_wait3A_300] : memref<4x64x128xf32, #tpu.memory_space<vmem>> -> memref<1x64x128xf32, #tpu.memory_space<vmem>>
      %dma_wait3A_302 = tpu.memref_squeeze %dma_wait3A_301 : memref<1x64x128xf32, #tpu.memory_space<vmem>> -> memref<64x128xf32, #tpu.memory_space<vmem>>
      %dma_wait3A_303 = arith.constant 0 : i32
      %dma_wait3A_304 = arith.constant 0 : i32
      %dma_wait3A_305 = tpu.memref_slice %arg3[%dma_wait3A_303, %dma_wait3A_304] : memref<64x1000000xf32, #tpu.memory_space<hbm>> -> memref<64x128xf32, #tpu.memory_space<hbm>>
      %dma_wait3A_306 = arith.constant 0 : i32
      %dma_wait3A_307 = arith.constant 0 : i32
      %dma_wait3A_308 = tpu.memref_slice %arg11[%dma_wait3A, %dma_wait3A_306, %dma_wait3A_307] : memref<4x64x128xf32, #tpu.memory_space<vmem>> -> memref<1x64x128xf32, #tpu.memory_space<vmem>>
      %dma_wait3A_309 = tpu.memref_squeeze %dma_wait3A_308 : memref<1x64x128xf32, #tpu.memory_space<vmem>> -> memref<64x128xf32, #tpu.memory_space<vmem>>
      %dma_wait3A_310 = arith.constant 0 : i32
      %dma_wait3A_311 = arith.constant 0 : i32
      %dma_wait3A_312 = tpu.memref_slice %arg3[%dma_wait3A_310, %dma_wait3A_311] : memref<64x1000000xf32, #tpu.memory_space<hbm>> -> memref<64x128xf32, #tpu.memory_space<hbm>>
      tpu.wait_dma2 semaphore(%arg18 : memref<!tpu.dma_semaphore, #tpu.memory_space<semaphore_mem>>) src(%dma_wait3A_312 : memref<64x128xf32, #tpu.memory_space<hbm>>) dst(%dma_wait3A_309 : memref<64x128xf32, #tpu.memory_space<vmem>>)
    } else {
    }
    %while3A_289 = arith.constant 0 : i32
    %while3A_290 = arith.constant 0 : i32
    %while3A_291 = arith.subi %scan3A_191#1, %while3A_290 : i32
    %while3A_292 = arith.addi %while3A_290, %while3A_291 : i32
    %while3A_293 = arith.constant 1 : i32
    %while3A_294 = arith.divsi %while3A_291, %while3A_293 : i32
    %while3A_295 = arith.muli %while3A_294, %while3A_293 : i32
    %while3A_296 = arith.addi %while3A_290, %while3A_295 : i32
    %while3A_297 = arith.constant 1 : i32
    scf.for %while3A_299 = %while3A_290 to %while3A_296 step %while3A_297  : i32 {
      %dma_wait3A = arith.constant 0 : i32
      %dma_wait3A_300 = arith.constant 0 : i32
      %dma_wait3A_301 = tpu.memref_slice %arg12[%dma_wait3A, %dma_wait3A_300] : memref<64x64xf32, #tpu.memory_space<vmem>> -> memref<1x64xf32, #tpu.memory_space<vmem>>
      %dma_wait3A_302 = arith.constant 0 : i32
      %dma_wait3A_303 = arith.constant 0 : i32
      %dma_wait3A_304 = tpu.memref_slice %arg5[%dma_wait3A_302, %dma_wait3A_303] : memref<16384x64xf32, #tpu.memory_space<hbm>> -> memref<1x64xf32, #tpu.memory_space<hbm>>
      %dma_wait3A_305 = arith.constant 0 : i32
      %dma_wait3A_306 = arith.constant 0 : i32
      %dma_wait3A_307 = tpu.memref_slice %arg5[%dma_wait3A_305, %dma_wait3A_306] : memref<16384x64xf32, #tpu.memory_space<hbm>> -> memref<1x64xf32, #tpu.memory_space<hbm>>
      %dma_wait3A_308 = arith.constant 0 : i32
      %dma_wait3A_309 = arith.constant 0 : i32
      %dma_wait3A_310 = tpu.memref_slice %arg12[%dma_wait3A_308, %dma_wait3A_309] : memref<64x64xf32, #tpu.memory_space<vmem>> -> memref<1x64xf32, #tpu.memory_space<vmem>>
      tpu.wait_dma2 semaphore(%arg19 : memref<!tpu.dma_semaphore, #tpu.memory_space<semaphore_mem>>) src(%dma_wait3A_310 : memref<1x64xf32, #tpu.memory_space<vmem>>) dst(%dma_wait3A_307 : memref<1x64xf32, #tpu.memory_space<hbm>>)
    }
    %while3A_298 = arith.constant 1 : i32
    scf.for %while3A_299 = %while3A_296 to %while3A_292 step %while3A_298  : i32 {
      %dma_wait3A = arith.constant 0 : i32
      %dma_wait3A_300 = arith.constant 0 : i32
      %dma_wait3A_301 = tpu.memref_slice %arg12[%dma_wait3A, %dma_wait3A_300] : memref<64x64xf32, #tpu.memory_space<vmem>> -> memref<1x64xf32, #tpu.memory_space<vmem>>
      %dma_wait3A_302 = arith.constant 0 : i32
      %dma_wait3A_303 = arith.constant 0 : i32
      %dma_wait3A_304 = tpu.memref_slice %arg5[%dma_wait3A_302, %dma_wait3A_303] : memref<16384x64xf32, #tpu.memory_space<hbm>> -> memref<1x64xf32, #tpu.memory_space<hbm>>
      %dma_wait3A_305 = arith.constant 0 : i32
      %dma_wait3A_306 = arith.constant 0 : i32
      %dma_wait3A_307 = tpu.memref_slice %arg5[%dma_wait3A_305, %dma_wait3A_306] : memref<16384x64xf32, #tpu.memory_space<hbm>> -> memref<1x64xf32, #tpu.memory_space<hbm>>
      %dma_wait3A_308 = arith.constant 0 : i32
      %dma_wait3A_309 = arith.constant 0 : i32
      %dma_wait3A_310 = tpu.memref_slice %arg12[%dma_wait3A_308, %dma_wait3A_309] : memref<64x64xf32, #tpu.memory_space<vmem>> -> memref<1x64xf32, #tpu.memory_space<vmem>>
      tpu.wait_dma2 semaphore(%arg19 : memref<!tpu.dma_semaphore, #tpu.memory_space<semaphore_mem>>) src(%dma_wait3A_310 : memref<1x64xf32, #tpu.memory_space<vmem>>) dst(%dma_wait3A_307 : memref<1x64xf32, #tpu.memory_space<hbm>>)
    }
    return
  }
}

</mosaic_0001>

<sc_bundles>
// kernel: kernel.3.cloned.1.call-start
scs
__scs_entry_jumppad:
0x0: {  	(pc) =	sbr.rel $0x88, $3  }
0x1: {  	(tag) =	ssettag $0x0;
	lr =	simm.s32 $0x1  }
0x2: {  	[smem:$0x3F9F] =	sst lr;
	_ =	strace $0xD0000000  }
0x3: {  	_ = 	snop  }
0x4: {  	_ = 	snop  }
0x5: {  	_ = 	snop  }
0x6: {  	_ = 	snop  }
0x7: {  	_ = 	snop  }
__scs_overlays_trampoline_lowered:
0x8: {  	[smem:$0x3FAE] =	sst s0  }
0x9: {  	[smem:$0x3FAF] =	sst s1  }
0xa: {  	[smem:$0x3FB0] =	sst s2  }
0xb: {  	[smem:$0x3FB1] =	sst s3  }
0xc: {  	[smem:$0x3FB2] =	sst s4  }
0xd: {  	[smem:$0x3FB3] =	sst s5  }
0xe: {  	[smem:$0x3FB4] =	sst s6  }
0xf: {  	[smem:$0x3FB5] =	sst s7  }
0x10: {  	[smem:$0x3FB6] =	sst s8  }
0x11: {  	[smem:$0x3FB7] =	sst s9;
	s0 =	simm.s32 @!p0 $0x0  }
0x12: {  	s1 =	sld [smem:$0x3F9D];
	s0 =	simm.s32 @p0 $0x1  }
0x13: {  	[smem:$0x3FB8] =	sst s0;
	s0 =	simm.s32 @!p1 $0x0  }
0x14: {  	s2 =	sld [smem:$0x3F9C];
	s0 =	simm.s32 @p1 $0x1  }
0x15: {  	[smem:$0x3FB9] =	sst s0;
	s0 =	simm.s32 @!p2 $0x0  }
0x16: {  	s3 =	sld [smem:$0x3FDB];
	s0 =	simm.s32 @p2 $0x1  }
0x17: {  	s4 =	simm.s32 $0x1BF5;
	[smem:$0x3FBB] =	sst s0  }
0x18: {  	s0 =	sld [smem:$0x3F9E];
	_ =	swait.ge [sflag:s4], $0x0  }
0x19: {  	s7 =	sld [smem:$0x3F9F]  }
0x1a: {  	s8 =	sadd.s32 $0xFFFFE003, lr  }
0x1b: {  	s9 =	sadd.s32 $0xFFFFFEF7, lr;
	s5 =	simm.s32 $0xFFFFFFFF;
	p2 =	slt.u32 s8, $0xFFFFF086  }
0x1c: {  	p1 =	slt.u32 s9, $0xF7A;
	s5 =	simm.s32 @!p2 $0x0  }
0x1d: {  	s5 =	simm.s32 @p1 $0x1;
	p0 =	seq.s32 s7, s2  }
0x1e: {  	s7 =	smul.u32 @!p0 $0xF7A, s2;
	p2 =	seq.s32 @!p0 s5, $0x0  }
0x1f: {  	s9 =	smul.u32 $0xF7A, s1;
	s8 =	simm.s32 @!p0 $0x1BF5;
	p2 =	por !p2, p0  }
0x20: {  	[sflag:s8] =	ssyncset.s32 @!p0 $0xFFFFF086;
	s6 =	sadd.s32 @!p0 s3, s7;
	s7 =	simm.s32 @!p0 $0x108  }
0x21: {  	s3 =	sadd.s32 s3, s9;
	s6 =	sadd.s32 @!p0 $0x88, s6;
	s7 =	simm.s32 @p2 $0x1082  }
0x22: {  	[simem:s7], [sflag:s8] =	dma.local @!p0 [hbm:s6], $0xF7A  }
0x23: {  	s9 =	sor.u32 $0xD0000000, s2;
	s6 =	simm.s32 $0x108;
	_ =	swait.ge @!p0 [sflag:s8], $0x0  }
0x24: {  	s3 =	sadd.s32 $0x88, s3;
	s6 =	simm.s32 @!p1 $0x1082;
	[sflag:s4] =	ssyncset.s32 $0xFFFFF086  }
0x25: {  	[simem:s6], [sflag:s4] =	dma.local [hbm:s3], $0xF7A  }
0x26: {  	[smem:$0x3F9F] =	sst s1;
	(tag) =	ssettag s2;
	_ =	strace s9  }
0x27: {  	s1 =	sld [smem:$0x3FAF]  }
0x28: {  	s2 =	sld [smem:$0x3FB0]  }
0x29: {  	s4 =	sld [smem:$0x3FB2]  }
0x2a: {  	p0 =	seq.s32 s5, $0x0;
	s5 =	sld [smem:$0x3FB3]  }
0x2b: {  	s6 =	sld [smem:$0x3FB4]  }
0x2c: {  	s7 =	sld [smem:$0x3FB5]  }
0x2d: {  	s3 =	simm.s32 $0x108;
	s8 =	sld [smem:$0x3FB6]  }
0x2e: {  	s3 =	simm.s32 @!p0 $0x1082;
	s9 =	sld [smem:$0x3FB7]  }
0x2f: {  	lr =	sadd.s32 s0, s3;
	s0 =	sld [smem:$0x3FAE]  }
0x30: {  	s3 =	sld [smem:$0x3FB1]  }
0x31: {  	[smem:$0x3FBA] =	sst s10  }
0x32: {  	s10 =	sld [smem:$0x3FB8];
	_ =	sdelay $0x3  }
0x33: {  	p0 =	seq.s32 s10, $0x1;
	s10 =	sld [smem:$0x3FBA];
	_ =	sdelay $0x3  }
0x34: {  	[smem:$0x3FBA] =	sst s10  }
0x35: {  	s10 =	sld [smem:$0x3FB9];
	_ =	sdelay $0x3  }
0x36: {  	p1 =	seq.s32 s10, $0x1;
	s10 =	sld [smem:$0x3FBA];
	_ =	sdelay $0x3  }
0x37: {  	[smem:$0x3FBA] =	sst s10  }
0x38: {  	s10 =	sld [smem:$0x3FBB]  }
0x39: {  	_ = 	snop;
	(pc) =	sbr.ind lr, $3  }
0x3a: {  	_ = 	snop  }
0x3b: {  	_ = 	snop  }
0x3c: {  	p2 =	seq.s32 s10, $0x1;
	s10 =	sld [smem:$0x3FBA]  }
0x3d: {  	_ =	shalt  }
0x3e: {  	_ =	shalt  }
0x3f: {  	_ =	shalt  }
0x40: {  	_ =	shalt  }
0x41: {  	_ =	shalt  }
0x42: {  	_ =	shalt  }
0x43: {  	_ =	shalt  }
0x44: {  	_ =	shalt  }
0x45: {  	_ =	shalt  }
0x46: {  	_ =	shalt  }
0x47: {  	_ =	shalt  }
0x48: {  	_ =	shalt  }
0x49: {  	_ =	shalt  }
0x4a: {  	_ =	shalt  }
0x4b: {  	_ =	shalt  }
0x4c: {  	_ =	shalt  }
0x4d: {  	_ =	shalt  }
0x4e: {  	_ =	shalt  }
0x4f: {  	_ =	shalt  }
0x50: {  	_ =	shalt  }
0x51: {  	_ =	shalt  }
0x52: {  	_ =	shalt  }
0x53: {  	_ =	shalt  }
0x54: {  	_ =	shalt  }
0x55: {  	_ =	shalt  }
0x56: {  	_ =	shalt  }
0x57: {  	_ =	shalt  }
0x58: {  	_ =	shalt  }
0x59: {  	_ =	shalt  }
0x5a: {  	_ =	shalt  }
0x5b: {  	_ =	shalt  }
0x5c: {  	_ =	shalt  }
0x5d: {  	_ =	shalt  }
0x5e: {  	_ =	shalt  }
0x5f: {  	_ =	shalt  }
0x60: {  	_ =	shalt  }
0x61: {  	_ =	shalt  }
0x62: {  	_ =	shalt  }
0x63: {  	_ =	shalt  }
0x64: {  	_ =	shalt  }
0x65: {  	_ =	shalt  }
0x66: {  	_ =	shalt  }
0x67: {  	_ =	shalt  }
0x68: {  	_ =	shalt  }
0x69: {  	_ =	shalt  }
0x6a: {  	_ =	shalt  }
0x6b: {  	_ =	shalt  }
0x6c: {  	_ =	shalt  }
0x6d: {  	_ =	shalt  }
0x6e: {  	_ =	shalt  }
0x6f: {  	_ =	shalt  }
0x70: {  	_ =	shalt  }
0x71: {  	_ =	shalt  }
0x72: {  	_ =	shalt  }
0x73: {  	_ =	shalt  }
0x74: {  	_ =	shalt  }
0x75: {  	_ =	shalt  }
0x76: {  	_ =	shalt  }
0x77: {  	_ =	shalt  }
0x78: {  	_ =	shalt  }
0x79: {  	_ =	shalt  }
0x7a: {  	_ =	shalt  }
0x7b: {  	_ =	shalt  }
0x7c: {  	_ =	shalt  }
0x7d: {  	_ =	shalt  }
0x7e: {  	_ =	shalt  }
0x7f: {  	_ =	shalt  }
0x80: {  	_ =	shalt  }
0x81: {  	_ =	shalt  }
0x82: {  	_ =	shalt  }
0x83: {  	_ =	shalt  }
0x84: {  	_ =	shalt  }
0x85: {  	_ =	shalt  }
0x86: {  	_ =	shalt  }
0x87: {  	_ =	shalt  }
.Lfunc_end0:
.L_simem_size_0:
called_computation_lowered:
.L_overlay_start_0:
0x88: {  	s2 =	sld [smem:$0x3FD9]  }
0x89: {  	s3 =	sld [smem:$0x3FFE];
	_ =	sdelay $0x1  }
0x8a: {  	s1 =	srdreg.scid  }
0x8b: {  	s0 =	sand.u32 $0x1, s1  }
0x8c: {  	s17 =	sshll.u32 s0, $0xA;
	s2 =	sadd.s32 s3, s2  }
0x8d: {  	s2 =	sadd.s32 s2, s17  }
0x8e: {  	[smem:$0x3FC6] =	sst s2  }
0x8f: {  	_ = 	snop  }
0x90: {  	s2 =	sld [smem:$0x3FC9]  }
0x91: {  	s18 =	sld [smem:$0x3FC8]  }
0x92: {  	s4 =	sld [smem:$0x3FD0];
	(tm) =	ssettm $0x1  }
0x93: {  	s5 =	sld [smem:$0x3FFB];
	_ =	sdelay $0x3  }
0x94: {  	_ =	strace s5  }
0x95: {  	s5 =	sld [smem:$0x3FFC];
	_ =	sdelay $0x3  }
0x96: {  	_ =	strace s5  }
0x97: {  	s5 =	sld [smem:$0x3FFD];
	_ =	sdelay $0x3  }
0x98: {  	_ =	strace s5  }
0x99: {  	_ =	strace $0x8FFFFFFF  }
0x9a: {  	s19 =	sld [smem:$0x3FDB];
	_ =	sdelay $0x1  }
0x9b: {  	s6 =	simm.s32 $_scs_section_size  }
0x9c: {  	s7 =	simm.s32 $_size__tile_overlayer_lowered;
	s8 =	simm.s32 $_tile_overlayer_lowered  }
0x9d: {  	s22 =	simm.s32 $0x1BFF;
	s21 =	sshll.u32 s8, $0x1;
	s5 =	sadd.s32 s6, s19  }
0x9e: {  	s9 =	simm.s32 $0x0;
	s20 =	sshll.u32 s7, $0x1;
	s7 =	sadd.s32 s21, s5  }
0x9f: {  	[timem:s9], [sflag:s22] =	dma.local [hbm:s7], s20  }
0xa0: {  	_ =	swait.ge [sflag:s22], s20  }
0xa1: {  	s6 =	ssub.s32 $0x0, s20;
	[sflag:s22] =	ssyncset.done $0x0  }
0xa2: {  	[sflag:s22] =	ssyncadd.s32 s6;
	_ =	sdelay $0x1  }
0xa3: {  	s23 =	simm.s32 $0x1B8B  }
0xa4: {  	_ =	swait.ge [sflag:s23], $0x1  }
0xa5: {  	[sflag:s23] =	ssyncset.done $0x0  }
0xa6: {  	s25 =	simm.s32 $0x1B8E;
	s24 =	sld [smem:$0x3FFE];
	[sflag:s23] =	ssyncadd.s32 $0xFFFFFFFF  }
0xa7: {  	s26 =	simm.s32 $execute0_lowered;
	[smem:$0x3FD2] =	sst s25  }
0xa8: {  	s7 =	sshll.u32 s26, $0x1;
	_ =	strace $0x80000046;
	[dreg:$0x1] =	wrdreg $0xFFFFFFFF  }
0xa9: {  	s28 =	simm.s32 $_size_execute0_lowered;
	s5 =	sadd.s32 s5, s7;
	[dreg:$0x0] =	wrdreg $0x0  }
0xaa: {  	s7 =	sshll.u32 s28, $0x1;
	[dreg:$0x2] =	wrdreg s5  }
0xab: {  	[dreg:$0x3] =	wrdreg s7  }
0xac: {  	[dreg:$0x4] =	wrdreg $0xC0  }
0xad: {  	_ =	task [dreg:s9], $0x5FFFF  }
0xae: {  	[dreg:$0x1] =	wrdreg $0xFFFFFFFF  }
0xaf: {  	[dreg:$0x0] =	wrdreg $0x60  }
0xb0: {  	[dreg:$0x2] =	wrdreg s2  }
0xb1: {  	[dreg:$0x3] =	wrdreg s18  }
0xb2: {  	[dreg:$0x4] =	wrdreg s4  }
0xb3: {  	[dreg:$0x5] =	wrdreg s24  }
0xb4: {  	[dreg:$0x6] =	wrdreg $0x9  }
0xb5: {  	_ =	task.clear_ibuf [dreg:s9], $0x7FFFF;
	_ =	strace $0x90000046  }
0xb6: {  	s29 =	simm.s32 $0x9;
	_ =	strace $0x80000048  }
0xb7: {  	_ =	swait.ge [sflag:s29], $0x1  }
0xb8: {  	[sflag:s29] =	ssyncadd.s32 $0xFFFFFFFF  }
0xb9: {  	_ =	strace $0x90000048  }
0xba: {  	_ =	sfence  }
0xbb: {  	s30 =	sld [smem:$0x0];
	_ =	sdelay $0x2  }
0xbc: {  	s31 =	sshll.u32 s1, $0xD;
	s1 =	sshrl.u32 s1, $0x2  }
0xbd: {  	s3 =	sand.u32 $0x4000, s31;
	s1 =	sadd.s32 s1, s30  }
0xbe: {  	s0 =	sor.u32 s3, s0;
	s1 =	sshll.u32 s1, $0x11  }
0xbf: {  	s0 =	sor.u32 s1, s0  }
0xc0: {  	s0 =	sadd.s32 $0x8F2B, s0  }
0xc1: {  	[sflag:s0] =	ssyncadd.remote.s32 $0x1  }
0xc2: {  	_ =	sfence.sel $0xFFFF  }
0xc3: {  	[dreg:$0x0] =	wrdreg $0xFFFFFFFF;
	(pc) =	sbr.abs _section_cstart, $3  }
0xc4: {  	[dreg:$0x1] =	wrdreg $0xFFFFFFFF  }
0xc5: {  	_ =	task.clear_ibuf [dreg:s9], $0x2FFFF;
	_ =	strace $0x9FFFFFFF  }
0xc6: {  	(tm) =	ssettm $0x7FFFFFFF  }
0xc7: {  	_ =	shalt  }
tec
execute0_lowered:
.L_overlay_start_1:
0x0: {  	(tag) =	ssettag $0x1  }
0x1: {  	s2 =	rddreg [dreg:$0x1]  }
0x2: {  	s4 =	rddreg [dreg:$0x2]  }
0x3: {  	s0 =	rddreg [dreg:$0x3]  }
0x4: {  	s1 =	srdreg.scid;
	s3 =	stileid.u32;
	s5 =	simm.s32 $0x0  }
0x5: {  	s8 =	simm.s32 $0xF5;
	s15 =	simm.s32 $0x4000;
	s16 =	simm.s32 $0x8080  }
0x6: {  	s17 =	simm.s32 $0xC100;
	s18 =	simm.s32 $0x10180;
	s19 =	simm.s32 $0x14200  }
0x7: {  	s20 =	simm.s32 $0x1C200;
	s1 =	sand.u32 $0x1, s1;
	s3 =	sshll.u32 s3, $0x1  }
0x8: {  	[smem:$0x7FF] =	sst s5;
	s6 =	sadd.s32 $0x400, s0;
	s3 =	sor.u32 s1, s3  }
0x9: {  	_ =	strace $0x80000047;
	s21 =	ssub.s32 $0x2, s1;
	s7 =	smul.u32 $0xF4, s3  }
0xa: {  	s22 =	smin.u32 s3, $0x5;
	p0 =	slt.u32 s3, $0x5;
	s23 =	sshrl.u32 s21, $0x1  }
0xb: {  	s8 =	simm.s32 @!p0 $0xF4;
	s0 =	ssub.s32 s21, s23;
	s21 =	simm.s32 $0x5  }
0xc: {  	s23 =	simm.s32 $0x7A1400;
	s7 =	sadd.s32 s22, s7;
	s0 =	smax.u32 s0, $0x1  }
0xd: {  	s22 =	simm.s32 $0x400;
	s24 =	sshll.u32 s7, $0x7;
	[dreg:$0x9] =	wrdreg s0  }
0xe: {  	vm14 =	vcmask $0x3F3C;
	s9 =	sadd.s32 s2, s24;
	s26 =	sadd.s32 $0x80, s24;
	s10 =	sadd.s32 $0x100, s24  }
.Ltmp0:
0xf: {  	s3 =	sadd.s32 $0x180, s24;
	s28 =	sand.u32 $0x1FFFFF80, s26;
	(pc) =	sbr.rel .LBB2_1-.Ltmp0, $4  }
0x10: {  	[dreg:$0x5] =	wrdreg s9;
	s29 =	sand.u32 $0x1FFFFF80, s10;
	s1 =	sadd.s32 s2, s28  }
0x11: {  	s3 =	sand.u32 $0x1FFFFF80, s3;
	s30 =	sadd.s32 s2, s29;
	[dreg:$0x6] =	wrdreg s1  }
0x12: {  	v2 =	vimm.s32 $0x0;
	v3 =	vlaneseq.u32;
	s25 =	sadd.s32 s8, s7;
	s31 =	sadd.s32 s2, s3;
	[dreg:$0x7] =	wrdreg s30  }
0x13: {  	v4 =	vimm.s32 $0xFFFFFFFF;
	v0 =	vmov s7;
	v1 =	vmov s25;
	s26 =	simm.s32 $0x1A200;
	[dreg:$0x8] =	wrdreg s31;
	s1 =	simm.s32 $0x0  }
.LBB2_62:
0x14: {  	[sflag:s21] =	ssyncadd.s32 $0xFFFFFF80  }
.LBB2_63:
0x15: {  	s1 =	sadd.s32 $0x1, s1;
	s0 =	rddreg [dreg:$0x9]  }
0x16: {  	p0 =	sne.s32 s1, s0  }
.Ltmp1:
0x17: {  	_ = 	snop;
	(pc) =	sbr.rel @!p0 .LBB2_64-.Ltmp1, $1  }
0x18: {  	_ =	sdelay $0x3  }
.LBB2_1:
0x19: {  	[dreg:$0xa] =	wrdreg s1  }
0x1a: {  	s0 =	rddreg [dreg:$0x0];
	s3 =	simm.s32 $0x6  }
0x1b: {  	[tilespmem:s5], [sflag:$0x6] =	stream.linear.gather [hbm4b:s0+s5], $0x4000, $0x38;
	[tilespmem:$0x1E200] =	vst v63  }
0x1c: {  	_ =	swait.ge [sflag:s3], $0x4000  }
0x1d: {  	[sflag:s3] =	ssyncset.done $0x0  }
0x1e: {  	s9 =	simm.s32 $0x40;
	[sflag:s3] =	ssyncadd.s32 $0xFFFFC000  }
0x1f: {  	v22 =	vld [tilespmem:s9+$0xFFFFFFC0];
	_ =	sdelay $0x2  }
0x20: {  	v24 =	vld [tilespmem:s9+$0xFFFFFFD0]  }
0x21: {  	v6 =	vld [tilespmem:s9+$0xFFFFFFE0]  }
0x22: {  	v5 =	vshrl.u32 v22, $0x7  }
0x23: {  	v10 =	vld [tilespmem:s9+$0xFFFFFFF0];
	vm0 =	vge.u32 v5, v0;
	vm1 =	vlt.u32 v5, v1  }
0x24: {  	v9 =	vld [tilespmem:s9+$0x30];
	vm2 =	vmand vm0, vm1  }
0x25: {  	v14 =	vld [tilespmem:s9+$0x0];
	v7 =	vshrl.u32 v24, $0x7;
	v5 =	vsel vm2, $0x1, v2  }
0x26: {  	vm3 =	vge.u32 v7, v0;
	vm4 =	vlt.u32 v7, v1;
	v7 =	vshrl.u32 v6, $0x7;
	(xrf0) =	vadd.scan.msk.s32 $0xffff, v5  }
0x27: {  	vm0 =	vmand vm3, vm4;
	vm1 =	vge.u32 v7, v0;
	vm3 =	vlt.u32 v7, v1  }
0x28: {  	v7 =	vld [tilespmem:s9+$0x10];
	v8 =	vsel vm0, $0x1, v2;
	vm1 =	vmand vm1, vm3;
	v5 =	vshrl.u32 v10, $0x7  }
0x29: {  	vm3 =	vge.u32 v5, v0;
	vm4 =	vlt.u32 v5, v1;
	(xrf0) =	vadd.scan.msk.s32 $0xffff, v8;
	v8 =	vshrl.u32 v9, $0x7  }
0x2a: {  	v11 =	vld [tilespmem:s9+$0x20];
	v12 =	vshrl.u32 v14, $0x7;
	v5 =	vsel vm1, $0x1, v2;
	vm4 =	vmand vm3, vm4  }
0x2b: {  	vm6 =	vge.u32 v12, v0;
	vm7 =	vlt.u32 v12, v1;
	(xrf0) =	vadd.scan.msk.s32 $0xffff, v5;
	v5 =	vsel vm4, $0x1, v2  }
0x2c: {  	vm6 =	vmand vm6, vm7;
	vm3 =	vge.u32 v8, v0;
	vm5 =	vlt.u32 v8, v1;
	(xrf0) =	vadd.scan.msk.s32 $0xffff, v5;
	v8, _, _ =	vpop (xrf0)  }
0x2d: {  	v12 =	vsel vm6, $0x1, v2;
	v5 =	vshrl.u32 v7, $0x7;
	(v2sf) =	vpush v8, $0xF  }
0x2e: {  	vm3 =	vmand vm3, vm5;
	vm5 =	vlt.u32 v5, v1;
	vm7 =	vge.u32 v5, v0;
	(xrf0) =	vadd.scan.msk.s32 $0xffff, v12  }
0x2f: {  	s11 =	simm.s32 $0xC0;
	v13 =	vsel vm3, $0x1, v2;
	vm5 =	vmand vm7, vm5;
	v12 =	vshrl.u32 v11, $0x7  }
0x30: {  	v5 =	vld [tilespmem:s11+$0x30];
	v25, _, _ =	vpop (xrf0);
	(xrf0) =	vadd.scan.msk.s32 $0xffff, v13;
	vm15 =	vmmov vm5;
	vm5 =	vge.u32 v12, v0  }
0x31: {  	vm7 =	vlt.u32 v12, v1;
	(v2sf) =	vpush v25, $0xF;
	v16, _, _ =	vpop (xrf0);
	v12 =	vsel vm15, $0x1, v2  }
0x32: {  	v15 =	vld [tilespmem:s11+$0xFFFFFFC0];
	vm8 =	vmand vm5, vm7;
	(v2sf) =	vpush v16, $0xF;
	(xrf0) =	vadd.scan.msk.s32 $0xffff, v12;
	v26, _, _ =	vpop (xrf0)  }
0x33: {  	s10 =	simm.s32 $0xFFFFFFFF;
	v12 =	vsel vm8, $0x1, v2;
	(v2sf) =	vpush v26, $0xF  }
0x34: {  	vm11 =	vmmov vm2;
	v29 =	vadd.s32 s10, v8;
	v27, _, _ =	vpop (xrf0);
	(xrf0) =	vadd.scan.msk.s32 $0xffff, v12;
	v12 =	vld [tilespmem:s11+$0xFFFFFFD0]  }
0x35: {  	vm5 =	vmmov vm3;
	vm3 =	vmmov vm0;
	v13 =	vshrl.u32 v5, $0x7  }
0x36: {  	v8 =	vld [tilespmem:s11+$0xFFFFFFE0];
	vm2 =	vge.u32 v13, v0;
	vm7 =	vlt.u32 v13, v1;
	(v2sf) =	vpush v27, $0xF;
	v19, _, _ =	vpop (xrf0)  }
0x37: {  	v13 =	vshrl.u32 v15, $0x7;
	vm0 =	vmand vm2, vm7;
	(v2sf) =	vpush v19, $0xF  }
0x38: {  	v17 =	vld [tilespmem:s11+$0xFFFFFFF0];
	vm7 =	vmmov vm6;
	vm2 =	vge.u32 v13, v0;
	vm6 =	vlt.u32 v13, v1;
	v18, _, _ =	vpop (xrf0)  }
0x39: {  	s13 =	simm.s32 $0x0;
	vm9 =	vmand vm2, vm6;
	(v2sf) =	vpush v18, $0xF;
	v13 =	vshrl.u32 v12, $0x7  }
0x3a: {  	v30 =	vor.u32 s13, v3;
	v28 =	vsel vm9, $0x1, v2;
	v21, _, _ =	vpop (xrf0);
	vm2 =	vge.u32 v13, v0  }
0x3b: {  	v20 =	vld [tilespmem:s11+$0x0];
	vm6 =	vlt.u32 v13, v1;
	v13 =	vshrl.u32 v8, $0x7;
	(v2sf) =	vpush v21, $0xF  }
0x3c: {  	vm10 =	vmand vm2, vm6;
	vm2 =	vge.u32 v13, v0;
	vm6 =	vlt.u32 v13, v1;
	s12 =	spop (v2sf)  }
0x3d: {  	v31 =	vshrl.u32 v17, $0x7;
	(xrf0) =	vadd.scan.msk.s32 $0xffff, v28;
	v28 =	vsel vm10, $0x1, v2;
	vm6 =	vmand vm2, vm6;
	s0 =	sadd.s32 $0x0, s12  }
0x3e: {  	vm12 =	vlt.u32 v31, v1;
	vm1 =	vmmov vm1;
	v13 =	vld [tilespmem:s11+$0x10];
	(xrf0) =	vadd.scan.msk.s32 $0xffff, v28;
	v28 =	vsel vm6, $0x1, v2;
	s3 =	sadd.s32 $0xFFFFFFFF, s0  }
0x3f: {  	vm4 =	vmmov vm4;
	v23 =	vsel vm0, $0x1, v2;
	(xrf0) =	vadd.scan.msk.s32 $0xffff, v28;
	v28 =	vadd.s32 s3, v25  }
0x40: {  	s30 =	simm.s32 $0x40;
	s1 =	simm.s32 $0x30;
	vm0 =	vmmov vm0;
	vm2 =	vmmov vm8;
	s14 =	spop (v2sf);
	v25 =	vshrl.u32 v20, $0x7  }
0x41: {  	s29 =	simm.s32 $0x50;
	vm8 =	vmmov vm5;
	vm5 =	vmmov vm9;
	vm9 =	vge.u32 v31, v0;
	s13 =	sadd.s32 s0, s14;
	s24 =	spop (v2sf)  }
0x42: {  	s31 =	simm.s32 $0x10;
	[tilespmem:v29+s15+$0x0] =	vst.idx.msk vm11, v22;
	vm9 =	vmand vm9, vm12;
	s14 =	sadd.s32 s13, s24;
	s25 =	spop (v2sf);
	vm12 =	vge.u32 v25, v0;
	vm13 =	vlt.u32 v25, v1  }
0x43: {  	s9 =	simm.s32 $0x8;
	s10 =	simm.s32 $0x20;
	[tilespmem:v29+s16+$0x0] =	vst.idx.msk vm11, v30;
	v29 =	vsel vm9, $0x1, v2;
	v31 =	vshrl.u32 v13, $0x7;
	s12 =	sadd.s32 s14, s25;
	vm11 =	vmand vm12, vm13;
	v25, _, _ =	vpop (xrf0)  }
0x44: {  	s0 =	simm.s32 $0x70;
	s3 =	simm.s32 $0x60;
	vm12 =	vlt.u32 v31, v1;
	vm13 =	vge.u32 v31, v0;
	s28 =	sadd.s32 $0xFFFFFFFF, s12;
	(v2sf) =	vpush v25, $0xF;
	[tilespmem:v28+s15+$0x0] =	vst.idx.msk vm3, v24;
	v24 =	vld [tilespmem:s11+$0x20]  }
0x45: {  	s13 =	sadd.s32 $0xFFFFFFFF, s13;
	s14 =	sadd.s32 $0xFFFFFFFF, s14;
	v31 =	vor.u32 s31, v3;
	v22, _, _ =	vpop (xrf0);
	(xrf0) =	vadd.scan.msk.s32 $0xffff, v29;
	v30 =	vadd.s32 s28, v27;
	s28 =	spop (v2sf);
	v29 =	vsel vm11, $0x1, v2  }
0x46: {  	s31 =	simm.s32 $0x70;
	vm12 =	vmand vm13, vm12;
	(v2sf) =	vpush v22, $0xF;
	s11 =	simm.s32 $0x140;
	v27, _, _ =	vpop (xrf0);
	(xrf0) =	vadd.scan.msk.s32 $0xffff, v29;
	v29 =	vadd.s32 s14, v26;
	s14 =	spop (v2sf)  }
.LBB2_2:
0x47: {  	[tilespmem:v28+s16+$0x0] =	vst.idx.msk vm3, v31;
	v28 =	vor.u32 s10, v3;
	v31 =	vor.u32 s1, v3  }
0x48: {  	v32 =	vld [tilespmem:s11+$0x30];
	s9 =	sadd.s32 $0x8, s9;
	s0 =	sadd.s32 $0x80, s0;
	s1 =	spop (v2sf);
	vm3 =	vmmov vm10;
	vm10 =	vmmov vm15;
	vm15 =	vmmov vm12  }
0x49: {  	v33 =	vadd.s32 s13, v16;
	v34 =	vor.u32 s30, v3;
	s10 =	sadd.s32 s12, s28;
	v16 =	vmovc v27;
	p0 =	slt.u32 s9, $0x3F8;
	v35 =	vshrl.u32 v24, $0x7;
	s30 =	sadd.s32 $0xFFFFFFD0, s0  }
0x4a: {  	s13 =	sadd.s32 $0xFFFFFFFF, s10;
	s10 =	sadd.s32 s10, s1;
	vm12 =	vge.u32 v35, v0;
	vm13 =	vlt.u32 v35, v1;
	(xrf0) =	vadd.scan.msk.s32 $0xffff, v23;
	[tilespmem:v30+s15+$0x0] =	vst.idx.msk vm7, v14;
	s12 =	spop (v2sf)  }
0x4b: {  	s1 =	sadd.s32 $0xFFFFFFC0, s0;
	v35 =	vsel vm15, $0x1, v2;
	s28 =	sadd.s32 $0xFFFFFFFF, s10;
	vm12 =	vmand vm12, vm13;
	(v2sf) =	vpush v16, $0xF;
	v26, _, _ =	vpop (xrf0);
	[tilespmem:v30+s16+$0x0] =	vst.idx.msk vm7, v34;
	s12 =	sadd.s32 s10, s12  }
0x4c: {  	v14 =	vmovc v20;
	s10 =	sadd.s32 $0xFFFFFFB0, s0;
	v27 =	vadd.s32 s28, v21;
	v23 =	vsel vm12, $0x1, v2;
	(v2sf) =	vpush v26, $0xF;
	(xrf0) =	vadd.scan.msk.s32 $0xffff, v35;
	s28 =	sadd.s32 $0xFFFFFFFF, s12;
	s12 =	sadd.s32 s12, s14  }
0x4d: {  	s24 =	sadd.s32 $0xFFFFFFE0, s0;
	s25 =	sadd.s32 $0xFFFFFFF0, s0;
	v20 =	vshrl.u32 v32, $0x7;
	s14 =	sadd.s32 $0xFFFFFFFF, s12;
	v30, _, _ =	vpop (xrf0);
	(xrf0) =	vadd.scan.msk.s32 $0xffff, v23;
	[tilespmem:v29+s15+$0x0] =	vst.idx.msk vm4, v10;
	v34 =	vadd.s32 s28, v19  }
0x4e: {  	v35 =	vld [tilespmem:s11+$0xFFFFFFC0];
	vm7 =	vge.u32 v20, v0;
	vm13 =	vlt.u32 v20, v1;
	(v2sf) =	vpush v30, $0xF;
	[tilespmem:v29+s16+$0x0] =	vst.idx.msk vm4, v31  }
0x4f: {  	v10 =	vmovc v17;
	v25 =	vadd.s32 s14, v25;
	v20 =	vadd.s32 s13, v18;
	v29 =	vld [tilespmem:s11+$0xFFFFFFD0];
	vm13 =	vmand vm7, vm13;
	[tilespmem:v33+s15+$0x0] =	vst.idx.msk vm1, v6;
	v6 =	vmovc v8  }
0x50: {  	vm4 =	vmmov vm9;
	v8 =	vld [tilespmem:s11+$0xFFFFFFE0];
	v23 =	vsel vm13, $0x1, v2;
	v19, _, _ =	vpop (xrf0);
	[tilespmem:v33+s16+$0x0] =	vst.idx.msk vm1, v28;
	vm1 =	vmmov vm6  }
0x51: {  	vm7 =	vmmov vm11;
	[tilespmem:v27+s15+$0x0] =	vst.idx.msk vm2, v11;
	v11 =	vmov v24  }
0x52: {  	v24 =	vor.u32 s3, v3;
	s3 =	smov.u32 s25;
	v18, _, _ =	vpop (xrf0);
	(v2sf) =	vpush v19, $0xF;
	[tilespmem:v34+s15+$0x0] =	vst.idx.msk vm8, v9;
	v9 =	vor.u32 s31, v3;
	s31 =	smov.u32 s0  }
0x53: {  	v28 =	vor.u32 s29, v3;
	s29 =	smov.u32 s24;
	v17 =	vshrl.u32 v35, $0x7;
	s13 =	spop (v2sf);
	(v2sf) =	vpush v18, $0xF;
	v21, _, _ =	vpop (xrf0);
	[tilespmem:v34+s16+$0x0] =	vst.idx.msk vm8, v9  }
0x54: {  	vm6 =	vge.u32 v17, v0;
	vm8 =	vlt.u32 v17, v1;
	v17 =	vshrl.u32 v29, $0x7;
	[tilespmem:v25+s15+$0x0] =	vst.idx.msk vm5, v15  }
0x55: {  	vm9 =	vmand vm6, vm8;
	vm6 =	vge.u32 v17, v0;
	s14 =	spop (v2sf);
	(v2sf) =	vpush v21, $0xF;
	[tilespmem:v20+s15+$0x0] =	vst.idx.msk vm10, v7;
	v9 =	vmovc v5  }
0x56: {  	s24 =	sadd.s32 $0xFFFFFF90, s0;
	v15 =	vmovc v35;
	vm8 =	vlt.u32 v17, v1;
	v5 =	vmov v32;
	v31 =	vsel vm9, $0x1, v2;
	v17 =	vld [tilespmem:s11+$0xFFFFFFF0];
	[tilespmem:v20+s16+$0x0] =	vst.idx.msk vm10, v28  }
0x57: {  	v7 =	vmovc v13;
	vm10 =	vmand vm6, vm8;
	v28 =	vshrl.u32 v8, $0x7;
	v20 =	vld [tilespmem:s11+$0x0];
	(xrf0) =	vadd.scan.msk.s32 $0xffff, v31;
	[tilespmem:v27+s16+$0x0] =	vst.idx.msk vm2, v24  }
0x58: {  	v24 =	vsel vm10, $0x1, v2;
	vm2 =	vge.u32 v28, v0;
	vm6 =	vlt.u32 v28, v1  }
0x59: {  	s12 =	sadd.s32 s12, s13;
	vm6 =	vmand vm2, vm6;
	vm2 =	vmmov vm12;
	v13 =	vld [tilespmem:s11+$0x10];
	(xrf0) =	vadd.scan.msk.s32 $0xffff, v24;
	v24 =	vor.u32 s24, v3  }
0x5a: {  	s13 =	sadd.s32 $0xFFFFFFFF, s12;
	s12 =	sadd.s32 s12, s14;
	vm8 =	vmmov vm0;
	vm0 =	vmmov vm13;
	v27 =	vsel vm6, $0x1, v2;
	[tilespmem:v25+s16+$0x0] =	vst.idx.msk vm5, v24;
	s14 =	spop (v2sf)  }
0x5b: {  	v28 =	vadd.s32 s13, v22;
	s13 =	sadd.s32 $0xFFFFFFFF, s12;
	vm5 =	vmmov vm9;
	v24 =	vshrl.u32 v17, $0x7;
	(xrf0) =	vadd.scan.msk.s32 $0xffff, v27;
	s12 =	sadd.s32 s12, s14;
	s14 =	spop (v2sf)  }
0x5c: {  	vm9 =	vge.u32 v24, v0;
	vm11 =	vlt.u32 v24, v1;
	v22 =	vshrl.u32 v20, $0x7;
	s24 =	sadd.s32 $0xFFFFFFFF, s12;
	s12 =	sadd.s32 s12, s14  }
.Ltmp2:
0x5d: {  	vm9 =	vmand vm9, vm11;
	vm11 =	vge.u32 v22, v0;
	vm12 =	vlt.u32 v22, v1;
	v25, _, _ =	vpop (xrf0);
	s14 =	sadd.s32 $0xFFFFFFFF, s12;
	s28 =	spop (v2sf);
	(pc) =	sbr.rel @p0 .LBB2_2-.Ltmp2, $4  }
0x5e: {  	v27 =	vsel vm9, $0x1, v2;
	v31 =	vshrl.u32 v13, $0x7;
	v24 =	vld [tilespmem:s11+$0x20];
	(v2sf) =	vpush v25, $0xF  }
0x5f: {  	vm11 =	vmand vm11, vm12;
	v30 =	vadd.s32 s14, v30;
	vm12 =	vlt.u32 v31, v1;
	v22, _, _ =	vpop (xrf0);
	(xrf0) =	vadd.scan.msk.s32 $0xffff, v27  }
0x60: {  	s14 =	sadd.s32 $0xFFFFFFA0, s0;
	v32 =	vsel vm11, $0x1, v2;
	vm13 =	vge.u32 v31, v0;
	(v2sf) =	vpush v22, $0xF;
	[tilespmem:v28+s15+$0x0] =	vst.idx.msk vm3, v12;
	v12 =	vmovc v29  }
0x61: {  	s11 =	sadd.s32 $0x80, s11;
	v31 =	vor.u32 s14, v3;
	vm12 =	vmand vm13, vm12;
	v29 =	vadd.s32 s24, v26;
	v27, _, _ =	vpop (xrf0);
	(xrf0) =	vadd.scan.msk.s32 $0xffff, v32;
	s14 =	spop (v2sf)  }
0x62: {  	vm12 =	vmmov vm12;
	v32 =	vimm.s32 $0x0  }
0x63: {  	v32 =	vsel vm12, $0xFFFFFFFF, v32  }
0x64: {  	[tilespmem:$0x1FFF0] =	vst v32  }
0x65: {  	v42 =	vld [tilespmem:$0x1FFF0];
	_ =	sdelay $0x2  }
0x66: {  	v26 =	vshrl.u32 v24, $0x7  }
0x67: {  	vm12 =	vge.u32 v26, v0;
	vm13 =	vlt.u32 v26, v1  }
0x68: {  	vm12 =	vmand vm12, vm13;
	vm13 =	vnez.u8 v42  }
0x69: {  	(xrf0) =	vadd.scan.msk.s32 $0xffff, v23;
	v23 =	vsel vm13, $0x1, v2  }
0x6a: {  	(v2sf) =	vpush v27, $0xF;
	v43, _, _ =	vpop (xrf0);
	v44 =	vsel vm12, $0x1, v2;
	(xrf0) =	vadd.scan.msk.s32 $0xffff, v23  }
0x6b: {  	(v2sf) =	vpush v43, $0xF;
	(xrf0) =	vadd.scan.msk.s32 $0xffff, v44;
	_ =	sdelay $0x2  }
0x6c: {  	v45, _, _ =	vpop (xrf0)  }
0x6d: {  	s9 =	spop (v2sf);
	s11 =	sadd.s32 s12, s28;
	v16 =	vadd.s32 s13, v16;
	(v2sf) =	vpush v45, $0xF;
	v46, _, _ =	vpop (xrf0)  }
0x6e: {  	s9 =	sadd.s32 s11, s9;
	s28 =	spop (v2sf);
	[tilespmem:v28+s16+$0x0] =	vst.idx.msk vm3, v31;
	(v2sf) =	vpush v46, $0xF;
	v33, _, _ =	vpop (xrf0)  }
0x6f: {  	v48 =	vor.u32 s30, v3;
	s30 =	sadd.s32 $0xFFFFFFFF, s9;
	[tilespmem:v30+s15+$0x0] =	vst.idx.msk vm7, v14;
	s9 =	sadd.s32 s9, s28;
	(v2sf) =	vpush v33, $0xF;
	v47, _, _ =	vpop (xrf0)  }
0x70: {  	v49 =	vadd.s32 s30, v21;
	[tilespmem:v29+s15+$0x0] =	vst.idx.msk vm4, v10;
	s12 =	sadd.s32 $0xFFFFFFFF, s9;
	(v2sf) =	vpush v47, $0xF  }
0x71: {  	s25 =	sadd.s32 $0xFFFFFFFF, s11;
	[tilespmem:v30+s16+$0x0] =	vst.idx.msk vm7, v48;
	v51 =	vadd.s32 s12, v19  }
0x72: {  	v50 =	vor.u32 s1, v3;
	s24 =	sadd.s32 s9, s14;
	[tilespmem:v16+s15+$0x0] =	vst.idx.msk vm1, v6;
	v6 =	vadd.s32 s25, v18  }
0x73: {  	v52 =	vor.u32 s10, v3;
	[tilespmem:v29+s16+$0x0] =	vst.idx.msk vm4, v50;
	s9 =	sadd.s32 $0xFFFFFFFF, s24  }
0x74: {  	v53 =	vadd.s32 s9, v25;
	[tilespmem:v16+s16+$0x0] =	vst.idx.msk vm1, v52  }
0x75: {  	[tilespmem:v49+s15+$0x0] =	vst.idx.msk vm2, v11;
	s28 =	spop (v2sf)  }
0x76: {  	[tilespmem:v51+s15+$0x0] =	vst.idx.msk vm8, v9;
	s1 =	sadd.s32 s24, s28;
	s30 =	spop (v2sf)  }
0x77: {  	v54 =	vor.u32 s31, v3;
	[tilespmem:v6+s15+$0x0] =	vst.idx.msk vm15, v7;
	s9 =	sadd.s32 s1, s30;
	s1 =	sadd.s32 $0xFFFFFFFF, s1;
	s11 =	spop (v2sf)  }
0x78: {  	[tilespmem:v51+s16+$0x0] =	vst.idx.msk vm8, v54;
	v55 =	vadd.s32 s1, v22;
	s10 =	sadd.s32 s9, s11;
	s12 =	spop (v2sf)  }
0x79: {  	v56 =	vor.u32 s29, v3;
	[tilespmem:v53+s15+$0x0] =	vst.idx.msk vm5, v15;
	s11 =	sadd.s32 $0x80, s0;
	s9 =	sadd.s32 $0xFFFFFFFF, s9;
	s13 =	sadd.s32 s10, s12  }
0x7a: {  	v7 =	vor.u32 s3, v3;
	[tilespmem:v6+s16+$0x0] =	vst.idx.msk vm15, v56;
	s24 =	sadd.s32 $0xFFFFFF90, s11;
	v58 =	vadd.s32 s9, v27;
	s14 =	sadd.s32 $0xFFFFFFFF, s13  }
0x7b: {  	[tilespmem:v49+s16+$0x0] =	vst.idx.msk vm2, v7;
	v7 =	vor.u32 s24, v3;
	v6 =	vadd.s32 s14, v45  }
0x7c: {  	s25 =	sadd.s32 $0xFFFFFFFF, s10;
	s29 =	sadd.s32 $0xFFFFFFA0, s11;
	[tilespmem:v53+s16+$0x0] =	vst.idx.msk vm5, v7;
	s28 =	spop (v2sf)  }
0x7d: {  	v57 =	vor.u32 s29, v3;
	v7 =	vadd.s32 s25, v43;
	[tilespmem:v55+s15+$0x0] =	vst.idx.msk vm10, v12;
	s30 =	spop (v2sf)  }
0x7e: {  	s12 =	sadd.s32 $0xFFFFFFD0, s11;
	[tilespmem:v55+s16+$0x0] =	vst.idx.msk vm10, v57;
	s1 =	sadd.s32 s13, s28;
	s31 =	spop (v2sf)  }
0x7f: {  	[tilespmem:v58+s15+$0x0] =	vst.idx.msk vm6, v8;
	s13 =	sadd.s32 s1, s31;
	s14 =	spop (v2sf);
	s1 =	sadd.s32 $0xFFFFFFFF, s1  }
0x80: {  	v59 =	vor.u32 s12, v3;
	[tilespmem:v6+s15+$0x0] =	vst.idx.msk vm11, v20;
	s24 =	sadd.s32 $0xFFFFFFFF, s13;
	s9 =	sadd.s32 s13, s14;
	v62 =	vadd.s32 s1, v33  }
0x81: {  	vm0 =	vmmov vm0;
	s25 =	sadd.s32 $0xFFFFFFC0, s11;
	[tilespmem:v6+s16+$0x0] =	vst.idx.msk vm11, v59;
	v6 =	vadd.s32 s24, v47;
	s28 =	sadd.s32 $0xFFFFFFFF, s9  }
0x82: {  	s29 =	sadd.s32 $0xFFFFFFB0, s11;
	v60 =	vor.u32 s25, v3;
	[tilespmem:v7+s15+$0x0] =	vst.idx.msk vm9, v17;
	v61 =	vadd.s32 s28, v46  }
0x83: {  	vm4 =	vmmov vm10;
	[tilespmem:v7+s16+$0x0] =	vst.idx.msk vm9, v60;
	v7 =	vor.u32 s29, v3  }
0x84: {  	vm3 =	vmmov vm11;
	vm7 =	vmmov vm15;
	vm4 =	vcmask $0x1310;
	[tilespmem:v58+s16+$0x0] =	vst.idx.msk vm6, v7  }
0x85: {  	vm7 =	vcmask $0x1F1C;
	vm1 =	vmmov vm9;
	vm3 =	vmmov vm13;
	s0 =	sadd.s32 s9, s30;
	[tilespmem:v62+s15+$0x0] =	vst.idx.msk vm13, v13  }
0x86: {  	vm1 =	vcmask $0x704;
	vm3 =	vcmask $0xF0C;
	s31 =	sadd.s32 $0xFFFFFFF0, s11;
	v7 =	vadd.s32 s0, v3;
	[tilespmem:v6+s15+$0x0] =	vst.idx.msk vm12, v24  }
0x87: {  	vm2 =	vmmov vm12;
	vm8 =	vcmask $0x2320;
	v63 =	vor.u32 s31, v3;
	[tilespmem:v61+s15+$0x0] =	vst.idx.msk vm0, v5  }
0x88: {  	vm15 =	vcmask $0x3B38;
	vm5 =	vmmov vm6;
	s30 =	sadd.s32 $0xFFFFFFE0, s11;
	v5 =	vor.u32 s11, v3;
	[tilespmem:v6+s16+$0x0] =	vst.idx.msk vm12, v63  }
0x89: {  	vm2 =	vcmask $0xB08;
	vm5 =	vcmask $0x1714;
	[tilespmem:v61+s16+$0x0] =	vst.idx.msk vm0, v5;
	v5 =	vor.u32 s30, v3  }
0x8a: {  	vm10 =	vcmask $0x2B28;
	vm9 =	vcmask $0x2724;
	vm6 =	vcmask $0x1B18;
	[tilespmem:v62+s16+$0x0] =	vst.idx.msk vm13, v5  }
0x8b: {  	s3 =	simm.s32 $0x0;
	vm11 =	vcmask $0x2F2C;
	s1 =	simm.s32 $0x4;
	s14 =	simm.s32 $0x16200;
	vm12 =	vcmask $0x3330;
	vm13 =	vcmask $0x3734;
	[tilespmem:v7+s15+$0x0] =	vst.idx.msk $0xffff, v4  }
.LBB2_4:
0x8c: {  	p0 =	seq.s32 s1, $0x3D8  }
0x8d: {  	[smem:s3+$0x100] =	sst s5;
	s3 =	smov.u32 s1;
	s1 =	sadd.s32 $0x4, s1  }
.Ltmp3:
0x8e: {  	(pc) =	sbr.rel @!p0 .LBB2_4-.Ltmp3, $2  }
0x8f: {  	_ =	sdelay $0x2  }
0x90: {  	s3 =	sshra.s32 s3, $0x2  }
0x91: {  	s0 =	sadd.s32 $0xF, s0  }
0x92: {  	s1 =	sand.u32 $0xF, s0  }
0x93: {  	s30 =	sshra.s32 s0, $0x1F;
	p0 =	slt.s32 s0, $0x1;
	p1 =	sne.s32 s1, $0x0  }
0x94: {  	s31 =	sshrl.u32 s30, $0x1C;
	p0 =	por !p0, !p1  }
0x95: {  	s1 =	simm.s32 $0x1;
	s0 =	sadd.s32 s31, s0;
	p0 =	por !p0, !p0  }
0x96: {  	s0 =	sshra.s32 s0, $0x4;
	s1 =	simm.s32 @!p0 $0x0  }
0x97: {  	s29 =	ssub.s32 s0, s1  }
0x98: {  	p0 =	sgt.s32 s29, $0x0  }
.Ltmp4:
0x99: {  	_ = 	snop;
	(pc) =	sbr.rel @!p0 .LBB2_6-.Ltmp4, $2  }
0x9a: {  	_ =	sdelay $0x2  }
0x9b: {  	[smem:s3+$0x100] =	sst s5;
	s24 =	simm.s32 $0x18200;
	s0 =	simm.s32 $0x4000  }
0x9c: {  	v5 =	vld [tilespmem:s0+$0x0];
	_ =	sdelay $0x4  }
0x9d: {  	v5 =	vshrl.u32 v5, $0x7  }
0x9e: {  	v5 =	vsub.s32 v5, v0  }
0x9f: {  	vm0 =	vgt.s32 v5, $0x0  }
0xa0: {  	v5 =	vnsel vm0, $0x0, v5  }
0xa1: {  	v5 =	vmin.u32 v5, $0xF5  }
0xa2: {  	(v2sf) =	vpush v5, $0x0;
	_ =	sdelay $0x9  }
0xa3: {  	p2 =	seq.s32 s29, $0x1  }
.Ltmp5:
0xa4: {  	_ = 	snop;
	(pc) =	sbr.rel @p2 .LBB2_16-.Ltmp5, $4  }
0xa5: {  	_ = 	snop  }
0xa6: {  	(v2sf) =	vpush v5, $0x1  }
0xa7: {  	(v2sf) =	vpush v5, $0x2  }
0xa8: {  	s1 =	sadd.s32 $0xFFFFFFFF, s29;
	p1 =	por $0x0, $0x0;
	s3 =	spop (v2sf);
	(v2sf) =	vpush v5, $0x3  }
0xa9: {  	_ =	sdelay $0x7  }
0xaa: {  	s9 =	sor.u32 $0x100, s3  }
0xab: {  	s9 =	sld [smem:s9+$0x0];
	_ =	sdelay $0x2  }
0xac: {  	s9 =	sadd.s32 $0x1, s9;
	s10 =	spop (v2sf);
	(v2sf) =	vpush v5, $0x4  }
0xad: {  	[smem:s3+$0x100] =	sst s9;
	s25 =	sor.u32 $0x100, s10  }
0xae: {  	s3 =	sld [smem:s25+$0x0];
	_ =	sdelay $0x2  }
0xaf: {  	s28 =	spop (v2sf);
	(v2sf) =	vpush v5, $0x5;
	s3 =	sadd.s32 $0x1, s3  }
0xb0: {  	s30 =	sor.u32 $0x100, s28;
	[smem:s10+$0x100] =	sst s3  }
0xb1: {  	s3 =	sld [smem:s30+$0x0];
	_ =	sdelay $0x2  }
0xb2: {  	s31 =	spop (v2sf);
	(v2sf) =	vpush v5, $0x6;
	s3 =	sadd.s32 $0x1, s3  }
0xb3: {  	s9 =	sor.u32 $0x100, s31;
	[smem:s28+$0x100] =	sst s3  }
0xb4: {  	s3 =	sld [smem:s9+$0x0];
	_ =	sdelay $0x2  }
0xb5: {  	s3 =	sadd.s32 $0x1, s3;
	s11 =	spop (v2sf);
	(v2sf) =	vpush v5, $0x7  }
0xb6: {  	[smem:s31+$0x100] =	sst s3;
	s12 =	sor.u32 $0x100, s11  }
0xb7: {  	s3 =	sld [smem:s12+$0x0];
	_ =	sdelay $0x2  }
0xb8: {  	s13 =	spop (v2sf);
	(v2sf) =	vpush v5, $0x8;
	s3 =	sadd.s32 $0x1, s3  }
0xb9: {  	s25 =	sor.u32 $0x100, s13;
	[smem:s11+$0x100] =	sst s3  }
0xba: {  	s3 =	sld [smem:s25+$0x0];
	_ =	sdelay $0x2  }
0xbb: {  	s28 =	spop (v2sf);
	(v2sf) =	vpush v5, $0x9;
	s3 =	sadd.s32 $0x1, s3  }
0xbc: {  	s30 =	sor.u32 $0x100, s28;
	[smem:s13+$0x100] =	sst s3  }
0xbd: {  	s3 =	sld [smem:s30+$0x0];
	_ =	sdelay $0x2  }
0xbe: {  	s3 =	sadd.s32 $0x1, s3;
	s31 =	spop (v2sf);
	(v2sf) =	vpush v5, $0xA  }
0xbf: {  	[smem:s28+$0x100] =	sst s3;
	s9 =	sor.u32 $0x100, s31  }
0xc0: {  	s3 =	sld [smem:s9+$0x0];
	_ =	sdelay $0x2  }
0xc1: {  	s11 =	spop (v2sf);
	(v2sf) =	vpush v5, $0xB;
	s3 =	sadd.s32 $0x1, s3  }
0xc2: {  	s12 =	sor.u32 $0x100, s11;
	[smem:s31+$0x100] =	sst s3  }
0xc3: {  	s3 =	sld [smem:s12+$0x0];
	_ =	sdelay $0x2  }
0xc4: {  	s13 =	spop (v2sf);
	(v2sf) =	vpush v5, $0xC;
	s3 =	sadd.s32 $0x1, s3  }
0xc5: {  	s25 =	sor.u32 $0x100, s13;
	[smem:s11+$0x100] =	sst s3  }
0xc6: {  	s3 =	sld [smem:s25+$0x0];
	_ =	sdelay $0x2  }
0xc7: {  	s3 =	sadd.s32 $0x1, s3;
	s28 =	spop (v2sf);
	(v2sf) =	vpush v5, $0xD  }
0xc8: {  	[smem:s13+$0x100] =	sst s3;
	s30 =	sor.u32 $0x100, s28  }
0xc9: {  	s3 =	sld [smem:s30+$0x0];
	_ =	sdelay $0x1  }
0xca: {  	s0 =	sadd.s32 $0x10, s0  }
0xcb: {  	v6 =	vld [tilespmem:s0+$0x0];
	s31 =	spop (v2sf);
	(v2sf) =	vpush v5, $0xE;
	s3 =	sadd.s32 $0x1, s3  }
0xcc: {  	s11 =	sor.u32 $0x100, s31;
	[smem:s28+$0x100] =	sst s3  }
0xcd: {  	s3 =	sld [smem:s11+$0x0];
	_ =	sdelay $0x2  }
0xce: {  	v6 =	vshrl.u32 v6, $0x7;
	s12 =	spop (v2sf);
	(v2sf) =	vpush v5, $0xF;
	s3 =	sadd.s32 $0x1, s3  }
0xcf: {  	v5 =	vsub.s32 v6, v0;
	s13 =	sor.u32 $0x100, s12;
	[smem:s31+$0x100] =	sst s3  }
0xd0: {  	vm0 =	vgt.s32 v5, $0x0;
	s3 =	sld [smem:s13+$0x0]  }
0xd1: {  	v5 =	vnsel vm0, $0x0, v5  }
0xd2: {  	v5 =	vmin.u32 v5, $0xF5  }
0xd3: {  	(v2sf) =	vpush v5, $0x0;
	s3 =	sadd.s32 $0x1, s3;
	s25 =	spop (v2sf)  }
0xd4: {  	[smem:s12+$0x100] =	sst s3;
	s28 =	sor.u32 $0x100, s25  }
0xd5: {  	s3 =	sld [smem:s28+$0x0];
	_ =	sdelay $0x2  }
0xd6: {  	(v2sf) =	vpush v5, $0x1;
	s11 =	spop (v2sf);
	s3 =	sadd.s32 $0x1, s3  }
0xd7: {  	s30 =	sor.u32 $0x100, s11;
	[smem:s25+$0x100] =	sst s3  }
0xd8: {  	s3 =	sld [smem:s30+$0x0];
	_ =	sdelay $0x2  }
0xd9: {  	p2 =	seq.s32 s1, $0x1;
	(v2sf) =	vpush v5, $0x2;
	s9 =	spop (v2sf);
	s3 =	sadd.s32 $0x1, s3  }
.Ltmp6:
0xda: {  	s31 =	sor.u32 $0x100, s9;
	[smem:s11+$0x100] =	sst s3;
	(pc) =	sbr.rel @p2 .LBB2_19-.Ltmp6, $3  }
0xdb: {  	s10 =	sld [smem:s31+$0x0];
	_ =	sdelay $0x1  }
0xdc: {  	s1 =	sadd.s32 $0xFFFFFFFF, s1  }
0xdd: {  	p1 =	por $0x1, $0x1;
	(v2sf) =	vpush v5, $0x3;
	s3 =	spop (v2sf);
	s10 =	sadd.s32 $0x1, s10  }
.LBB2_18:
0xde: {  	p2 =	seq.s32 s1, $0x1;
	s11 =	sor.u32 $0x100, s3;
	[smem:s9+$0x100] =	sst s10  }
0xdf: {  	s1 =	sadd.s32 $0xFFFFFFFF, s1;
	s9 =	sld [smem:s11+$0x0];
	_ =	sdelay $0x2  }
0xe0: {  	s9 =	sadd.s32 $0x1, s9;
	s10 =	spop (v2sf);
	(v2sf) =	vpush v5, $0x4  }
0xe1: {  	[smem:s3+$0x100] =	sst s9;
	s3 =	sor.u32 $0x100, s10  }
0xe2: {  	s3 =	sld [smem:s3+$0x0];
	_ =	sdelay $0x2  }
0xe3: {  	s3 =	sadd.s32 $0x1, s3;
	s9 =	spop (v2sf);
	(v2sf) =	vpush v5, $0x5  }
0xe4: {  	[smem:s10+$0x100] =	sst s3;
	s3 =	sor.u32 $0x100, s9  }
0xe5: {  	s3 =	sld [smem:s3+$0x0];
	_ =	sdelay $0x2  }
0xe6: {  	s3 =	sadd.s32 $0x1, s3;
	s10 =	spop (v2sf);
	(v2sf) =	vpush v5, $0x6  }
0xe7: {  	[smem:s9+$0x100] =	sst s3;
	s3 =	sor.u32 $0x100, s10  }
0xe8: {  	s3 =	sld [smem:s3+$0x0];
	_ =	sdelay $0x2  }
0xe9: {  	s3 =	sadd.s32 $0x1, s3;
	s9 =	spop (v2sf);
	(v2sf) =	vpush v5, $0x7  }
0xea: {  	[smem:s10+$0x100] =	sst s3;
	s3 =	sor.u32 $0x100, s9  }
0xeb: {  	s3 =	sld [smem:s3+$0x0];
	_ =	sdelay $0x2  }
0xec: {  	s3 =	sadd.s32 $0x1, s3;
	s10 =	spop (v2sf);
	(v2sf) =	vpush v5, $0x8  }
0xed: {  	[smem:s9+$0x100] =	sst s3;
	s3 =	sor.u32 $0x100, s10  }
0xee: {  	s3 =	sld [smem:s3+$0x0];
	_ =	sdelay $0x2  }
0xef: {  	s3 =	sadd.s32 $0x1, s3;
	s9 =	spop (v2sf);
	(v2sf) =	vpush v5, $0x9  }
0xf0: {  	[smem:s10+$0x100] =	sst s3;
	s3 =	sor.u32 $0x100, s9  }
0xf1: {  	s3 =	sld [smem:s3+$0x0];
	_ =	sdelay $0x2  }
0xf2: {  	s3 =	sadd.s32 $0x1, s3;
	s10 =	spop (v2sf);
	(v2sf) =	vpush v5, $0xA  }
0xf3: {  	[smem:s9+$0x100] =	sst s3;
	s3 =	sor.u32 $0x100, s10  }
0xf4: {  	s3 =	sld [smem:s3+$0x0];
	_ =	sdelay $0x2  }
0xf5: {  	s3 =	sadd.s32 $0x1, s3;
	s9 =	spop (v2sf);
	(v2sf) =	vpush v5, $0xB  }
0xf6: {  	[smem:s10+$0x100] =	sst s3;
	s3 =	sor.u32 $0x100, s9  }
0xf7: {  	s3 =	sld [smem:s3+$0x0];
	_ =	sdelay $0x2  }
0xf8: {  	s3 =	sadd.s32 $0x1, s3;
	s10 =	spop (v2sf);
	(v2sf) =	vpush v5, $0xC  }
0xf9: {  	[smem:s9+$0x100] =	sst s3;
	s3 =	sor.u32 $0x100, s10  }
0xfa: {  	s3 =	sld [smem:s3+$0x0];
	_ =	sdelay $0x2  }
0xfb: {  	s3 =	sadd.s32 $0x1, s3;
	s9 =	spop (v2sf);
	(v2sf) =	vpush v5, $0xD  }
0xfc: {  	[smem:s10+$0x100] =	sst s3;
	s3 =	sor.u32 $0x100, s9  }
0xfd: {  	s3 =	sld [smem:s3+$0x0];
	_ =	sdelay $0x1  }
0xfe: {  	s0 =	sadd.s32 $0x10, s0  }
0xff: {  	v6 =	vld [tilespmem:s0+$0x0];
	s3 =	sadd.s32 $0x1, s3;
	s10 =	spop (v2sf);
	(v2sf) =	vpush v5, $0xE  }
0x100: {  	[smem:s9+$0x100] =	sst s3;
	s3 =	sor.u32 $0x100, s10  }
0x101: {  	s3 =	sld [smem:s3+$0x0];
	_ =	sdelay $0x2  }
0x102: {  	v6 =	vshrl.u32 v6, $0x7;
	s3 =	sadd.s32 $0x1, s3;
	s9 =	spop (v2sf);
	(v2sf) =	vpush v5, $0xF  }
0x103: {  	v5 =	vsub.s32 v6, v0;
	[smem:s10+$0x100] =	sst s3;
	s3 =	sor.u32 $0x100, s9  }
0x104: {  	vm0 =	vgt.s32 v5, $0x0;
	s3 =	sld [smem:s3+$0x0]  }
0x105: {  	v5 =	vnsel vm0, $0x0, v5  }
0x106: {  	v5 =	vmin.u32 v5, $0xF5  }
0x107: {  	(v2sf) =	vpush v5, $0x0;
	s3 =	sadd.s32 $0x1, s3;
	s10 =	spop (v2sf)  }
0x108: {  	[smem:s9+$0x100] =	sst s3;
	s3 =	sor.u32 $0x100, s10  }
0x109: {  	s3 =	sld [smem:s3+$0x0];
	_ =	sdelay $0x2  }
0x10a: {  	(v2sf) =	vpush v5, $0x1;
	s3 =	sadd.s32 $0x1, s3;
	s11 =	spop (v2sf)  }
0x10b: {  	[smem:s10+$0x100] =	sst s3;
	s3 =	sor.u32 $0x100, s11  }
0x10c: {  	s3 =	sld [smem:s3+$0x0];
	_ =	sdelay $0x2  }
0x10d: {  	(v2sf) =	vpush v5, $0x2;
	s3 =	sadd.s32 $0x1, s3;
	s9 =	spop (v2sf)  }
.Ltmp7:
0x10e: {  	[smem:s11+$0x100] =	sst s3;
	s3 =	sor.u32 $0x100, s9;
	(pc) =	sbr.rel @!p2 .LBB2_18-.Ltmp7, $2  }
0x10f: {  	s10 =	sld [smem:s3+$0x0];
	_ =	sdelay $0x2  }
0x110: {  	s3 =	spop (v2sf);
	(v2sf) =	vpush v5, $0x3;
	s10 =	sadd.s32 $0x1, s10  }
.LBB2_19:
0x111: {  	s0 =	sor.u32 $0x100, s3;
	[smem:s9+$0x100] =	sst @p1 s10  }
0x112: {  	s0 =	sld [smem:s0+$0x0];
	_ =	sdelay $0x2  }
0x113: {  	s0 =	sadd.s32 $0x1, s0;
	s1 =	spop (v2sf);
	(v2sf) =	vpush v5, $0x4  }
0x114: {  	[smem:s3+$0x100] =	sst s0;
	s3 =	sor.u32 $0x100, s1  }
0x115: {  	s0 =	sld [smem:s3+$0x0];
	_ =	sdelay $0x2  }
0x116: {  	s0 =	sadd.s32 $0x1, s0;
	s9 =	spop (v2sf);
	(v2sf) =	vpush v5, $0x5  }
0x117: {  	[smem:s1+$0x100] =	sst s0;
	s10 =	sor.u32 $0x100, s9  }
0x118: {  	s0 =	sld [smem:s10+$0x0];
	_ =	sdelay $0x2  }
0x119: {  	s0 =	sadd.s32 $0x1, s0;
	s11 =	spop (v2sf);
	(v2sf) =	vpush v5, $0x6  }
0x11a: {  	[smem:s9+$0x100] =	sst s0;
	s12 =	sor.u32 $0x100, s11  }
0x11b: {  	s0 =	sld [smem:s12+$0x0];
	_ =	sdelay $0x2  }
0x11c: {  	s0 =	sadd.s32 $0x1, s0;
	s13 =	spop (v2sf);
	(v2sf) =	vpush v5, $0x7  }
0x11d: {  	[smem:s11+$0x100] =	sst s0;
	s25 =	sor.u32 $0x100, s13  }
0x11e: {  	s0 =	sld [smem:s25+$0x0];
	_ =	sdelay $0x2  }
0x11f: {  	s0 =	sadd.s32 $0x1, s0;
	s28 =	spop (v2sf);
	(v2sf) =	vpush v5, $0x8  }
0x120: {  	[smem:s13+$0x100] =	sst s0;
	s30 =	sor.u32 $0x100, s28  }
0x121: {  	s0 =	sld [smem:s30+$0x0];
	_ =	sdelay $0x2  }
0x122: {  	s0 =	sadd.s32 $0x1, s0;
	s31 =	spop (v2sf);
	(v2sf) =	vpush v5, $0x9  }
0x123: {  	[smem:s28+$0x100] =	sst s0;
	s1 =	sor.u32 $0x100, s31  }
0x124: {  	s0 =	sld [smem:s1+$0x0];
	_ =	sdelay $0x2  }
0x125: {  	s0 =	sadd.s32 $0x1, s0;
	s9 =	spop (v2sf);
	(v2sf) =	vpush v5, $0xA  }
0x126: {  	[smem:s31+$0x100] =	sst s0;
	s10 =	sor.u32 $0x100, s9  }
0x127: {  	s0 =	sld [smem:s10+$0x0];
	_ =	sdelay $0x2  }
0x128: {  	s0 =	sadd.s32 $0x1, s0;
	s11 =	spop (v2sf);
	(v2sf) =	vpush v5, $0xB  }
0x129: {  	[smem:s9+$0x100] =	sst s0;
	s12 =	sor.u32 $0x100, s11  }
0x12a: {  	s0 =	sld [smem:s12+$0x0];
	_ =	sdelay $0x2  }
0x12b: {  	s0 =	sadd.s32 $0x1, s0;
	s13 =	spop (v2sf);
	(v2sf) =	vpush v5, $0xC  }
0x12c: {  	[smem:s11+$0x100] =	sst s0;
	s25 =	sor.u32 $0x100, s13  }
0x12d: {  	s0 =	sld [smem:s25+$0x0];
	_ =	sdelay $0x2  }
0x12e: {  	s0 =	sadd.s32 $0x1, s0;
	s28 =	spop (v2sf);
	(v2sf) =	vpush v5, $0xD  }
0x12f: {  	[smem:s13+$0x100] =	sst s0;
	s30 =	sor.u32 $0x100, s28  }
0x130: {  	s0 =	sld [smem:s30+$0x0];
	_ =	sdelay $0x2  }
0x131: {  	s0 =	sadd.s32 $0x1, s0;
	s31 =	spop (v2sf);
	(v2sf) =	vpush v5, $0xE  }
0x132: {  	[smem:s28+$0x100] =	sst s0;
	s9 =	sor.u32 $0x100, s31  }
0x133: {  	s0 =	sld [smem:s9+$0x0];
	_ =	sdelay $0x2  }
0x134: {  	s0 =	sadd.s32 $0x1, s0;
	s10 =	spop (v2sf);
	(v2sf) =	vpush v5, $0xF  }
0x135: {  	[smem:s31+$0x100] =	sst s0;
	s11 =	sor.u32 $0x100, s10  }
0x136: {  	s0 =	sld [smem:s11+$0x0];
	_ =	sdelay $0x2  }
0x137: {  	s0 =	sadd.s32 $0x1, s0;
	s12 =	spop (v2sf)  }
0x138: {  	[smem:s10+$0x100] =	sst s0;
	s13 =	sor.u32 $0x100, s12  }
0x139: {  	s0 =	sld [smem:s13+$0x0];
	_ =	sdelay $0x2  }
0x13a: {  	s0 =	sadd.s32 $0x1, s0;
	s25 =	spop (v2sf)  }
0x13b: {  	[smem:s12+$0x100] =	sst s0;
	s28 =	sor.u32 $0x100, s25  }
0x13c: {  	s0 =	sld [smem:s28+$0x0];
	_ =	sdelay $0x2  }
0x13d: {  	s0 =	sadd.s32 $0x1, s0;
	s30 =	spop (v2sf)  }
0x13e: {  	[smem:s25+$0x100] =	sst s0;
	s31 =	sor.u32 $0x100, s30  }
0x13f: {  	s0 =	sld [smem:s31+$0x0];
	_ =	sdelay $0x2  }
0x140: {  	s0 =	sadd.s32 $0x1, s0  }
0x141: {  	[smem:s30+$0x100] =	sst s0  }
.LBB2_6:
0x142: {  	s0 =	simm.s32 $0x0;
	s1 =	simm.s32 $0x0;
	s3 =	sld [smem:$0x100]  }
0x143: {  	[smem:s1] =	sst s0  }
0x144: {  	s1 =	simm.s32 $0x4;
	[smem:$0x100] =	sst s0  }
.LBB2_7:
0x145: {  	p1 =	seq.s32 s1, $0x3D8  }
0x146: {  	s0 =	sadd.s32 s0, s3;
	s3 =	smov.u32 s1;
	s1 =	sadd.s32 $0x4, s1  }
.Ltmp8:
0x147: {  	(pc) =	sbr.rel @!p1 .LBB2_7-.Ltmp8, $4  }
0x148: {  	s9 =	sshra.s32 s3, $0x2  }
0x149: {  	s3 =	sld [smem:s9+$0x100]  }
0x14a: {  	[smem:s9] =	sst s0  }
0x14b: {  	[smem:s9+$0x100] =	sst s0  }
.Ltmp9:
0x14c: {  	(pc) =	sbr.rel @!p0 .LBB2_12-.Ltmp9, $1  }
0x14d: {  	_ =	sdelay $0x3  }
0x14e: {  	s30 =	simm.s32 $0x4000  }
0x14f: {  	v5 =	vld [tilespmem:s30+$0x0];
	_ =	sdelay $0x4  }
0x150: {  	v6 =	vshrl.u32 v5, $0x7  }
0x151: {  	v6 =	vsub.s32 v6, v0  }
0x152: {  	vm0 =	vgt.s32 v6, $0x0  }
0x153: {  	v6 =	vnsel vm0, $0x0, v6  }
0x154: {  	v7 =	vmin.u32 v6, $0xF5  }
0x155: {  	(v2sf) =	vpush v7, $0x0;
	_ =	sdelay $0x4  }
0x156: {  	(v2sf) =	vpush v7, $0x1;
	_ =	sdelay $0x4  }
0x157: {  	(v2sf) =	vpush v7, $0x2;
	_ =	sdelay $0x4  }
0x158: {  	s0 =	spop (v2sf);
	(v2sf) =	vpush v7, $0x3  }
0x159: {  	s1 =	sor.u32 $0x100, s0  }
0x15a: {  	s1 =	sld [smem:s1+$0x0];
	_ =	sdelay $0x2  }
0x15b: {  	s9 =	spop (v2sf);
	(v2sf) =	vpush v7, $0x4;
	s3 =	sadd.s32 $0x1, s1  }
0x15c: {  	s10 =	sor.u32 $0x100, s9;
	[smem:s0+$0x100] =	sst s3  }
0x15d: {  	s0 =	sld [smem:s10+$0x0];
	_ =	sdelay $0x2  }
0x15e: {  	s10 =	spop (v2sf);
	(v2sf) =	vpush v7, $0x5;
	s11 =	sadd.s32 $0x1, s0  }
0x15f: {  	s12 =	sor.u32 $0x100, s10;
	[smem:s9+$0x100] =	sst s11  }
0x160: {  	s3 =	sld [smem:s12+$0x0];
	_ =	sdelay $0x2  }
0x161: {  	s13 =	sadd.s32 $0x1, s3;
	s11 =	spop (v2sf);
	(v2sf) =	vpush v7, $0x6  }
0x162: {  	[smem:s10+$0x100] =	sst s13;
	s14 =	sor.u32 $0x100, s11  }
0x163: {  	s9 =	sld [smem:s14+$0x0];
	_ =	sdelay $0x2  }
0x164: {  	s12 =	spop (v2sf);
	(v2sf) =	vpush v7, $0x7;
	s24 =	sadd.s32 $0x1, s9  }
0x165: {  	s25 =	sor.u32 $0x100, s12;
	[smem:s11+$0x100] =	sst s24  }
0x166: {  	s10 =	sld [smem:s25+$0x0];
	_ =	sdelay $0x2  }
0x167: {  	s13 =	spop (v2sf);
	(v2sf) =	vpush v7, $0x8;
	s28 =	sadd.s32 $0x1, s10  }
0x168: {  	s14 =	sor.u32 $0x100, s13;
	[smem:s12+$0x100] =	sst s28  }
0x169: {  	s11 =	sld [smem:s14+$0x0];
	_ =	sdelay $0x2  }
0x16a: {  	s24 =	sadd.s32 $0x1, s11;
	s14 =	spop (v2sf);
	(v2sf) =	vpush v7, $0x9  }
0x16b: {  	[smem:s13+$0x100] =	sst s24;
	s25 =	sor.u32 $0x100, s14  }
0x16c: {  	s12 =	sld [smem:s25+$0x0];
	_ =	sdelay $0x2  }
0x16d: {  	s24 =	spop (v2sf);
	(v2sf) =	vpush v7, $0xA;
	s28 =	sadd.s32 $0x1, s12  }
0x16e: {  	s25 =	sor.u32 $0x100, s24;
	[smem:s14+$0x100] =	sst s28  }
0x16f: {  	s13 =	sld [smem:s25+$0x0];
	_ =	sdelay $0x2  }
0x170: {  	s25 =	spop (v2sf);
	(v2sf) =	vpush v7, $0xB;
	s28 =	sadd.s32 $0x1, s13  }
0x171: {  	[smem:s24+$0x100] =	sst s28;
	s24 =	sor.u32 $0x100, s25  }
0x172: {  	s14 =	sld [smem:s24+$0x0];
	_ =	sdelay $0x2  }
0x173: {  	s24 =	sadd.s32 $0x1, s14;
	s28 =	spop (v2sf);
	(v2sf) =	vpush v7, $0xC  }
0x174: {  	[smem:s25+$0x100] =	sst s24;
	s25 =	sor.u32 $0x100, s28  }
0x175: {  	s24 =	sld [smem:s25+$0x0];
	_ =	sdelay $0x2  }
0x176: {  	s31 =	simm.s32 $0x8080;
	v8 =	vmov s1;
	s25 =	spop (v2sf);
	(v2sf) =	vpush v7, $0xD;
	s1 =	sadd.s32 $0x1, s24  }
0x177: {  	v6 =	vld [tilespmem:s31+$0x0];
	[smem:s28+$0x100] =	sst s1;
	s28 =	sor.u32 $0x100, s25  }
0x178: {  	v9 =	vmov s0;
	s0 =	sld [smem:s28+$0x0];
	_ =	sdelay $0x1  }
0x179: {  	v10 =	vmov s3  }
0x17a: {  	[tilespmem:v8+s17+$0x0] =	vst.idx.msk $0x1, v5;
	s3 =	spop (v2sf);
	(v2sf) =	vpush v7, $0xE;
	s1 =	sadd.s32 $0x1, s0  }
0x17b: {  	[tilespmem:v8+s18+$0x0] =	vst.idx.msk $0x1, v6;
	v11 =	vmov s9;
	[smem:s25+$0x100] =	sst s1;
	s25 =	sor.u32 $0x100, s3  }
0x17c: {  	[tilespmem:v9+s17+$0x0] =	vst.idx.msk vm1, v5;
	s1 =	sld [smem:s25+$0x0]  }
0x17d: {  	[tilespmem:v9+s18+$0x0] =	vst.idx.msk vm1, v6;
	v8 =	vmov s10  }
0x17e: {  	[tilespmem:v10+s17+$0x0] =	vst.idx.msk vm2, v5  }
0x17f: {  	[tilespmem:v10+s18+$0x0] =	vst.idx.msk vm2, v6;
	v59 =	vmov s11;
	s28 =	sadd.s32 $0x1, s1;
	s10 =	spop (v2sf);
	(v2sf) =	vpush v7, $0xF  }
0x180: {  	[tilespmem:v11+s17+$0x0] =	vst.idx.msk vm3, v5;
	[smem:s3+$0x100] =	sst s28;
	s11 =	sor.u32 $0x100, s10  }
0x181: {  	[tilespmem:v11+s18+$0x0] =	vst.idx.msk vm3, v6;
	v7 =	vmov s12;
	s3 =	sld [smem:s11+$0x0]  }
0x182: {  	[tilespmem:v8+s17+$0x0] =	vst.idx.msk vm4, v5  }
0x183: {  	[tilespmem:v8+s18+$0x0] =	vst.idx.msk vm4, v6;
	v60 =	vmov s13  }
0x184: {  	[tilespmem:v59+s17+$0x0] =	vst.idx.msk vm5, v5;
	s28 =	spop (v2sf);
	s25 =	sadd.s32 $0x1, s3  }
0x185: {  	[tilespmem:v59+s18+$0x0] =	vst.idx.msk vm5, v6;
	v8 =	vmov s14;
	[smem:s10+$0x100] =	sst s25;
	s10 =	sor.u32 $0x100, s28  }
0x186: {  	[tilespmem:v7+s17+$0x0] =	vst.idx.msk vm6, v5;
	s9 =	sld [smem:s10+$0x0]  }
0x187: {  	v61 =	vmov s24;
	[tilespmem:v7+s18+$0x0] =	vst.idx.msk vm6, v6  }
0x188: {  	[tilespmem:v60+s17+$0x0] =	vst.idx.msk vm7, v5  }
0x189: {  	v7 =	vmov s0;
	s13 =	spop (v2sf);
	[tilespmem:v60+s18+$0x0] =	vst.idx.msk vm7, v6;
	s12 =	sadd.s32 $0x1, s9  }
0x18a: {  	s14 =	sor.u32 $0x100, s13;
	[tilespmem:v8+s17+$0x0] =	vst.idx.msk vm8, v5;
	[smem:s28+$0x100] =	sst s12  }
0x18b: {  	[tilespmem:v8+s18+$0x0] =	vst.idx.msk vm8, v6;
	v8 =	vmov s1;
	s0 =	sld [smem:s14+$0x0]  }
0x18c: {  	[tilespmem:v61+s17+$0x0] =	vst.idx.msk vm9, v5  }
0x18d: {  	v62 =	vmov s3;
	[tilespmem:v61+s18+$0x0] =	vst.idx.msk vm9, v6  }
0x18e: {  	[tilespmem:v7+s17+$0x0] =	vst.idx.msk vm10, v5;
	s24 =	sadd.s32 $0x1, s0;
	s25 =	spop (v2sf)  }
0x18f: {  	v63 =	vmov s9;
	[tilespmem:v7+s18+$0x0] =	vst.idx.msk vm10, v6;
	[smem:s13+$0x100] =	sst s24;
	s28 =	sor.u32 $0x100, s25  }
0x190: {  	[tilespmem:v8+s17+$0x0] =	vst.idx.msk vm11, v5;
	s1 =	sld [smem:s28+$0x0]  }
0x191: {  	[tilespmem:v8+s18+$0x0] =	vst.idx.msk vm11, v6;
	v8 =	vmov s0  }
0x192: {  	[tilespmem:v62+s17+$0x0] =	vst.idx.msk vm12, v5  }
0x193: {  	p0 =	sne.s32 s29, $0x1;
	[tilespmem:v62+s18+$0x0] =	vst.idx.msk vm12, v6;
	v7 =	vmov s1  }
.Ltmp10:
0x194: {  	[tilespmem:v63+s17+$0x0] =	vst.idx.msk vm13, v5;
	(pc) =	sbr.rel @!p0 .LBB2_11-.Ltmp10, $4  }
0x195: {  	[tilespmem:v63+s18+$0x0] =	vst.idx.msk vm13, v6  }
0x196: {  	[tilespmem:v8+s17+$0x0] =	vst.idx.msk vm15, v5  }
0x197: {  	s1 =	sadd.s32 $0x1, s1;
	[tilespmem:v8+s18+$0x0] =	vst.idx.msk vm15, v6  }
0x198: {  	s0 =	sadd.s32 $0xFFFFFFFF, s29;
	[smem:s25+$0x100] =	sst s1;
	[tilespmem:v7+s17+$0x0] =	vst.idx.msk vm14, v5  }
.LBB2_10:
0x199: {  	p0 =	sne.s32 s0, $0x1;
	[tilespmem:v7+s18+$0x0] =	vst.idx.msk vm14, v6;
	s30 =	sadd.s32 $0x10, s30;
	s31 =	sadd.s32 $0x10, s31  }
0x19a: {  	s0 =	sadd.s32 $0xFFFFFFFF, s0;
	v5 =	vld [tilespmem:s30+$0x0];
	_ =	sdelay $0x4  }
0x19b: {  	v6 =	vshrl.u32 v5, $0x7  }
0x19c: {  	v6 =	vsub.s32 v6, v0  }
0x19d: {  	vm0 =	vgt.s32 v6, $0x0  }
0x19e: {  	v6 =	vnsel vm0, $0x0, v6  }
0x19f: {  	v7 =	vmin.u32 v6, $0xF5  }
0x1a0: {  	(v2sf) =	vpush v7, $0x0;
	_ =	sdelay $0x4  }
0x1a1: {  	(v2sf) =	vpush v7, $0x1;
	_ =	sdelay $0x4  }
0x1a2: {  	(v2sf) =	vpush v7, $0x2;
	_ =	sdelay $0x4  }
0x1a3: {  	s1 =	spop (v2sf);
	(v2sf) =	vpush v7, $0x3  }
0x1a4: {  	s3 =	sor.u32 $0x100, s1  }
0x1a5: {  	s3 =	sld [smem:s3+$0x0];
	_ =	sdelay $0x2  }
0x1a6: {  	s9 =	sadd.s32 $0x1, s3;
	v8 =	vmov s3;
	s3 =	spop (v2sf);
	(v2sf) =	vpush v7, $0x4  }
0x1a7: {  	[smem:s1+$0x100] =	sst s9;
	s1 =	sor.u32 $0x100, s3  }
0x1a8: {  	s1 =	sld [smem:s1+$0x0];
	_ =	sdelay $0x2  }
0x1a9: {  	s9 =	sadd.s32 $0x1, s1;
	v9 =	vmov s1;
	s1 =	spop (v2sf);
	(v2sf) =	vpush v7, $0x5  }
0x1aa: {  	[smem:s3+$0x100] =	sst s9;
	s3 =	sor.u32 $0x100, s1  }
0x1ab: {  	s3 =	sld [smem:s3+$0x0];
	_ =	sdelay $0x2  }
0x1ac: {  	s9 =	sadd.s32 $0x1, s3;
	v10 =	vmov s3;
	s3 =	spop (v2sf);
	(v2sf) =	vpush v7, $0x6  }
0x1ad: {  	[smem:s1+$0x100] =	sst s9;
	s1 =	sor.u32 $0x100, s3  }
0x1ae: {  	s1 =	sld [smem:s1+$0x0];
	_ =	sdelay $0x2  }
0x1af: {  	s9 =	sadd.s32 $0x1, s1;
	v11 =	vmov s1;
	s1 =	spop (v2sf);
	(v2sf) =	vpush v7, $0x7  }
0x1b0: {  	[smem:s3+$0x100] =	sst s9;
	s3 =	sor.u32 $0x100, s1  }
0x1b1: {  	s3 =	sld [smem:s3+$0x0];
	_ =	sdelay $0x2  }
0x1b2: {  	s9 =	sadd.s32 $0x1, s3;
	v12 =	vmov s3;
	s3 =	spop (v2sf);
	(v2sf) =	vpush v7, $0x8  }
0x1b3: {  	[smem:s1+$0x100] =	sst s9;
	s1 =	sor.u32 $0x100, s3  }
0x1b4: {  	s1 =	sld [smem:s1+$0x0];
	_ =	sdelay $0x2  }
0x1b5: {  	s9 =	sadd.s32 $0x1, s1;
	v13 =	vmov s1;
	s1 =	spop (v2sf);
	(v2sf) =	vpush v7, $0x9  }
0x1b6: {  	[smem:s3+$0x100] =	sst s9;
	s3 =	sor.u32 $0x100, s1  }
0x1b7: {  	s3 =	sld [smem:s3+$0x0];
	_ =	sdelay $0x2  }
0x1b8: {  	s9 =	sadd.s32 $0x1, s3;
	v14 =	vmov s3;
	s3 =	spop (v2sf);
	(v2sf) =	vpush v7, $0xA  }
0x1b9: {  	[smem:s1+$0x100] =	sst s9;
	s1 =	sor.u32 $0x100, s3  }
0x1ba: {  	s1 =	sld [smem:s1+$0x0];
	_ =	sdelay $0x2  }
0x1bb: {  	s9 =	sadd.s32 $0x1, s1;
	v15 =	vmov s1;
	s1 =	spop (v2sf);
	(v2sf) =	vpush v7, $0xB  }
0x1bc: {  	[smem:s3+$0x100] =	sst s9;
	s3 =	sor.u32 $0x100, s1  }
0x1bd: {  	s3 =	sld [smem:s3+$0x0];
	_ =	sdelay $0x2  }
0x1be: {  	s9 =	sadd.s32 $0x1, s3;
	v16 =	vmov s3;
	s3 =	spop (v2sf);
	(v2sf) =	vpush v7, $0xC  }
0x1bf: {  	[smem:s1+$0x100] =	sst s9;
	s1 =	sor.u32 $0x100, s3  }
0x1c0: {  	s1 =	sld [smem:s1+$0x0]  }
0x1c1: {  	v6 =	vld [tilespmem:s31+$0x0];
	_ =	sdelay $0x1  }
0x1c2: {  	s9 =	sadd.s32 $0x1, s1;
	v17 =	vmov s1;
	s1 =	spop (v2sf);
	(v2sf) =	vpush v7, $0xD  }
0x1c3: {  	[smem:s3+$0x100] =	sst s9;
	s3 =	sor.u32 $0x100, s1  }
0x1c4: {  	[tilespmem:v8+s17+$0x0] =	vst.idx.msk $0x1, v5;
	s3 =	sld [smem:s3+$0x0]  }
0x1c5: {  	[tilespmem:v8+s18+$0x0] =	vst.idx.msk $0x1, v6  }
0x1c6: {  	[tilespmem:v9+s17+$0x0] =	vst.idx.msk vm1, v5  }
0x1c7: {  	[tilespmem:v9+s18+$0x0] =	vst.idx.msk vm1, v6;
	s9 =	sadd.s32 $0x1, s3;
	v8 =	vmov s3;
	s3 =	spop (v2sf);
	(v2sf) =	vpush v7, $0xE  }
0x1c8: {  	[tilespmem:v10+s17+$0x0] =	vst.idx.msk vm2, v5;
	[smem:s1+$0x100] =	sst s9;
	s1 =	sor.u32 $0x100, s3  }
0x1c9: {  	[tilespmem:v10+s18+$0x0] =	vst.idx.msk vm2, v6;
	s1 =	sld [smem:s1+$0x0]  }
0x1ca: {  	[tilespmem:v11+s17+$0x0] =	vst.idx.msk vm3, v5  }
0x1cb: {  	[tilespmem:v11+s18+$0x0] =	vst.idx.msk vm3, v6  }
0x1cc: {  	[tilespmem:v12+s17+$0x0] =	vst.idx.msk vm4, v5;
	s9 =	sadd.s32 $0x1, s1;
	s10 =	spop (v2sf);
	(v2sf) =	vpush v7, $0xF  }
0x1cd: {  	[tilespmem:v12+s18+$0x0] =	vst.idx.msk vm4, v6;
	[smem:s3+$0x100] =	sst s9;
	s3 =	sor.u32 $0x100, s10  }
0x1ce: {  	[tilespmem:v13+s17+$0x0] =	vst.idx.msk vm5, v5;
	s3 =	sld [smem:s3+$0x0]  }
0x1cf: {  	[tilespmem:v13+s18+$0x0] =	vst.idx.msk vm5, v6  }
0x1d0: {  	[tilespmem:v14+s17+$0x0] =	vst.idx.msk vm6, v5  }
0x1d1: {  	[tilespmem:v14+s18+$0x0] =	vst.idx.msk vm6, v6;
	s9 =	sadd.s32 $0x1, s3;
	v7 =	vmov s3;
	s3 =	spop (v2sf)  }
0x1d2: {  	[tilespmem:v15+s17+$0x0] =	vst.idx.msk vm7, v5;
	[smem:s10+$0x100] =	sst s9;
	s9 =	sor.u32 $0x100, s3  }
0x1d3: {  	[tilespmem:v15+s18+$0x0] =	vst.idx.msk vm7, v6;
	s9 =	sld [smem:s9+$0x0]  }
0x1d4: {  	[tilespmem:v16+s17+$0x0] =	vst.idx.msk vm8, v5  }
0x1d5: {  	v9 =	vmov s1;
	[tilespmem:v16+s18+$0x0] =	vst.idx.msk vm8, v6  }
0x1d6: {  	[tilespmem:v17+s17+$0x0] =	vst.idx.msk vm9, v5;
	s1 =	sadd.s32 $0x1, s9;
	v10 =	vmov s9;
	s9 =	spop (v2sf)  }
0x1d7: {  	[tilespmem:v17+s18+$0x0] =	vst.idx.msk vm9, v6;
	[smem:s3+$0x100] =	sst s1;
	s1 =	sor.u32 $0x100, s9  }
0x1d8: {  	[tilespmem:v8+s17+$0x0] =	vst.idx.msk vm10, v5;
	s1 =	sld [smem:s1+$0x0]  }
0x1d9: {  	[tilespmem:v8+s18+$0x0] =	vst.idx.msk vm10, v6  }
0x1da: {  	[tilespmem:v9+s17+$0x0] =	vst.idx.msk vm11, v5  }
0x1db: {  	[tilespmem:v9+s18+$0x0] =	vst.idx.msk vm11, v6;
	s3 =	sadd.s32 $0x1, s1;
	v8 =	vmov s1;
	s1 =	spop (v2sf)  }
0x1dc: {  	[tilespmem:v7+s17+$0x0] =	vst.idx.msk vm12, v5;
	[smem:s9+$0x100] =	sst s3;
	s3 =	sor.u32 $0x100, s1  }
0x1dd: {  	[tilespmem:v7+s18+$0x0] =	vst.idx.msk vm12, v6;
	s3 =	sld [smem:s3+$0x0]  }
0x1de: {  	[tilespmem:v10+s17+$0x0] =	vst.idx.msk vm13, v5  }
0x1df: {  	[tilespmem:v10+s18+$0x0] =	vst.idx.msk vm13, v6  }
0x1e0: {  	[tilespmem:v8+s17+$0x0] =	vst.idx.msk vm15, v5;
	s9 =	sadd.s32 $0x1, s3;
	v7 =	vmov s3  }
.Ltmp11:
0x1e1: {  	[tilespmem:v8+s18+$0x0] =	vst.idx.msk vm15, v6;
	[smem:s1+$0x100] =	sst s9;
	(pc) =	sbr.rel @p0 .LBB2_10-.Ltmp11, $2  }
0x1e2: {  	_ =	sdelay $0x2  }
0x1e3: {  	[tilespmem:v7+s17+$0x0] =	vst.idx.msk vm14, v5  }
.LBB2_11:
0x1e4: {  	_ =	sdelay $0x4  }
0x1e5: {  	[tilespmem:v7+s18+$0x0] =	vst.idx.msk vm14, v6;
	s14 =	simm.s32 $0x16200;
	s24 =	simm.s32 $0x18200  }
.LBB2_12:
0x1e6: {  	s0 =	sld [smem:$0x1]  }
0x1e7: {  	s1 =	sld [smem:$0x0]  }
0x1e8: {  	s13 =	sld [smem:$0x2]  }
0x1e9: {  	s11 =	rddreg [dreg:$0x5]  }
0x1ea: {  	s25 =	sld [smem:$0x3];
	p0 =	sle.s32 s0, s1  }
0x1eb: {  	s3 =	simm.s32 @!p0 $0x400;
	s9 =	simm.s32 @!p0 $0x7A1400;
	s10 =	simm.s32 @!p0 $0x14200  }
0x1ec: {  	[tilespmem:s10], [sflag:$0x1] =	stream.strided.gather @!p0 [hbm4b:s11+s3], $0x2000, s9, s3, $0x38;
	[tilespmem:$0x1E200] =	vst v63  }
0x1ed: {  	p0 =	sle.s32 s13, s0;
	s11 =	rddreg [dreg:$0x6]  }
0x1ee: {  	s3 =	simm.s32 @!p0 $0x400;
	s9 =	simm.s32 @!p0 $0x7A1400;
	s10 =	simm.s32 @!p0 $0x16200  }
0x1ef: {  	[tilespmem:s10], [sflag:$0x2] =	stream.strided.gather @!p0 [hbm4b:s11+s3], $0x2000, s9, s3, $0x38;
	[tilespmem:$0x1E200] =	vst v63  }
0x1f0: {  	s28 =	sld [smem:$0x4];
	s29 =	simm.s32 $0x0;
	p0 =	sle.s32 s25, s13  }
0x1f1: {  	s30 =	simm.s32 $0x0;
	s11 =	rddreg [dreg:$0x7];
	s3 =	simm.s32 @!p0 $0x400  }
.Ltmp12:
0x1f2: {  	s9 =	simm.s32 @!p0 $0x7A1400;
	s10 =	simm.s32 @!p0 $0x18200;
	(pc) =	sbr.rel .LBB2_13-.Ltmp12, $4  }
0x1f3: {  	[tilespmem:s10], [sflag:$0x3] =	stream.strided.gather @!p0 [hbm4b:s11+s3], $0x2000, s9, s3, $0x38;
	[tilespmem:$0x1E200] =	vst v63  }
0x1f4: {  	s31 =	simm.s32 $0x0;
	p0 =	sle.s32 s28, s25;
	s9 =	rddreg [dreg:$0x8]  }
0x1f5: {  	s0 =	simm.s32 @!p0 $0x400;
	s1 =	simm.s32 @!p0 $0x7A1400;
	s3 =	simm.s32 @!p0 $0x1A200  }
0x1f6: {  	[tilespmem:s3], [sflag:$0x4] =	stream.strided.gather @!p0 [hbm4b:s9+s0], $0x2000, s1, s0, $0x38;
	[tilespmem:$0x1E200] =	vst v63  }
.LBB2_57:
0x1f7: {  	p1 =	sne.s32 s1, $0x1E84;
	p0 =	por !p0, !p0  }
0x1f8: {  	p0 =	por p1, p0  }
0x1f9: {  	s0 =	simm.s32 @!p0 $0x0;
	s1 =	simm.s32 @!p0 $0x1A200  }
0x1fa: {  	[tilespmem:s1], [sflag:$0x4] =	stream.linear.gather @!p0 [hbm4b:s4+s0], $0x2000, $0x38;
	[tilespmem:$0x1E200] =	vst v63  }
.LBB2_58:
0x1fb: {  	s31 =	sadd.s32 $0x1, s31  }
0x1fc: {  	p0 =	seq.s32 s31, $0x3E  }
.Ltmp13:
0x1fd: {  	_ = 	snop;
	(pc) =	sbr.rel @p0 .LBB2_59-.Ltmp13, $1  }
0x1fe: {  	_ =	sdelay $0x3  }
.LBB2_13:
0x1ff: {  	s3 =	sshll.u32 s31, $0x2  }
0x200: {  	s1 =	sor.u32 $0x1, s3;
	s0 =	sld [smem:s3+$0x0]  }
0x201: {  	s9 =	sld [smem:s1+$0x0];
	_ =	sdelay $0x1  }
0x202: {  	p0 =	sge.u32 s3, s8  }
0x203: {  	p1 =	sle.s32 @!p0 s9, s0;
	s9 =	ssub.s32 @!p0 s9, s0  }
0x204: {  	p2 =	slt.s32 @!p0 s9, $0x1  }
0x205: {  	p2 =	por p0, p2  }
.Ltmp14:
0x206: {  	p1 =	por p1, p0;
	(pc) =	sbr.rel @!p2 .LBB2_20-.Ltmp14, $4  }
0x207: {  	s10 =	simm.s32 @!p1 $0x1  }
0x208: {  	_ =	swait.ge @!p1 [sflag:s10], $0x2000  }
0x209: {  	[sflag:s10] =	ssyncset.done @!p1 $0x0  }
0x20a: {  	[sflag:s10] =	ssyncadd.s32 @!p1 $0xFFFFE000;
	s10 =	simm.s32 @!p0 $0x0  }
0x20b: {  	s30 =	smov.u32 @p0 s30;
	s29 =	smov.u32 @p0 s29  }
.LBB2_25:
0x20c: {  	s0 =	sadd.s32 s7, s3  }
0x20d: {  	s9 =	sadd.s32 $0x4, s0  }
0x20e: {  	s10 =	ssub.s32 s9, s7  }
0x20f: {  	s11 =	smin.u32 s10, $0xF5  }
0x210: {  	s12 =	sld [smem:s11+$0x1]  }
0x211: {  	s11 =	sld [smem:s11+$0x0];
	_ =	sdelay $0x2  }
0x212: {  	p1 =	slt.u32 s10, s8;
	p0 =	sgt.s32 s12, s11  }
0x213: {  	p0 =	por !p1, !p0  }
0x214: {  	p6 =	sgt.u32 s0, $0x1E7F;
	p0 =	por !p0, !p0  }
0x215: {  	p1 =	por p6, !p0  }
.Ltmp15:
0x216: {  	_ = 	snop;
	(pc) =	sbr.rel @p1 .LBB2_27-.Ltmp15, $1  }
0x217: {  	_ =	sdelay $0x3  }
.Ltmp16:
0x218: {  	(pc) =	sbr.rel .LBB2_28-.Ltmp16, $4  }
0x219: {  	_ = 	snop  }
0x21a: {  	s9 =	sshll.u32 s9, $0x7  }
0x21b: {  	s9 =	sadd.s32 s2, s9  }
0x21c: {  	[tilespmem:s19], [sflag:$0x1] =	stream.strided.gather [hbm4b:s9+s22], $0x2000, s23, s22, $0x38;
	[tilespmem:$0x1E200] =	vst v63  }
.LBB2_23:
0x21d: {  	[sflag:s21] =	ssyncadd.s32 $0xFFFFFF80  }
.LBB2_24:
0x21e: {  	s10 =	sadd.s32 $0x1, s10  }
0x21f: {  	p1 =	sne.s32 s10, s9  }
.Ltmp17:
0x220: {  	_ = 	snop;
	(pc) =	sbr.rel @!p1 .LBB2_25-.Ltmp17, $3  }
0x221: {  	_ =	sdelay $0x1  }
0x222: {  	p0 =	sgt.s32 s29, $0x2F  }
0x223: {  	s30 =	sadd.s32 $0x1, s30;
	s29 =	simm.s32 @p0 $0x0  }
.LBB2_20:
0x224: {  	s11 =	sadd.s32 s0, s10  }
0x225: {  	v5 =	vmov s11;
	_ =	sdelay $0x4  }
0x226: {  	v6 =	vld.idx.msk [tilespmem:v5+s17+$0x0], $0xffff;
	_ =	sdelay $0x4  }
0x227: {  	(v2sf) =	vpush v6, $0x0;
	_ =	sdelay $0xe  }
0x228: {  	v6 =	vmul.u32 $0x80, v3;
	s25 =	spop (v2sf)  }
0x229: {  	s12 =	sshra.s32 s30, $0x1F;
	s11 =	sand.u32 $0x7F, s25  }
0x22a: {  	s12 =	sshrl.u32 s12, $0x1A;
	v7 =	vor.u32 s11, v6  }
0x22b: {  	s12 =	sadd.s32 s12, s30  }
0x22c: {  	s12 =	sand.u32 $0xFFFFFFC0, s12  }
0x22d: {  	s12 =	ssub.s32 s30, s12  }
0x22e: {  	s13 =	sshll.u32 s12, $0x7;
	v5 =	vld.idx.msk [tilespmem:v5+s18+$0x0], $0xffff  }
0x22f: {  	v8 =	vor.u32 s13, v3;
	v9 =	vor.u32 $0x800, v6;
	v7 =	vld.idx.msk [tilespmem:v7+s19+$0x0], $0xffff  }
0x230: {  	v9 =	vor.u32 s11, v9;
	_ =	sdelay $0x3  }
0x231: {  	(v2sf) =	vpush v5, $0x0;
	[tilespmem:v8+s20+$0x0] =	vst.idx.msk $0xffff, v7;
	v7 =	vor.u32 $0x10, v3  }
0x232: {  	v63 =	vor.u32 $0x1000, v6;
	v5 =	vld.idx.msk [tilespmem:v9+s19+$0x0], $0xffff;
	v7 =	vor.u32 s13, v7  }
0x233: {  	v8 =	vor.u32 s11, v63;
	_ =	sdelay $0x3  }
0x234: {  	[tilespmem:v7+s20+$0x0] =	vst.idx.msk $0xffff, v5;
	v5 =	vor.u32 $0x20, v3  }
0x235: {  	v6 =	vor.u32 $0x1800, v6;
	v7 =	vld.idx.msk [tilespmem:v8+s19+$0x0], $0xffff;
	v5 =	vor.u32 s13, v5  }
0x236: {  	v6 =	vor.u32 s11, v6;
	_ =	sdelay $0x3  }
0x237: {  	[tilespmem:v5+s20+$0x0] =	vst.idx.msk $0xffff, v7;
	v5 =	vor.u32 $0x30, v3  }
0x238: {  	s29 =	sadd.s32 $0x1, s29;
	v6 =	vld.idx.msk [tilespmem:v6+s19+$0x0], $0xffff;
	v5 =	vor.u32 s13, v5  }
0x239: {  	p0 =	slt.s32 s29, $0x30  }
.Ltmp18:
0x23a: {  	s28 =	spop (v2sf);
	(pc) =	sbr.rel @p0 .LBB2_24-.Ltmp18, $4  }
0x23b: {  	s12 =	sshll.u32 s12, $0x9;
	s11 =	sshll.u32 s28, $0x4  }
0x23c: {  	s12 =	sshra.s32 s12, $0x2;
	s11 =	sand.u32 $0x1FFFFFF0, s11  }
0x23d: {  	s12 =	sadd.s32 $0x1C200, s12;
	s11 =	sadd.s32 s6, s11;
	[tilespmem:v5+s20+$0x0] =	vst.idx.msk $0xffff, v6  }
0x23e: {  	[hbm4b:s11+s5] =	stream.linear.scatter [tilespmem:s12], [sflag:$0x5], $0x80, $0x38;
	[tilespmem:$0x1E200] =	vst v63  }
0x23f: {  	p0 =	sne.s32 s29, $0x1  }
.Ltmp19:
0x240: {  	_ = 	snop;
	(pc) =	sbr.rel @!p0 .LBB2_23-.Ltmp19, $3  }
0x241: {  	_ =	sdelay $0x1  }
0x242: {  	_ =	swait.ge [sflag:s21], $0x80  }
0x243: {  	s11 =	sadd.s32 $0xFFFFFFFF, s29;
	[sflag:s21] =	ssyncset.done $0x0  }
.LBB2_22:
0x244: {  	p0 =	sne.s32 s11, $0x1;
	s11 =	sadd.s32 $0xFFFFFFFF, s11;
	[sflag:s21] =	ssyncadd.s32 $0xFFFFFF80  }
.Ltmp20:
0x245: {  	(pc) =	sbr.rel @p0 .LBB2_22-.Ltmp20, $3  }
0x246: {  	_ =	sdelay $0x1  }
0x247: {  	_ =	swait.ge [sflag:s21], $0x80  }
0x248: {  	[sflag:s21] =	ssyncset.done $0x0  }
.Ltmp21:
0x249: {  	_ = 	snop;
	(pc) =	sbr.rel .LBB2_23-.Ltmp21, $1  }
0x24a: {  	_ =	sdelay $0x3  }
.LBB2_27:
0x24b: {  	p1 =	sne.s32 s9, $0x1E84;
	p0 =	por !p0, !p0  }
0x24c: {  	p0 =	por p1, p0  }
0x24d: {  	s9 =	simm.s32 @!p0 $0x0;
	s10 =	simm.s32 @!p0 $0x14200  }
0x24e: {  	[tilespmem:s10], [sflag:$0x1] =	stream.linear.gather @!p0 [hbm4b:s4+s9], $0x2000, $0x38;
	[tilespmem:$0x1E200] =	vst v63  }
.LBB2_28:
0x24f: {  	s10 =	sld [smem:s3+$0x2]  }
0x250: {  	s9 =	sld [smem:s1+$0x0];
	_ =	sdelay $0x1  }
0x251: {  	p0 =	sge.u32 s1, s8  }
0x252: {  	s1 =	ssub.s32 @!p0 s10, s9  }
0x253: {  	p2 =	slt.s32 @!p0 s1, $0x1  }
0x254: {  	p1 =	sle.s32 @!p0 s10, s9;
	p2 =	por p0, p2  }
.Ltmp22:
0x255: {  	p1 =	por p1, p0;
	(pc) =	sbr.rel @!p2 .LBB2_30-.Ltmp22, $4  }
0x256: {  	s11 =	simm.s32 @!p1 $0x2  }
0x257: {  	_ =	swait.ge @!p1 [sflag:s11], $0x2000  }
0x258: {  	[sflag:s11] =	ssyncset.done @!p1 $0x0  }
0x259: {  	s10 =	simm.s32 @!p0 $0x0;
	[sflag:s11] =	ssyncadd.s32 @!p1 $0xFFFFE000  }
0x25a: {  	s30 =	smov.u32 @p0 s30;
	s29 =	smov.u32 @p0 s29  }
.LBB2_35:
0x25b: {  	s1 =	sadd.s32 $0x5, s0  }
0x25c: {  	s9 =	ssub.s32 s1, s7  }
0x25d: {  	s10 =	smin.u32 s9, $0xF5  }
0x25e: {  	s11 =	sld [smem:s10+$0x1]  }
0x25f: {  	s10 =	sld [smem:s10+$0x0];
	_ =	sdelay $0x2  }
0x260: {  	p1 =	slt.u32 s9, s8;
	p0 =	sgt.s32 s11, s10  }
0x261: {  	p0 =	por !p1, !p0  }
0x262: {  	p6 =	sgt.u32 s0, $0x1E7E;
	p0 =	por !p0, !p0  }
0x263: {  	p1 =	por p6, !p0  }
.Ltmp23:
0x264: {  	_ = 	snop;
	(pc) =	sbr.rel @p1 .LBB2_37-.Ltmp23, $1  }
0x265: {  	_ =	sdelay $0x3  }
.Ltmp24:
0x266: {  	(pc) =	sbr.rel .LBB2_38-.Ltmp24, $4  }
0x267: {  	_ = 	snop  }
0x268: {  	s1 =	sshll.u32 s1, $0x7  }
0x269: {  	s1 =	sadd.s32 s2, s1  }
0x26a: {  	[tilespmem:s14], [sflag:$0x2] =	stream.strided.gather [hbm4b:s1+s22], $0x2000, s23, s22, $0x38;
	[tilespmem:$0x1E200] =	vst v63  }
.LBB2_33:
0x26b: {  	[sflag:s21] =	ssyncadd.s32 $0xFFFFFF80  }
.LBB2_34:
0x26c: {  	s10 =	sadd.s32 $0x1, s10  }
0x26d: {  	p1 =	sne.s32 s10, s1  }
.Ltmp25:
0x26e: {  	_ = 	snop;
	(pc) =	sbr.rel @!p1 .LBB2_35-.Ltmp25, $3  }
0x26f: {  	_ =	sdelay $0x1  }
0x270: {  	p0 =	sgt.s32 s29, $0x2F  }
0x271: {  	s30 =	sadd.s32 $0x1, s30;
	s29 =	simm.s32 @p0 $0x0  }
.LBB2_30:
0x272: {  	s11 =	sadd.s32 s9, s10  }
0x273: {  	v5 =	vmov s11;
	_ =	sdelay $0x4  }
0x274: {  	v6 =	vld.idx.msk [tilespmem:v5+s17+$0x0], $0xffff;
	_ =	sdelay $0x4  }
0x275: {  	(v2sf) =	vpush v6, $0x0;
	_ =	sdelay $0xd  }
0x276: {  	v6 =	vmul.u32 $0x80, v3  }
0x277: {  	s25 =	spop (v2sf)  }
0x278: {  	s12 =	sshra.s32 s30, $0x1F;
	v7 =	vor.u32 $0x2000, v6;
	s11 =	sand.u32 $0x7F, s25  }
0x279: {  	s12 =	sshrl.u32 s12, $0x1A;
	v7 =	vor.u32 s11, v7  }
0x27a: {  	s12 =	sadd.s32 s12, s30  }
0x27b: {  	s12 =	sand.u32 $0xFFFFFFC0, s12  }
0x27c: {  	s12 =	ssub.s32 s30, s12  }
0x27d: {  	s13 =	sshll.u32 s12, $0x7;
	v5 =	vld.idx.msk [tilespmem:v5+s18+$0x0], $0xffff  }
0x27e: {  	v8 =	vor.u32 s13, v3;
	v9 =	vor.u32 $0x2800, v6;
	v7 =	vld.idx.msk [tilespmem:v7+s19+$0x0], $0xffff  }
0x27f: {  	v9 =	vor.u32 s11, v9;
	_ =	sdelay $0x3  }
0x280: {  	(v2sf) =	vpush v5, $0x0;
	[tilespmem:v8+s20+$0x0] =	vst.idx.msk $0xffff, v7;
	v7 =	vor.u32 $0x10, v3  }
0x281: {  	v63 =	vor.u32 $0x3000, v6;
	v5 =	vld.idx.msk [tilespmem:v9+s19+$0x0], $0xffff;
	v7 =	vor.u32 s13, v7  }
0x282: {  	v8 =	vor.u32 s11, v63;
	_ =	sdelay $0x3  }
0x283: {  	[tilespmem:v7+s20+$0x0] =	vst.idx.msk $0xffff, v5;
	v5 =	vor.u32 $0x20, v3  }
0x284: {  	v6 =	vor.u32 $0x3800, v6;
	v7 =	vld.idx.msk [tilespmem:v8+s19+$0x0], $0xffff;
	v5 =	vor.u32 s13, v5  }
0x285: {  	v6 =	vor.u32 s11, v6;
	_ =	sdelay $0x3  }
0x286: {  	[tilespmem:v5+s20+$0x0] =	vst.idx.msk $0xffff, v7;
	v5 =	vor.u32 $0x30, v3  }
0x287: {  	s29 =	sadd.s32 $0x1, s29;
	v6 =	vld.idx.msk [tilespmem:v6+s19+$0x0], $0xffff;
	v5 =	vor.u32 s13, v5  }
0x288: {  	p0 =	slt.s32 s29, $0x30  }
.Ltmp26:
0x289: {  	s28 =	spop (v2sf);
	(pc) =	sbr.rel @p0 .LBB2_34-.Ltmp26, $4  }
0x28a: {  	s12 =	sshll.u32 s12, $0x9;
	s11 =	sshll.u32 s28, $0x4  }
0x28b: {  	s12 =	sshra.s32 s12, $0x2;
	s11 =	sand.u32 $0x1FFFFFF0, s11  }
0x28c: {  	s12 =	sadd.s32 $0x1C200, s12;
	s11 =	sadd.s32 s6, s11;
	[tilespmem:v5+s20+$0x0] =	vst.idx.msk $0xffff, v6  }
0x28d: {  	[hbm4b:s11+s5] =	stream.linear.scatter [tilespmem:s12], [sflag:$0x5], $0x80, $0x38;
	[tilespmem:$0x1E200] =	vst v63  }
0x28e: {  	p0 =	sne.s32 s29, $0x1  }
.Ltmp27:
0x28f: {  	_ = 	snop;
	(pc) =	sbr.rel @!p0 .LBB2_33-.Ltmp27, $3  }
0x290: {  	_ =	sdelay $0x1  }
0x291: {  	_ =	swait.ge [sflag:s21], $0x80  }
0x292: {  	s11 =	sadd.s32 $0xFFFFFFFF, s29;
	[sflag:s21] =	ssyncset.done $0x0  }
.LBB2_32:
0x293: {  	p0 =	sne.s32 s11, $0x1;
	s11 =	sadd.s32 $0xFFFFFFFF, s11;
	[sflag:s21] =	ssyncadd.s32 $0xFFFFFF80  }
.Ltmp28:
0x294: {  	(pc) =	sbr.rel @p0 .LBB2_32-.Ltmp28, $3  }
0x295: {  	_ =	sdelay $0x1  }
0x296: {  	_ =	swait.ge [sflag:s21], $0x80  }
0x297: {  	[sflag:s21] =	ssyncset.done $0x0  }
.Ltmp29:
0x298: {  	_ = 	snop;
	(pc) =	sbr.rel .LBB2_33-.Ltmp29, $1  }
0x299: {  	_ =	sdelay $0x3  }
.LBB2_37:
0x29a: {  	p1 =	sne.s32 s1, $0x1E84;
	p0 =	por !p0, !p0  }
0x29b: {  	p0 =	por p1, p0  }
0x29c: {  	s1 =	simm.s32 @!p0 $0x0;
	s9 =	simm.s32 @!p0 $0x16200  }
0x29d: {  	[tilespmem:s9], [sflag:$0x2] =	stream.linear.gather @!p0 [hbm4b:s4+s1], $0x2000, $0x38;
	[tilespmem:$0x1E200] =	vst v63  }
.LBB2_38:
0x29e: {  	s9 =	sor.u32 $0x2, s3  }
0x29f: {  	s1 =	smin.u32 s9, $0xF5  }
0x2a0: {  	s10 =	sld [smem:s1+$0x1]  }
0x2a1: {  	s1 =	sld [smem:s1+$0x0];
	_ =	sdelay $0x1  }
0x2a2: {  	p0 =	sge.u32 s9, s8  }
0x2a3: {  	p1 =	sle.s32 @!p0 s10, s1  }
0x2a4: {  	p1 =	por p1, p0  }
0x2a5: {  	s1 =	simm.s32 @!p1 $0x3  }
0x2a6: {  	_ =	swait.ge @!p1 [sflag:s1], $0x2000  }
0x2a7: {  	[sflag:s1] =	ssyncset.done @!p1 $0x0  }
0x2a8: {  	[sflag:s1] =	ssyncadd.s32 @!p1 $0xFFFFE000  }
0x2a9: {  	s1 =	sld @!p0 [smem:s9+$0x0]  }
0x2aa: {  	s9 =	sld @!p0 [smem:s9+$0x1];
	_ =	sdelay $0x2  }
0x2ab: {  	s9 =	ssub.s32 @!p0 s9, s1  }
0x2ac: {  	p1 =	slt.s32 @!p0 s9, $0x1  }
0x2ad: {  	p1 =	por p0, p1  }
.Ltmp30:
0x2ae: {  	_ = 	snop;
	(pc) =	sbr.rel @!p1 .LBB2_40-.Ltmp30, $2  }
0x2af: {  	_ =	sdelay $0x2  }
0x2b0: {  	s10 =	simm.s32 @!p0 $0x0  }
0x2b1: {  	s30 =	smov.u32 @p0 s30;
	s29 =	smov.u32 @p0 s29  }
.LBB2_45:
0x2b2: {  	s1 =	sadd.s32 $0x6, s0  }
0x2b3: {  	s9 =	ssub.s32 s1, s7  }
0x2b4: {  	s10 =	smin.u32 s9, $0xF5  }
0x2b5: {  	s11 =	sld [smem:s10+$0x1]  }
0x2b6: {  	s10 =	sld [smem:s10+$0x0];
	_ =	sdelay $0x2  }
0x2b7: {  	p1 =	slt.u32 s9, s8;
	p0 =	sgt.s32 s11, s10  }
0x2b8: {  	p0 =	por !p1, !p0  }
0x2b9: {  	p6 =	sgt.u32 s0, $0x1E7D;
	p0 =	por !p0, !p0  }
0x2ba: {  	p1 =	por p6, !p0  }
.Ltmp31:
0x2bb: {  	_ = 	snop;
	(pc) =	sbr.rel @p1 .LBB2_47-.Ltmp31, $1  }
0x2bc: {  	_ =	sdelay $0x3  }
.Ltmp32:
0x2bd: {  	(pc) =	sbr.rel .LBB2_48-.Ltmp32, $4  }
0x2be: {  	_ = 	snop  }
0x2bf: {  	s1 =	sshll.u32 s1, $0x7  }
0x2c0: {  	s1 =	sadd.s32 s2, s1  }
0x2c1: {  	[tilespmem:s24], [sflag:$0x3] =	stream.strided.gather [hbm4b:s1+s22], $0x2000, s23, s22, $0x38;
	[tilespmem:$0x1E200] =	vst v63  }
.LBB2_43:
0x2c2: {  	[sflag:s21] =	ssyncadd.s32 $0xFFFFFF80  }
.LBB2_44:
0x2c3: {  	s10 =	sadd.s32 $0x1, s10  }
0x2c4: {  	p1 =	sne.s32 s10, s9  }
.Ltmp33:
0x2c5: {  	_ = 	snop;
	(pc) =	sbr.rel @!p1 .LBB2_45-.Ltmp33, $3  }
0x2c6: {  	_ =	sdelay $0x1  }
0x2c7: {  	p0 =	sgt.s32 s29, $0x2F  }
0x2c8: {  	s30 =	sadd.s32 $0x1, s30;
	s29 =	simm.s32 @p0 $0x0  }
.LBB2_40:
0x2c9: {  	s11 =	sadd.s32 s1, s10  }
0x2ca: {  	v5 =	vmov s11;
	_ =	sdelay $0x4  }
0x2cb: {  	v6 =	vld.idx.msk [tilespmem:v5+s17+$0x0], $0xffff;
	_ =	sdelay $0x4  }
0x2cc: {  	(v2sf) =	vpush v6, $0x0;
	_ =	sdelay $0xd  }
0x2cd: {  	v6 =	vmul.u32 $0x80, v3  }
0x2ce: {  	s25 =	spop (v2sf)  }
0x2cf: {  	s12 =	sshra.s32 s30, $0x1F;
	v7 =	vor.u32 $0x4000, v6;
	s11 =	sand.u32 $0x7F, s25  }
0x2d0: {  	s12 =	sshrl.u32 s12, $0x1A;
	v7 =	vor.u32 s11, v7  }
0x2d1: {  	s12 =	sadd.s32 s12, s30  }
0x2d2: {  	s12 =	sand.u32 $0xFFFFFFC0, s12  }
0x2d3: {  	s12 =	ssub.s32 s30, s12  }
0x2d4: {  	s13 =	sshll.u32 s12, $0x7;
	v5 =	vld.idx.msk [tilespmem:v5+s18+$0x0], $0xffff  }
0x2d5: {  	v8 =	vor.u32 s13, v3;
	v9 =	vor.u32 $0x4800, v6;
	v7 =	vld.idx.msk [tilespmem:v7+s19+$0x0], $0xffff  }
0x2d6: {  	v9 =	vor.u32 s11, v9;
	_ =	sdelay $0x3  }
0x2d7: {  	(v2sf) =	vpush v5, $0x0;
	[tilespmem:v8+s20+$0x0] =	vst.idx.msk $0xffff, v7;
	v7 =	vor.u32 $0x10, v3  }
0x2d8: {  	v63 =	vor.u32 $0x5000, v6;
	v5 =	vld.idx.msk [tilespmem:v9+s19+$0x0], $0xffff;
	v7 =	vor.u32 s13, v7  }
0x2d9: {  	v8 =	vor.u32 s11, v63;
	_ =	sdelay $0x3  }
0x2da: {  	[tilespmem:v7+s20+$0x0] =	vst.idx.msk $0xffff, v5;
	v5 =	vor.u32 $0x20, v3  }
0x2db: {  	v6 =	vor.u32 $0x5800, v6;
	v7 =	vld.idx.msk [tilespmem:v8+s19+$0x0], $0xffff;
	v5 =	vor.u32 s13, v5  }
0x2dc: {  	v6 =	vor.u32 s11, v6;
	_ =	sdelay $0x3  }
0x2dd: {  	[tilespmem:v5+s20+$0x0] =	vst.idx.msk $0xffff, v7;
	v5 =	vor.u32 $0x30, v3  }
0x2de: {  	s29 =	sadd.s32 $0x1, s29;
	v6 =	vld.idx.msk [tilespmem:v6+s19+$0x0], $0xffff;
	v5 =	vor.u32 s13, v5  }
0x2df: {  	p0 =	slt.s32 s29, $0x30  }
.Ltmp34:
0x2e0: {  	s28 =	spop (v2sf);
	(pc) =	sbr.rel @p0 .LBB2_44-.Ltmp34, $4  }
0x2e1: {  	s12 =	sshll.u32 s12, $0x9;
	s11 =	sshll.u32 s28, $0x4  }
0x2e2: {  	s12 =	sshra.s32 s12, $0x2;
	s11 =	sand.u32 $0x1FFFFFF0, s11  }
0x2e3: {  	s12 =	sadd.s32 $0x1C200, s12;
	s11 =	sadd.s32 s6, s11;
	[tilespmem:v5+s20+$0x0] =	vst.idx.msk $0xffff, v6  }
0x2e4: {  	[hbm4b:s11+s5] =	stream.linear.scatter [tilespmem:s12], [sflag:$0x5], $0x80, $0x38;
	[tilespmem:$0x1E200] =	vst v63  }
0x2e5: {  	p0 =	sne.s32 s29, $0x1  }
.Ltmp35:
0x2e6: {  	_ = 	snop;
	(pc) =	sbr.rel @!p0 .LBB2_43-.Ltmp35, $3  }
0x2e7: {  	_ =	sdelay $0x1  }
0x2e8: {  	_ =	swait.ge [sflag:s21], $0x80  }
0x2e9: {  	s11 =	sadd.s32 $0xFFFFFFFF, s29;
	[sflag:s21] =	ssyncset.done $0x0  }
.LBB2_42:
0x2ea: {  	p0 =	sne.s32 s11, $0x1;
	s11 =	sadd.s32 $0xFFFFFFFF, s11;
	[sflag:s21] =	ssyncadd.s32 $0xFFFFFF80  }
.Ltmp36:
0x2eb: {  	(pc) =	sbr.rel @p0 .LBB2_42-.Ltmp36, $3  }
0x2ec: {  	_ =	sdelay $0x1  }
0x2ed: {  	_ =	swait.ge [sflag:s21], $0x80  }
0x2ee: {  	[sflag:s21] =	ssyncset.done $0x0  }
.Ltmp37:
0x2ef: {  	_ = 	snop;
	(pc) =	sbr.rel .LBB2_43-.Ltmp37, $1  }
0x2f0: {  	_ =	sdelay $0x3  }
.LBB2_47:
0x2f1: {  	p1 =	sne.s32 s1, $0x1E84;
	p0 =	por !p0, !p0  }
0x2f2: {  	p0 =	por p1, p0  }
0x2f3: {  	s1 =	simm.s32 @!p0 $0x0;
	s9 =	simm.s32 @!p0 $0x18200  }
0x2f4: {  	[tilespmem:s9], [sflag:$0x3] =	stream.linear.gather @!p0 [hbm4b:s4+s1], $0x2000, $0x38;
	[tilespmem:$0x1E200] =	vst v63  }
.LBB2_48:
0x2f5: {  	s3 =	sor.u32 $0x3, s3  }
0x2f6: {  	s1 =	smin.u32 s3, $0xF5  }
0x2f7: {  	s9 =	sld [smem:s1+$0x1]  }
0x2f8: {  	s1 =	sld [smem:s1+$0x0];
	_ =	sdelay $0x1  }
0x2f9: {  	p0 =	sge.u32 s3, s8  }
0x2fa: {  	p1 =	sle.s32 @!p0 s9, s1  }
0x2fb: {  	p1 =	por p1, p0  }
0x2fc: {  	s1 =	simm.s32 @!p1 $0x4  }
0x2fd: {  	_ =	swait.ge @!p1 [sflag:s1], $0x2000  }
0x2fe: {  	[sflag:s1] =	ssyncset.done @!p1 $0x0  }
0x2ff: {  	[sflag:s1] =	ssyncadd.s32 @!p1 $0xFFFFE000  }
0x300: {  	s1 =	sld @!p0 [smem:s3+$0x0]  }
0x301: {  	s3 =	sld @!p0 [smem:s3+$0x1];
	_ =	sdelay $0x2  }
0x302: {  	s3 =	ssub.s32 @!p0 s3, s1  }
0x303: {  	p1 =	slt.s32 @!p0 s3, $0x1  }
0x304: {  	p1 =	por p0, p1  }
.Ltmp38:
0x305: {  	_ = 	snop;
	(pc) =	sbr.rel @!p1 .LBB2_50-.Ltmp38, $2  }
0x306: {  	_ =	sdelay $0x2  }
0x307: {  	s9 =	simm.s32 @!p0 $0x0  }
0x308: {  	s30 =	smov.u32 @p0 s30;
	s29 =	smov.u32 @p0 s29  }
.LBB2_55:
0x309: {  	s1 =	sadd.s32 $0x7, s0  }
0x30a: {  	s3 =	ssub.s32 s1, s7  }
0x30b: {  	s9 =	smin.u32 s3, $0xF5  }
0x30c: {  	s10 =	sld [smem:s9+$0x1]  }
0x30d: {  	s9 =	sld [smem:s9+$0x0];
	_ =	sdelay $0x2  }
0x30e: {  	p1 =	slt.u32 s3, s8;
	p0 =	sgt.s32 s10, s9  }
0x30f: {  	p0 =	por !p1, !p0  }
0x310: {  	p6 =	sgt.u32 s0, $0x1E7C;
	p0 =	por !p0, !p0  }
0x311: {  	p1 =	por p6, !p0  }
.Ltmp39:
0x312: {  	_ = 	snop;
	(pc) =	sbr.rel @p1 .LBB2_57-.Ltmp39, $1  }
0x313: {  	_ =	sdelay $0x3  }
.Ltmp40:
0x314: {  	(pc) =	sbr.rel .LBB2_58-.Ltmp40, $4  }
0x315: {  	_ = 	snop  }
0x316: {  	s0 =	sshll.u32 s1, $0x7  }
0x317: {  	s0 =	sadd.s32 s2, s0  }
0x318: {  	[tilespmem:s26], [sflag:$0x4] =	stream.strided.gather [hbm4b:s0+s22], $0x2000, s23, s22, $0x38;
	[tilespmem:$0x1E200] =	vst v63  }
.LBB2_53:
0x319: {  	[sflag:s21] =	ssyncadd.s32 $0xFFFFFF80  }
.LBB2_54:
0x31a: {  	s9 =	sadd.s32 $0x1, s9  }
0x31b: {  	p1 =	sne.s32 s9, s3  }
.Ltmp41:
0x31c: {  	_ = 	snop;
	(pc) =	sbr.rel @!p1 .LBB2_55-.Ltmp41, $3  }
0x31d: {  	_ =	sdelay $0x1  }
0x31e: {  	p0 =	sgt.s32 s29, $0x2F  }
0x31f: {  	s30 =	sadd.s32 $0x1, s30;
	s29 =	simm.s32 @p0 $0x0  }
.LBB2_50:
0x320: {  	s10 =	sadd.s32 s1, s9  }
0x321: {  	v5 =	vmov s10;
	_ =	sdelay $0x4  }
0x322: {  	v6 =	vld.idx.msk [tilespmem:v5+s17+$0x0], $0xffff;
	_ =	sdelay $0x4  }
0x323: {  	(v2sf) =	vpush v6, $0x0;
	_ =	sdelay $0xd  }
0x324: {  	v6 =	vmul.u32 $0x80, v3  }
0x325: {  	s25 =	spop (v2sf)  }
0x326: {  	s11 =	sshra.s32 s30, $0x1F;
	v7 =	vor.u32 $0x6000, v6;
	s10 =	sand.u32 $0x7F, s25  }
0x327: {  	s11 =	sshrl.u32 s11, $0x1A;
	v7 =	vor.u32 s10, v7  }
0x328: {  	s11 =	sadd.s32 s11, s30  }
0x329: {  	s11 =	sand.u32 $0xFFFFFFC0, s11  }
0x32a: {  	s11 =	ssub.s32 s30, s11  }
0x32b: {  	s12 =	sshll.u32 s11, $0x7;
	v5 =	vld.idx.msk [tilespmem:v5+s18+$0x0], $0xffff  }
0x32c: {  	v8 =	vor.u32 s12, v3;
	v9 =	vor.u32 $0x6800, v6;
	v7 =	vld.idx.msk [tilespmem:v7+s19+$0x0], $0xffff  }
0x32d: {  	v9 =	vor.u32 s10, v9;
	_ =	sdelay $0x3  }
0x32e: {  	(v2sf) =	vpush v5, $0x0;
	[tilespmem:v8+s20+$0x0] =	vst.idx.msk $0xffff, v7;
	v7 =	vor.u32 $0x10, v3  }
0x32f: {  	v63 =	vor.u32 $0x7000, v6;
	v5 =	vld.idx.msk [tilespmem:v9+s19+$0x0], $0xffff;
	v7 =	vor.u32 s12, v7  }
0x330: {  	v8 =	vor.u32 s10, v63;
	_ =	sdelay $0x3  }
0x331: {  	[tilespmem:v7+s20+$0x0] =	vst.idx.msk $0xffff, v5;
	v5 =	vor.u32 $0x20, v3  }
0x332: {  	v6 =	vor.u32 $0x7800, v6;
	v7 =	vld.idx.msk [tilespmem:v8+s19+$0x0], $0xffff;
	v5 =	vor.u32 s12, v5  }
0x333: {  	v6 =	vor.u32 s10, v6;
	_ =	sdelay $0x3  }
0x334: {  	[tilespmem:v5+s20+$0x0] =	vst.idx.msk $0xffff, v7;
	v5 =	vor.u32 $0x30, v3  }
0x335: {  	s29 =	sadd.s32 $0x1, s29;
	v6 =	vld.idx.msk [tilespmem:v6+s19+$0x0], $0xffff;
	v5 =	vor.u32 s12, v5  }
0x336: {  	p0 =	slt.s32 s29, $0x30  }
.Ltmp42:
0x337: {  	s28 =	spop (v2sf);
	(pc) =	sbr.rel @p0 .LBB2_54-.Ltmp42, $4  }
0x338: {  	s11 =	sshll.u32 s11, $0x9;
	s10 =	sshll.u32 s28, $0x4  }
0x339: {  	s11 =	sshra.s32 s11, $0x2;
	s10 =	sand.u32 $0x1FFFFFF0, s10  }
0x33a: {  	s11 =	sadd.s32 $0x1C200, s11;
	s10 =	sadd.s32 s6, s10;
	[tilespmem:v5+s20+$0x0] =	vst.idx.msk $0xffff, v6  }
0x33b: {  	[hbm4b:s10+s5] =	stream.linear.scatter [tilespmem:s11], [sflag:$0x5], $0x80, $0x38;
	[tilespmem:$0x1E200] =	vst v63  }
0x33c: {  	p0 =	sne.s32 s29, $0x1  }
.Ltmp43:
0x33d: {  	_ = 	snop;
	(pc) =	sbr.rel @!p0 .LBB2_53-.Ltmp43, $3  }
0x33e: {  	_ =	sdelay $0x1  }
0x33f: {  	_ =	swait.ge [sflag:s21], $0x80  }
0x340: {  	s10 =	sadd.s32 $0xFFFFFFFF, s29;
	[sflag:s21] =	ssyncset.done $0x0  }
.LBB2_52:
0x341: {  	p0 =	sne.s32 s10, $0x1;
	s10 =	sadd.s32 $0xFFFFFFFF, s10;
	[sflag:s21] =	ssyncadd.s32 $0xFFFFFF80  }
.Ltmp44:
0x342: {  	(pc) =	sbr.rel @p0 .LBB2_52-.Ltmp44, $3  }
0x343: {  	_ =	sdelay $0x1  }
0x344: {  	_ =	swait.ge [sflag:s21], $0x80  }
0x345: {  	[sflag:s21] =	ssyncset.done $0x0  }
.Ltmp45:
0x346: {  	_ = 	snop;
	(pc) =	sbr.rel .LBB2_53-.Ltmp45, $1  }
0x347: {  	_ =	sdelay $0x3  }
.LBB2_59:
0x348: {  	p0 =	sgt.s32 s29, $0x0  }
.Ltmp46:
0x349: {  	_ = 	snop;
	(pc) =	sbr.rel @!p0 .LBB2_63-.Ltmp46, $2  }
0x34a: {  	_ =	sdelay $0x2  }
0x34b: {  	s1 =	rddreg [dreg:$0xa]  }
0x34c: {  	p0 =	sne.s32 s29, $0x1  }
.Ltmp47:
0x34d: {  	_ = 	snop;
	(pc) =	sbr.rel @!p0 .LBB2_62-.Ltmp47, $3  }
0x34e: {  	_ =	sdelay $0x1  }
0x34f: {  	_ =	swait.ge [sflag:s21], $0x80  }
0x350: {  	s0 =	sadd.s32 $0xFFFFFFFF, s29;
	[sflag:s21] =	ssyncset.done $0x0  }
.LBB2_61:
0x351: {  	p0 =	sne.s32 s0, $0x1;
	s0 =	sadd.s32 $0xFFFFFFFF, s0;
	[sflag:s21] =	ssyncadd.s32 $0xFFFFFF80  }
.Ltmp48:
0x352: {  	(pc) =	sbr.rel @p0 .LBB2_61-.Ltmp48, $3  }
0x353: {  	_ =	sdelay $0x1  }
0x354: {  	_ =	swait.ge [sflag:s21], $0x80  }
0x355: {  	[sflag:s21] =	ssyncset.done $0x0  }
.Ltmp49:
0x356: {  	_ = 	snop;
	(pc) =	sbr.rel .LBB2_62-.Ltmp49, $1  }
0x357: {  	_ =	sdelay $0x3  }
.LBB2_16:
.Ltmp50:
0x358: {  	(pc) =	sbr.rel .LBB2_19-.Ltmp50, $2  }
0x359: {  	_ =	sdelay $0x2  }
0x35a: {  	_ = 	snop  }
.LBB2_64:
0x35b: {  	_ =	sfence.sel $0x180000  }
0x35c: {  	[bflag:$0x0] =	sbarrier.arrive $0xFFFF  }
0x35d: {  	_ =	strace $0x90000047  }
0x35e: {  	s0 =	stileid.u32;
	[bflag:$0x2] =	sbarrier.arrive $0xFFFF  }
0x35f: {  	p0 =	sne.s32 s0, $0x0;
	s0 =	rddreg [dreg:$0x4]  }
0x360: {  	s0 =	sadd.s32 @!p0 $0x100000, s0  }
0x361: {  	[sflag:s0] =	ssyncadd.tile.s32 @!p0 $0x1;
	_ =	shalt  }
.Lfunc_end2:
_tile_overlayer_lowered:
.L_overlay_start_2:
0x362: {  	(tag) =	ssettag $0x2  }
0x363: {  	s0 =	rddreg [dreg:$0x0];
	s2 =	stileid.u32  }
0x364: {  	s1 =	rddreg [dreg:$0x1];
	p0 =	sne.s32 s2, $0x0  }
0x365: {  	s3 =	rddreg [dreg:$0x2];
	[bflag:$0x3] =	sbarrier.arrive $0xFFFF;
	s2 =	simm.s32 @!p0 $0x1C06  }
0x366: {  	[timem:s3], [sflag:s2] =	dma.local @!p0 [hbm:s0], s1  }
0x367: {  	s0 =	simm.s32 @!p0 $0x6  }
0x368: {  	_ =	swait.ge @!p0 [sflag:s0], s1  }
0x369: {  	s1 =	ssub.s32 @!p0 $0x0, s1;
	[sflag:s0] =	ssyncset.done @!p0 $0x0  }
0x36a: {  	[sflag:s0] =	ssyncadd.s32 @!p0 s1  }
0x36b: {  	[bflag:$0x3] =	sbarrier.arrive $0xFFFF  }
0x36c: {  	_ =	shalt  }

</sc_bundles>
